<compile_context>
chip_gen: v7x
topology: tpu7x:2x2x1
jax: 0.10.2.dev20260603
libtpu: 0.0.44.dev20260713+nightly
codegen_flags: <defaults>
</compile_context>

<pallas_src>
import functools

import jax
import jax.numpy as jnp
from jax import lax
from jax.experimental import pallas as pl
from jax.experimental.pallas import tpu as pltpu
from jax.experimental.pallas import tpu_sc as plsc

_NN = 100000
_NE = 6400000
_NC, _NS, _L = 2, 16, 16
_NW = _NC * _NS
_NP = 100352
_SLICE = _NP // _NS
_CH = 2000
_NCH = 100
_EW = _CH * _NCH
_W = 4096
_FP = 2048

_mesh = plsc.VectorSubcoreMesh(core_axis_name="c", subcore_axis_name="s")


@functools.partial(
    pl.kernel,
    out_type=jax.ShapeDtypeStruct((_NC, _NP), jnp.float32),
    mesh=_mesh,
    compiler_params=pltpu.CompilerParams(needs_layout_passes=False),
    scratch_types=[
        pltpu.VMEM((128,), jnp.float32),
        pltpu.VMEM((8, _L), jnp.float32),
        pltpu.VMEM((_NP,), jnp.float32),
        pltpu.VMEM((_CH,), jnp.float32),
        pltpu.VMEM((_CH,), jnp.float32),
        pltpu.VMEM((_CH,), jnp.int32),
        pltpu.VMEM((_CH,), jnp.int32),
        pltpu.VMEM((_CH,), jnp.int32),
        pltpu.VMEM((_CH,), jnp.int32),
        pltpu.VMEM((_W,), jnp.float32),
        pltpu.VMEM((_FP,), jnp.int32),
        pltpu.VMEM((_CH,), jnp.float32),
        pltpu.VMEM_SHARED((_NP,), jnp.float32),
        pltpu.SemaphoreType.DMA,
        pltpu.SemaphoreType.DMA,
    ],
)
def _zbl_sc(tab_hbm, cons_hbm, zqf_hbm, di_hbm, ii_hbm, ij_hbm, zeros_hbm,
            part_hbm, tab_v, cons_v, zpn_v, di0, di1, ii0, ii1, ij0, ij1,
            win_v, fidx_v, vfb_v, acc_sh, sem0, sem1):
    cid = lax.axis_index("c")
    sid = lax.axis_index("s")
    wid = sid * _NC + cid
    dis = (di0, di1)
    iis = (ii0, ii1)
    ijs = (ij0, ij1)
    sin = (sem0, sem1)

    def _fire(m, b):
        base = wid * _EW + m * _CH
        pltpu.async_copy(di_hbm.at[pl.ds(base, _CH)], dis[b], sin[b])
        pltpu.async_copy(ii_hbm.at[pl.ds(base, _CH)], iis[b], sin[b])
        pltpu.async_copy(ij_hbm.at[pl.ds(base, _CH)], ijs[b], sin[b])

    def _wait_in(b):
        pltpu.make_async_copy(di_hbm.at[pl.ds(0, _CH)], dis[b], sin[b]).wait()
        pltpu.make_async_copy(ii_hbm.at[pl.ds(0, _CH)], iis[b], sin[b]).wait()
        pltpu.make_async_copy(ij_hbm.at[pl.ds(0, _CH)], ijs[b], sin[b]).wait()

    _fire(0, 0)
    _fire(1, 1)

    pltpu.sync_copy(tab_hbm, tab_v)
    pltpu.sync_copy(cons_hbm, cons_v)
    pltpu.sync_copy(zeros_hbm.at[pl.ds(sid * _SLICE, _SLICE)],
                    acc_sh.at[pl.ds(sid * _SLICE, _SLICE)])
    pltpu.sync_copy(zeros_hbm.at[pl.ds(0, _W)], win_v)

    pltpu.sync_copy(zqf_hbm, zpn_v)

    @plsc.parallel_loop(0, _NP, step=_L, unroll=4)
    def _zbuild(i):
        z = plsc.bitcast(zpn_v[pl.ds(i, _L)], jnp.int32)
        zpn_v[pl.ds(i, _L)] = plsc.load_gather(tab_v, [z])

    plsc.subcore_barrier()

    c0 = cons_v[0]
    c1 = cons_v[1]
    c2 = cons_v[2]
    c3 = cons_v[3]
    na0 = cons_v[4]
    na1 = cons_v[5]
    na2 = cons_v[6]
    na3 = cons_v[7]
    iota = jnp.arange(_L, dtype=jnp.int32)
    idxp1 = jnp.minimum(iota + 1, _L - 1)
    lane15 = iota == (_L - 1)
    nlane15 = iota < (_L - 1)
    zero16 = jnp.zeros((_L,), jnp.float32)

    def _flush(wbase):
        def piece(q, _):
            pbase = wbase + q * _FP

            def bld(i, _):
                fidx_v[pl.ds(i * _L, _L)] = jnp.minimum(
                    iota + (pbase + i * _L), _NP - 1)
                return 0

            lax.fori_loop(0, _FP // _L, bld, 0, unroll=4)
            pltpu.sync_copy(win_v.at[pl.ds(q * _FP, _FP)],
                            acc_sh.at[fidx_v], add=True)

            def zro(i, _):
                win_v[pl.ds(q * _FP + i * _L, _L)] = zero16
                return 0

            lax.fori_loop(0, _FP // _L, zro, 0, unroll=4)
            return 0

        lax.fori_loop(0, _W // _FP, piece, 0)

    def _process(b, base):
        _wait_in(b)
        dib, iib, ijb = dis[b], iis[b], ijs[b]
        f = jnp.min(iib[pl.ds(0, _L)])
        l = jnp.max(iib[pl.ds(_CH - _L, _L)])
        need = l >= base + _W
        pl.when(need)(lambda: _flush(base))
        base = jnp.where(need, f, base)
        fits = l < base + _W
        basev = jnp.broadcast_to(base, (_L,))

        def fast():
            @plsc.parallel_loop(0, _CH, step=_L, unroll=4)
            def evec(i):
                sl = pl.ds(i, _L)
                k = iib[sl]
                si = plsc.load_gather(zpn_v, [k])
                sj = plsc.load_gather(zpn_v, [ijb[sl]])
                t = dib[sl] * (si + sj)
                v = c0 * jnp.exp(na0 * t)
                v = v + c1 * jnp.exp(na1 * t)
                v = v + c2 * jnp.exp(na2 * t)
                v = v + c3 * jnp.exp(na3 * t)
                s = plsc.cumsum(v)
                ks = jnp.take_along_axis(k, idxp1, axis=0)
                m_int = k != ks
                plsc.addupdate_scatter(win_v, [k - basev], s,
                                       mask=m_int | lane15)
                plsc.addupdate_scatter(win_v, [ks - basev], -s,
                                       mask=m_int & nlane15)

        def slow():
            def evec(i, _):
                sl = pl.ds(i * _L, _L)
                si = plsc.load_gather(zpn_v, [iib[sl]])
                sj = plsc.load_gather(zpn_v, [ijb[sl]])
                t = dib[sl] * (si + sj)
                v = c0 * jnp.exp(na0 * t)
                v = v + c1 * jnp.exp(na1 * t)
                v = v + c2 * jnp.exp(na2 * t)
                v = v + c3 * jnp.exp(na3 * t)
                vfb_v[sl] = v
                return 0

            lax.fori_loop(0, _CH // _L, evec, 0, unroll=4)
            pltpu.sync_copy(vfb_v, acc_sh.at[iib], add=True)

        pl.when(fits)(fast)
        pl.when(jnp.logical_not(fits))(slow)
        return base

    def _pairs(g, base):
        for b in range(2):
            m = 2 * g + b
            base = _process(b, base)
            _fire(m + 2, b)
        return base

    base = lax.fori_loop(0, _NCH // 2 - 1, _pairs, jnp.int32(0))
    base = _process(0, base)
    base = _process(1, base)
    _flush(base)

    plsc.subcore_barrier()
    pltpu.sync_copy(acc_sh.at[pl.ds(sid * _SLICE, _SLICE)],
                    part_hbm.at[cid, pl.ds(sid * _SLICE, _SLICE)])


def _combine_body(p_ref, o_ref):
    o_ref[...] = p_ref[0] + p_ref[1]


_combine = pl.pallas_call(
    _combine_body,
    out_shape=jax.ShapeDtypeStruct((_NP,), jnp.float32),
)


def kernel(Z, Dij, idx_i, idx_j, p, d, c, a):
    f32 = jnp.float32
    zf = jnp.arange(128, dtype=f32)
    tab = (zf ** p).astype(f32) / d
    cons = jnp.concatenate(
        [jnp.broadcast_to(c.astype(f32)[:, None], (4, _L)),
         jnp.broadcast_to(-a.astype(f32)[:, None], (4, _L))], axis=0)
    zq = jnp.zeros((_NP,), jnp.int32).at[:_NN].set(Z.astype(jnp.int32))
    zqf = lax.bitcast_convert_type(zq, f32)
    di = Dij.astype(f32)
    ii = idx_i.astype(jnp.int32)
    ij = idx_j.astype(jnp.int32)
    zeros = jnp.zeros((_NP,), f32)
    part = _zbl_sc(tab, cons, zqf, di, ii, ij, zeros)
    return _combine(part)[:_NN]

# --- scband reference (transcript-rebuilt; emitter-appended) ---
"""Pipeline reference for scband-zbl-3573412790692 (READ-ONLY COPY).

The authoritative reference and input builder live on the scoring server;
editing this copy changes nothing except your own understanding.
"""

import jax, jax.numpy as jnp
import numpy as np

N_NODES = 100000
N_EDGES = 6400000

def setup_inputs(seed: int = 0) -> dict:
    key = jax.random.key(seed)
    k1, k2, k3, k4 = jax.random.split(key, 4)
    # Atomic numbers in [1, 94] (avoid Z=0 which is unphysical and breaks Z**p grads)
    Z = jax.random.randint(k1, (N_NODES,), 1, 95, dtype=jnp.int64)
    # Pairwise distances, strictly positive (shifted uniform)
    Dij = jax.random.uniform(k2, (N_EDGES,), dtype=jnp.float32) * 4.0 + 0.5
    # Sorted center indices (tf.math.segment_sum semantics require sorted idx_i)
    idx_i = jnp.sort(jax.random.randint(k3, (N_EDGES,), 0, N_NODES, dtype=jnp.int64))
    idx_j = jax.random.randint(k4, (N_EDGES,), 0, N_NODES, dtype=jnp.int64)
    # Learned ZBL parameters (fit_parameters=3 -> all trainable)
    p = jnp.asarray(0.23, dtype=jnp.float32)
    d = jnp.asarray(0.885, dtype=jnp.float32)
    c = jnp.asarray(np.array([0.1818, 0.5099, 0.2802, 0.02817]), dtype=jnp.float32)
    a = jnp.asarray(np.array([3.2, 0.9423, 0.4028, 0.2016]), dtype=jnp.float32)
    return {"Z": Z, "Dij": Dij, "idx_i": idx_i, "idx_j": idx_j, "p": p, "d": d, "c": c, "a": a}

def reference(Z, Dij, idx_i, idx_j, p, d, c, a):
    Zi = jnp.take(Z, idx_i).astype(Dij.dtype)
    Zj = jnp.take(Z, idx_j).astype(Dij.dtype)
    # 'pre = Zi*Zj/Dij' in the original is computed but never used; omitted (no effect on output)
    expv = Dij / d * (Zi ** p + Zj ** p)
    vij = jnp.zeros_like(Dij)
    for i in range(c.shape[0]):
        vij = vij + c[i] * jnp.exp(-a[i] * expv)
    return jax.ops.segment_sum(vij, idx_i, num_segments=N_NODES)

if __name__ == "__main__":
    import jax
    _d = setup_inputs()
    print(jax.jit(kernel)(*tuple(_d.values())))

</pallas_src>

<mosaic_0001>
#map = affine_map<(d0, d1) -> (0)>
#map1 = affine_map<(d0, d1) -> (0, 0)>
module attributes {stable_mosaic.version = 14 : i64} {
  func.func @_zbl_sc(%arg0: i32, %arg1: i32, %arg2: memref<128xf32, #tpu.memory_space<hbm>>, %arg3: memref<8x16xf32, #tpu.memory_space<hbm>>, %arg4: memref<100352xf32, #tpu.memory_space<hbm>>, %arg5: memref<6400000xf32, #tpu.memory_space<hbm>>, %arg6: memref<6400000xi32, #tpu.memory_space<hbm>>, %arg7: memref<6400000xi32, #tpu.memory_space<hbm>>, %arg8: memref<100352xf32, #tpu.memory_space<hbm>>, %arg9: memref<2x100352xf32, #tpu.memory_space<hbm>>, %arg10: memref<128xf32, #tpu.memory_space<vmem>>, %arg11: memref<8x16xf32, #tpu.memory_space<vmem>>, %arg12: memref<100352xf32, #tpu.memory_space<vmem>>, %arg13: memref<2000xf32, #tpu.memory_space<vmem>>, %arg14: memref<2000xf32, #tpu.memory_space<vmem>>, %arg15: memref<2000xi32, #tpu.memory_space<vmem>>, %arg16: memref<2000xi32, #tpu.memory_space<vmem>>, %arg17: memref<2000xi32, #tpu.memory_space<vmem>>, %arg18: memref<2000xi32, #tpu.memory_space<vmem>>, %arg19: memref<4096xf32, #tpu.memory_space<vmem>>, %arg20: memref<2048xi32, #tpu.memory_space<vmem>>, %arg21: memref<2000xf32, #tpu.memory_space<vmem>>, %arg22: memref<100352xf32, #tpu.memory_space<vmem_shared>>, %arg23: memref<!tpu.dma_semaphore, #tpu.memory_space<semaphore_mem>>, %arg24: memref<!tpu.dma_semaphore, #tpu.memory_space<semaphore_mem>>) attributes {dimension_semantics = [#tpu.dimension_semantics<core_parallel>, #tpu.dimension_semantics<subcore_parallel>], iteration_bounds = array<i64: 2, 16>, scalar_prefetch = 0 : i64, scratch_operands = 15 : i64, tpu.core_type = #tpu.core_type<sc_vector_subcore>, window_params = [{transform_indices = #map}, {transform_indices = #map1}, {transform_indices = #map}, {transform_indices = #map}, {transform_indices = #map}, {transform_indices = #map}, {transform_indices = #map}, {transform_indices = #map1}]} {
    %mul3A = arith.constant 2 : i32
    %mul3A_0 = arith.muli %arg1, %mul3A : i32
    %add3A = arith.addi %mul3A_0, %arg0 : i32
    %mul3A_1 = arith.constant 200000 : i32
    %mul3A_2 = arith.muli %add3A, %mul3A_1 : i32
    %add3A_3 = arith.constant 0 : i32
    %add3A_4 = arith.addi %mul3A_2, %add3A_3 : i32
    %dma_start3A = tpu.memref_slice %arg5[%add3A_4] : memref<6400000xf32, #tpu.memory_space<hbm>> -> memref<2000xf32, #tpu.memory_space<hbm>>
    %dma_start3A_5 = tpu.memref_slice %arg5[%add3A_4] : memref<6400000xf32, #tpu.memory_space<hbm>> -> memref<2000xf32, #tpu.memory_space<hbm>>
    tpu.enqueue_dma source(%dma_start3A_5 : memref<2000xf32, #tpu.memory_space<hbm>>) target(%arg13 : memref<2000xf32, #tpu.memory_space<vmem>>) target_semaphore(%arg23 : memref<!tpu.dma_semaphore, #tpu.memory_space<semaphore_mem>>)
    %dma_start3A_6 = tpu.memref_slice %arg6[%add3A_4] : memref<6400000xi32, #tpu.memory_space<hbm>> -> memref<2000xi32, #tpu.memory_space<hbm>>
    %dma_start3A_7 = tpu.memref_slice %arg6[%add3A_4] : memref<6400000xi32, #tpu.memory_space<hbm>> -> memref<2000xi32, #tpu.memory_space<hbm>>
    tpu.enqueue_dma source(%dma_start3A_7 : memref<2000xi32, #tpu.memory_space<hbm>>) target(%arg15 : memref<2000xi32, #tpu.memory_space<vmem>>) target_semaphore(%arg23 : memref<!tpu.dma_semaphore, #tpu.memory_space<semaphore_mem>>)
    %dma_start3A_8 = tpu.memref_slice %arg7[%add3A_4] : memref<6400000xi32, #tpu.memory_space<hbm>> -> memref<2000xi32, #tpu.memory_space<hbm>>
    %dma_start3A_9 = tpu.memref_slice %arg7[%add3A_4] : memref<6400000xi32, #tpu.memory_space<hbm>> -> memref<2000xi32, #tpu.memory_space<hbm>>
    tpu.enqueue_dma source(%dma_start3A_9 : memref<2000xi32, #tpu.memory_space<hbm>>) target(%arg17 : memref<2000xi32, #tpu.memory_space<vmem>>) target_semaphore(%arg23 : memref<!tpu.dma_semaphore, #tpu.memory_space<semaphore_mem>>)
    %mul3A_10 = arith.constant 200000 : i32
    %mul3A_11 = arith.muli %add3A, %mul3A_10 : i32
    %add3A_12 = arith.constant 2000 : i32
    %add3A_13 = arith.addi %mul3A_11, %add3A_12 : i32
    %dma_start3A_14 = tpu.memref_slice %arg5[%add3A_13] : memref<6400000xf32, #tpu.memory_space<hbm>> -> memref<2000xf32, #tpu.memory_space<hbm>>
    %dma_start3A_15 = tpu.memref_slice %arg5[%add3A_13] : memref<6400000xf32, #tpu.memory_space<hbm>> -> memref<2000xf32, #tpu.memory_space<hbm>>
    tpu.enqueue_dma source(%dma_start3A_15 : memref<2000xf32, #tpu.memory_space<hbm>>) target(%arg14 : memref<2000xf32, #tpu.memory_space<vmem>>) target_semaphore(%arg24 : memref<!tpu.dma_semaphore, #tpu.memory_space<semaphore_mem>>)
    %dma_start3A_16 = tpu.memref_slice %arg6[%add3A_13] : memref<6400000xi32, #tpu.memory_space<hbm>> -> memref<2000xi32, #tpu.memory_space<hbm>>
    %dma_start3A_17 = tpu.memref_slice %arg6[%add3A_13] : memref<6400000xi32, #tpu.memory_space<hbm>> -> memref<2000xi32, #tpu.memory_space<hbm>>
    tpu.enqueue_dma source(%dma_start3A_17 : memref<2000xi32, #tpu.memory_space<hbm>>) target(%arg16 : memref<2000xi32, #tpu.memory_space<vmem>>) target_semaphore(%arg24 : memref<!tpu.dma_semaphore, #tpu.memory_space<semaphore_mem>>)
    %dma_start3A_18 = tpu.memref_slice %arg7[%add3A_13] : memref<6400000xi32, #tpu.memory_space<hbm>> -> memref<2000xi32, #tpu.memory_space<hbm>>
    %dma_start3A_19 = tpu.memref_slice %arg7[%add3A_13] : memref<6400000xi32, #tpu.memory_space<hbm>> -> memref<2000xi32, #tpu.memory_space<hbm>>
    tpu.enqueue_dma source(%dma_start3A_19 : memref<2000xi32, #tpu.memory_space<hbm>>) target(%arg18 : memref<2000xi32, #tpu.memory_space<vmem>>) target_semaphore(%arg24 : memref<!tpu.dma_semaphore, #tpu.memory_space<semaphore_mem>>)
    "tpu.region"() ({
      %run_scoped3A = tpu.sem_alloc : memref<!tpu.dma_semaphore, #tpu.memory_space<semaphore_mem>>
      tpu.enqueue_dma source(%arg2 : memref<128xf32, #tpu.memory_space<hbm>>) target(%arg10 : memref<128xf32, #tpu.memory_space<vmem>>) target_semaphore(%run_scoped3A : memref<!tpu.dma_semaphore, #tpu.memory_space<semaphore_mem>>)
      tpu.wait_dma2 semaphore(%run_scoped3A : memref<!tpu.dma_semaphore, #tpu.memory_space<semaphore_mem>>) src(%arg2 : memref<128xf32, #tpu.memory_space<hbm>>) dst(%arg10 : memref<128xf32, #tpu.memory_space<vmem>>)
      tpu.yield
    }) : () -> ()
    "tpu.region"() ({
      %run_scoped3A = tpu.sem_alloc : memref<!tpu.dma_semaphore, #tpu.memory_space<semaphore_mem>>
      tpu.enqueue_dma source(%arg3 : memref<8x16xf32, #tpu.memory_space<hbm>>) target(%arg11 : memref<8x16xf32, #tpu.memory_space<vmem>>) target_semaphore(%run_scoped3A : memref<!tpu.dma_semaphore, #tpu.memory_space<semaphore_mem>>)
      tpu.wait_dma2 semaphore(%run_scoped3A : memref<!tpu.dma_semaphore, #tpu.memory_space<semaphore_mem>>) src(%arg3 : memref<8x16xf32, #tpu.memory_space<hbm>>) dst(%arg11 : memref<8x16xf32, #tpu.memory_space<vmem>>)
      tpu.yield
    }) : () -> ()
    %mul3A_20 = arith.constant 6272 : i32
    %mul3A_21 = arith.muli %arg1, %mul3A_20 : i32
    %mul3A_22 = arith.constant 6272 : i32
    %mul3A_23 = arith.muli %arg1, %mul3A_22 : i32
    "tpu.region"() ({
      %run_scoped3A = tpu.sem_alloc : memref<!tpu.dma_semaphore, #tpu.memory_space<semaphore_mem>>
      %dma_start3A_179 = tpu.memref_slice %arg22[%mul3A_23] : memref<100352xf32, #tpu.memory_space<vmem_shared>> -> memref<6272xf32, #tpu.memory_space<vmem_shared>>
      %dma_start3A_180 = tpu.memref_slice %arg8[%mul3A_21] : memref<100352xf32, #tpu.memory_space<hbm>> -> memref<6272xf32, #tpu.memory_space<hbm>>
      tpu.enqueue_dma source(%dma_start3A_180 : memref<6272xf32, #tpu.memory_space<hbm>>) target(%dma_start3A_179 : memref<6272xf32, #tpu.memory_space<vmem_shared>>) target_semaphore(%run_scoped3A : memref<!tpu.dma_semaphore, #tpu.memory_space<semaphore_mem>>)
      %dma_wait3A_181 = tpu.memref_slice %arg22[%mul3A_23] : memref<100352xf32, #tpu.memory_space<vmem_shared>> -> memref<6272xf32, #tpu.memory_space<vmem_shared>>
      %dma_wait3A_182 = tpu.memref_slice %arg8[%mul3A_21] : memref<100352xf32, #tpu.memory_space<hbm>> -> memref<6272xf32, #tpu.memory_space<hbm>>
      tpu.wait_dma2 semaphore(%run_scoped3A : memref<!tpu.dma_semaphore, #tpu.memory_space<semaphore_mem>>) src(%dma_wait3A_182 : memref<6272xf32, #tpu.memory_space<hbm>>) dst(%dma_wait3A_181 : memref<6272xf32, #tpu.memory_space<vmem_shared>>)
      tpu.yield
    }) : () -> ()
    "tpu.region"() ({
      %run_scoped3A = tpu.sem_alloc : memref<!tpu.dma_semaphore, #tpu.memory_space<semaphore_mem>>
      %dma_start3A_179 = arith.constant 0 : i32
      %dma_start3A_180 = tpu.memref_slice %arg8[%dma_start3A_179] : memref<100352xf32, #tpu.memory_space<hbm>> -> memref<4096xf32, #tpu.memory_space<hbm>>
      %dma_start3A_181 = arith.constant 0 : i32
      %dma_start3A_182 = tpu.memref_slice %arg8[%dma_start3A_181] : memref<100352xf32, #tpu.memory_space<hbm>> -> memref<4096xf32, #tpu.memory_space<hbm>>
      tpu.enqueue_dma source(%dma_start3A_182 : memref<4096xf32, #tpu.memory_space<hbm>>) target(%arg19 : memref<4096xf32, #tpu.memory_space<vmem>>) target_semaphore(%run_scoped3A : memref<!tpu.dma_semaphore, #tpu.memory_space<semaphore_mem>>)
      %dma_wait3A_183 = arith.constant 0 : i32
      %dma_wait3A_184 = tpu.memref_slice %arg8[%dma_wait3A_183] : memref<100352xf32, #tpu.memory_space<hbm>> -> memref<4096xf32, #tpu.memory_space<hbm>>
      %dma_wait3A_185 = arith.constant 0 : i32
      %dma_wait3A_186 = tpu.memref_slice %arg8[%dma_wait3A_185] : memref<100352xf32, #tpu.memory_space<hbm>> -> memref<4096xf32, #tpu.memory_space<hbm>>
      tpu.wait_dma2 semaphore(%run_scoped3A : memref<!tpu.dma_semaphore, #tpu.memory_space<semaphore_mem>>) src(%dma_wait3A_186 : memref<4096xf32, #tpu.memory_space<hbm>>) dst(%arg19 : memref<4096xf32, #tpu.memory_space<vmem>>)
      tpu.yield
    }) : () -> ()
    "tpu.region"() ({
      %run_scoped3A = tpu.sem_alloc : memref<!tpu.dma_semaphore, #tpu.memory_space<semaphore_mem>>
      tpu.enqueue_dma source(%arg4 : memref<100352xf32, #tpu.memory_space<hbm>>) target(%arg12 : memref<100352xf32, #tpu.memory_space<vmem>>) target_semaphore(%run_scoped3A : memref<!tpu.dma_semaphore, #tpu.memory_space<semaphore_mem>>)
      tpu.wait_dma2 semaphore(%run_scoped3A : memref<!tpu.dma_semaphore, #tpu.memory_space<semaphore_mem>>) src(%arg4 : memref<100352xf32, #tpu.memory_space<hbm>>) dst(%arg12 : memref<100352xf32, #tpu.memory_space<vmem>>)
      tpu.yield
    }) : () -> ()
    %parallel_loop3A = arith.constant 0 : i32
    %parallel_loop3A_24 = arith.constant 100352 : i32
    %parallel_loop3A_25 = arith.constant 16 : i32
    scf.for %parallel_loop3A_179 = %parallel_loop3A to %parallel_loop3A_24 step %parallel_loop3A_25  : i32 {
      %parallel_loop3A_180 = arith.index_cast %parallel_loop3A_179 : i32 to index
      %parallel_loop3A_181 = tpu.vector_load %arg12[%parallel_loop3A_180] {strides = array<i32>} : memref<100352xf32, #tpu.memory_space<vmem>>, vector<16xf32>,
      %parallel_loop3A_182 = vector.bitcast %parallel_loop3A_181 : vector<16xf32> to vector<16xi32>
      %parallel_loop3A_183 = tpu.vector_load_idx %arg10[%parallel_loop3A_182] : memref<128xf32, #tpu.memory_space<vmem>>[vector<16xi32>], vector<16xf32>,
      %parallel_loop3A_184 = arith.index_cast %parallel_loop3A_179 : i32 to index
      %parallel_loop3A_185 = tpu.vector_load %arg12[%parallel_loop3A_184] {strides = array<i32>} : memref<100352xf32, #tpu.memory_space<vmem>>, vector<16xf32>,
      tpu.vector_store %arg12[%parallel_loop3A_184], %parallel_loop3A_183 {strides = array<i32>} : memref<100352xf32, #tpu.memory_space<vmem>>, vector<16xf32>,
    } {sc.loop_unroll_factor = 4 : i64, sc.parallel_access}
    %barrier3A = arith.constant 0 : index
    tpu.barrier barrier_id(%barrier3A)
    %get3A = arith.constant 0 : i32
    %get3A_26 = arith.index_cast %get3A : i32 to index
    %get3A_27 = arith.constant 0 : index
    %get3A_28 = tpu.vector_load %arg11[%get3A_26, %get3A_27] {strides = array<i32>} : memref<8x16xf32, #tpu.memory_space<vmem>>, vector<16xf32>,
    %get3A_29 = arith.constant 1 : i32
    %get3A_30 = arith.index_cast %get3A_29 : i32 to index
    %get3A_31 = arith.constant 0 : index
    %get3A_32 = tpu.vector_load %arg11[%get3A_30, %get3A_31] {strides = array<i32>} : memref<8x16xf32, #tpu.memory_space<vmem>>, vector<16xf32>,
    %get3A_33 = arith.constant 2 : i32
    %get3A_34 = arith.index_cast %get3A_33 : i32 to index
    %get3A_35 = arith.constant 0 : index
    %get3A_36 = tpu.vector_load %arg11[%get3A_34, %get3A_35] {strides = array<i32>} : memref<8x16xf32, #tpu.memory_space<vmem>>, vector<16xf32>,
    %get3A_37 = arith.constant 3 : i32
    %get3A_38 = arith.index_cast %get3A_37 : i32 to index
    %get3A_39 = arith.constant 0 : index
    %get3A_40 = tpu.vector_load %arg11[%get3A_38, %get3A_39] {strides = array<i32>} : memref<8x16xf32, #tpu.memory_space<vmem>>, vector<16xf32>,
    %get3A_41 = arith.constant 4 : i32
    %get3A_42 = arith.index_cast %get3A_41 : i32 to index
    %get3A_43 = arith.constant 0 : index
    %get3A_44 = tpu.vector_load %arg11[%get3A_42, %get3A_43] {strides = array<i32>} : memref<8x16xf32, #tpu.memory_space<vmem>>, vector<16xf32>,
    %get3A_45 = arith.constant 5 : i32
    %get3A_46 = arith.index_cast %get3A_45 : i32 to index
    %get3A_47 = arith.constant 0 : index
    %get3A_48 = tpu.vector_load %arg11[%get3A_46, %get3A_47] {strides = array<i32>} : memref<8x16xf32, #tpu.memory_space<vmem>>, vector<16xf32>,
    %get3A_49 = arith.constant 6 : i32
    %get3A_50 = arith.index_cast %get3A_49 : i32 to index
    %get3A_51 = arith.constant 0 : index
    %get3A_52 = tpu.vector_load %arg11[%get3A_50, %get3A_51] {strides = array<i32>} : memref<8x16xf32, #tpu.memory_space<vmem>>, vector<16xf32>,
    %get3A_53 = arith.constant 7 : i32
    %get3A_54 = arith.index_cast %get3A_53 : i32 to index
    %get3A_55 = arith.constant 0 : index
    %get3A_56 = tpu.vector_load %arg11[%get3A_54, %get3A_55] {strides = array<i32>} : memref<8x16xf32, #tpu.memory_space<vmem>>, vector<16xf32>,
    %iota3A = tpu.iota {dimensions = array<i32: 0>} : vector<16xi32>
    %add3A_57 = arith.constant 1 : i32
    %add3A_58 = vector.broadcast %add3A_57 : i32 to vector<16xi32>
    %add3A_59 = arith.addi %iota3A, %add3A_58 : vector<16xi32>
    %min3A = arith.constant 15 : i32
    %min3A_60 = vector.broadcast %min3A : i32 to vector<16xi32>
    %min3A_61 = arith.minsi %add3A_59, %min3A_60 : vector<16xi32>
    %eq3A = arith.constant 15 : i32
    %eq3A_62 = vector.broadcast %eq3A : i32 to vector<16xi32>
    %eq3A_63 = arith.cmpi eq, %iota3A, %eq3A_62 : vector<16xi32>
    %lt3A = arith.constant 15 : i32
    %lt3A_64 = vector.broadcast %lt3A : i32 to vector<16xi32>
    %lt3A_65 = arith.cmpi slt, %iota3A, %lt3A_64 : vector<16xi32>
    %broadcast_in_dim3A = arith.constant 0.000000e+00 : f32
    %broadcast_in_dim3A_66 = vector.broadcast %broadcast_in_dim3A : f32 to vector<16xf32>
    %scan3A = arith.constant 0 : i32
    %scan3A_67 = arith.constant 0 : i32
    %scan3A_68 = arith.constant 49 : i32
    %scan3A_69 = arith.addi %scan3A_67, %scan3A_68 : i32
    %scan3A_70 = arith.constant 1 : i32
    %scan3A_71 = scf.for %scan3A_179 = %scan3A_67 to %scan3A_69 step %scan3A_70 iter_args(%scan3A_180 = %scan3A) -> (i32)  : i32 {
      %mul3A_181 = arith.constant 2 : i32
      %mul3A_182 = arith.muli %mul3A_181, %scan3A_179 : i32
      %add3A_183 = arith.constant 0 : i32
      %add3A_184 = arith.addi %mul3A_182, %add3A_183 : i32
      %dma_wait3A_185 = arith.constant 0 : i32
      %dma_wait3A_186 = tpu.memref_slice %arg5[%dma_wait3A_185] : memref<6400000xf32, #tpu.memory_space<hbm>> -> memref<2000xf32, #tpu.memory_space<hbm>>
      %dma_wait3A_187 = arith.constant 0 : i32
      %dma_wait3A_188 = tpu.memref_slice %arg5[%dma_wait3A_187] : memref<6400000xf32, #tpu.memory_space<hbm>> -> memref<2000xf32, #tpu.memory_space<hbm>>
      tpu.wait_dma2 semaphore(%arg23 : memref<!tpu.dma_semaphore, #tpu.memory_space<semaphore_mem>>) src(%dma_wait3A_188 : memref<2000xf32, #tpu.memory_space<hbm>>) dst(%arg13 : memref<2000xf32, #tpu.memory_space<vmem>>)
      %dma_wait3A_189 = arith.constant 0 : i32
      %dma_wait3A_190 = tpu.memref_slice %arg6[%dma_wait3A_189] : memref<6400000xi32, #tpu.memory_space<hbm>> -> memref<2000xi32, #tpu.memory_space<hbm>>
      %dma_wait3A_191 = arith.constant 0 : i32
      %dma_wait3A_192 = tpu.memref_slice %arg6[%dma_wait3A_191] : memref<6400000xi32, #tpu.memory_space<hbm>> -> memref<2000xi32, #tpu.memory_space<hbm>>
      tpu.wait_dma2 semaphore(%arg23 : memref<!tpu.dma_semaphore, #tpu.memory_space<semaphore_mem>>) src(%dma_wait3A_192 : memref<2000xi32, #tpu.memory_space<hbm>>) dst(%arg15 : memref<2000xi32, #tpu.memory_space<vmem>>)
      %dma_wait3A_193 = arith.constant 0 : i32
      %dma_wait3A_194 = tpu.memref_slice %arg7[%dma_wait3A_193] : memref<6400000xi32, #tpu.memory_space<hbm>> -> memref<2000xi32, #tpu.memory_space<hbm>>
      %dma_wait3A_195 = arith.constant 0 : i32
      %dma_wait3A_196 = tpu.memref_slice %arg7[%dma_wait3A_195] : memref<6400000xi32, #tpu.memory_space<hbm>> -> memref<2000xi32, #tpu.memory_space<hbm>>
      tpu.wait_dma2 semaphore(%arg23 : memref<!tpu.dma_semaphore, #tpu.memory_space<semaphore_mem>>) src(%dma_wait3A_196 : memref<2000xi32, #tpu.memory_space<hbm>>) dst(%arg17 : memref<2000xi32, #tpu.memory_space<vmem>>)
      %get3A_197 = arith.constant 0 : index
      %get3A_198 = tpu.vector_load %arg15[%get3A_197] {strides = array<i32>} : memref<2000xi32, #tpu.memory_space<vmem>>, vector<16xi32>,
      %reduce_min3A_199 = arith.constant true
      %reduce_min3A_200 = vector.broadcast %reduce_min3A_199 : i1 to vector<16xi1>
      %reduce_min3A_201 = arith.constant -2147483648 : i32
      %reduce_min3A_202 = vector.broadcast %reduce_min3A_201 : i32 to vector<16xi32>
      %reduce_min3A_203 = arith.xori %get3A_198, %reduce_min3A_202 : vector<16xi32>
      %reduce_min3A_204 = tpu.scan <min>, %reduce_min3A_203 masked %reduce_min3A_200 : vector<16xi32>, vector<16xi1> -> vector<16xi32>
      %reduce_min3A_205 = arith.xori %reduce_min3A_204, %reduce_min3A_202 : vector<16xi32>
      %reduce_min3A_206 = vector.extract %reduce_min3A_205[15] : i32 from vector<16xi32>
      %get3A_207 = arith.constant 1984 : index
      %get3A_208 = tpu.vector_load %arg15[%get3A_207] {strides = array<i32>} : memref<2000xi32, #tpu.memory_space<vmem>>, vector<16xi32>,
      %reduce_max3A_209 = arith.constant true
      %reduce_max3A_210 = vector.broadcast %reduce_max3A_209 : i1 to vector<16xi1>
      %reduce_max3A_211 = arith.constant -2147483648 : i32
      %reduce_max3A_212 = vector.broadcast %reduce_max3A_211 : i32 to vector<16xi32>
      %reduce_max3A_213 = arith.xori %get3A_208, %reduce_max3A_212 : vector<16xi32>
      %reduce_max3A_214 = tpu.scan <max>, %reduce_max3A_213 masked %reduce_max3A_210 : vector<16xi32>, vector<16xi1> -> vector<16xi32>
      %reduce_max3A_215 = arith.xori %reduce_max3A_214, %reduce_max3A_212 : vector<16xi32>
      %reduce_max3A_216 = vector.extract %reduce_max3A_215[15] : i32 from vector<16xi32>
      %add3A_217 = arith.constant 4096 : i32
      %add3A_218 = arith.addi %scan3A_180, %add3A_217 : i32
      %ge3A_219 = arith.cmpi sge, %reduce_max3A_216, %add3A_218 : i32
      %convert_element_type3A_220 = arith.extui %ge3A_219 : i1 to i32
      %cond3A_221 = arith.constant 0 : i32
      %cond3A_222 = arith.cmpi ne, %convert_element_type3A_220, %cond3A_221 : i32
      scf.if %cond3A_222 {
        %scan3A_317 = arith.constant 0 : i32
        %scan3A_318 = arith.constant 0 : i32
        %scan3A_319 = arith.constant 2 : i32
        %scan3A_320 = arith.addi %scan3A_318, %scan3A_319 : i32
        %scan3A_321 = arith.constant 1 : i32
        %scan3A_322 = scf.for %scan3A_324 = %scan3A_318 to %scan3A_320 step %scan3A_321 iter_args(%scan3A_325 = %scan3A_317) -> (i32)  : i32 {
          %mul3A_326 = arith.constant 2048 : i32
          %mul3A_327 = arith.muli %scan3A_324, %mul3A_326 : i32
          %add3A_328 = arith.addi %scan3A_180, %mul3A_327 : i32
          %scan3A_329 = arith.constant 0 : i32
          %scan3A_330 = arith.constant 0 : i32
          %scan3A_331 = arith.constant 128 : i32
          %scan3A_332 = arith.addi %scan3A_330, %scan3A_331 : i32
          %scan3A_333 = arith.constant 4 : i32
          %scan3A_334 = scf.for %scan3A_346 = %scan3A_330 to %scan3A_332 step %scan3A_333 iter_args(%scan3A_347 = %scan3A_329) -> (i32)  : i32 {
            %mul3A_348 = arith.constant 16 : i32
            %mul3A_349 = arith.muli %scan3A_346, %mul3A_348 : i32
            %add3A_350 = arith.addi %add3A_328, %mul3A_349 : i32
            %add3A_351 = vector.broadcast %add3A_350 : i32 to vector<16xi32>
            %add3A_352 = arith.addi %iota3A, %add3A_351 : vector<16xi32>
            %min3A_353 = arith.constant 100351 : i32
            %min3A_354 = vector.broadcast %min3A_353 : i32 to vector<16xi32>
            %min3A_355 = arith.minsi %add3A_352, %min3A_354 : vector<16xi32>
            %mul3A_356 = arith.constant 16 : i32
            %mul3A_357 = arith.muli %scan3A_346, %mul3A_356 : i32
            %swap3A = arith.index_cast %mul3A_357 : i32 to index
            %swap3A_358 = tpu.vector_load %arg20[%swap3A] {strides = array<i32>} : memref<2048xi32, #tpu.memory_space<vmem>>, vector<16xi32>,
            tpu.vector_store %arg20[%swap3A], %min3A_355 {strides = array<i32>} : memref<2048xi32, #tpu.memory_space<vmem>>, vector<16xi32>,
            %scan3A_359 = arith.constant 0 : i32
            %scan3A_360 = arith.constant 1 : i32
            %scan3A_361 = arith.addi %scan3A_346, %scan3A_360 : i32
            %mul3A_362 = arith.constant 16 : i32
            %mul3A_363 = arith.muli %scan3A_361, %mul3A_362 : i32
            %add3A_364 = arith.addi %add3A_328, %mul3A_363 : i32
            %add3A_365 = vector.broadcast %add3A_364 : i32 to vector<16xi32>
            %add3A_366 = arith.addi %iota3A, %add3A_365 : vector<16xi32>
            %min3A_367 = arith.constant 100351 : i32
            %min3A_368 = vector.broadcast %min3A_367 : i32 to vector<16xi32>
            %min3A_369 = arith.minsi %add3A_366, %min3A_368 : vector<16xi32>
            %mul3A_370 = arith.constant 16 : i32
            %mul3A_371 = arith.muli %scan3A_361, %mul3A_370 : i32
            %swap3A_372 = arith.index_cast %mul3A_371 : i32 to index
            %swap3A_373 = tpu.vector_load %arg20[%swap3A_372] {strides = array<i32>} : memref<2048xi32, #tpu.memory_space<vmem>>, vector<16xi32>,
            tpu.vector_store %arg20[%swap3A_372], %min3A_369 {strides = array<i32>} : memref<2048xi32, #tpu.memory_space<vmem>>, vector<16xi32>,
            %scan3A_374 = arith.constant 0 : i32
            %scan3A_375 = arith.constant 2 : i32
            %scan3A_376 = arith.addi %scan3A_346, %scan3A_375 : i32
            %mul3A_377 = arith.constant 16 : i32
            %mul3A_378 = arith.muli %scan3A_376, %mul3A_377 : i32
            %add3A_379 = arith.addi %add3A_328, %mul3A_378 : i32
            %add3A_380 = vector.broadcast %add3A_379 : i32 to vector<16xi32>
            %add3A_381 = arith.addi %iota3A, %add3A_380 : vector<16xi32>
            %min3A_382 = arith.constant 100351 : i32
            %min3A_383 = vector.broadcast %min3A_382 : i32 to vector<16xi32>
            %min3A_384 = arith.minsi %add3A_381, %min3A_383 : vector<16xi32>
            %mul3A_385 = arith.constant 16 : i32
            %mul3A_386 = arith.muli %scan3A_376, %mul3A_385 : i32
            %swap3A_387 = arith.index_cast %mul3A_386 : i32 to index
            %swap3A_388 = tpu.vector_load %arg20[%swap3A_387] {strides = array<i32>} : memref<2048xi32, #tpu.memory_space<vmem>>, vector<16xi32>,
            tpu.vector_store %arg20[%swap3A_387], %min3A_384 {strides = array<i32>} : memref<2048xi32, #tpu.memory_space<vmem>>, vector<16xi32>,
            %scan3A_389 = arith.constant 0 : i32
            %scan3A_390 = arith.constant 3 : i32
            %scan3A_391 = arith.addi %scan3A_346, %scan3A_390 : i32
            %mul3A_392 = arith.constant 16 : i32
            %mul3A_393 = arith.muli %scan3A_391, %mul3A_392 : i32
            %add3A_394 = arith.addi %add3A_328, %mul3A_393 : i32
            %add3A_395 = vector.broadcast %add3A_394 : i32 to vector<16xi32>
            %add3A_396 = arith.addi %iota3A, %add3A_395 : vector<16xi32>
            %min3A_397 = arith.constant 100351 : i32
            %min3A_398 = vector.broadcast %min3A_397 : i32 to vector<16xi32>
            %min3A_399 = arith.minsi %add3A_396, %min3A_398 : vector<16xi32>
            %mul3A_400 = arith.constant 16 : i32
            %mul3A_401 = arith.muli %scan3A_391, %mul3A_400 : i32
            %swap3A_402 = arith.index_cast %mul3A_401 : i32 to index
            %swap3A_403 = tpu.vector_load %arg20[%swap3A_402] {strides = array<i32>} : memref<2048xi32, #tpu.memory_space<vmem>>, vector<16xi32>,
            tpu.vector_store %arg20[%swap3A_402], %min3A_399 {strides = array<i32>} : memref<2048xi32, #tpu.memory_space<vmem>>, vector<16xi32>,
            %scan3A_404 = arith.constant 0 : i32
            scf.yield %scan3A_404 : i32
          }
          %scan3A_335 = arith.constant 128 : i32
          %mul3A_336 = arith.constant 2048 : i32
          %mul3A_337 = arith.muli %scan3A_324, %mul3A_336 : i32
          "tpu.region"() ({
            %run_scoped3A = tpu.sem_alloc : memref<!tpu.dma_semaphore, #tpu.memory_space<semaphore_mem>>
            %dma_start3A_346 = tpu.memref_slice %arg19[%mul3A_337] : memref<4096xf32, #tpu.memory_space<vmem>> -> memref<2048xf32, #tpu.memory_space<vmem>>
            %dma_start3A_347 = arith.constant 0 : i32
            %dma_start3A_348 = tpu.memref_slice %arg22[%dma_start3A_347] : memref<100352xf32, #tpu.memory_space<vmem_shared>> -> memref<100352xf32, #tpu.memory_space<vmem_shared>>
            tpu.enqueue_indirect_dma source(%dma_start3A_346 : memref<2048xf32, #tpu.memory_space<vmem>>) target(%dma_start3A_348 : memref<100352xf32, #tpu.memory_space<vmem_shared>>) offsets(%arg20 : memref<2048xi32, #tpu.memory_space<vmem>>) semaphore(%run_scoped3A : memref<!tpu.dma_semaphore, #tpu.memory_space<semaphore_mem>>) {add = true}
            %dma_wait3A_349 = tpu.memref_slice %arg19[%mul3A_337] : memref<4096xf32, #tpu.memory_space<vmem>> -> memref<2048xf32, #tpu.memory_space<vmem>>
            %dma_wait3A_350 = arith.constant 0 : i32
            %dma_wait3A_351 = tpu.memref_slice %arg22[%dma_wait3A_350] : memref<100352xf32, #tpu.memory_space<vmem_shared>> -> memref<100352xf32, #tpu.memory_space<vmem_shared>>
            tpu.wait_indirect_dma semaphore(%run_scoped3A : memref<!tpu.dma_semaphore, #tpu.memory_space<semaphore_mem>>) src(%dma_wait3A_349 : memref<2048xf32, #tpu.memory_space<vmem>>) dst(%dma_wait3A_351 : memref<100352xf32, #tpu.memory_space<vmem_shared>>)
            tpu.yield
          }) : () -> ()
          %scan3A_338 = arith.constant 0 : i32
          %scan3A_339 = arith.constant 0 : i32
          %scan3A_340 = arith.constant 128 : i32
          %scan3A_341 = arith.addi %scan3A_339, %scan3A_340 : i32
          %scan3A_342 = arith.constant 4 : i32
          %scan3A_343 = scf.for %scan3A_346 = %scan3A_339 to %scan3A_341 step %scan3A_342 iter_args(%scan3A_347 = %scan3A_338) -> (i32)  : i32 {
            %mul3A_348 = arith.constant 2048 : i32
            %mul3A_349 = arith.muli %scan3A_324, %mul3A_348 : i32
            %mul3A_350 = arith.constant 16 : i32
            %mul3A_351 = arith.muli %scan3A_346, %mul3A_350 : i32
            %add3A_352 = arith.addi %mul3A_349, %mul3A_351 : i32
            %swap3A = arith.index_cast %add3A_352 : i32 to index
            %swap3A_353 = tpu.vector_load %arg19[%swap3A] {strides = array<i32>} : memref<4096xf32, #tpu.memory_space<vmem>>, vector<16xf32>,
            tpu.vector_store %arg19[%swap3A], %broadcast_in_dim3A_66 {strides = array<i32>} : memref<4096xf32, #tpu.memory_space<vmem>>, vector<16xf32>,
            %scan3A_354 = arith.constant 0 : i32
            %scan3A_355 = arith.constant 1 : i32
            %scan3A_356 = arith.addi %scan3A_346, %scan3A_355 : i32
            %mul3A_357 = arith.constant 2048 : i32
            %mul3A_358 = arith.muli %scan3A_324, %mul3A_357 : i32
            %mul3A_359 = arith.constant 16 : i32
            %mul3A_360 = arith.muli %scan3A_356, %mul3A_359 : i32
            %add3A_361 = arith.addi %mul3A_358, %mul3A_360 : i32
            %swap3A_362 = arith.index_cast %add3A_361 : i32 to index
            %swap3A_363 = tpu.vector_load %arg19[%swap3A_362] {strides = array<i32>} : memref<4096xf32, #tpu.memory_space<vmem>>, vector<16xf32>,
            tpu.vector_store %arg19[%swap3A_362], %broadcast_in_dim3A_66 {strides = array<i32>} : memref<4096xf32, #tpu.memory_space<vmem>>, vector<16xf32>,
            %scan3A_364 = arith.constant 0 : i32
            %scan3A_365 = arith.constant 2 : i32
            %scan3A_366 = arith.addi %scan3A_346, %scan3A_365 : i32
            %mul3A_367 = arith.constant 2048 : i32
            %mul3A_368 = arith.muli %scan3A_324, %mul3A_367 : i32
            %mul3A_369 = arith.constant 16 : i32
            %mul3A_370 = arith.muli %scan3A_366, %mul3A_369 : i32
            %add3A_371 = arith.addi %mul3A_368, %mul3A_370 : i32
            %swap3A_372 = arith.index_cast %add3A_371 : i32 to index
            %swap3A_373 = tpu.vector_load %arg19[%swap3A_372] {strides = array<i32>} : memref<4096xf32, #tpu.memory_space<vmem>>, vector<16xf32>,
            tpu.vector_store %arg19[%swap3A_372], %broadcast_in_dim3A_66 {strides = array<i32>} : memref<4096xf32, #tpu.memory_space<vmem>>, vector<16xf32>,
            %scan3A_374 = arith.constant 0 : i32
            %scan3A_375 = arith.constant 3 : i32
            %scan3A_376 = arith.addi %scan3A_346, %scan3A_375 : i32
            %mul3A_377 = arith.constant 2048 : i32
            %mul3A_378 = arith.muli %scan3A_324, %mul3A_377 : i32
            %mul3A_379 = arith.constant 16 : i32
            %mul3A_380 = arith.muli %scan3A_376, %mul3A_379 : i32
            %add3A_381 = arith.addi %mul3A_378, %mul3A_380 : i32
            %swap3A_382 = arith.index_cast %add3A_381 : i32 to index
            %swap3A_383 = tpu.vector_load %arg19[%swap3A_382] {strides = array<i32>} : memref<4096xf32, #tpu.memory_space<vmem>>, vector<16xf32>,
            tpu.vector_store %arg19[%swap3A_382], %broadcast_in_dim3A_66 {strides = array<i32>} : memref<4096xf32, #tpu.memory_space<vmem>>, vector<16xf32>,
            %scan3A_384 = arith.constant 0 : i32
            scf.yield %scan3A_384 : i32
          }
          %scan3A_344 = arith.constant 128 : i32
          %scan3A_345 = arith.constant 0 : i32
          scf.yield %scan3A_345 : i32
        }
        %scan3A_323 = arith.constant 2 : i32
      } else {
      }
      %select_n3A_223 = arith.select %ge3A_219, %reduce_min3A_206, %scan3A_180 : i32
      %add3A_224 = arith.constant 4096 : i32
      %add3A_225 = arith.addi %select_n3A_223, %add3A_224 : i32
      %lt3A_226 = arith.cmpi slt, %reduce_max3A_216, %add3A_225 : i32
      %broadcast_in_dim3A_227 = vector.broadcast %select_n3A_223 : i32 to vector<16xi32>
      %convert_element_type3A_228 = arith.extui %lt3A_226 : i1 to i32
      %cond3A_229 = arith.constant 0 : i32
      %cond3A_230 = arith.cmpi ne, %convert_element_type3A_228, %cond3A_229 : i32
      scf.if %cond3A_230 {
        %parallel_loop3A_317 = arith.constant 0 : i32
        %parallel_loop3A_318 = arith.constant 2000 : i32
        %parallel_loop3A_319 = arith.constant 16 : i32
        scf.for %parallel_loop3A_320 = %parallel_loop3A_317 to %parallel_loop3A_318 step %parallel_loop3A_319  : i32 {
          %parallel_loop3A_321 = arith.index_cast %parallel_loop3A_320 : i32 to index
          %parallel_loop3A_322 = tpu.vector_load %arg15[%parallel_loop3A_321] {strides = array<i32>} : memref<2000xi32, #tpu.memory_space<vmem>>, vector<16xi32>,
          %parallel_loop3A_323 = tpu.vector_load_idx %arg12[%parallel_loop3A_322] : memref<100352xf32, #tpu.memory_space<vmem>>[vector<16xi32>], vector<16xf32>,
          %parallel_loop3A_324 = arith.index_cast %parallel_loop3A_320 : i32 to index
          %parallel_loop3A_325 = tpu.vector_load %arg17[%parallel_loop3A_324] {strides = array<i32>} : memref<2000xi32, #tpu.memory_space<vmem>>, vector<16xi32>,
          %parallel_loop3A_326 = tpu.vector_load_idx %arg12[%parallel_loop3A_325] : memref<100352xf32, #tpu.memory_space<vmem>>[vector<16xi32>], vector<16xf32>,
          %parallel_loop3A_327 = arith.index_cast %parallel_loop3A_320 : i32 to index
          %parallel_loop3A_328 = tpu.vector_load %arg13[%parallel_loop3A_327] {strides = array<i32>} : memref<2000xf32, #tpu.memory_space<vmem>>, vector<16xf32>,
          %parallel_loop3A_329 = arith.addf %parallel_loop3A_323, %parallel_loop3A_326 : vector<16xf32>
          %parallel_loop3A_330 = arith.mulf %parallel_loop3A_328, %parallel_loop3A_329 : vector<16xf32>
          %parallel_loop3A_331 = arith.mulf %get3A_44, %parallel_loop3A_330 : vector<16xf32>
          %parallel_loop3A_332 = math.exp %parallel_loop3A_331 : vector<16xf32>
          %parallel_loop3A_333 = arith.mulf %get3A_28, %parallel_loop3A_332 : vector<16xf32>
          %parallel_loop3A_334 = arith.mulf %get3A_48, %parallel_loop3A_330 : vector<16xf32>
          %parallel_loop3A_335 = math.exp %parallel_loop3A_334 : vector<16xf32>
          %parallel_loop3A_336 = arith.mulf %get3A_32, %parallel_loop3A_335 : vector<16xf32>
          %parallel_loop3A_337 = arith.addf %parallel_loop3A_333, %parallel_loop3A_336 : vector<16xf32>
          %parallel_loop3A_338 = arith.mulf %get3A_52, %parallel_loop3A_330 : vector<16xf32>
          %parallel_loop3A_339 = math.exp %parallel_loop3A_338 : vector<16xf32>
          %parallel_loop3A_340 = arith.mulf %get3A_36, %parallel_loop3A_339 : vector<16xf32>
          %parallel_loop3A_341 = arith.addf %parallel_loop3A_337, %parallel_loop3A_340 : vector<16xf32>
          %parallel_loop3A_342 = arith.mulf %get3A_56, %parallel_loop3A_330 : vector<16xf32>
          %parallel_loop3A_343 = math.exp %parallel_loop3A_342 : vector<16xf32>
          %parallel_loop3A_344 = arith.mulf %get3A_40, %parallel_loop3A_343 : vector<16xf32>
          %parallel_loop3A_345 = arith.addf %parallel_loop3A_341, %parallel_loop3A_344 : vector<16xf32>
          %parallel_loop3A_346 = arith.constant true
          %parallel_loop3A_347 = vector.broadcast %parallel_loop3A_346 : i1 to vector<16xi1>
          %parallel_loop3A_348 = tpu.scan <sum>, %parallel_loop3A_345 masked %parallel_loop3A_347 : vector<16xf32>, vector<16xi1> -> vector<16xf32>
          %parallel_loop3A_349 = arith.constant 0 : i32
          %parallel_loop3A_350 = vector.broadcast %parallel_loop3A_349 : i32 to vector<16xi32>
          %parallel_loop3A_351 = arith.cmpi slt, %min3A_61, %parallel_loop3A_350 : vector<16xi32>
          %parallel_loop3A_352 = arith.constant 16 : i32
          %parallel_loop3A_353 = vector.broadcast %parallel_loop3A_352 : i32 to vector<16xi32>
          %parallel_loop3A_354 = arith.addi %min3A_61, %parallel_loop3A_353 : vector<16xi32>
          %parallel_loop3A_355 = arith.select %parallel_loop3A_351, %parallel_loop3A_354, %min3A_61 : vector<16xi1>, vector<16xi32>
          %parallel_loop3A_356 = vector.shape_cast %parallel_loop3A_355 : vector<16xi32> to vector<16x1xi32>
          %parallel_loop3A_357 = vector.shape_cast %parallel_loop3A_356 : vector<16x1xi32> to vector<16xi32>
          %parallel_loop3A_358 = tpu.dynamic_gather %parallel_loop3A_322[%parallel_loop3A_357] in [0] : vector<16xi32>, vector<16xi32> -> vector<16xi32>
          %parallel_loop3A_359 = arith.cmpi ne, %parallel_loop3A_322, %parallel_loop3A_358 : vector<16xi32>
          %parallel_loop3A_360 = arith.subi %parallel_loop3A_322, %broadcast_in_dim3A_227 : vector<16xi32>
          %parallel_loop3A_361 = arith.ori %parallel_loop3A_359, %eq3A_63 : vector<16xi1>
          tpu.vector_store_idx %arg19[%parallel_loop3A_360], %parallel_loop3A_348 masked %parallel_loop3A_361 {add = true} : memref<4096xf32, #tpu.memory_space<vmem>>[vector<16xi32>], vector<16xf32>, vector<16xi1>
          %parallel_loop3A_362 = arith.subi %parallel_loop3A_358, %broadcast_in_dim3A_227 : vector<16xi32>
          %parallel_loop3A_363 = arith.constant 0.000000e+00 : f32
          %parallel_loop3A_364 = vector.broadcast %parallel_loop3A_363 : f32 to vector<16xf32>
          %parallel_loop3A_365 = arith.subf %parallel_loop3A_364, %parallel_loop3A_348 : vector<16xf32>
          %parallel_loop3A_366 = arith.andi %parallel_loop3A_359, %lt3A_65 : vector<16xi1>
          tpu.vector_store_idx %arg19[%parallel_loop3A_362], %parallel_loop3A_365 masked %parallel_loop3A_366 {add = true} : memref<4096xf32, #tpu.memory_space<vmem>>[vector<16xi32>], vector<16xf32>, vector<16xi1>
        } {sc.loop_unroll_factor = 4 : i64, sc.parallel_access}
      } else {
      }
      %not3A_231 = arith.constant true
      %not3A_232 = arith.xori %lt3A_226, %not3A_231 : i1
      %convert_element_type3A_233 = arith.extui %not3A_232 : i1 to i32
      %cond3A_234 = arith.constant 0 : i32
      %cond3A_235 = arith.cmpi ne, %convert_element_type3A_233, %cond3A_234 : i32
      scf.if %cond3A_235 {
        %scan3A_317 = arith.constant 0 : i32
        %scan3A_318 = arith.constant 0 : i32
        %scan3A_319 = arith.constant 124 : i32
        %scan3A_320 = arith.addi %scan3A_318, %scan3A_319 : i32
        %scan3A_321 = arith.constant 4 : i32
        %scan3A_322 = scf.for %scan3A_353 = %scan3A_318 to %scan3A_320 step %scan3A_321 iter_args(%scan3A_354 = %scan3A_317) -> (i32)  : i32 {
          %mul3A_355 = arith.constant 16 : i32
          %mul3A_356 = arith.muli %scan3A_353, %mul3A_355 : i32
          %get3A_357 = arith.index_cast %mul3A_356 : i32 to index
          %get3A_358 = tpu.vector_load %arg15[%get3A_357] {strides = array<i32>} : memref<2000xi32, #tpu.memory_space<vmem>>, vector<16xi32>,
          %gather3A_359 = tpu.vector_load_idx %arg12[%get3A_358] : memref<100352xf32, #tpu.memory_space<vmem>>[vector<16xi32>], vector<16xf32>,
          %get3A_360 = arith.index_cast %mul3A_356 : i32 to index
          %get3A_361 = tpu.vector_load %arg17[%get3A_360] {strides = array<i32>} : memref<2000xi32, #tpu.memory_space<vmem>>, vector<16xi32>,
          %gather3A_362 = tpu.vector_load_idx %arg12[%get3A_361] : memref<100352xf32, #tpu.memory_space<vmem>>[vector<16xi32>], vector<16xf32>,
          %get3A_363 = arith.index_cast %mul3A_356 : i32 to index
          %get3A_364 = tpu.vector_load %arg13[%get3A_363] {strides = array<i32>} : memref<2000xf32, #tpu.memory_space<vmem>>, vector<16xf32>,
          %add3A_365 = arith.addf %gather3A_359, %gather3A_362 : vector<16xf32>
          %mul3A_366 = arith.mulf %get3A_364, %add3A_365 : vector<16xf32>
          %mul3A_367 = arith.mulf %get3A_44, %mul3A_366 : vector<16xf32>
          %exp3A_368 = math.exp %mul3A_367 : vector<16xf32>
          %mul3A_369 = arith.mulf %get3A_28, %exp3A_368 : vector<16xf32>
          %mul3A_370 = arith.mulf %get3A_48, %mul3A_366 : vector<16xf32>
          %exp3A_371 = math.exp %mul3A_370 : vector<16xf32>
          %mul3A_372 = arith.mulf %get3A_32, %exp3A_371 : vector<16xf32>
          %add3A_373 = arith.addf %mul3A_369, %mul3A_372 : vector<16xf32>
          %mul3A_374 = arith.mulf %get3A_52, %mul3A_366 : vector<16xf32>
          %exp3A_375 = math.exp %mul3A_374 : vector<16xf32>
          %mul3A_376 = arith.mulf %get3A_36, %exp3A_375 : vector<16xf32>
          %add3A_377 = arith.addf %add3A_373, %mul3A_376 : vector<16xf32>
          %mul3A_378 = arith.mulf %get3A_56, %mul3A_366 : vector<16xf32>
          %exp3A_379 = math.exp %mul3A_378 : vector<16xf32>
          %mul3A_380 = arith.mulf %get3A_40, %exp3A_379 : vector<16xf32>
          %add3A_381 = arith.addf %add3A_377, %mul3A_380 : vector<16xf32>
          %swap3A_382 = arith.index_cast %mul3A_356 : i32 to index
          %swap3A_383 = tpu.vector_load %arg21[%swap3A_382] {strides = array<i32>} : memref<2000xf32, #tpu.memory_space<vmem>>, vector<16xf32>,
          tpu.vector_store %arg21[%swap3A_382], %add3A_381 {strides = array<i32>} : memref<2000xf32, #tpu.memory_space<vmem>>, vector<16xf32>,
          %scan3A_384 = arith.constant 0 : i32
          %scan3A_385 = arith.constant 1 : i32
          %scan3A_386 = arith.addi %scan3A_353, %scan3A_385 : i32
          %mul3A_387 = arith.constant 16 : i32
          %mul3A_388 = arith.muli %scan3A_386, %mul3A_387 : i32
          %get3A_389 = arith.index_cast %mul3A_388 : i32 to index
          %get3A_390 = tpu.vector_load %arg15[%get3A_389] {strides = array<i32>} : memref<2000xi32, #tpu.memory_space<vmem>>, vector<16xi32>,
          %gather3A_391 = tpu.vector_load_idx %arg12[%get3A_390] : memref<100352xf32, #tpu.memory_space<vmem>>[vector<16xi32>], vector<16xf32>,
          %get3A_392 = arith.index_cast %mul3A_388 : i32 to index
          %get3A_393 = tpu.vector_load %arg17[%get3A_392] {strides = array<i32>} : memref<2000xi32, #tpu.memory_space<vmem>>, vector<16xi32>,
          %gather3A_394 = tpu.vector_load_idx %arg12[%get3A_393] : memref<100352xf32, #tpu.memory_space<vmem>>[vector<16xi32>], vector<16xf32>,
          %get3A_395 = arith.index_cast %mul3A_388 : i32 to index
          %get3A_396 = tpu.vector_load %arg13[%get3A_395] {strides = array<i32>} : memref<2000xf32, #tpu.memory_space<vmem>>, vector<16xf32>,
          %add3A_397 = arith.addf %gather3A_391, %gather3A_394 : vector<16xf32>
          %mul3A_398 = arith.mulf %get3A_396, %add3A_397 : vector<16xf32>
          %mul3A_399 = arith.mulf %get3A_44, %mul3A_398 : vector<16xf32>
          %exp3A_400 = math.exp %mul3A_399 : vector<16xf32>
          %mul3A_401 = arith.mulf %get3A_28, %exp3A_400 : vector<16xf32>
          %mul3A_402 = arith.mulf %get3A_48, %mul3A_398 : vector<16xf32>
          %exp3A_403 = math.exp %mul3A_402 : vector<16xf32>
          %mul3A_404 = arith.mulf %get3A_32, %exp3A_403 : vector<16xf32>
          %add3A_405 = arith.addf %mul3A_401, %mul3A_404 : vector<16xf32>
          %mul3A_406 = arith.mulf %get3A_52, %mul3A_398 : vector<16xf32>
          %exp3A_407 = math.exp %mul3A_406 : vector<16xf32>
          %mul3A_408 = arith.mulf %get3A_36, %exp3A_407 : vector<16xf32>
          %add3A_409 = arith.addf %add3A_405, %mul3A_408 : vector<16xf32>
          %mul3A_410 = arith.mulf %get3A_56, %mul3A_398 : vector<16xf32>
          %exp3A_411 = math.exp %mul3A_410 : vector<16xf32>
          %mul3A_412 = arith.mulf %get3A_40, %exp3A_411 : vector<16xf32>
          %add3A_413 = arith.addf %add3A_409, %mul3A_412 : vector<16xf32>
          %swap3A_414 = arith.index_cast %mul3A_388 : i32 to index
          %swap3A_415 = tpu.vector_load %arg21[%swap3A_414] {strides = array<i32>} : memref<2000xf32, #tpu.memory_space<vmem>>, vector<16xf32>,
          tpu.vector_store %arg21[%swap3A_414], %add3A_413 {strides = array<i32>} : memref<2000xf32, #tpu.memory_space<vmem>>, vector<16xf32>,
          %scan3A_416 = arith.constant 0 : i32
          %scan3A_417 = arith.constant 2 : i32
          %scan3A_418 = arith.addi %scan3A_353, %scan3A_417 : i32
          %mul3A_419 = arith.constant 16 : i32
          %mul3A_420 = arith.muli %scan3A_418, %mul3A_419 : i32
          %get3A_421 = arith.index_cast %mul3A_420 : i32 to index
          %get3A_422 = tpu.vector_load %arg15[%get3A_421] {strides = array<i32>} : memref<2000xi32, #tpu.memory_space<vmem>>, vector<16xi32>,
          %gather3A_423 = tpu.vector_load_idx %arg12[%get3A_422] : memref<100352xf32, #tpu.memory_space<vmem>>[vector<16xi32>], vector<16xf32>,
          %get3A_424 = arith.index_cast %mul3A_420 : i32 to index
          %get3A_425 = tpu.vector_load %arg17[%get3A_424] {strides = array<i32>} : memref<2000xi32, #tpu.memory_space<vmem>>, vector<16xi32>,
          %gather3A_426 = tpu.vector_load_idx %arg12[%get3A_425] : memref<100352xf32, #tpu.memory_space<vmem>>[vector<16xi32>], vector<16xf32>,
          %get3A_427 = arith.index_cast %mul3A_420 : i32 to index
          %get3A_428 = tpu.vector_load %arg13[%get3A_427] {strides = array<i32>} : memref<2000xf32, #tpu.memory_space<vmem>>, vector<16xf32>,
          %add3A_429 = arith.addf %gather3A_423, %gather3A_426 : vector<16xf32>
          %mul3A_430 = arith.mulf %get3A_428, %add3A_429 : vector<16xf32>
          %mul3A_431 = arith.mulf %get3A_44, %mul3A_430 : vector<16xf32>
          %exp3A_432 = math.exp %mul3A_431 : vector<16xf32>
          %mul3A_433 = arith.mulf %get3A_28, %exp3A_432 : vector<16xf32>
          %mul3A_434 = arith.mulf %get3A_48, %mul3A_430 : vector<16xf32>
          %exp3A_435 = math.exp %mul3A_434 : vector<16xf32>
          %mul3A_436 = arith.mulf %get3A_32, %exp3A_435 : vector<16xf32>
          %add3A_437 = arith.addf %mul3A_433, %mul3A_436 : vector<16xf32>
          %mul3A_438 = arith.mulf %get3A_52, %mul3A_430 : vector<16xf32>
          %exp3A_439 = math.exp %mul3A_438 : vector<16xf32>
          %mul3A_440 = arith.mulf %get3A_36, %exp3A_439 : vector<16xf32>
          %add3A_441 = arith.addf %add3A_437, %mul3A_440 : vector<16xf32>
          %mul3A_442 = arith.mulf %get3A_56, %mul3A_430 : vector<16xf32>
          %exp3A_443 = math.exp %mul3A_442 : vector<16xf32>
          %mul3A_444 = arith.mulf %get3A_40, %exp3A_443 : vector<16xf32>
          %add3A_445 = arith.addf %add3A_441, %mul3A_444 : vector<16xf32>
          %swap3A_446 = arith.index_cast %mul3A_420 : i32 to index
          %swap3A_447 = tpu.vector_load %arg21[%swap3A_446] {strides = array<i32>} : memref<2000xf32, #tpu.memory_space<vmem>>, vector<16xf32>,
          tpu.vector_store %arg21[%swap3A_446], %add3A_445 {strides = array<i32>} : memref<2000xf32, #tpu.memory_space<vmem>>, vector<16xf32>,
          %scan3A_448 = arith.constant 0 : i32
          %scan3A_449 = arith.constant 3 : i32
          %scan3A_450 = arith.addi %scan3A_353, %scan3A_449 : i32
          %mul3A_451 = arith.constant 16 : i32
          %mul3A_452 = arith.muli %scan3A_450, %mul3A_451 : i32
          %get3A_453 = arith.index_cast %mul3A_452 : i32 to index
          %get3A_454 = tpu.vector_load %arg15[%get3A_453] {strides = array<i32>} : memref<2000xi32, #tpu.memory_space<vmem>>, vector<16xi32>,
          %gather3A_455 = tpu.vector_load_idx %arg12[%get3A_454] : memref<100352xf32, #tpu.memory_space<vmem>>[vector<16xi32>], vector<16xf32>,
          %get3A_456 = arith.index_cast %mul3A_452 : i32 to index
          %get3A_457 = tpu.vector_load %arg17[%get3A_456] {strides = array<i32>} : memref<2000xi32, #tpu.memory_space<vmem>>, vector<16xi32>,
          %gather3A_458 = tpu.vector_load_idx %arg12[%get3A_457] : memref<100352xf32, #tpu.memory_space<vmem>>[vector<16xi32>], vector<16xf32>,
          %get3A_459 = arith.index_cast %mul3A_452 : i32 to index
          %get3A_460 = tpu.vector_load %arg13[%get3A_459] {strides = array<i32>} : memref<2000xf32, #tpu.memory_space<vmem>>, vector<16xf32>,
          %add3A_461 = arith.addf %gather3A_455, %gather3A_458 : vector<16xf32>
          %mul3A_462 = arith.mulf %get3A_460, %add3A_461 : vector<16xf32>
          %mul3A_463 = arith.mulf %get3A_44, %mul3A_462 : vector<16xf32>
          %exp3A_464 = math.exp %mul3A_463 : vector<16xf32>
          %mul3A_465 = arith.mulf %get3A_28, %exp3A_464 : vector<16xf32>
          %mul3A_466 = arith.mulf %get3A_48, %mul3A_462 : vector<16xf32>
          %exp3A_467 = math.exp %mul3A_466 : vector<16xf32>
          %mul3A_468 = arith.mulf %get3A_32, %exp3A_467 : vector<16xf32>
          %add3A_469 = arith.addf %mul3A_465, %mul3A_468 : vector<16xf32>
          %mul3A_470 = arith.mulf %get3A_52, %mul3A_462 : vector<16xf32>
          %exp3A_471 = math.exp %mul3A_470 : vector<16xf32>
          %mul3A_472 = arith.mulf %get3A_36, %exp3A_471 : vector<16xf32>
          %add3A_473 = arith.addf %add3A_469, %mul3A_472 : vector<16xf32>
          %mul3A_474 = arith.mulf %get3A_56, %mul3A_462 : vector<16xf32>
          %exp3A_475 = math.exp %mul3A_474 : vector<16xf32>
          %mul3A_476 = arith.mulf %get3A_40, %exp3A_475 : vector<16xf32>
          %add3A_477 = arith.addf %add3A_473, %mul3A_476 : vector<16xf32>
          %swap3A_478 = arith.index_cast %mul3A_452 : i32 to index
          %swap3A_479 = tpu.vector_load %arg21[%swap3A_478] {strides = array<i32>} : memref<2000xf32, #tpu.memory_space<vmem>>, vector<16xf32>,
          tpu.vector_store %arg21[%swap3A_478], %add3A_477 {strides = array<i32>} : memref<2000xf32, #tpu.memory_space<vmem>>, vector<16xf32>,
          %scan3A_480 = arith.constant 0 : i32
          scf.yield %scan3A_480 : i32
        }
        %scan3A_323 = arith.constant 124 : i32
        %scan3A_324 = arith.addi %scan3A_318, %scan3A_323 : i32
        %mul3A_325 = arith.constant 16 : i32
        %mul3A_326 = arith.muli %scan3A_324, %mul3A_325 : i32
        %get3A_327 = arith.index_cast %mul3A_326 : i32 to index
        %get3A_328 = tpu.vector_load %arg15[%get3A_327] {strides = array<i32>} : memref<2000xi32, #tpu.memory_space<vmem>>, vector<16xi32>,
        %gather3A = tpu.vector_load_idx %arg12[%get3A_328] : memref<100352xf32, #tpu.memory_space<vmem>>[vector<16xi32>], vector<16xf32>,
        %get3A_329 = arith.index_cast %mul3A_326 : i32 to index
        %get3A_330 = tpu.vector_load %arg17[%get3A_329] {strides = array<i32>} : memref<2000xi32, #tpu.memory_space<vmem>>, vector<16xi32>,
        %gather3A_331 = tpu.vector_load_idx %arg12[%get3A_330] : memref<100352xf32, #tpu.memory_space<vmem>>[vector<16xi32>], vector<16xf32>,
        %get3A_332 = arith.index_cast %mul3A_326 : i32 to index
        %get3A_333 = tpu.vector_load %arg13[%get3A_332] {strides = array<i32>} : memref<2000xf32, #tpu.memory_space<vmem>>, vector<16xf32>,
        %add3A_334 = arith.addf %gather3A, %gather3A_331 : vector<16xf32>
        %mul3A_335 = arith.mulf %get3A_333, %add3A_334 : vector<16xf32>
        %mul3A_336 = arith.mulf %get3A_44, %mul3A_335 : vector<16xf32>
        %exp3A = math.exp %mul3A_336 : vector<16xf32>
        %mul3A_337 = arith.mulf %get3A_28, %exp3A : vector<16xf32>
        %mul3A_338 = arith.mulf %get3A_48, %mul3A_335 : vector<16xf32>
        %exp3A_339 = math.exp %mul3A_338 : vector<16xf32>
        %mul3A_340 = arith.mulf %get3A_32, %exp3A_339 : vector<16xf32>
        %add3A_341 = arith.addf %mul3A_337, %mul3A_340 : vector<16xf32>
        %mul3A_342 = arith.mulf %get3A_52, %mul3A_335 : vector<16xf32>
        %exp3A_343 = math.exp %mul3A_342 : vector<16xf32>
        %mul3A_344 = arith.mulf %get3A_36, %exp3A_343 : vector<16xf32>
        %add3A_345 = arith.addf %add3A_341, %mul3A_344 : vector<16xf32>
        %mul3A_346 = arith.mulf %get3A_56, %mul3A_335 : vector<16xf32>
        %exp3A_347 = math.exp %mul3A_346 : vector<16xf32>
        %mul3A_348 = arith.mulf %get3A_40, %exp3A_347 : vector<16xf32>
        %add3A_349 = arith.addf %add3A_345, %mul3A_348 : vector<16xf32>
        %swap3A = arith.index_cast %mul3A_326 : i32 to index
        %swap3A_350 = tpu.vector_load %arg21[%swap3A] {strides = array<i32>} : memref<2000xf32, #tpu.memory_space<vmem>>, vector<16xf32>,
        tpu.vector_store %arg21[%swap3A], %add3A_349 {strides = array<i32>} : memref<2000xf32, #tpu.memory_space<vmem>>, vector<16xf32>,
        %scan3A_351 = arith.constant 0 : i32
        %scan3A_352 = arith.constant 125 : i32
        "tpu.region"() ({
          %run_scoped3A = tpu.sem_alloc : memref<!tpu.dma_semaphore, #tpu.memory_space<semaphore_mem>>
          %dma_start3A_353 = arith.constant 0 : i32
          %dma_start3A_354 = tpu.memref_slice %arg22[%dma_start3A_353] : memref<100352xf32, #tpu.memory_space<vmem_shared>> -> memref<100352xf32, #tpu.memory_space<vmem_shared>>
          tpu.enqueue_indirect_dma source(%arg21 : memref<2000xf32, #tpu.memory_space<vmem>>) target(%dma_start3A_354 : memref<100352xf32, #tpu.memory_space<vmem_shared>>) offsets(%arg15 : memref<2000xi32, #tpu.memory_space<vmem>>) semaphore(%run_scoped3A : memref<!tpu.dma_semaphore, #tpu.memory_space<semaphore_mem>>) {add = true}
          %dma_wait3A_355 = arith.constant 0 : i32
          %dma_wait3A_356 = tpu.memref_slice %arg22[%dma_wait3A_355] : memref<100352xf32, #tpu.memory_space<vmem_shared>> -> memref<100352xf32, #tpu.memory_space<vmem_shared>>
          tpu.wait_indirect_dma semaphore(%run_scoped3A : memref<!tpu.dma_semaphore, #tpu.memory_space<semaphore_mem>>) src(%arg21 : memref<2000xf32, #tpu.memory_space<vmem>>) dst(%dma_wait3A_356 : memref<100352xf32, #tpu.memory_space<vmem_shared>>)
          tpu.yield
        }) : () -> ()
      } else {
      }
      %add3A_236 = arith.constant 2 : i32
      %add3A_237 = arith.addi %add3A_184, %add3A_236 : i32
      %mul3A_238 = arith.constant 200000 : i32
      %mul3A_239 = arith.muli %add3A, %mul3A_238 : i32
      %mul3A_240 = arith.constant 2000 : i32
      %mul3A_241 = arith.muli %add3A_237, %mul3A_240 : i32
      %add3A_242 = arith.addi %mul3A_239, %mul3A_241 : i32
      %dma_start3A_243 = tpu.memref_slice %arg5[%add3A_242] : memref<6400000xf32, #tpu.memory_space<hbm>> -> memref<2000xf32, #tpu.memory_space<hbm>>
      %dma_start3A_244 = tpu.memref_slice %arg5[%add3A_242] : memref<6400000xf32, #tpu.memory_space<hbm>> -> memref<2000xf32, #tpu.memory_space<hbm>>
      tpu.enqueue_dma source(%dma_start3A_244 : memref<2000xf32, #tpu.memory_space<hbm>>) target(%arg13 : memref<2000xf32, #tpu.memory_space<vmem>>) target_semaphore(%arg23 : memref<!tpu.dma_semaphore, #tpu.memory_space<semaphore_mem>>)
      %dma_start3A_245 = tpu.memref_slice %arg6[%add3A_242] : memref<6400000xi32, #tpu.memory_space<hbm>> -> memref<2000xi32, #tpu.memory_space<hbm>>
      %dma_start3A_246 = tpu.memref_slice %arg6[%add3A_242] : memref<6400000xi32, #tpu.memory_space<hbm>> -> memref<2000xi32, #tpu.memory_space<hbm>>
      tpu.enqueue_dma source(%dma_start3A_246 : memref<2000xi32, #tpu.memory_space<hbm>>) target(%arg15 : memref<2000xi32, #tpu.memory_space<vmem>>) target_semaphore(%arg23 : memref<!tpu.dma_semaphore, #tpu.memory_space<semaphore_mem>>)
      %dma_start3A_247 = tpu.memref_slice %arg7[%add3A_242] : memref<6400000xi32, #tpu.memory_space<hbm>> -> memref<2000xi32, #tpu.memory_space<hbm>>
      %dma_start3A_248 = tpu.memref_slice %arg7[%add3A_242] : memref<6400000xi32, #tpu.memory_space<hbm>> -> memref<2000xi32, #tpu.memory_space<hbm>>
      tpu.enqueue_dma source(%dma_start3A_248 : memref<2000xi32, #tpu.memory_space<hbm>>) target(%arg17 : memref<2000xi32, #tpu.memory_space<vmem>>) target_semaphore(%arg23 : memref<!tpu.dma_semaphore, #tpu.memory_space<semaphore_mem>>)
      %mul3A_249 = arith.constant 2 : i32
      %mul3A_250 = arith.muli %mul3A_249, %scan3A_179 : i32
      %add3A_251 = arith.constant 1 : i32
      %add3A_252 = arith.addi %mul3A_250, %add3A_251 : i32
      %dma_wait3A_253 = arith.constant 0 : i32
      %dma_wait3A_254 = tpu.memref_slice %arg5[%dma_wait3A_253] : memref<6400000xf32, #tpu.memory_space<hbm>> -> memref<2000xf32, #tpu.memory_space<hbm>>
      %dma_wait3A_255 = arith.constant 0 : i32
      %dma_wait3A_256 = tpu.memref_slice %arg5[%dma_wait3A_255] : memref<6400000xf32, #tpu.memory_space<hbm>> -> memref<2000xf32, #tpu.memory_space<hbm>>
      tpu.wait_dma2 semaphore(%arg24 : memref<!tpu.dma_semaphore, #tpu.memory_space<semaphore_mem>>) src(%dma_wait3A_256 : memref<2000xf32, #tpu.memory_space<hbm>>) dst(%arg14 : memref<2000xf32, #tpu.memory_space<vmem>>)
      %dma_wait3A_257 = arith.constant 0 : i32
      %dma_wait3A_258 = tpu.memref_slice %arg6[%dma_wait3A_257] : memref<6400000xi32, #tpu.memory_space<hbm>> -> memref<2000xi32, #tpu.memory_space<hbm>>
      %dma_wait3A_259 = arith.constant 0 : i32
      %dma_wait3A_260 = tpu.memref_slice %arg6[%dma_wait3A_259] : memref<6400000xi32, #tpu.memory_space<hbm>> -> memref<2000xi32, #tpu.memory_space<hbm>>
      tpu.wait_dma2 semaphore(%arg24 : memref<!tpu.dma_semaphore, #tpu.memory_space<semaphore_mem>>) src(%dma_wait3A_260 : memref<2000xi32, #tpu.memory_space<hbm>>) dst(%arg16 : memref<2000xi32, #tpu.memory_space<vmem>>)
      %dma_wait3A_261 = arith.constant 0 : i32
      %dma_wait3A_262 = tpu.memref_slice %arg7[%dma_wait3A_261] : memref<6400000xi32, #tpu.memory_space<hbm>> -> memref<2000xi32, #tpu.memory_space<hbm>>
      %dma_wait3A_263 = arith.constant 0 : i32
      %dma_wait3A_264 = tpu.memref_slice %arg7[%dma_wait3A_263] : memref<6400000xi32, #tpu.memory_space<hbm>> -> memref<2000xi32, #tpu.memory_space<hbm>>
      tpu.wait_dma2 semaphore(%arg24 : memref<!tpu.dma_semaphore, #tpu.memory_space<semaphore_mem>>) src(%dma_wait3A_264 : memref<2000xi32, #tpu.memory_space<hbm>>) dst(%arg18 : memref<2000xi32, #tpu.memory_space<vmem>>)
      %get3A_265 = arith.constant 0 : index
      %get3A_266 = tpu.vector_load %arg16[%get3A_265] {strides = array<i32>} : memref<2000xi32, #tpu.memory_space<vmem>>, vector<16xi32>,
      %reduce_min3A_267 = arith.constant true
      %reduce_min3A_268 = vector.broadcast %reduce_min3A_267 : i1 to vector<16xi1>
      %reduce_min3A_269 = arith.constant -2147483648 : i32
      %reduce_min3A_270 = vector.broadcast %reduce_min3A_269 : i32 to vector<16xi32>
      %reduce_min3A_271 = arith.xori %get3A_266, %reduce_min3A_270 : vector<16xi32>
      %reduce_min3A_272 = tpu.scan <min>, %reduce_min3A_271 masked %reduce_min3A_268 : vector<16xi32>, vector<16xi1> -> vector<16xi32>
      %reduce_min3A_273 = arith.xori %reduce_min3A_272, %reduce_min3A_270 : vector<16xi32>
      %reduce_min3A_274 = vector.extract %reduce_min3A_273[15] : i32 from vector<16xi32>
      %get3A_275 = arith.constant 1984 : index
      %get3A_276 = tpu.vector_load %arg16[%get3A_275] {strides = array<i32>} : memref<2000xi32, #tpu.memory_space<vmem>>, vector<16xi32>,
      %reduce_max3A_277 = arith.constant true
      %reduce_max3A_278 = vector.broadcast %reduce_max3A_277 : i1 to vector<16xi1>
      %reduce_max3A_279 = arith.constant -2147483648 : i32
      %reduce_max3A_280 = vector.broadcast %reduce_max3A_279 : i32 to vector<16xi32>
      %reduce_max3A_281 = arith.xori %get3A_276, %reduce_max3A_280 : vector<16xi32>
      %reduce_max3A_282 = tpu.scan <max>, %reduce_max3A_281 masked %reduce_max3A_278 : vector<16xi32>, vector<16xi1> -> vector<16xi32>
      %reduce_max3A_283 = arith.xori %reduce_max3A_282, %reduce_max3A_280 : vector<16xi32>
      %reduce_max3A_284 = vector.extract %reduce_max3A_283[15] : i32 from vector<16xi32>
      %add3A_285 = arith.constant 4096 : i32
      %add3A_286 = arith.addi %select_n3A_223, %add3A_285 : i32
      %ge3A_287 = arith.cmpi sge, %reduce_max3A_284, %add3A_286 : i32
      %convert_element_type3A_288 = arith.extui %ge3A_287 : i1 to i32
      %cond3A_289 = arith.constant 0 : i32
      %cond3A_290 = arith.cmpi ne, %convert_element_type3A_288, %cond3A_289 : i32
      scf.if %cond3A_290 {
        %scan3A_317 = arith.constant 0 : i32
        %scan3A_318 = arith.constant 0 : i32
        %scan3A_319 = arith.constant 2 : i32
        %scan3A_320 = arith.addi %scan3A_318, %scan3A_319 : i32
        %scan3A_321 = arith.constant 1 : i32
        %scan3A_322 = scf.for %scan3A_324 = %scan3A_318 to %scan3A_320 step %scan3A_321 iter_args(%scan3A_325 = %scan3A_317) -> (i32)  : i32 {
          %mul3A_326 = arith.constant 2048 : i32
          %mul3A_327 = arith.muli %scan3A_324, %mul3A_326 : i32
          %add3A_328 = arith.addi %select_n3A_223, %mul3A_327 : i32
          %scan3A_329 = arith.constant 0 : i32
          %scan3A_330 = arith.constant 0 : i32
          %scan3A_331 = arith.constant 128 : i32
          %scan3A_332 = arith.addi %scan3A_330, %scan3A_331 : i32
          %scan3A_333 = arith.constant 4 : i32
          %scan3A_334 = scf.for %scan3A_346 = %scan3A_330 to %scan3A_332 step %scan3A_333 iter_args(%scan3A_347 = %scan3A_329) -> (i32)  : i32 {
            %mul3A_348 = arith.constant 16 : i32
            %mul3A_349 = arith.muli %scan3A_346, %mul3A_348 : i32
            %add3A_350 = arith.addi %add3A_328, %mul3A_349 : i32
            %add3A_351 = vector.broadcast %add3A_350 : i32 to vector<16xi32>
            %add3A_352 = arith.addi %iota3A, %add3A_351 : vector<16xi32>
            %min3A_353 = arith.constant 100351 : i32
            %min3A_354 = vector.broadcast %min3A_353 : i32 to vector<16xi32>
            %min3A_355 = arith.minsi %add3A_352, %min3A_354 : vector<16xi32>
            %mul3A_356 = arith.constant 16 : i32
            %mul3A_357 = arith.muli %scan3A_346, %mul3A_356 : i32
            %swap3A = arith.index_cast %mul3A_357 : i32 to index
            %swap3A_358 = tpu.vector_load %arg20[%swap3A] {strides = array<i32>} : memref<2048xi32, #tpu.memory_space<vmem>>, vector<16xi32>,
            tpu.vector_store %arg20[%swap3A], %min3A_355 {strides = array<i32>} : memref<2048xi32, #tpu.memory_space<vmem>>, vector<16xi32>,
            %scan3A_359 = arith.constant 0 : i32
            %scan3A_360 = arith.constant 1 : i32
            %scan3A_361 = arith.addi %scan3A_346, %scan3A_360 : i32
            %mul3A_362 = arith.constant 16 : i32
            %mul3A_363 = arith.muli %scan3A_361, %mul3A_362 : i32
            %add3A_364 = arith.addi %add3A_328, %mul3A_363 : i32
            %add3A_365 = vector.broadcast %add3A_364 : i32 to vector<16xi32>
            %add3A_366 = arith.addi %iota3A, %add3A_365 : vector<16xi32>
            %min3A_367 = arith.constant 100351 : i32
            %min3A_368 = vector.broadcast %min3A_367 : i32 to vector<16xi32>
            %min3A_369 = arith.minsi %add3A_366, %min3A_368 : vector<16xi32>
            %mul3A_370 = arith.constant 16 : i32
            %mul3A_371 = arith.muli %scan3A_361, %mul3A_370 : i32
            %swap3A_372 = arith.index_cast %mul3A_371 : i32 to index
            %swap3A_373 = tpu.vector_load %arg20[%swap3A_372] {strides = array<i32>} : memref<2048xi32, #tpu.memory_space<vmem>>, vector<16xi32>,
            tpu.vector_store %arg20[%swap3A_372], %min3A_369 {strides = array<i32>} : memref<2048xi32, #tpu.memory_space<vmem>>, vector<16xi32>,
            %scan3A_374 = arith.constant 0 : i32
            %scan3A_375 = arith.constant 2 : i32
            %scan3A_376 = arith.addi %scan3A_346, %scan3A_375 : i32
            %mul3A_377 = arith.constant 16 : i32
            %mul3A_378 = arith.muli %scan3A_376, %mul3A_377 : i32
            %add3A_379 = arith.addi %add3A_328, %mul3A_378 : i32
            %add3A_380 = vector.broadcast %add3A_379 : i32 to vector<16xi32>
            %add3A_381 = arith.addi %iota3A, %add3A_380 : vector<16xi32>
            %min3A_382 = arith.constant 100351 : i32
            %min3A_383 = vector.broadcast %min3A_382 : i32 to vector<16xi32>
            %min3A_384 = arith.minsi %add3A_381, %min3A_383 : vector<16xi32>
            %mul3A_385 = arith.constant 16 : i32
            %mul3A_386 = arith.muli %scan3A_376, %mul3A_385 : i32
            %swap3A_387 = arith.index_cast %mul3A_386 : i32 to index
            %swap3A_388 = tpu.vector_load %arg20[%swap3A_387] {strides = array<i32>} : memref<2048xi32, #tpu.memory_space<vmem>>, vector<16xi32>,
            tpu.vector_store %arg20[%swap3A_387], %min3A_384 {strides = array<i32>} : memref<2048xi32, #tpu.memory_space<vmem>>, vector<16xi32>,
            %scan3A_389 = arith.constant 0 : i32
            %scan3A_390 = arith.constant 3 : i32
            %scan3A_391 = arith.addi %scan3A_346, %scan3A_390 : i32
            %mul3A_392 = arith.constant 16 : i32
            %mul3A_393 = arith.muli %scan3A_391, %mul3A_392 : i32
            %add3A_394 = arith.addi %add3A_328, %mul3A_393 : i32
            %add3A_395 = vector.broadcast %add3A_394 : i32 to vector<16xi32>
            %add3A_396 = arith.addi %iota3A, %add3A_395 : vector<16xi32>
            %min3A_397 = arith.constant 100351 : i32
            %min3A_398 = vector.broadcast %min3A_397 : i32 to vector<16xi32>
            %min3A_399 = arith.minsi %add3A_396, %min3A_398 : vector<16xi32>
            %mul3A_400 = arith.constant 16 : i32
            %mul3A_401 = arith.muli %scan3A_391, %mul3A_400 : i32
            %swap3A_402 = arith.index_cast %mul3A_401 : i32 to index
            %swap3A_403 = tpu.vector_load %arg20[%swap3A_402] {strides = array<i32>} : memref<2048xi32, #tpu.memory_space<vmem>>, vector<16xi32>,
            tpu.vector_store %arg20[%swap3A_402], %min3A_399 {strides = array<i32>} : memref<2048xi32, #tpu.memory_space<vmem>>, vector<16xi32>,
            %scan3A_404 = arith.constant 0 : i32
            scf.yield %scan3A_404 : i32
          }
          %scan3A_335 = arith.constant 128 : i32
          %mul3A_336 = arith.constant 2048 : i32
          %mul3A_337 = arith.muli %scan3A_324, %mul3A_336 : i32
          "tpu.region"() ({
            %run_scoped3A = tpu.sem_alloc : memref<!tpu.dma_semaphore, #tpu.memory_space<semaphore_mem>>
            %dma_start3A_346 = tpu.memref_slice %arg19[%mul3A_337] : memref<4096xf32, #tpu.memory_space<vmem>> -> memref<2048xf32, #tpu.memory_space<vmem>>
            %dma_start3A_347 = arith.constant 0 : i32
            %dma_start3A_348 = tpu.memref_slice %arg22[%dma_start3A_347] : memref<100352xf32, #tpu.memory_space<vmem_shared>> -> memref<100352xf32, #tpu.memory_space<vmem_shared>>
            tpu.enqueue_indirect_dma source(%dma_start3A_346 : memref<2048xf32, #tpu.memory_space<vmem>>) target(%dma_start3A_348 : memref<100352xf32, #tpu.memory_space<vmem_shared>>) offsets(%arg20 : memref<2048xi32, #tpu.memory_space<vmem>>) semaphore(%run_scoped3A : memref<!tpu.dma_semaphore, #tpu.memory_space<semaphore_mem>>) {add = true}
            %dma_wait3A_349 = tpu.memref_slice %arg19[%mul3A_337] : memref<4096xf32, #tpu.memory_space<vmem>> -> memref<2048xf32, #tpu.memory_space<vmem>>
            %dma_wait3A_350 = arith.constant 0 : i32
            %dma_wait3A_351 = tpu.memref_slice %arg22[%dma_wait3A_350] : memref<100352xf32, #tpu.memory_space<vmem_shared>> -> memref<100352xf32, #tpu.memory_space<vmem_shared>>
            tpu.wait_indirect_dma semaphore(%run_scoped3A : memref<!tpu.dma_semaphore, #tpu.memory_space<semaphore_mem>>) src(%dma_wait3A_349 : memref<2048xf32, #tpu.memory_space<vmem>>) dst(%dma_wait3A_351 : memref<100352xf32, #tpu.memory_space<vmem_shared>>)
            tpu.yield
          }) : () -> ()
          %scan3A_338 = arith.constant 0 : i32
          %scan3A_339 = arith.constant 0 : i32
          %scan3A_340 = arith.constant 128 : i32
          %scan3A_341 = arith.addi %scan3A_339, %scan3A_340 : i32
          %scan3A_342 = arith.constant 4 : i32
          %scan3A_343 = scf.for %scan3A_346 = %scan3A_339 to %scan3A_341 step %scan3A_342 iter_args(%scan3A_347 = %scan3A_338) -> (i32)  : i32 {
            %mul3A_348 = arith.constant 2048 : i32
            %mul3A_349 = arith.muli %scan3A_324, %mul3A_348 : i32
            %mul3A_350 = arith.constant 16 : i32
            %mul3A_351 = arith.muli %scan3A_346, %mul3A_350 : i32
            %add3A_352 = arith.addi %mul3A_349, %mul3A_351 : i32
            %swap3A = arith.index_cast %add3A_352 : i32 to index
            %swap3A_353 = tpu.vector_load %arg19[%swap3A] {strides = array<i32>} : memref<4096xf32, #tpu.memory_space<vmem>>, vector<16xf32>,
            tpu.vector_store %arg19[%swap3A], %broadcast_in_dim3A_66 {strides = array<i32>} : memref<4096xf32, #tpu.memory_space<vmem>>, vector<16xf32>,
            %scan3A_354 = arith.constant 0 : i32
            %scan3A_355 = arith.constant 1 : i32
            %scan3A_356 = arith.addi %scan3A_346, %scan3A_355 : i32
            %mul3A_357 = arith.constant 2048 : i32
            %mul3A_358 = arith.muli %scan3A_324, %mul3A_357 : i32
            %mul3A_359 = arith.constant 16 : i32
            %mul3A_360 = arith.muli %scan3A_356, %mul3A_359 : i32
            %add3A_361 = arith.addi %mul3A_358, %mul3A_360 : i32
            %swap3A_362 = arith.index_cast %add3A_361 : i32 to index
            %swap3A_363 = tpu.vector_load %arg19[%swap3A_362] {strides = array<i32>} : memref<4096xf32, #tpu.memory_space<vmem>>, vector<16xf32>,
            tpu.vector_store %arg19[%swap3A_362], %broadcast_in_dim3A_66 {strides = array<i32>} : memref<4096xf32, #tpu.memory_space<vmem>>, vector<16xf32>,
            %scan3A_364 = arith.constant 0 : i32
            %scan3A_365 = arith.constant 2 : i32
            %scan3A_366 = arith.addi %scan3A_346, %scan3A_365 : i32
            %mul3A_367 = arith.constant 2048 : i32
            %mul3A_368 = arith.muli %scan3A_324, %mul3A_367 : i32
            %mul3A_369 = arith.constant 16 : i32
            %mul3A_370 = arith.muli %scan3A_366, %mul3A_369 : i32
            %add3A_371 = arith.addi %mul3A_368, %mul3A_370 : i32
            %swap3A_372 = arith.index_cast %add3A_371 : i32 to index
            %swap3A_373 = tpu.vector_load %arg19[%swap3A_372] {strides = array<i32>} : memref<4096xf32, #tpu.memory_space<vmem>>, vector<16xf32>,
            tpu.vector_store %arg19[%swap3A_372], %broadcast_in_dim3A_66 {strides = array<i32>} : memref<4096xf32, #tpu.memory_space<vmem>>, vector<16xf32>,
            %scan3A_374 = arith.constant 0 : i32
            %scan3A_375 = arith.constant 3 : i32
            %scan3A_376 = arith.addi %scan3A_346, %scan3A_375 : i32
            %mul3A_377 = arith.constant 2048 : i32
            %mul3A_378 = arith.muli %scan3A_324, %mul3A_377 : i32
            %mul3A_379 = arith.constant 16 : i32
            %mul3A_380 = arith.muli %scan3A_376, %mul3A_379 : i32
            %add3A_381 = arith.addi %mul3A_378, %mul3A_380 : i32
            %swap3A_382 = arith.index_cast %add3A_381 : i32 to index
            %swap3A_383 = tpu.vector_load %arg19[%swap3A_382] {strides = array<i32>} : memref<4096xf32, #tpu.memory_space<vmem>>, vector<16xf32>,
            tpu.vector_store %arg19[%swap3A_382], %broadcast_in_dim3A_66 {strides = array<i32>} : memref<4096xf32, #tpu.memory_space<vmem>>, vector<16xf32>,
            %scan3A_384 = arith.constant 0 : i32
            scf.yield %scan3A_384 : i32
          }
          %scan3A_344 = arith.constant 128 : i32
          %scan3A_345 = arith.constant 0 : i32
          scf.yield %scan3A_345 : i32
        }
        %scan3A_323 = arith.constant 2 : i32
      } else {
      }
      %select_n3A_291 = arith.select %ge3A_287, %reduce_min3A_274, %select_n3A_223 : i32
      %add3A_292 = arith.constant 4096 : i32
      %add3A_293 = arith.addi %select_n3A_291, %add3A_292 : i32
      %lt3A_294 = arith.cmpi slt, %reduce_max3A_284, %add3A_293 : i32
      %broadcast_in_dim3A_295 = vector.broadcast %select_n3A_291 : i32 to vector<16xi32>
      %convert_element_type3A_296 = arith.extui %lt3A_294 : i1 to i32
      %cond3A_297 = arith.constant 0 : i32
      %cond3A_298 = arith.cmpi ne, %convert_element_type3A_296, %cond3A_297 : i32
      scf.if %cond3A_298 {
        %parallel_loop3A_317 = arith.constant 0 : i32
        %parallel_loop3A_318 = arith.constant 2000 : i32
        %parallel_loop3A_319 = arith.constant 16 : i32
        scf.for %parallel_loop3A_320 = %parallel_loop3A_317 to %parallel_loop3A_318 step %parallel_loop3A_319  : i32 {
          %parallel_loop3A_321 = arith.index_cast %parallel_loop3A_320 : i32 to index
          %parallel_loop3A_322 = tpu.vector_load %arg16[%parallel_loop3A_321] {strides = array<i32>} : memref<2000xi32, #tpu.memory_space<vmem>>, vector<16xi32>,
          %parallel_loop3A_323 = tpu.vector_load_idx %arg12[%parallel_loop3A_322] : memref<100352xf32, #tpu.memory_space<vmem>>[vector<16xi32>], vector<16xf32>,
          %parallel_loop3A_324 = arith.index_cast %parallel_loop3A_320 : i32 to index
          %parallel_loop3A_325 = tpu.vector_load %arg18[%parallel_loop3A_324] {strides = array<i32>} : memref<2000xi32, #tpu.memory_space<vmem>>, vector<16xi32>,
          %parallel_loop3A_326 = tpu.vector_load_idx %arg12[%parallel_loop3A_325] : memref<100352xf32, #tpu.memory_space<vmem>>[vector<16xi32>], vector<16xf32>,
          %parallel_loop3A_327 = arith.index_cast %parallel_loop3A_320 : i32 to index
          %parallel_loop3A_328 = tpu.vector_load %arg14[%parallel_loop3A_327] {strides = array<i32>} : memref<2000xf32, #tpu.memory_space<vmem>>, vector<16xf32>,
          %parallel_loop3A_329 = arith.addf %parallel_loop3A_323, %parallel_loop3A_326 : vector<16xf32>
          %parallel_loop3A_330 = arith.mulf %parallel_loop3A_328, %parallel_loop3A_329 : vector<16xf32>
          %parallel_loop3A_331 = arith.mulf %get3A_44, %parallel_loop3A_330 : vector<16xf32>
          %parallel_loop3A_332 = math.exp %parallel_loop3A_331 : vector<16xf32>
          %parallel_loop3A_333 = arith.mulf %get3A_28, %parallel_loop3A_332 : vector<16xf32>
          %parallel_loop3A_334 = arith.mulf %get3A_48, %parallel_loop3A_330 : vector<16xf32>
          %parallel_loop3A_335 = math.exp %parallel_loop3A_334 : vector<16xf32>
          %parallel_loop3A_336 = arith.mulf %get3A_32, %parallel_loop3A_335 : vector<16xf32>
          %parallel_loop3A_337 = arith.addf %parallel_loop3A_333, %parallel_loop3A_336 : vector<16xf32>
          %parallel_loop3A_338 = arith.mulf %get3A_52, %parallel_loop3A_330 : vector<16xf32>
          %parallel_loop3A_339 = math.exp %parallel_loop3A_338 : vector<16xf32>
          %parallel_loop3A_340 = arith.mulf %get3A_36, %parallel_loop3A_339 : vector<16xf32>
          %parallel_loop3A_341 = arith.addf %parallel_loop3A_337, %parallel_loop3A_340 : vector<16xf32>
          %parallel_loop3A_342 = arith.mulf %get3A_56, %parallel_loop3A_330 : vector<16xf32>
          %parallel_loop3A_343 = math.exp %parallel_loop3A_342 : vector<16xf32>
          %parallel_loop3A_344 = arith.mulf %get3A_40, %parallel_loop3A_343 : vector<16xf32>
          %parallel_loop3A_345 = arith.addf %parallel_loop3A_341, %parallel_loop3A_344 : vector<16xf32>
          %parallel_loop3A_346 = arith.constant true
          %parallel_loop3A_347 = vector.broadcast %parallel_loop3A_346 : i1 to vector<16xi1>
          %parallel_loop3A_348 = tpu.scan <sum>, %parallel_loop3A_345 masked %parallel_loop3A_347 : vector<16xf32>, vector<16xi1> -> vector<16xf32>
          %parallel_loop3A_349 = arith.constant 0 : i32
          %parallel_loop3A_350 = vector.broadcast %parallel_loop3A_349 : i32 to vector<16xi32>
          %parallel_loop3A_351 = arith.cmpi slt, %min3A_61, %parallel_loop3A_350 : vector<16xi32>
          %parallel_loop3A_352 = arith.constant 16 : i32
          %parallel_loop3A_353 = vector.broadcast %parallel_loop3A_352 : i32 to vector<16xi32>
          %parallel_loop3A_354 = arith.addi %min3A_61, %parallel_loop3A_353 : vector<16xi32>
          %parallel_loop3A_355 = arith.select %parallel_loop3A_351, %parallel_loop3A_354, %min3A_61 : vector<16xi1>, vector<16xi32>
          %parallel_loop3A_356 = vector.shape_cast %parallel_loop3A_355 : vector<16xi32> to vector<16x1xi32>
          %parallel_loop3A_357 = vector.shape_cast %parallel_loop3A_356 : vector<16x1xi32> to vector<16xi32>
          %parallel_loop3A_358 = tpu.dynamic_gather %parallel_loop3A_322[%parallel_loop3A_357] in [0] : vector<16xi32>, vector<16xi32> -> vector<16xi32>
          %parallel_loop3A_359 = arith.cmpi ne, %parallel_loop3A_322, %parallel_loop3A_358 : vector<16xi32>
          %parallel_loop3A_360 = arith.subi %parallel_loop3A_322, %broadcast_in_dim3A_295 : vector<16xi32>
          %parallel_loop3A_361 = arith.ori %parallel_loop3A_359, %eq3A_63 : vector<16xi1>
          tpu.vector_store_idx %arg19[%parallel_loop3A_360], %parallel_loop3A_348 masked %parallel_loop3A_361 {add = true} : memref<4096xf32, #tpu.memory_space<vmem>>[vector<16xi32>], vector<16xf32>, vector<16xi1>
          %parallel_loop3A_362 = arith.subi %parallel_loop3A_358, %broadcast_in_dim3A_295 : vector<16xi32>
          %parallel_loop3A_363 = arith.constant 0.000000e+00 : f32
          %parallel_loop3A_364 = vector.broadcast %parallel_loop3A_363 : f32 to vector<16xf32>
          %parallel_loop3A_365 = arith.subf %parallel_loop3A_364, %parallel_loop3A_348 : vector<16xf32>
          %parallel_loop3A_366 = arith.andi %parallel_loop3A_359, %lt3A_65 : vector<16xi1>
          tpu.vector_store_idx %arg19[%parallel_loop3A_362], %parallel_loop3A_365 masked %parallel_loop3A_366 {add = true} : memref<4096xf32, #tpu.memory_space<vmem>>[vector<16xi32>], vector<16xf32>, vector<16xi1>
        } {sc.loop_unroll_factor = 4 : i64, sc.parallel_access}
      } else {
      }
      %not3A_299 = arith.constant true
      %not3A_300 = arith.xori %lt3A_294, %not3A_299 : i1
      %convert_element_type3A_301 = arith.extui %not3A_300 : i1 to i32
      %cond3A_302 = arith.constant 0 : i32
      %cond3A_303 = arith.cmpi ne, %convert_element_type3A_301, %cond3A_302 : i32
      scf.if %cond3A_303 {
        %scan3A_317 = arith.constant 0 : i32
        %scan3A_318 = arith.constant 0 : i32
        %scan3A_319 = arith.constant 124 : i32
        %scan3A_320 = arith.addi %scan3A_318, %scan3A_319 : i32
        %scan3A_321 = arith.constant 4 : i32
        %scan3A_322 = scf.for %scan3A_353 = %scan3A_318 to %scan3A_320 step %scan3A_321 iter_args(%scan3A_354 = %scan3A_317) -> (i32)  : i32 {
          %mul3A_355 = arith.constant 16 : i32
          %mul3A_356 = arith.muli %scan3A_353, %mul3A_355 : i32
          %get3A_357 = arith.index_cast %mul3A_356 : i32 to index
          %get3A_358 = tpu.vector_load %arg16[%get3A_357] {strides = array<i32>} : memref<2000xi32, #tpu.memory_space<vmem>>, vector<16xi32>,
          %gather3A_359 = tpu.vector_load_idx %arg12[%get3A_358] : memref<100352xf32, #tpu.memory_space<vmem>>[vector<16xi32>], vector<16xf32>,
          %get3A_360 = arith.index_cast %mul3A_356 : i32 to index
          %get3A_361 = tpu.vector_load %arg18[%get3A_360] {strides = array<i32>} : memref<2000xi32, #tpu.memory_space<vmem>>, vector<16xi32>,
          %gather3A_362 = tpu.vector_load_idx %arg12[%get3A_361] : memref<100352xf32, #tpu.memory_space<vmem>>[vector<16xi32>], vector<16xf32>,
          %get3A_363 = arith.index_cast %mul3A_356 : i32 to index
          %get3A_364 = tpu.vector_load %arg14[%get3A_363] {strides = array<i32>} : memref<2000xf32, #tpu.memory_space<vmem>>, vector<16xf32>,
          %add3A_365 = arith.addf %gather3A_359, %gather3A_362 : vector<16xf32>
          %mul3A_366 = arith.mulf %get3A_364, %add3A_365 : vector<16xf32>
          %mul3A_367 = arith.mulf %get3A_44, %mul3A_366 : vector<16xf32>
          %exp3A_368 = math.exp %mul3A_367 : vector<16xf32>
          %mul3A_369 = arith.mulf %get3A_28, %exp3A_368 : vector<16xf32>
          %mul3A_370 = arith.mulf %get3A_48, %mul3A_366 : vector<16xf32>
          %exp3A_371 = math.exp %mul3A_370 : vector<16xf32>
          %mul3A_372 = arith.mulf %get3A_32, %exp3A_371 : vector<16xf32>
          %add3A_373 = arith.addf %mul3A_369, %mul3A_372 : vector<16xf32>
          %mul3A_374 = arith.mulf %get3A_52, %mul3A_366 : vector<16xf32>
          %exp3A_375 = math.exp %mul3A_374 : vector<16xf32>
          %mul3A_376 = arith.mulf %get3A_36, %exp3A_375 : vector<16xf32>
          %add3A_377 = arith.addf %add3A_373, %mul3A_376 : vector<16xf32>
          %mul3A_378 = arith.mulf %get3A_56, %mul3A_366 : vector<16xf32>
          %exp3A_379 = math.exp %mul3A_378 : vector<16xf32>
          %mul3A_380 = arith.mulf %get3A_40, %exp3A_379 : vector<16xf32>
          %add3A_381 = arith.addf %add3A_377, %mul3A_380 : vector<16xf32>
          %swap3A_382 = arith.index_cast %mul3A_356 : i32 to index
          %swap3A_383 = tpu.vector_load %arg21[%swap3A_382] {strides = array<i32>} : memref<2000xf32, #tpu.memory_space<vmem>>, vector<16xf32>,
          tpu.vector_store %arg21[%swap3A_382], %add3A_381 {strides = array<i32>} : memref<2000xf32, #tpu.memory_space<vmem>>, vector<16xf32>,
          %scan3A_384 = arith.constant 0 : i32
          %scan3A_385 = arith.constant 1 : i32
          %scan3A_386 = arith.addi %scan3A_353, %scan3A_385 : i32
          %mul3A_387 = arith.constant 16 : i32
          %mul3A_388 = arith.muli %scan3A_386, %mul3A_387 : i32
          %get3A_389 = arith.index_cast %mul3A_388 : i32 to index
          %get3A_390 = tpu.vector_load %arg16[%get3A_389] {strides = array<i32>} : memref<2000xi32, #tpu.memory_space<vmem>>, vector<16xi32>,
          %gather3A_391 = tpu.vector_load_idx %arg12[%get3A_390] : memref<100352xf32, #tpu.memory_space<vmem>>[vector<16xi32>], vector<16xf32>,
          %get3A_392 = arith.index_cast %mul3A_388 : i32 to index
          %get3A_393 = tpu.vector_load %arg18[%get3A_392] {strides = array<i32>} : memref<2000xi32, #tpu.memory_space<vmem>>, vector<16xi32>,
          %gather3A_394 = tpu.vector_load_idx %arg12[%get3A_393] : memref<100352xf32, #tpu.memory_space<vmem>>[vector<16xi32>], vector<16xf32>,
          %get3A_395 = arith.index_cast %mul3A_388 : i32 to index
          %get3A_396 = tpu.vector_load %arg14[%get3A_395] {strides = array<i32>} : memref<2000xf32, #tpu.memory_space<vmem>>, vector<16xf32>,
          %add3A_397 = arith.addf %gather3A_391, %gather3A_394 : vector<16xf32>
          %mul3A_398 = arith.mulf %get3A_396, %add3A_397 : vector<16xf32>
          %mul3A_399 = arith.mulf %get3A_44, %mul3A_398 : vector<16xf32>
          %exp3A_400 = math.exp %mul3A_399 : vector<16xf32>
          %mul3A_401 = arith.mulf %get3A_28, %exp3A_400 : vector<16xf32>
          %mul3A_402 = arith.mulf %get3A_48, %mul3A_398 : vector<16xf32>
          %exp3A_403 = math.exp %mul3A_402 : vector<16xf32>
          %mul3A_404 = arith.mulf %get3A_32, %exp3A_403 : vector<16xf32>
          %add3A_405 = arith.addf %mul3A_401, %mul3A_404 : vector<16xf32>
          %mul3A_406 = arith.mulf %get3A_52, %mul3A_398 : vector<16xf32>
          %exp3A_407 = math.exp %mul3A_406 : vector<16xf32>
          %mul3A_408 = arith.mulf %get3A_36, %exp3A_407 : vector<16xf32>
          %add3A_409 = arith.addf %add3A_405, %mul3A_408 : vector<16xf32>
          %mul3A_410 = arith.mulf %get3A_56, %mul3A_398 : vector<16xf32>
          %exp3A_411 = math.exp %mul3A_410 : vector<16xf32>
          %mul3A_412 = arith.mulf %get3A_40, %exp3A_411 : vector<16xf32>
          %add3A_413 = arith.addf %add3A_409, %mul3A_412 : vector<16xf32>
          %swap3A_414 = arith.index_cast %mul3A_388 : i32 to index
          %swap3A_415 = tpu.vector_load %arg21[%swap3A_414] {strides = array<i32>} : memref<2000xf32, #tpu.memory_space<vmem>>, vector<16xf32>,
          tpu.vector_store %arg21[%swap3A_414], %add3A_413 {strides = array<i32>} : memref<2000xf32, #tpu.memory_space<vmem>>, vector<16xf32>,
          %scan3A_416 = arith.constant 0 : i32
          %scan3A_417 = arith.constant 2 : i32
          %scan3A_418 = arith.addi %scan3A_353, %scan3A_417 : i32
          %mul3A_419 = arith.constant 16 : i32
          %mul3A_420 = arith.muli %scan3A_418, %mul3A_419 : i32
          %get3A_421 = arith.index_cast %mul3A_420 : i32 to index
          %get3A_422 = tpu.vector_load %arg16[%get3A_421] {strides = array<i32>} : memref<2000xi32, #tpu.memory_space<vmem>>, vector<16xi32>,
          %gather3A_423 = tpu.vector_load_idx %arg12[%get3A_422] : memref<100352xf32, #tpu.memory_space<vmem>>[vector<16xi32>], vector<16xf32>,
          %get3A_424 = arith.index_cast %mul3A_420 : i32 to index
          %get3A_425 = tpu.vector_load %arg18[%get3A_424] {strides = array<i32>} : memref<2000xi32, #tpu.memory_space<vmem>>, vector<16xi32>,
          %gather3A_426 = tpu.vector_load_idx %arg12[%get3A_425] : memref<100352xf32, #tpu.memory_space<vmem>>[vector<16xi32>], vector<16xf32>,
          %get3A_427 = arith.index_cast %mul3A_420 : i32 to index
          %get3A_428 = tpu.vector_load %arg14[%get3A_427] {strides = array<i32>} : memref<2000xf32, #tpu.memory_space<vmem>>, vector<16xf32>,
          %add3A_429 = arith.addf %gather3A_423, %gather3A_426 : vector<16xf32>
          %mul3A_430 = arith.mulf %get3A_428, %add3A_429 : vector<16xf32>
          %mul3A_431 = arith.mulf %get3A_44, %mul3A_430 : vector<16xf32>
          %exp3A_432 = math.exp %mul3A_431 : vector<16xf32>
          %mul3A_433 = arith.mulf %get3A_28, %exp3A_432 : vector<16xf32>
          %mul3A_434 = arith.mulf %get3A_48, %mul3A_430 : vector<16xf32>
          %exp3A_435 = math.exp %mul3A_434 : vector<16xf32>
          %mul3A_436 = arith.mulf %get3A_32, %exp3A_435 : vector<16xf32>
          %add3A_437 = arith.addf %mul3A_433, %mul3A_436 : vector<16xf32>
          %mul3A_438 = arith.mulf %get3A_52, %mul3A_430 : vector<16xf32>
          %exp3A_439 = math.exp %mul3A_438 : vector<16xf32>
          %mul3A_440 = arith.mulf %get3A_36, %exp3A_439 : vector<16xf32>
          %add3A_441 = arith.addf %add3A_437, %mul3A_440 : vector<16xf32>
          %mul3A_442 = arith.mulf %get3A_56, %mul3A_430 : vector<16xf32>
          %exp3A_443 = math.exp %mul3A_442 : vector<16xf32>
          %mul3A_444 = arith.mulf %get3A_40, %exp3A_443 : vector<16xf32>
          %add3A_445 = arith.addf %add3A_441, %mul3A_444 : vector<16xf32>
          %swap3A_446 = arith.index_cast %mul3A_420 : i32 to index
          %swap3A_447 = tpu.vector_load %arg21[%swap3A_446] {strides = array<i32>} : memref<2000xf32, #tpu.memory_space<vmem>>, vector<16xf32>,
          tpu.vector_store %arg21[%swap3A_446], %add3A_445 {strides = array<i32>} : memref<2000xf32, #tpu.memory_space<vmem>>, vector<16xf32>,
          %scan3A_448 = arith.constant 0 : i32
          %scan3A_449 = arith.constant 3 : i32
          %scan3A_450 = arith.addi %scan3A_353, %scan3A_449 : i32
          %mul3A_451 = arith.constant 16 : i32
          %mul3A_452 = arith.muli %scan3A_450, %mul3A_451 : i32
          %get3A_453 = arith.index_cast %mul3A_452 : i32 to index
          %get3A_454 = tpu.vector_load %arg16[%get3A_453] {strides = array<i32>} : memref<2000xi32, #tpu.memory_space<vmem>>, vector<16xi32>,
          %gather3A_455 = tpu.vector_load_idx %arg12[%get3A_454] : memref<100352xf32, #tpu.memory_space<vmem>>[vector<16xi32>], vector<16xf32>,
          %get3A_456 = arith.index_cast %mul3A_452 : i32 to index
          %get3A_457 = tpu.vector_load %arg18[%get3A_456] {strides = array<i32>} : memref<2000xi32, #tpu.memory_space<vmem>>, vector<16xi32>,
          %gather3A_458 = tpu.vector_load_idx %arg12[%get3A_457] : memref<100352xf32, #tpu.memory_space<vmem>>[vector<16xi32>], vector<16xf32>,
          %get3A_459 = arith.index_cast %mul3A_452 : i32 to index
          %get3A_460 = tpu.vector_load %arg14[%get3A_459] {strides = array<i32>} : memref<2000xf32, #tpu.memory_space<vmem>>, vector<16xf32>,
          %add3A_461 = arith.addf %gather3A_455, %gather3A_458 : vector<16xf32>
          %mul3A_462 = arith.mulf %get3A_460, %add3A_461 : vector<16xf32>
          %mul3A_463 = arith.mulf %get3A_44, %mul3A_462 : vector<16xf32>
          %exp3A_464 = math.exp %mul3A_463 : vector<16xf32>
          %mul3A_465 = arith.mulf %get3A_28, %exp3A_464 : vector<16xf32>
          %mul3A_466 = arith.mulf %get3A_48, %mul3A_462 : vector<16xf32>
          %exp3A_467 = math.exp %mul3A_466 : vector<16xf32>
          %mul3A_468 = arith.mulf %get3A_32, %exp3A_467 : vector<16xf32>
          %add3A_469 = arith.addf %mul3A_465, %mul3A_468 : vector<16xf32>
          %mul3A_470 = arith.mulf %get3A_52, %mul3A_462 : vector<16xf32>
          %exp3A_471 = math.exp %mul3A_470 : vector<16xf32>
          %mul3A_472 = arith.mulf %get3A_36, %exp3A_471 : vector<16xf32>
          %add3A_473 = arith.addf %add3A_469, %mul3A_472 : vector<16xf32>
          %mul3A_474 = arith.mulf %get3A_56, %mul3A_462 : vector<16xf32>
          %exp3A_475 = math.exp %mul3A_474 : vector<16xf32>
          %mul3A_476 = arith.mulf %get3A_40, %exp3A_475 : vector<16xf32>
          %add3A_477 = arith.addf %add3A_473, %mul3A_476 : vector<16xf32>
          %swap3A_478 = arith.index_cast %mul3A_452 : i32 to index
          %swap3A_479 = tpu.vector_load %arg21[%swap3A_478] {strides = array<i32>} : memref<2000xf32, #tpu.memory_space<vmem>>, vector<16xf32>,
          tpu.vector_store %arg21[%swap3A_478], %add3A_477 {strides = array<i32>} : memref<2000xf32, #tpu.memory_space<vmem>>, vector<16xf32>,
          %scan3A_480 = arith.constant 0 : i32
          scf.yield %scan3A_480 : i32
        }
        %scan3A_323 = arith.constant 124 : i32
        %scan3A_324 = arith.addi %scan3A_318, %scan3A_323 : i32
        %mul3A_325 = arith.constant 16 : i32
        %mul3A_326 = arith.muli %scan3A_324, %mul3A_325 : i32
        %get3A_327 = arith.index_cast %mul3A_326 : i32 to index
        %get3A_328 = tpu.vector_load %arg16[%get3A_327] {strides = array<i32>} : memref<2000xi32, #tpu.memory_space<vmem>>, vector<16xi32>,
        %gather3A = tpu.vector_load_idx %arg12[%get3A_328] : memref<100352xf32, #tpu.memory_space<vmem>>[vector<16xi32>], vector<16xf32>,
        %get3A_329 = arith.index_cast %mul3A_326 : i32 to index
        %get3A_330 = tpu.vector_load %arg18[%get3A_329] {strides = array<i32>} : memref<2000xi32, #tpu.memory_space<vmem>>, vector<16xi32>,
        %gather3A_331 = tpu.vector_load_idx %arg12[%get3A_330] : memref<100352xf32, #tpu.memory_space<vmem>>[vector<16xi32>], vector<16xf32>,
        %get3A_332 = arith.index_cast %mul3A_326 : i32 to index
        %get3A_333 = tpu.vector_load %arg14[%get3A_332] {strides = array<i32>} : memref<2000xf32, #tpu.memory_space<vmem>>, vector<16xf32>,
        %add3A_334 = arith.addf %gather3A, %gather3A_331 : vector<16xf32>
        %mul3A_335 = arith.mulf %get3A_333, %add3A_334 : vector<16xf32>
        %mul3A_336 = arith.mulf %get3A_44, %mul3A_335 : vector<16xf32>
        %exp3A = math.exp %mul3A_336 : vector<16xf32>
        %mul3A_337 = arith.mulf %get3A_28, %exp3A : vector<16xf32>
        %mul3A_338 = arith.mulf %get3A_48, %mul3A_335 : vector<16xf32>
        %exp3A_339 = math.exp %mul3A_338 : vector<16xf32>
        %mul3A_340 = arith.mulf %get3A_32, %exp3A_339 : vector<16xf32>
        %add3A_341 = arith.addf %mul3A_337, %mul3A_340 : vector<16xf32>
        %mul3A_342 = arith.mulf %get3A_52, %mul3A_335 : vector<16xf32>
        %exp3A_343 = math.exp %mul3A_342 : vector<16xf32>
        %mul3A_344 = arith.mulf %get3A_36, %exp3A_343 : vector<16xf32>
        %add3A_345 = arith.addf %add3A_341, %mul3A_344 : vector<16xf32>
        %mul3A_346 = arith.mulf %get3A_56, %mul3A_335 : vector<16xf32>
        %exp3A_347 = math.exp %mul3A_346 : vector<16xf32>
        %mul3A_348 = arith.mulf %get3A_40, %exp3A_347 : vector<16xf32>
        %add3A_349 = arith.addf %add3A_345, %mul3A_348 : vector<16xf32>
        %swap3A = arith.index_cast %mul3A_326 : i32 to index
        %swap3A_350 = tpu.vector_load %arg21[%swap3A] {strides = array<i32>} : memref<2000xf32, #tpu.memory_space<vmem>>, vector<16xf32>,
        tpu.vector_store %arg21[%swap3A], %add3A_349 {strides = array<i32>} : memref<2000xf32, #tpu.memory_space<vmem>>, vector<16xf32>,
        %scan3A_351 = arith.constant 0 : i32
        %scan3A_352 = arith.constant 125 : i32
        "tpu.region"() ({
          %run_scoped3A = tpu.sem_alloc : memref<!tpu.dma_semaphore, #tpu.memory_space<semaphore_mem>>
          %dma_start3A_353 = arith.constant 0 : i32
          %dma_start3A_354 = tpu.memref_slice %arg22[%dma_start3A_353] : memref<100352xf32, #tpu.memory_space<vmem_shared>> -> memref<100352xf32, #tpu.memory_space<vmem_shared>>
          tpu.enqueue_indirect_dma source(%arg21 : memref<2000xf32, #tpu.memory_space<vmem>>) target(%dma_start3A_354 : memref<100352xf32, #tpu.memory_space<vmem_shared>>) offsets(%arg16 : memref<2000xi32, #tpu.memory_space<vmem>>) semaphore(%run_scoped3A : memref<!tpu.dma_semaphore, #tpu.memory_space<semaphore_mem>>) {add = true}
          %dma_wait3A_355 = arith.constant 0 : i32
          %dma_wait3A_356 = tpu.memref_slice %arg22[%dma_wait3A_355] : memref<100352xf32, #tpu.memory_space<vmem_shared>> -> memref<100352xf32, #tpu.memory_space<vmem_shared>>
          tpu.wait_indirect_dma semaphore(%run_scoped3A : memref<!tpu.dma_semaphore, #tpu.memory_space<semaphore_mem>>) src(%arg21 : memref<2000xf32, #tpu.memory_space<vmem>>) dst(%dma_wait3A_356 : memref<100352xf32, #tpu.memory_space<vmem_shared>>)
          tpu.yield
        }) : () -> ()
      } else {
      }
      %add3A_304 = arith.constant 2 : i32
      %add3A_305 = arith.addi %add3A_252, %add3A_304 : i32
      %mul3A_306 = arith.constant 200000 : i32
      %mul3A_307 = arith.muli %add3A, %mul3A_306 : i32
      %mul3A_308 = arith.constant 2000 : i32
      %mul3A_309 = arith.muli %add3A_305, %mul3A_308 : i32
      %add3A_310 = arith.addi %mul3A_307, %mul3A_309 : i32
      %dma_start3A_311 = tpu.memref_slice %arg5[%add3A_310] : memref<6400000xf32, #tpu.memory_space<hbm>> -> memref<2000xf32, #tpu.memory_space<hbm>>
      %dma_start3A_312 = tpu.memref_slice %arg5[%add3A_310] : memref<6400000xf32, #tpu.memory_space<hbm>> -> memref<2000xf32, #tpu.memory_space<hbm>>
      tpu.enqueue_dma source(%dma_start3A_312 : memref<2000xf32, #tpu.memory_space<hbm>>) target(%arg14 : memref<2000xf32, #tpu.memory_space<vmem>>) target_semaphore(%arg24 : memref<!tpu.dma_semaphore, #tpu.memory_space<semaphore_mem>>)
      %dma_start3A_313 = tpu.memref_slice %arg6[%add3A_310] : memref<6400000xi32, #tpu.memory_space<hbm>> -> memref<2000xi32, #tpu.memory_space<hbm>>
      %dma_start3A_314 = tpu.memref_slice %arg6[%add3A_310] : memref<6400000xi32, #tpu.memory_space<hbm>> -> memref<2000xi32, #tpu.memory_space<hbm>>
      tpu.enqueue_dma source(%dma_start3A_314 : memref<2000xi32, #tpu.memory_space<hbm>>) target(%arg16 : memref<2000xi32, #tpu.memory_space<vmem>>) target_semaphore(%arg24 : memref<!tpu.dma_semaphore, #tpu.memory_space<semaphore_mem>>)
      %dma_start3A_315 = tpu.memref_slice %arg7[%add3A_310] : memref<6400000xi32, #tpu.memory_space<hbm>> -> memref<2000xi32, #tpu.memory_space<hbm>>
      %dma_start3A_316 = tpu.memref_slice %arg7[%add3A_310] : memref<6400000xi32, #tpu.memory_space<hbm>> -> memref<2000xi32, #tpu.memory_space<hbm>>
      tpu.enqueue_dma source(%dma_start3A_316 : memref<2000xi32, #tpu.memory_space<hbm>>) target(%arg18 : memref<2000xi32, #tpu.memory_space<vmem>>) target_semaphore(%arg24 : memref<!tpu.dma_semaphore, #tpu.memory_space<semaphore_mem>>)
      scf.yield %select_n3A_291 : i32
    }
    %scan3A_72 = arith.constant 49 : i32
    %dma_wait3A = arith.constant 0 : i32
    %dma_wait3A_73 = tpu.memref_slice %arg5[%dma_wait3A] : memref<6400000xf32, #tpu.memory_space<hbm>> -> memref<2000xf32, #tpu.memory_space<hbm>>
    %dma_wait3A_74 = arith.constant 0 : i32
    %dma_wait3A_75 = tpu.memref_slice %arg5[%dma_wait3A_74] : memref<6400000xf32, #tpu.memory_space<hbm>> -> memref<2000xf32, #tpu.memory_space<hbm>>
    tpu.wait_dma2 semaphore(%arg23 : memref<!tpu.dma_semaphore, #tpu.memory_space<semaphore_mem>>) src(%dma_wait3A_75 : memref<2000xf32, #tpu.memory_space<hbm>>) dst(%arg13 : memref<2000xf32, #tpu.memory_space<vmem>>)
    %dma_wait3A_76 = arith.constant 0 : i32
    %dma_wait3A_77 = tpu.memref_slice %arg6[%dma_wait3A_76] : memref<6400000xi32, #tpu.memory_space<hbm>> -> memref<2000xi32, #tpu.memory_space<hbm>>
    %dma_wait3A_78 = arith.constant 0 : i32
    %dma_wait3A_79 = tpu.memref_slice %arg6[%dma_wait3A_78] : memref<6400000xi32, #tpu.memory_space<hbm>> -> memref<2000xi32, #tpu.memory_space<hbm>>
    tpu.wait_dma2 semaphore(%arg23 : memref<!tpu.dma_semaphore, #tpu.memory_space<semaphore_mem>>) src(%dma_wait3A_79 : memref<2000xi32, #tpu.memory_space<hbm>>) dst(%arg15 : memref<2000xi32, #tpu.memory_space<vmem>>)
    %dma_wait3A_80 = arith.constant 0 : i32
    %dma_wait3A_81 = tpu.memref_slice %arg7[%dma_wait3A_80] : memref<6400000xi32, #tpu.memory_space<hbm>> -> memref<2000xi32, #tpu.memory_space<hbm>>
    %dma_wait3A_82 = arith.constant 0 : i32
    %dma_wait3A_83 = tpu.memref_slice %arg7[%dma_wait3A_82] : memref<6400000xi32, #tpu.memory_space<hbm>> -> memref<2000xi32, #tpu.memory_space<hbm>>
    tpu.wait_dma2 semaphore(%arg23 : memref<!tpu.dma_semaphore, #tpu.memory_space<semaphore_mem>>) src(%dma_wait3A_83 : memref<2000xi32, #tpu.memory_space<hbm>>) dst(%arg17 : memref<2000xi32, #tpu.memory_space<vmem>>)
    %get3A_84 = arith.constant 0 : index
    %get3A_85 = tpu.vector_load %arg15[%get3A_84] {strides = array<i32>} : memref<2000xi32, #tpu.memory_space<vmem>>, vector<16xi32>,
    %reduce_min3A = arith.constant true
    %reduce_min3A_86 = vector.broadcast %reduce_min3A : i1 to vector<16xi1>
    %reduce_min3A_87 = arith.constant -2147483648 : i32
    %reduce_min3A_88 = vector.broadcast %reduce_min3A_87 : i32 to vector<16xi32>
    %reduce_min3A_89 = arith.xori %get3A_85, %reduce_min3A_88 : vector<16xi32>
    %reduce_min3A_90 = tpu.scan <min>, %reduce_min3A_89 masked %reduce_min3A_86 : vector<16xi32>, vector<16xi1> -> vector<16xi32>
    %reduce_min3A_91 = arith.xori %reduce_min3A_90, %reduce_min3A_88 : vector<16xi32>
    %reduce_min3A_92 = vector.extract %reduce_min3A_91[15] : i32 from vector<16xi32>
    %get3A_93 = arith.constant 1984 : index
    %get3A_94 = tpu.vector_load %arg15[%get3A_93] {strides = array<i32>} : memref<2000xi32, #tpu.memory_space<vmem>>, vector<16xi32>,
    %reduce_max3A = arith.constant true
    %reduce_max3A_95 = vector.broadcast %reduce_max3A : i1 to vector<16xi1>
    %reduce_max3A_96 = arith.constant -2147483648 : i32
    %reduce_max3A_97 = vector.broadcast %reduce_max3A_96 : i32 to vector<16xi32>
    %reduce_max3A_98 = arith.xori %get3A_94, %reduce_max3A_97 : vector<16xi32>
    %reduce_max3A_99 = tpu.scan <max>, %reduce_max3A_98 masked %reduce_max3A_95 : vector<16xi32>, vector<16xi1> -> vector<16xi32>
    %reduce_max3A_100 = arith.xori %reduce_max3A_99, %reduce_max3A_97 : vector<16xi32>
    %reduce_max3A_101 = vector.extract %reduce_max3A_100[15] : i32 from vector<16xi32>
    %add3A_102 = arith.constant 4096 : i32
    %add3A_103 = arith.addi %scan3A_71, %add3A_102 : i32
    %ge3A = arith.cmpi sge, %reduce_max3A_101, %add3A_103 : i32
    %convert_element_type3A = arith.extui %ge3A : i1 to i32
    %cond3A = arith.constant 0 : i32
    %cond3A_104 = arith.cmpi ne, %convert_element_type3A, %cond3A : i32
    scf.if %cond3A_104 {
      %scan3A_179 = arith.constant 0 : i32
      %scan3A_180 = arith.constant 0 : i32
      %scan3A_181 = arith.constant 2 : i32
      %scan3A_182 = arith.addi %scan3A_180, %scan3A_181 : i32
      %scan3A_183 = arith.constant 1 : i32
      %scan3A_184 = scf.for %scan3A_186 = %scan3A_180 to %scan3A_182 step %scan3A_183 iter_args(%scan3A_187 = %scan3A_179) -> (i32)  : i32 {
        %mul3A_188 = arith.constant 2048 : i32
        %mul3A_189 = arith.muli %scan3A_186, %mul3A_188 : i32
        %add3A_190 = arith.addi %scan3A_71, %mul3A_189 : i32
        %scan3A_191 = arith.constant 0 : i32
        %scan3A_192 = arith.constant 0 : i32
        %scan3A_193 = arith.constant 128 : i32
        %scan3A_194 = arith.addi %scan3A_192, %scan3A_193 : i32
        %scan3A_195 = arith.constant 4 : i32
        %scan3A_196 = scf.for %scan3A_208 = %scan3A_192 to %scan3A_194 step %scan3A_195 iter_args(%scan3A_209 = %scan3A_191) -> (i32)  : i32 {
          %mul3A_210 = arith.constant 16 : i32
          %mul3A_211 = arith.muli %scan3A_208, %mul3A_210 : i32
          %add3A_212 = arith.addi %add3A_190, %mul3A_211 : i32
          %add3A_213 = vector.broadcast %add3A_212 : i32 to vector<16xi32>
          %add3A_214 = arith.addi %iota3A, %add3A_213 : vector<16xi32>
          %min3A_215 = arith.constant 100351 : i32
          %min3A_216 = vector.broadcast %min3A_215 : i32 to vector<16xi32>
          %min3A_217 = arith.minsi %add3A_214, %min3A_216 : vector<16xi32>
          %mul3A_218 = arith.constant 16 : i32
          %mul3A_219 = arith.muli %scan3A_208, %mul3A_218 : i32
          %swap3A = arith.index_cast %mul3A_219 : i32 to index
          %swap3A_220 = tpu.vector_load %arg20[%swap3A] {strides = array<i32>} : memref<2048xi32, #tpu.memory_space<vmem>>, vector<16xi32>,
          tpu.vector_store %arg20[%swap3A], %min3A_217 {strides = array<i32>} : memref<2048xi32, #tpu.memory_space<vmem>>, vector<16xi32>,
          %scan3A_221 = arith.constant 0 : i32
          %scan3A_222 = arith.constant 1 : i32
          %scan3A_223 = arith.addi %scan3A_208, %scan3A_222 : i32
          %mul3A_224 = arith.constant 16 : i32
          %mul3A_225 = arith.muli %scan3A_223, %mul3A_224 : i32
          %add3A_226 = arith.addi %add3A_190, %mul3A_225 : i32
          %add3A_227 = vector.broadcast %add3A_226 : i32 to vector<16xi32>
          %add3A_228 = arith.addi %iota3A, %add3A_227 : vector<16xi32>
          %min3A_229 = arith.constant 100351 : i32
          %min3A_230 = vector.broadcast %min3A_229 : i32 to vector<16xi32>
          %min3A_231 = arith.minsi %add3A_228, %min3A_230 : vector<16xi32>
          %mul3A_232 = arith.constant 16 : i32
          %mul3A_233 = arith.muli %scan3A_223, %mul3A_232 : i32
          %swap3A_234 = arith.index_cast %mul3A_233 : i32 to index
          %swap3A_235 = tpu.vector_load %arg20[%swap3A_234] {strides = array<i32>} : memref<2048xi32, #tpu.memory_space<vmem>>, vector<16xi32>,
          tpu.vector_store %arg20[%swap3A_234], %min3A_231 {strides = array<i32>} : memref<2048xi32, #tpu.memory_space<vmem>>, vector<16xi32>,
          %scan3A_236 = arith.constant 0 : i32
          %scan3A_237 = arith.constant 2 : i32
          %scan3A_238 = arith.addi %scan3A_208, %scan3A_237 : i32
          %mul3A_239 = arith.constant 16 : i32
          %mul3A_240 = arith.muli %scan3A_238, %mul3A_239 : i32
          %add3A_241 = arith.addi %add3A_190, %mul3A_240 : i32
          %add3A_242 = vector.broadcast %add3A_241 : i32 to vector<16xi32>
          %add3A_243 = arith.addi %iota3A, %add3A_242 : vector<16xi32>
          %min3A_244 = arith.constant 100351 : i32
          %min3A_245 = vector.broadcast %min3A_244 : i32 to vector<16xi32>
          %min3A_246 = arith.minsi %add3A_243, %min3A_245 : vector<16xi32>
          %mul3A_247 = arith.constant 16 : i32
          %mul3A_248 = arith.muli %scan3A_238, %mul3A_247 : i32
          %swap3A_249 = arith.index_cast %mul3A_248 : i32 to index
          %swap3A_250 = tpu.vector_load %arg20[%swap3A_249] {strides = array<i32>} : memref<2048xi32, #tpu.memory_space<vmem>>, vector<16xi32>,
          tpu.vector_store %arg20[%swap3A_249], %min3A_246 {strides = array<i32>} : memref<2048xi32, #tpu.memory_space<vmem>>, vector<16xi32>,
          %scan3A_251 = arith.constant 0 : i32
          %scan3A_252 = arith.constant 3 : i32
          %scan3A_253 = arith.addi %scan3A_208, %scan3A_252 : i32
          %mul3A_254 = arith.constant 16 : i32
          %mul3A_255 = arith.muli %scan3A_253, %mul3A_254 : i32
          %add3A_256 = arith.addi %add3A_190, %mul3A_255 : i32
          %add3A_257 = vector.broadcast %add3A_256 : i32 to vector<16xi32>
          %add3A_258 = arith.addi %iota3A, %add3A_257 : vector<16xi32>
          %min3A_259 = arith.constant 100351 : i32
          %min3A_260 = vector.broadcast %min3A_259 : i32 to vector<16xi32>
          %min3A_261 = arith.minsi %add3A_258, %min3A_260 : vector<16xi32>
          %mul3A_262 = arith.constant 16 : i32
          %mul3A_263 = arith.muli %scan3A_253, %mul3A_262 : i32
          %swap3A_264 = arith.index_cast %mul3A_263 : i32 to index
          %swap3A_265 = tpu.vector_load %arg20[%swap3A_264] {strides = array<i32>} : memref<2048xi32, #tpu.memory_space<vmem>>, vector<16xi32>,
          tpu.vector_store %arg20[%swap3A_264], %min3A_261 {strides = array<i32>} : memref<2048xi32, #tpu.memory_space<vmem>>, vector<16xi32>,
          %scan3A_266 = arith.constant 0 : i32
          scf.yield %scan3A_266 : i32
        }
        %scan3A_197 = arith.constant 128 : i32
        %mul3A_198 = arith.constant 2048 : i32
        %mul3A_199 = arith.muli %scan3A_186, %mul3A_198 : i32
        "tpu.region"() ({
          %run_scoped3A = tpu.sem_alloc : memref<!tpu.dma_semaphore, #tpu.memory_space<semaphore_mem>>
          %dma_start3A_208 = tpu.memref_slice %arg19[%mul3A_199] : memref<4096xf32, #tpu.memory_space<vmem>> -> memref<2048xf32, #tpu.memory_space<vmem>>
          %dma_start3A_209 = arith.constant 0 : i32
          %dma_start3A_210 = tpu.memref_slice %arg22[%dma_start3A_209] : memref<100352xf32, #tpu.memory_space<vmem_shared>> -> memref<100352xf32, #tpu.memory_space<vmem_shared>>
          tpu.enqueue_indirect_dma source(%dma_start3A_208 : memref<2048xf32, #tpu.memory_space<vmem>>) target(%dma_start3A_210 : memref<100352xf32, #tpu.memory_space<vmem_shared>>) offsets(%arg20 : memref<2048xi32, #tpu.memory_space<vmem>>) semaphore(%run_scoped3A : memref<!tpu.dma_semaphore, #tpu.memory_space<semaphore_mem>>) {add = true}
          %dma_wait3A_211 = tpu.memref_slice %arg19[%mul3A_199] : memref<4096xf32, #tpu.memory_space<vmem>> -> memref<2048xf32, #tpu.memory_space<vmem>>
          %dma_wait3A_212 = arith.constant 0 : i32
          %dma_wait3A_213 = tpu.memref_slice %arg22[%dma_wait3A_212] : memref<100352xf32, #tpu.memory_space<vmem_shared>> -> memref<100352xf32, #tpu.memory_space<vmem_shared>>
          tpu.wait_indirect_dma semaphore(%run_scoped3A : memref<!tpu.dma_semaphore, #tpu.memory_space<semaphore_mem>>) src(%dma_wait3A_211 : memref<2048xf32, #tpu.memory_space<vmem>>) dst(%dma_wait3A_213 : memref<100352xf32, #tpu.memory_space<vmem_shared>>)
          tpu.yield
        }) : () -> ()
        %scan3A_200 = arith.constant 0 : i32
        %scan3A_201 = arith.constant 0 : i32
        %scan3A_202 = arith.constant 128 : i32
        %scan3A_203 = arith.addi %scan3A_201, %scan3A_202 : i32
        %scan3A_204 = arith.constant 4 : i32
        %scan3A_205 = scf.for %scan3A_208 = %scan3A_201 to %scan3A_203 step %scan3A_204 iter_args(%scan3A_209 = %scan3A_200) -> (i32)  : i32 {
          %mul3A_210 = arith.constant 2048 : i32
          %mul3A_211 = arith.muli %scan3A_186, %mul3A_210 : i32
          %mul3A_212 = arith.constant 16 : i32
          %mul3A_213 = arith.muli %scan3A_208, %mul3A_212 : i32
          %add3A_214 = arith.addi %mul3A_211, %mul3A_213 : i32
          %swap3A = arith.index_cast %add3A_214 : i32 to index
          %swap3A_215 = tpu.vector_load %arg19[%swap3A] {strides = array<i32>} : memref<4096xf32, #tpu.memory_space<vmem>>, vector<16xf32>,
          tpu.vector_store %arg19[%swap3A], %broadcast_in_dim3A_66 {strides = array<i32>} : memref<4096xf32, #tpu.memory_space<vmem>>, vector<16xf32>,
          %scan3A_216 = arith.constant 0 : i32
          %scan3A_217 = arith.constant 1 : i32
          %scan3A_218 = arith.addi %scan3A_208, %scan3A_217 : i32
          %mul3A_219 = arith.constant 2048 : i32
          %mul3A_220 = arith.muli %scan3A_186, %mul3A_219 : i32
          %mul3A_221 = arith.constant 16 : i32
          %mul3A_222 = arith.muli %scan3A_218, %mul3A_221 : i32
          %add3A_223 = arith.addi %mul3A_220, %mul3A_222 : i32
          %swap3A_224 = arith.index_cast %add3A_223 : i32 to index
          %swap3A_225 = tpu.vector_load %arg19[%swap3A_224] {strides = array<i32>} : memref<4096xf32, #tpu.memory_space<vmem>>, vector<16xf32>,
          tpu.vector_store %arg19[%swap3A_224], %broadcast_in_dim3A_66 {strides = array<i32>} : memref<4096xf32, #tpu.memory_space<vmem>>, vector<16xf32>,
          %scan3A_226 = arith.constant 0 : i32
          %scan3A_227 = arith.constant 2 : i32
          %scan3A_228 = arith.addi %scan3A_208, %scan3A_227 : i32
          %mul3A_229 = arith.constant 2048 : i32
          %mul3A_230 = arith.muli %scan3A_186, %mul3A_229 : i32
          %mul3A_231 = arith.constant 16 : i32
          %mul3A_232 = arith.muli %scan3A_228, %mul3A_231 : i32
          %add3A_233 = arith.addi %mul3A_230, %mul3A_232 : i32
          %swap3A_234 = arith.index_cast %add3A_233 : i32 to index
          %swap3A_235 = tpu.vector_load %arg19[%swap3A_234] {strides = array<i32>} : memref<4096xf32, #tpu.memory_space<vmem>>, vector<16xf32>,
          tpu.vector_store %arg19[%swap3A_234], %broadcast_in_dim3A_66 {strides = array<i32>} : memref<4096xf32, #tpu.memory_space<vmem>>, vector<16xf32>,
          %scan3A_236 = arith.constant 0 : i32
          %scan3A_237 = arith.constant 3 : i32
          %scan3A_238 = arith.addi %scan3A_208, %scan3A_237 : i32
          %mul3A_239 = arith.constant 2048 : i32
          %mul3A_240 = arith.muli %scan3A_186, %mul3A_239 : i32
          %mul3A_241 = arith.constant 16 : i32
          %mul3A_242 = arith.muli %scan3A_238, %mul3A_241 : i32
          %add3A_243 = arith.addi %mul3A_240, %mul3A_242 : i32
          %swap3A_244 = arith.index_cast %add3A_243 : i32 to index
          %swap3A_245 = tpu.vector_load %arg19[%swap3A_244] {strides = array<i32>} : memref<4096xf32, #tpu.memory_space<vmem>>, vector<16xf32>,
          tpu.vector_store %arg19[%swap3A_244], %broadcast_in_dim3A_66 {strides = array<i32>} : memref<4096xf32, #tpu.memory_space<vmem>>, vector<16xf32>,
          %scan3A_246 = arith.constant 0 : i32
          scf.yield %scan3A_246 : i32
        }
        %scan3A_206 = arith.constant 128 : i32
        %scan3A_207 = arith.constant 0 : i32
        scf.yield %scan3A_207 : i32
      }
      %scan3A_185 = arith.constant 2 : i32
    } else {
    }
    %select_n3A = arith.select %ge3A, %reduce_min3A_92, %scan3A_71 : i32
    %add3A_105 = arith.constant 4096 : i32
    %add3A_106 = arith.addi %select_n3A, %add3A_105 : i32
    %lt3A_107 = arith.cmpi slt, %reduce_max3A_101, %add3A_106 : i32
    %broadcast_in_dim3A_108 = vector.broadcast %select_n3A : i32 to vector<16xi32>
    %convert_element_type3A_109 = arith.extui %lt3A_107 : i1 to i32
    %cond3A_110 = arith.constant 0 : i32
    %cond3A_111 = arith.cmpi ne, %convert_element_type3A_109, %cond3A_110 : i32
    scf.if %cond3A_111 {
      %parallel_loop3A_179 = arith.constant 0 : i32
      %parallel_loop3A_180 = arith.constant 2000 : i32
      %parallel_loop3A_181 = arith.constant 16 : i32
      scf.for %parallel_loop3A_182 = %parallel_loop3A_179 to %parallel_loop3A_180 step %parallel_loop3A_181  : i32 {
        %parallel_loop3A_183 = arith.index_cast %parallel_loop3A_182 : i32 to index
        %parallel_loop3A_184 = tpu.vector_load %arg15[%parallel_loop3A_183] {strides = array<i32>} : memref<2000xi32, #tpu.memory_space<vmem>>, vector<16xi32>,
        %parallel_loop3A_185 = tpu.vector_load_idx %arg12[%parallel_loop3A_184] : memref<100352xf32, #tpu.memory_space<vmem>>[vector<16xi32>], vector<16xf32>,
        %parallel_loop3A_186 = arith.index_cast %parallel_loop3A_182 : i32 to index
        %parallel_loop3A_187 = tpu.vector_load %arg17[%parallel_loop3A_186] {strides = array<i32>} : memref<2000xi32, #tpu.memory_space<vmem>>, vector<16xi32>,
        %parallel_loop3A_188 = tpu.vector_load_idx %arg12[%parallel_loop3A_187] : memref<100352xf32, #tpu.memory_space<vmem>>[vector<16xi32>], vector<16xf32>,
        %parallel_loop3A_189 = arith.index_cast %parallel_loop3A_182 : i32 to index
        %parallel_loop3A_190 = tpu.vector_load %arg13[%parallel_loop3A_189] {strides = array<i32>} : memref<2000xf32, #tpu.memory_space<vmem>>, vector<16xf32>,
        %parallel_loop3A_191 = arith.addf %parallel_loop3A_185, %parallel_loop3A_188 : vector<16xf32>
        %parallel_loop3A_192 = arith.mulf %parallel_loop3A_190, %parallel_loop3A_191 : vector<16xf32>
        %parallel_loop3A_193 = arith.mulf %get3A_44, %parallel_loop3A_192 : vector<16xf32>
        %parallel_loop3A_194 = math.exp %parallel_loop3A_193 : vector<16xf32>
        %parallel_loop3A_195 = arith.mulf %get3A_28, %parallel_loop3A_194 : vector<16xf32>
        %parallel_loop3A_196 = arith.mulf %get3A_48, %parallel_loop3A_192 : vector<16xf32>
        %parallel_loop3A_197 = math.exp %parallel_loop3A_196 : vector<16xf32>
        %parallel_loop3A_198 = arith.mulf %get3A_32, %parallel_loop3A_197 : vector<16xf32>
        %parallel_loop3A_199 = arith.addf %parallel_loop3A_195, %parallel_loop3A_198 : vector<16xf32>
        %parallel_loop3A_200 = arith.mulf %get3A_52, %parallel_loop3A_192 : vector<16xf32>
        %parallel_loop3A_201 = math.exp %parallel_loop3A_200 : vector<16xf32>
        %parallel_loop3A_202 = arith.mulf %get3A_36, %parallel_loop3A_201 : vector<16xf32>
        %parallel_loop3A_203 = arith.addf %parallel_loop3A_199, %parallel_loop3A_202 : vector<16xf32>
        %parallel_loop3A_204 = arith.mulf %get3A_56, %parallel_loop3A_192 : vector<16xf32>
        %parallel_loop3A_205 = math.exp %parallel_loop3A_204 : vector<16xf32>
        %parallel_loop3A_206 = arith.mulf %get3A_40, %parallel_loop3A_205 : vector<16xf32>
        %parallel_loop3A_207 = arith.addf %parallel_loop3A_203, %parallel_loop3A_206 : vector<16xf32>
        %parallel_loop3A_208 = arith.constant true
        %parallel_loop3A_209 = vector.broadcast %parallel_loop3A_208 : i1 to vector<16xi1>
        %parallel_loop3A_210 = tpu.scan <sum>, %parallel_loop3A_207 masked %parallel_loop3A_209 : vector<16xf32>, vector<16xi1> -> vector<16xf32>
        %parallel_loop3A_211 = arith.constant 0 : i32
        %parallel_loop3A_212 = vector.broadcast %parallel_loop3A_211 : i32 to vector<16xi32>
        %parallel_loop3A_213 = arith.cmpi slt, %min3A_61, %parallel_loop3A_212 : vector<16xi32>
        %parallel_loop3A_214 = arith.constant 16 : i32
        %parallel_loop3A_215 = vector.broadcast %parallel_loop3A_214 : i32 to vector<16xi32>
        %parallel_loop3A_216 = arith.addi %min3A_61, %parallel_loop3A_215 : vector<16xi32>
        %parallel_loop3A_217 = arith.select %parallel_loop3A_213, %parallel_loop3A_216, %min3A_61 : vector<16xi1>, vector<16xi32>
        %parallel_loop3A_218 = vector.shape_cast %parallel_loop3A_217 : vector<16xi32> to vector<16x1xi32>
        %parallel_loop3A_219 = vector.shape_cast %parallel_loop3A_218 : vector<16x1xi32> to vector<16xi32>
        %parallel_loop3A_220 = tpu.dynamic_gather %parallel_loop3A_184[%parallel_loop3A_219] in [0] : vector<16xi32>, vector<16xi32> -> vector<16xi32>
        %parallel_loop3A_221 = arith.cmpi ne, %parallel_loop3A_184, %parallel_loop3A_220 : vector<16xi32>
        %parallel_loop3A_222 = arith.subi %parallel_loop3A_184, %broadcast_in_dim3A_108 : vector<16xi32>
        %parallel_loop3A_223 = arith.ori %parallel_loop3A_221, %eq3A_63 : vector<16xi1>
        tpu.vector_store_idx %arg19[%parallel_loop3A_222], %parallel_loop3A_210 masked %parallel_loop3A_223 {add = true} : memref<4096xf32, #tpu.memory_space<vmem>>[vector<16xi32>], vector<16xf32>, vector<16xi1>
        %parallel_loop3A_224 = arith.subi %parallel_loop3A_220, %broadcast_in_dim3A_108 : vector<16xi32>
        %parallel_loop3A_225 = arith.constant 0.000000e+00 : f32
        %parallel_loop3A_226 = vector.broadcast %parallel_loop3A_225 : f32 to vector<16xf32>
        %parallel_loop3A_227 = arith.subf %parallel_loop3A_226, %parallel_loop3A_210 : vector<16xf32>
        %parallel_loop3A_228 = arith.andi %parallel_loop3A_221, %lt3A_65 : vector<16xi1>
        tpu.vector_store_idx %arg19[%parallel_loop3A_224], %parallel_loop3A_227 masked %parallel_loop3A_228 {add = true} : memref<4096xf32, #tpu.memory_space<vmem>>[vector<16xi32>], vector<16xf32>, vector<16xi1>
      } {sc.loop_unroll_factor = 4 : i64, sc.parallel_access}
    } else {
    }
    %not3A = arith.constant true
    %not3A_112 = arith.xori %lt3A_107, %not3A : i1
    %convert_element_type3A_113 = arith.extui %not3A_112 : i1 to i32
    %cond3A_114 = arith.constant 0 : i32
    %cond3A_115 = arith.cmpi ne, %convert_element_type3A_113, %cond3A_114 : i32
    scf.if %cond3A_115 {
      %scan3A_179 = arith.constant 0 : i32
      %scan3A_180 = arith.constant 0 : i32
      %scan3A_181 = arith.constant 124 : i32
      %scan3A_182 = arith.addi %scan3A_180, %scan3A_181 : i32
      %scan3A_183 = arith.constant 4 : i32
      %scan3A_184 = scf.for %scan3A_215 = %scan3A_180 to %scan3A_182 step %scan3A_183 iter_args(%scan3A_216 = %scan3A_179) -> (i32)  : i32 {
        %mul3A_217 = arith.constant 16 : i32
        %mul3A_218 = arith.muli %scan3A_215, %mul3A_217 : i32
        %get3A_219 = arith.index_cast %mul3A_218 : i32 to index
        %get3A_220 = tpu.vector_load %arg15[%get3A_219] {strides = array<i32>} : memref<2000xi32, #tpu.memory_space<vmem>>, vector<16xi32>,
        %gather3A_221 = tpu.vector_load_idx %arg12[%get3A_220] : memref<100352xf32, #tpu.memory_space<vmem>>[vector<16xi32>], vector<16xf32>,
        %get3A_222 = arith.index_cast %mul3A_218 : i32 to index
        %get3A_223 = tpu.vector_load %arg17[%get3A_222] {strides = array<i32>} : memref<2000xi32, #tpu.memory_space<vmem>>, vector<16xi32>,
        %gather3A_224 = tpu.vector_load_idx %arg12[%get3A_223] : memref<100352xf32, #tpu.memory_space<vmem>>[vector<16xi32>], vector<16xf32>,
        %get3A_225 = arith.index_cast %mul3A_218 : i32 to index
        %get3A_226 = tpu.vector_load %arg13[%get3A_225] {strides = array<i32>} : memref<2000xf32, #tpu.memory_space<vmem>>, vector<16xf32>,
        %add3A_227 = arith.addf %gather3A_221, %gather3A_224 : vector<16xf32>
        %mul3A_228 = arith.mulf %get3A_226, %add3A_227 : vector<16xf32>
        %mul3A_229 = arith.mulf %get3A_44, %mul3A_228 : vector<16xf32>
        %exp3A_230 = math.exp %mul3A_229 : vector<16xf32>
        %mul3A_231 = arith.mulf %get3A_28, %exp3A_230 : vector<16xf32>
        %mul3A_232 = arith.mulf %get3A_48, %mul3A_228 : vector<16xf32>
        %exp3A_233 = math.exp %mul3A_232 : vector<16xf32>
        %mul3A_234 = arith.mulf %get3A_32, %exp3A_233 : vector<16xf32>
        %add3A_235 = arith.addf %mul3A_231, %mul3A_234 : vector<16xf32>
        %mul3A_236 = arith.mulf %get3A_52, %mul3A_228 : vector<16xf32>
        %exp3A_237 = math.exp %mul3A_236 : vector<16xf32>
        %mul3A_238 = arith.mulf %get3A_36, %exp3A_237 : vector<16xf32>
        %add3A_239 = arith.addf %add3A_235, %mul3A_238 : vector<16xf32>
        %mul3A_240 = arith.mulf %get3A_56, %mul3A_228 : vector<16xf32>
        %exp3A_241 = math.exp %mul3A_240 : vector<16xf32>
        %mul3A_242 = arith.mulf %get3A_40, %exp3A_241 : vector<16xf32>
        %add3A_243 = arith.addf %add3A_239, %mul3A_242 : vector<16xf32>
        %swap3A_244 = arith.index_cast %mul3A_218 : i32 to index
        %swap3A_245 = tpu.vector_load %arg21[%swap3A_244] {strides = array<i32>} : memref<2000xf32, #tpu.memory_space<vmem>>, vector<16xf32>,
        tpu.vector_store %arg21[%swap3A_244], %add3A_243 {strides = array<i32>} : memref<2000xf32, #tpu.memory_space<vmem>>, vector<16xf32>,
        %scan3A_246 = arith.constant 0 : i32
        %scan3A_247 = arith.constant 1 : i32
        %scan3A_248 = arith.addi %scan3A_215, %scan3A_247 : i32
        %mul3A_249 = arith.constant 16 : i32
        %mul3A_250 = arith.muli %scan3A_248, %mul3A_249 : i32
        %get3A_251 = arith.index_cast %mul3A_250 : i32 to index
        %get3A_252 = tpu.vector_load %arg15[%get3A_251] {strides = array<i32>} : memref<2000xi32, #tpu.memory_space<vmem>>, vector<16xi32>,
        %gather3A_253 = tpu.vector_load_idx %arg12[%get3A_252] : memref<100352xf32, #tpu.memory_space<vmem>>[vector<16xi32>], vector<16xf32>,
        %get3A_254 = arith.index_cast %mul3A_250 : i32 to index
        %get3A_255 = tpu.vector_load %arg17[%get3A_254] {strides = array<i32>} : memref<2000xi32, #tpu.memory_space<vmem>>, vector<16xi32>,
        %gather3A_256 = tpu.vector_load_idx %arg12[%get3A_255] : memref<100352xf32, #tpu.memory_space<vmem>>[vector<16xi32>], vector<16xf32>,
        %get3A_257 = arith.index_cast %mul3A_250 : i32 to index
        %get3A_258 = tpu.vector_load %arg13[%get3A_257] {strides = array<i32>} : memref<2000xf32, #tpu.memory_space<vmem>>, vector<16xf32>,
        %add3A_259 = arith.addf %gather3A_253, %gather3A_256 : vector<16xf32>
        %mul3A_260 = arith.mulf %get3A_258, %add3A_259 : vector<16xf32>
        %mul3A_261 = arith.mulf %get3A_44, %mul3A_260 : vector<16xf32>
        %exp3A_262 = math.exp %mul3A_261 : vector<16xf32>
        %mul3A_263 = arith.mulf %get3A_28, %exp3A_262 : vector<16xf32>
        %mul3A_264 = arith.mulf %get3A_48, %mul3A_260 : vector<16xf32>
        %exp3A_265 = math.exp %mul3A_264 : vector<16xf32>
        %mul3A_266 = arith.mulf %get3A_32, %exp3A_265 : vector<16xf32>
        %add3A_267 = arith.addf %mul3A_263, %mul3A_266 : vector<16xf32>
        %mul3A_268 = arith.mulf %get3A_52, %mul3A_260 : vector<16xf32>
        %exp3A_269 = math.exp %mul3A_268 : vector<16xf32>
        %mul3A_270 = arith.mulf %get3A_36, %exp3A_269 : vector<16xf32>
        %add3A_271 = arith.addf %add3A_267, %mul3A_270 : vector<16xf32>
        %mul3A_272 = arith.mulf %get3A_56, %mul3A_260 : vector<16xf32>
        %exp3A_273 = math.exp %mul3A_272 : vector<16xf32>
        %mul3A_274 = arith.mulf %get3A_40, %exp3A_273 : vector<16xf32>
        %add3A_275 = arith.addf %add3A_271, %mul3A_274 : vector<16xf32>
        %swap3A_276 = arith.index_cast %mul3A_250 : i32 to index
        %swap3A_277 = tpu.vector_load %arg21[%swap3A_276] {strides = array<i32>} : memref<2000xf32, #tpu.memory_space<vmem>>, vector<16xf32>,
        tpu.vector_store %arg21[%swap3A_276], %add3A_275 {strides = array<i32>} : memref<2000xf32, #tpu.memory_space<vmem>>, vector<16xf32>,
        %scan3A_278 = arith.constant 0 : i32
        %scan3A_279 = arith.constant 2 : i32
        %scan3A_280 = arith.addi %scan3A_215, %scan3A_279 : i32
        %mul3A_281 = arith.constant 16 : i32
        %mul3A_282 = arith.muli %scan3A_280, %mul3A_281 : i32
        %get3A_283 = arith.index_cast %mul3A_282 : i32 to index
        %get3A_284 = tpu.vector_load %arg15[%get3A_283] {strides = array<i32>} : memref<2000xi32, #tpu.memory_space<vmem>>, vector<16xi32>,
        %gather3A_285 = tpu.vector_load_idx %arg12[%get3A_284] : memref<100352xf32, #tpu.memory_space<vmem>>[vector<16xi32>], vector<16xf32>,
        %get3A_286 = arith.index_cast %mul3A_282 : i32 to index
        %get3A_287 = tpu.vector_load %arg17[%get3A_286] {strides = array<i32>} : memref<2000xi32, #tpu.memory_space<vmem>>, vector<16xi32>,
        %gather3A_288 = tpu.vector_load_idx %arg12[%get3A_287] : memref<100352xf32, #tpu.memory_space<vmem>>[vector<16xi32>], vector<16xf32>,
        %get3A_289 = arith.index_cast %mul3A_282 : i32 to index
        %get3A_290 = tpu.vector_load %arg13[%get3A_289] {strides = array<i32>} : memref<2000xf32, #tpu.memory_space<vmem>>, vector<16xf32>,
        %add3A_291 = arith.addf %gather3A_285, %gather3A_288 : vector<16xf32>
        %mul3A_292 = arith.mulf %get3A_290, %add3A_291 : vector<16xf32>
        %mul3A_293 = arith.mulf %get3A_44, %mul3A_292 : vector<16xf32>
        %exp3A_294 = math.exp %mul3A_293 : vector<16xf32>
        %mul3A_295 = arith.mulf %get3A_28, %exp3A_294 : vector<16xf32>
        %mul3A_296 = arith.mulf %get3A_48, %mul3A_292 : vector<16xf32>
        %exp3A_297 = math.exp %mul3A_296 : vector<16xf32>
        %mul3A_298 = arith.mulf %get3A_32, %exp3A_297 : vector<16xf32>
        %add3A_299 = arith.addf %mul3A_295, %mul3A_298 : vector<16xf32>
        %mul3A_300 = arith.mulf %get3A_52, %mul3A_292 : vector<16xf32>
        %exp3A_301 = math.exp %mul3A_300 : vector<16xf32>
        %mul3A_302 = arith.mulf %get3A_36, %exp3A_301 : vector<16xf32>
        %add3A_303 = arith.addf %add3A_299, %mul3A_302 : vector<16xf32>
        %mul3A_304 = arith.mulf %get3A_56, %mul3A_292 : vector<16xf32>
        %exp3A_305 = math.exp %mul3A_304 : vector<16xf32>
        %mul3A_306 = arith.mulf %get3A_40, %exp3A_305 : vector<16xf32>
        %add3A_307 = arith.addf %add3A_303, %mul3A_306 : vector<16xf32>
        %swap3A_308 = arith.index_cast %mul3A_282 : i32 to index
        %swap3A_309 = tpu.vector_load %arg21[%swap3A_308] {strides = array<i32>} : memref<2000xf32, #tpu.memory_space<vmem>>, vector<16xf32>,
        tpu.vector_store %arg21[%swap3A_308], %add3A_307 {strides = array<i32>} : memref<2000xf32, #tpu.memory_space<vmem>>, vector<16xf32>,
        %scan3A_310 = arith.constant 0 : i32
        %scan3A_311 = arith.constant 3 : i32
        %scan3A_312 = arith.addi %scan3A_215, %scan3A_311 : i32
        %mul3A_313 = arith.constant 16 : i32
        %mul3A_314 = arith.muli %scan3A_312, %mul3A_313 : i32
        %get3A_315 = arith.index_cast %mul3A_314 : i32 to index
        %get3A_316 = tpu.vector_load %arg15[%get3A_315] {strides = array<i32>} : memref<2000xi32, #tpu.memory_space<vmem>>, vector<16xi32>,
        %gather3A_317 = tpu.vector_load_idx %arg12[%get3A_316] : memref<100352xf32, #tpu.memory_space<vmem>>[vector<16xi32>], vector<16xf32>,
        %get3A_318 = arith.index_cast %mul3A_314 : i32 to index
        %get3A_319 = tpu.vector_load %arg17[%get3A_318] {strides = array<i32>} : memref<2000xi32, #tpu.memory_space<vmem>>, vector<16xi32>,
        %gather3A_320 = tpu.vector_load_idx %arg12[%get3A_319] : memref<100352xf32, #tpu.memory_space<vmem>>[vector<16xi32>], vector<16xf32>,
        %get3A_321 = arith.index_cast %mul3A_314 : i32 to index
        %get3A_322 = tpu.vector_load %arg13[%get3A_321] {strides = array<i32>} : memref<2000xf32, #tpu.memory_space<vmem>>, vector<16xf32>,
        %add3A_323 = arith.addf %gather3A_317, %gather3A_320 : vector<16xf32>
        %mul3A_324 = arith.mulf %get3A_322, %add3A_323 : vector<16xf32>
        %mul3A_325 = arith.mulf %get3A_44, %mul3A_324 : vector<16xf32>
        %exp3A_326 = math.exp %mul3A_325 : vector<16xf32>
        %mul3A_327 = arith.mulf %get3A_28, %exp3A_326 : vector<16xf32>
        %mul3A_328 = arith.mulf %get3A_48, %mul3A_324 : vector<16xf32>
        %exp3A_329 = math.exp %mul3A_328 : vector<16xf32>
        %mul3A_330 = arith.mulf %get3A_32, %exp3A_329 : vector<16xf32>
        %add3A_331 = arith.addf %mul3A_327, %mul3A_330 : vector<16xf32>
        %mul3A_332 = arith.mulf %get3A_52, %mul3A_324 : vector<16xf32>
        %exp3A_333 = math.exp %mul3A_332 : vector<16xf32>
        %mul3A_334 = arith.mulf %get3A_36, %exp3A_333 : vector<16xf32>
        %add3A_335 = arith.addf %add3A_331, %mul3A_334 : vector<16xf32>
        %mul3A_336 = arith.mulf %get3A_56, %mul3A_324 : vector<16xf32>
        %exp3A_337 = math.exp %mul3A_336 : vector<16xf32>
        %mul3A_338 = arith.mulf %get3A_40, %exp3A_337 : vector<16xf32>
        %add3A_339 = arith.addf %add3A_335, %mul3A_338 : vector<16xf32>
        %swap3A_340 = arith.index_cast %mul3A_314 : i32 to index
        %swap3A_341 = tpu.vector_load %arg21[%swap3A_340] {strides = array<i32>} : memref<2000xf32, #tpu.memory_space<vmem>>, vector<16xf32>,
        tpu.vector_store %arg21[%swap3A_340], %add3A_339 {strides = array<i32>} : memref<2000xf32, #tpu.memory_space<vmem>>, vector<16xf32>,
        %scan3A_342 = arith.constant 0 : i32
        scf.yield %scan3A_342 : i32
      }
      %scan3A_185 = arith.constant 124 : i32
      %scan3A_186 = arith.addi %scan3A_180, %scan3A_185 : i32
      %mul3A_187 = arith.constant 16 : i32
      %mul3A_188 = arith.muli %scan3A_186, %mul3A_187 : i32
      %get3A_189 = arith.index_cast %mul3A_188 : i32 to index
      %get3A_190 = tpu.vector_load %arg15[%get3A_189] {strides = array<i32>} : memref<2000xi32, #tpu.memory_space<vmem>>, vector<16xi32>,
      %gather3A = tpu.vector_load_idx %arg12[%get3A_190] : memref<100352xf32, #tpu.memory_space<vmem>>[vector<16xi32>], vector<16xf32>,
      %get3A_191 = arith.index_cast %mul3A_188 : i32 to index
      %get3A_192 = tpu.vector_load %arg17[%get3A_191] {strides = array<i32>} : memref<2000xi32, #tpu.memory_space<vmem>>, vector<16xi32>,
      %gather3A_193 = tpu.vector_load_idx %arg12[%get3A_192] : memref<100352xf32, #tpu.memory_space<vmem>>[vector<16xi32>], vector<16xf32>,
      %get3A_194 = arith.index_cast %mul3A_188 : i32 to index
      %get3A_195 = tpu.vector_load %arg13[%get3A_194] {strides = array<i32>} : memref<2000xf32, #tpu.memory_space<vmem>>, vector<16xf32>,
      %add3A_196 = arith.addf %gather3A, %gather3A_193 : vector<16xf32>
      %mul3A_197 = arith.mulf %get3A_195, %add3A_196 : vector<16xf32>
      %mul3A_198 = arith.mulf %get3A_44, %mul3A_197 : vector<16xf32>
      %exp3A = math.exp %mul3A_198 : vector<16xf32>
      %mul3A_199 = arith.mulf %get3A_28, %exp3A : vector<16xf32>
      %mul3A_200 = arith.mulf %get3A_48, %mul3A_197 : vector<16xf32>
      %exp3A_201 = math.exp %mul3A_200 : vector<16xf32>
      %mul3A_202 = arith.mulf %get3A_32, %exp3A_201 : vector<16xf32>
      %add3A_203 = arith.addf %mul3A_199, %mul3A_202 : vector<16xf32>
      %mul3A_204 = arith.mulf %get3A_52, %mul3A_197 : vector<16xf32>
      %exp3A_205 = math.exp %mul3A_204 : vector<16xf32>
      %mul3A_206 = arith.mulf %get3A_36, %exp3A_205 : vector<16xf32>
      %add3A_207 = arith.addf %add3A_203, %mul3A_206 : vector<16xf32>
      %mul3A_208 = arith.mulf %get3A_56, %mul3A_197 : vector<16xf32>
      %exp3A_209 = math.exp %mul3A_208 : vector<16xf32>
      %mul3A_210 = arith.mulf %get3A_40, %exp3A_209 : vector<16xf32>
      %add3A_211 = arith.addf %add3A_207, %mul3A_210 : vector<16xf32>
      %swap3A = arith.index_cast %mul3A_188 : i32 to index
      %swap3A_212 = tpu.vector_load %arg21[%swap3A] {strides = array<i32>} : memref<2000xf32, #tpu.memory_space<vmem>>, vector<16xf32>,
      tpu.vector_store %arg21[%swap3A], %add3A_211 {strides = array<i32>} : memref<2000xf32, #tpu.memory_space<vmem>>, vector<16xf32>,
      %scan3A_213 = arith.constant 0 : i32
      %scan3A_214 = arith.constant 125 : i32
      "tpu.region"() ({
        %run_scoped3A = tpu.sem_alloc : memref<!tpu.dma_semaphore, #tpu.memory_space<semaphore_mem>>
        %dma_start3A_215 = arith.constant 0 : i32
        %dma_start3A_216 = tpu.memref_slice %arg22[%dma_start3A_215] : memref<100352xf32, #tpu.memory_space<vmem_shared>> -> memref<100352xf32, #tpu.memory_space<vmem_shared>>
        tpu.enqueue_indirect_dma source(%arg21 : memref<2000xf32, #tpu.memory_space<vmem>>) target(%dma_start3A_216 : memref<100352xf32, #tpu.memory_space<vmem_shared>>) offsets(%arg15 : memref<2000xi32, #tpu.memory_space<vmem>>) semaphore(%run_scoped3A : memref<!tpu.dma_semaphore, #tpu.memory_space<semaphore_mem>>) {add = true}
        %dma_wait3A_217 = arith.constant 0 : i32
        %dma_wait3A_218 = tpu.memref_slice %arg22[%dma_wait3A_217] : memref<100352xf32, #tpu.memory_space<vmem_shared>> -> memref<100352xf32, #tpu.memory_space<vmem_shared>>
        tpu.wait_indirect_dma semaphore(%run_scoped3A : memref<!tpu.dma_semaphore, #tpu.memory_space<semaphore_mem>>) src(%arg21 : memref<2000xf32, #tpu.memory_space<vmem>>) dst(%dma_wait3A_218 : memref<100352xf32, #tpu.memory_space<vmem_shared>>)
        tpu.yield
      }) : () -> ()
    } else {
    }
    %dma_wait3A_116 = arith.constant 0 : i32
    %dma_wait3A_117 = tpu.memref_slice %arg5[%dma_wait3A_116] : memref<6400000xf32, #tpu.memory_space<hbm>> -> memref<2000xf32, #tpu.memory_space<hbm>>
    %dma_wait3A_118 = arith.constant 0 : i32
    %dma_wait3A_119 = tpu.memref_slice %arg5[%dma_wait3A_118] : memref<6400000xf32, #tpu.memory_space<hbm>> -> memref<2000xf32, #tpu.memory_space<hbm>>
    tpu.wait_dma2 semaphore(%arg24 : memref<!tpu.dma_semaphore, #tpu.memory_space<semaphore_mem>>) src(%dma_wait3A_119 : memref<2000xf32, #tpu.memory_space<hbm>>) dst(%arg14 : memref<2000xf32, #tpu.memory_space<vmem>>)
    %dma_wait3A_120 = arith.constant 0 : i32
    %dma_wait3A_121 = tpu.memref_slice %arg6[%dma_wait3A_120] : memref<6400000xi32, #tpu.memory_space<hbm>> -> memref<2000xi32, #tpu.memory_space<hbm>>
    %dma_wait3A_122 = arith.constant 0 : i32
    %dma_wait3A_123 = tpu.memref_slice %arg6[%dma_wait3A_122] : memref<6400000xi32, #tpu.memory_space<hbm>> -> memref<2000xi32, #tpu.memory_space<hbm>>
    tpu.wait_dma2 semaphore(%arg24 : memref<!tpu.dma_semaphore, #tpu.memory_space<semaphore_mem>>) src(%dma_wait3A_123 : memref<2000xi32, #tpu.memory_space<hbm>>) dst(%arg16 : memref<2000xi32, #tpu.memory_space<vmem>>)
    %dma_wait3A_124 = arith.constant 0 : i32
    %dma_wait3A_125 = tpu.memref_slice %arg7[%dma_wait3A_124] : memref<6400000xi32, #tpu.memory_space<hbm>> -> memref<2000xi32, #tpu.memory_space<hbm>>
    %dma_wait3A_126 = arith.constant 0 : i32
    %dma_wait3A_127 = tpu.memref_slice %arg7[%dma_wait3A_126] : memref<6400000xi32, #tpu.memory_space<hbm>> -> memref<2000xi32, #tpu.memory_space<hbm>>
    tpu.wait_dma2 semaphore(%arg24 : memref<!tpu.dma_semaphore, #tpu.memory_space<semaphore_mem>>) src(%dma_wait3A_127 : memref<2000xi32, #tpu.memory_space<hbm>>) dst(%arg18 : memref<2000xi32, #tpu.memory_space<vmem>>)
    %get3A_128 = arith.constant 0 : index
    %get3A_129 = tpu.vector_load %arg16[%get3A_128] {strides = array<i32>} : memref<2000xi32, #tpu.memory_space<vmem>>, vector<16xi32>,
    %reduce_min3A_130 = arith.constant true
    %reduce_min3A_131 = vector.broadcast %reduce_min3A_130 : i1 to vector<16xi1>
    %reduce_min3A_132 = arith.constant -2147483648 : i32
    %reduce_min3A_133 = vector.broadcast %reduce_min3A_132 : i32 to vector<16xi32>
    %reduce_min3A_134 = arith.xori %get3A_129, %reduce_min3A_133 : vector<16xi32>
    %reduce_min3A_135 = tpu.scan <min>, %reduce_min3A_134 masked %reduce_min3A_131 : vector<16xi32>, vector<16xi1> -> vector<16xi32>
    %reduce_min3A_136 = arith.xori %reduce_min3A_135, %reduce_min3A_133 : vector<16xi32>
    %reduce_min3A_137 = vector.extract %reduce_min3A_136[15] : i32 from vector<16xi32>
    %get3A_138 = arith.constant 1984 : index
    %get3A_139 = tpu.vector_load %arg16[%get3A_138] {strides = array<i32>} : memref<2000xi32, #tpu.memory_space<vmem>>, vector<16xi32>,
    %reduce_max3A_140 = arith.constant true
    %reduce_max3A_141 = vector.broadcast %reduce_max3A_140 : i1 to vector<16xi1>
    %reduce_max3A_142 = arith.constant -2147483648 : i32
    %reduce_max3A_143 = vector.broadcast %reduce_max3A_142 : i32 to vector<16xi32>
    %reduce_max3A_144 = arith.xori %get3A_139, %reduce_max3A_143 : vector<16xi32>
    %reduce_max3A_145 = tpu.scan <max>, %reduce_max3A_144 masked %reduce_max3A_141 : vector<16xi32>, vector<16xi1> -> vector<16xi32>
    %reduce_max3A_146 = arith.xori %reduce_max3A_145, %reduce_max3A_143 : vector<16xi32>
    %reduce_max3A_147 = vector.extract %reduce_max3A_146[15] : i32 from vector<16xi32>
    %add3A_148 = arith.constant 4096 : i32
    %add3A_149 = arith.addi %select_n3A, %add3A_148 : i32
    %ge3A_150 = arith.cmpi sge, %reduce_max3A_147, %add3A_149 : i32
    %convert_element_type3A_151 = arith.extui %ge3A_150 : i1 to i32
    %cond3A_152 = arith.constant 0 : i32
    %cond3A_153 = arith.cmpi ne, %convert_element_type3A_151, %cond3A_152 : i32
    scf.if %cond3A_153 {
      %scan3A_179 = arith.constant 0 : i32
      %scan3A_180 = arith.constant 0 : i32
      %scan3A_181 = arith.constant 2 : i32
      %scan3A_182 = arith.addi %scan3A_180, %scan3A_181 : i32
      %scan3A_183 = arith.constant 1 : i32
      %scan3A_184 = scf.for %scan3A_186 = %scan3A_180 to %scan3A_182 step %scan3A_183 iter_args(%scan3A_187 = %scan3A_179) -> (i32)  : i32 {
        %mul3A_188 = arith.constant 2048 : i32
        %mul3A_189 = arith.muli %scan3A_186, %mul3A_188 : i32
        %add3A_190 = arith.addi %select_n3A, %mul3A_189 : i32
        %scan3A_191 = arith.constant 0 : i32
        %scan3A_192 = arith.constant 0 : i32
        %scan3A_193 = arith.constant 128 : i32
        %scan3A_194 = arith.addi %scan3A_192, %scan3A_193 : i32
        %scan3A_195 = arith.constant 4 : i32
        %scan3A_196 = scf.for %scan3A_208 = %scan3A_192 to %scan3A_194 step %scan3A_195 iter_args(%scan3A_209 = %scan3A_191) -> (i32)  : i32 {
          %mul3A_210 = arith.constant 16 : i32
          %mul3A_211 = arith.muli %scan3A_208, %mul3A_210 : i32
          %add3A_212 = arith.addi %add3A_190, %mul3A_211 : i32
          %add3A_213 = vector.broadcast %add3A_212 : i32 to vector<16xi32>
          %add3A_214 = arith.addi %iota3A, %add3A_213 : vector<16xi32>
          %min3A_215 = arith.constant 100351 : i32
          %min3A_216 = vector.broadcast %min3A_215 : i32 to vector<16xi32>
          %min3A_217 = arith.minsi %add3A_214, %min3A_216 : vector<16xi32>
          %mul3A_218 = arith.constant 16 : i32
          %mul3A_219 = arith.muli %scan3A_208, %mul3A_218 : i32
          %swap3A = arith.index_cast %mul3A_219 : i32 to index
          %swap3A_220 = tpu.vector_load %arg20[%swap3A] {strides = array<i32>} : memref<2048xi32, #tpu.memory_space<vmem>>, vector<16xi32>,
          tpu.vector_store %arg20[%swap3A], %min3A_217 {strides = array<i32>} : memref<2048xi32, #tpu.memory_space<vmem>>, vector<16xi32>,
          %scan3A_221 = arith.constant 0 : i32
          %scan3A_222 = arith.constant 1 : i32
          %scan3A_223 = arith.addi %scan3A_208, %scan3A_222 : i32
          %mul3A_224 = arith.constant 16 : i32
          %mul3A_225 = arith.muli %scan3A_223, %mul3A_224 : i32
          %add3A_226 = arith.addi %add3A_190, %mul3A_225 : i32
          %add3A_227 = vector.broadcast %add3A_226 : i32 to vector<16xi32>
          %add3A_228 = arith.addi %iota3A, %add3A_227 : vector<16xi32>
          %min3A_229 = arith.constant 100351 : i32
          %min3A_230 = vector.broadcast %min3A_229 : i32 to vector<16xi32>
          %min3A_231 = arith.minsi %add3A_228, %min3A_230 : vector<16xi32>
          %mul3A_232 = arith.constant 16 : i32
          %mul3A_233 = arith.muli %scan3A_223, %mul3A_232 : i32
          %swap3A_234 = arith.index_cast %mul3A_233 : i32 to index
          %swap3A_235 = tpu.vector_load %arg20[%swap3A_234] {strides = array<i32>} : memref<2048xi32, #tpu.memory_space<vmem>>, vector<16xi32>,
          tpu.vector_store %arg20[%swap3A_234], %min3A_231 {strides = array<i32>} : memref<2048xi32, #tpu.memory_space<vmem>>, vector<16xi32>,
          %scan3A_236 = arith.constant 0 : i32
          %scan3A_237 = arith.constant 2 : i32
          %scan3A_238 = arith.addi %scan3A_208, %scan3A_237 : i32
          %mul3A_239 = arith.constant 16 : i32
          %mul3A_240 = arith.muli %scan3A_238, %mul3A_239 : i32
          %add3A_241 = arith.addi %add3A_190, %mul3A_240 : i32
          %add3A_242 = vector.broadcast %add3A_241 : i32 to vector<16xi32>
          %add3A_243 = arith.addi %iota3A, %add3A_242 : vector<16xi32>
          %min3A_244 = arith.constant 100351 : i32
          %min3A_245 = vector.broadcast %min3A_244 : i32 to vector<16xi32>
          %min3A_246 = arith.minsi %add3A_243, %min3A_245 : vector<16xi32>
          %mul3A_247 = arith.constant 16 : i32
          %mul3A_248 = arith.muli %scan3A_238, %mul3A_247 : i32
          %swap3A_249 = arith.index_cast %mul3A_248 : i32 to index
          %swap3A_250 = tpu.vector_load %arg20[%swap3A_249] {strides = array<i32>} : memref<2048xi32, #tpu.memory_space<vmem>>, vector<16xi32>,
          tpu.vector_store %arg20[%swap3A_249], %min3A_246 {strides = array<i32>} : memref<2048xi32, #tpu.memory_space<vmem>>, vector<16xi32>,
          %scan3A_251 = arith.constant 0 : i32
          %scan3A_252 = arith.constant 3 : i32
          %scan3A_253 = arith.addi %scan3A_208, %scan3A_252 : i32
          %mul3A_254 = arith.constant 16 : i32
          %mul3A_255 = arith.muli %scan3A_253, %mul3A_254 : i32
          %add3A_256 = arith.addi %add3A_190, %mul3A_255 : i32
          %add3A_257 = vector.broadcast %add3A_256 : i32 to vector<16xi32>
          %add3A_258 = arith.addi %iota3A, %add3A_257 : vector<16xi32>
          %min3A_259 = arith.constant 100351 : i32
          %min3A_260 = vector.broadcast %min3A_259 : i32 to vector<16xi32>
          %min3A_261 = arith.minsi %add3A_258, %min3A_260 : vector<16xi32>
          %mul3A_262 = arith.constant 16 : i32
          %mul3A_263 = arith.muli %scan3A_253, %mul3A_262 : i32
          %swap3A_264 = arith.index_cast %mul3A_263 : i32 to index
          %swap3A_265 = tpu.vector_load %arg20[%swap3A_264] {strides = array<i32>} : memref<2048xi32, #tpu.memory_space<vmem>>, vector<16xi32>,
          tpu.vector_store %arg20[%swap3A_264], %min3A_261 {strides = array<i32>} : memref<2048xi32, #tpu.memory_space<vmem>>, vector<16xi32>,
          %scan3A_266 = arith.constant 0 : i32
          scf.yield %scan3A_266 : i32
        }
        %scan3A_197 = arith.constant 128 : i32
        %mul3A_198 = arith.constant 2048 : i32
        %mul3A_199 = arith.muli %scan3A_186, %mul3A_198 : i32
        "tpu.region"() ({
          %run_scoped3A = tpu.sem_alloc : memref<!tpu.dma_semaphore, #tpu.memory_space<semaphore_mem>>
          %dma_start3A_208 = tpu.memref_slice %arg19[%mul3A_199] : memref<4096xf32, #tpu.memory_space<vmem>> -> memref<2048xf32, #tpu.memory_space<vmem>>
          %dma_start3A_209 = arith.constant 0 : i32
          %dma_start3A_210 = tpu.memref_slice %arg22[%dma_start3A_209] : memref<100352xf32, #tpu.memory_space<vmem_shared>> -> memref<100352xf32, #tpu.memory_space<vmem_shared>>
          tpu.enqueue_indirect_dma source(%dma_start3A_208 : memref<2048xf32, #tpu.memory_space<vmem>>) target(%dma_start3A_210 : memref<100352xf32, #tpu.memory_space<vmem_shared>>) offsets(%arg20 : memref<2048xi32, #tpu.memory_space<vmem>>) semaphore(%run_scoped3A : memref<!tpu.dma_semaphore, #tpu.memory_space<semaphore_mem>>) {add = true}
          %dma_wait3A_211 = tpu.memref_slice %arg19[%mul3A_199] : memref<4096xf32, #tpu.memory_space<vmem>> -> memref<2048xf32, #tpu.memory_space<vmem>>
          %dma_wait3A_212 = arith.constant 0 : i32
          %dma_wait3A_213 = tpu.memref_slice %arg22[%dma_wait3A_212] : memref<100352xf32, #tpu.memory_space<vmem_shared>> -> memref<100352xf32, #tpu.memory_space<vmem_shared>>
          tpu.wait_indirect_dma semaphore(%run_scoped3A : memref<!tpu.dma_semaphore, #tpu.memory_space<semaphore_mem>>) src(%dma_wait3A_211 : memref<2048xf32, #tpu.memory_space<vmem>>) dst(%dma_wait3A_213 : memref<100352xf32, #tpu.memory_space<vmem_shared>>)
          tpu.yield
        }) : () -> ()
        %scan3A_200 = arith.constant 0 : i32
        %scan3A_201 = arith.constant 0 : i32
        %scan3A_202 = arith.constant 128 : i32
        %scan3A_203 = arith.addi %scan3A_201, %scan3A_202 : i32
        %scan3A_204 = arith.constant 4 : i32
        %scan3A_205 = scf.for %scan3A_208 = %scan3A_201 to %scan3A_203 step %scan3A_204 iter_args(%scan3A_209 = %scan3A_200) -> (i32)  : i32 {
          %mul3A_210 = arith.constant 2048 : i32
          %mul3A_211 = arith.muli %scan3A_186, %mul3A_210 : i32
          %mul3A_212 = arith.constant 16 : i32
          %mul3A_213 = arith.muli %scan3A_208, %mul3A_212 : i32
          %add3A_214 = arith.addi %mul3A_211, %mul3A_213 : i32
          %swap3A = arith.index_cast %add3A_214 : i32 to index
          %swap3A_215 = tpu.vector_load %arg19[%swap3A] {strides = array<i32>} : memref<4096xf32, #tpu.memory_space<vmem>>, vector<16xf32>,
          tpu.vector_store %arg19[%swap3A], %broadcast_in_dim3A_66 {strides = array<i32>} : memref<4096xf32, #tpu.memory_space<vmem>>, vector<16xf32>,
          %scan3A_216 = arith.constant 0 : i32
          %scan3A_217 = arith.constant 1 : i32
          %scan3A_218 = arith.addi %scan3A_208, %scan3A_217 : i32
          %mul3A_219 = arith.constant 2048 : i32
          %mul3A_220 = arith.muli %scan3A_186, %mul3A_219 : i32
          %mul3A_221 = arith.constant 16 : i32
          %mul3A_222 = arith.muli %scan3A_218, %mul3A_221 : i32
          %add3A_223 = arith.addi %mul3A_220, %mul3A_222 : i32
          %swap3A_224 = arith.index_cast %add3A_223 : i32 to index
          %swap3A_225 = tpu.vector_load %arg19[%swap3A_224] {strides = array<i32>} : memref<4096xf32, #tpu.memory_space<vmem>>, vector<16xf32>,
          tpu.vector_store %arg19[%swap3A_224], %broadcast_in_dim3A_66 {strides = array<i32>} : memref<4096xf32, #tpu.memory_space<vmem>>, vector<16xf32>,
          %scan3A_226 = arith.constant 0 : i32
          %scan3A_227 = arith.constant 2 : i32
          %scan3A_228 = arith.addi %scan3A_208, %scan3A_227 : i32
          %mul3A_229 = arith.constant 2048 : i32
          %mul3A_230 = arith.muli %scan3A_186, %mul3A_229 : i32
          %mul3A_231 = arith.constant 16 : i32
          %mul3A_232 = arith.muli %scan3A_228, %mul3A_231 : i32
          %add3A_233 = arith.addi %mul3A_230, %mul3A_232 : i32
          %swap3A_234 = arith.index_cast %add3A_233 : i32 to index
          %swap3A_235 = tpu.vector_load %arg19[%swap3A_234] {strides = array<i32>} : memref<4096xf32, #tpu.memory_space<vmem>>, vector<16xf32>,
          tpu.vector_store %arg19[%swap3A_234], %broadcast_in_dim3A_66 {strides = array<i32>} : memref<4096xf32, #tpu.memory_space<vmem>>, vector<16xf32>,
          %scan3A_236 = arith.constant 0 : i32
          %scan3A_237 = arith.constant 3 : i32
          %scan3A_238 = arith.addi %scan3A_208, %scan3A_237 : i32
          %mul3A_239 = arith.constant 2048 : i32
          %mul3A_240 = arith.muli %scan3A_186, %mul3A_239 : i32
          %mul3A_241 = arith.constant 16 : i32
          %mul3A_242 = arith.muli %scan3A_238, %mul3A_241 : i32
          %add3A_243 = arith.addi %mul3A_240, %mul3A_242 : i32
          %swap3A_244 = arith.index_cast %add3A_243 : i32 to index
          %swap3A_245 = tpu.vector_load %arg19[%swap3A_244] {strides = array<i32>} : memref<4096xf32, #tpu.memory_space<vmem>>, vector<16xf32>,
          tpu.vector_store %arg19[%swap3A_244], %broadcast_in_dim3A_66 {strides = array<i32>} : memref<4096xf32, #tpu.memory_space<vmem>>, vector<16xf32>,
          %scan3A_246 = arith.constant 0 : i32
          scf.yield %scan3A_246 : i32
        }
        %scan3A_206 = arith.constant 128 : i32
        %scan3A_207 = arith.constant 0 : i32
        scf.yield %scan3A_207 : i32
      }
      %scan3A_185 = arith.constant 2 : i32
    } else {
    }
    %select_n3A_154 = arith.select %ge3A_150, %reduce_min3A_137, %select_n3A : i32
    %add3A_155 = arith.constant 4096 : i32
    %add3A_156 = arith.addi %select_n3A_154, %add3A_155 : i32
    %lt3A_157 = arith.cmpi slt, %reduce_max3A_147, %add3A_156 : i32
    %broadcast_in_dim3A_158 = vector.broadcast %select_n3A_154 : i32 to vector<16xi32>
    %convert_element_type3A_159 = arith.extui %lt3A_157 : i1 to i32
    %cond3A_160 = arith.constant 0 : i32
    %cond3A_161 = arith.cmpi ne, %convert_element_type3A_159, %cond3A_160 : i32
    scf.if %cond3A_161 {
      %parallel_loop3A_179 = arith.constant 0 : i32
      %parallel_loop3A_180 = arith.constant 2000 : i32
      %parallel_loop3A_181 = arith.constant 16 : i32
      scf.for %parallel_loop3A_182 = %parallel_loop3A_179 to %parallel_loop3A_180 step %parallel_loop3A_181  : i32 {
        %parallel_loop3A_183 = arith.index_cast %parallel_loop3A_182 : i32 to index
        %parallel_loop3A_184 = tpu.vector_load %arg16[%parallel_loop3A_183] {strides = array<i32>} : memref<2000xi32, #tpu.memory_space<vmem>>, vector<16xi32>,
        %parallel_loop3A_185 = tpu.vector_load_idx %arg12[%parallel_loop3A_184] : memref<100352xf32, #tpu.memory_space<vmem>>[vector<16xi32>], vector<16xf32>,
        %parallel_loop3A_186 = arith.index_cast %parallel_loop3A_182 : i32 to index
        %parallel_loop3A_187 = tpu.vector_load %arg18[%parallel_loop3A_186] {strides = array<i32>} : memref<2000xi32, #tpu.memory_space<vmem>>, vector<16xi32>,
        %parallel_loop3A_188 = tpu.vector_load_idx %arg12[%parallel_loop3A_187] : memref<100352xf32, #tpu.memory_space<vmem>>[vector<16xi32>], vector<16xf32>,
        %parallel_loop3A_189 = arith.index_cast %parallel_loop3A_182 : i32 to index
        %parallel_loop3A_190 = tpu.vector_load %arg14[%parallel_loop3A_189] {strides = array<i32>} : memref<2000xf32, #tpu.memory_space<vmem>>, vector<16xf32>,
        %parallel_loop3A_191 = arith.addf %parallel_loop3A_185, %parallel_loop3A_188 : vector<16xf32>
        %parallel_loop3A_192 = arith.mulf %parallel_loop3A_190, %parallel_loop3A_191 : vector<16xf32>
        %parallel_loop3A_193 = arith.mulf %get3A_44, %parallel_loop3A_192 : vector<16xf32>
        %parallel_loop3A_194 = math.exp %parallel_loop3A_193 : vector<16xf32>
        %parallel_loop3A_195 = arith.mulf %get3A_28, %parallel_loop3A_194 : vector<16xf32>
        %parallel_loop3A_196 = arith.mulf %get3A_48, %parallel_loop3A_192 : vector<16xf32>
        %parallel_loop3A_197 = math.exp %parallel_loop3A_196 : vector<16xf32>
        %parallel_loop3A_198 = arith.mulf %get3A_32, %parallel_loop3A_197 : vector<16xf32>
        %parallel_loop3A_199 = arith.addf %parallel_loop3A_195, %parallel_loop3A_198 : vector<16xf32>
        %parallel_loop3A_200 = arith.mulf %get3A_52, %parallel_loop3A_192 : vector<16xf32>
        %parallel_loop3A_201 = math.exp %parallel_loop3A_200 : vector<16xf32>
        %parallel_loop3A_202 = arith.mulf %get3A_36, %parallel_loop3A_201 : vector<16xf32>
        %parallel_loop3A_203 = arith.addf %parallel_loop3A_199, %parallel_loop3A_202 : vector<16xf32>
        %parallel_loop3A_204 = arith.mulf %get3A_56, %parallel_loop3A_192 : vector<16xf32>
        %parallel_loop3A_205 = math.exp %parallel_loop3A_204 : vector<16xf32>
        %parallel_loop3A_206 = arith.mulf %get3A_40, %parallel_loop3A_205 : vector<16xf32>
        %parallel_loop3A_207 = arith.addf %parallel_loop3A_203, %parallel_loop3A_206 : vector<16xf32>
        %parallel_loop3A_208 = arith.constant true
        %parallel_loop3A_209 = vector.broadcast %parallel_loop3A_208 : i1 to vector<16xi1>
        %parallel_loop3A_210 = tpu.scan <sum>, %parallel_loop3A_207 masked %parallel_loop3A_209 : vector<16xf32>, vector<16xi1> -> vector<16xf32>
        %parallel_loop3A_211 = arith.constant 0 : i32
        %parallel_loop3A_212 = vector.broadcast %parallel_loop3A_211 : i32 to vector<16xi32>
        %parallel_loop3A_213 = arith.cmpi slt, %min3A_61, %parallel_loop3A_212 : vector<16xi32>
        %parallel_loop3A_214 = arith.constant 16 : i32
        %parallel_loop3A_215 = vector.broadcast %parallel_loop3A_214 : i32 to vector<16xi32>
        %parallel_loop3A_216 = arith.addi %min3A_61, %parallel_loop3A_215 : vector<16xi32>
        %parallel_loop3A_217 = arith.select %parallel_loop3A_213, %parallel_loop3A_216, %min3A_61 : vector<16xi1>, vector<16xi32>
        %parallel_loop3A_218 = vector.shape_cast %parallel_loop3A_217 : vector<16xi32> to vector<16x1xi32>
        %parallel_loop3A_219 = vector.shape_cast %parallel_loop3A_218 : vector<16x1xi32> to vector<16xi32>
        %parallel_loop3A_220 = tpu.dynamic_gather %parallel_loop3A_184[%parallel_loop3A_219] in [0] : vector<16xi32>, vector<16xi32> -> vector<16xi32>
        %parallel_loop3A_221 = arith.cmpi ne, %parallel_loop3A_184, %parallel_loop3A_220 : vector<16xi32>
        %parallel_loop3A_222 = arith.subi %parallel_loop3A_184, %broadcast_in_dim3A_158 : vector<16xi32>
        %parallel_loop3A_223 = arith.ori %parallel_loop3A_221, %eq3A_63 : vector<16xi1>
        tpu.vector_store_idx %arg19[%parallel_loop3A_222], %parallel_loop3A_210 masked %parallel_loop3A_223 {add = true} : memref<4096xf32, #tpu.memory_space<vmem>>[vector<16xi32>], vector<16xf32>, vector<16xi1>
        %parallel_loop3A_224 = arith.subi %parallel_loop3A_220, %broadcast_in_dim3A_158 : vector<16xi32>
        %parallel_loop3A_225 = arith.constant 0.000000e+00 : f32
        %parallel_loop3A_226 = vector.broadcast %parallel_loop3A_225 : f32 to vector<16xf32>
        %parallel_loop3A_227 = arith.subf %parallel_loop3A_226, %parallel_loop3A_210 : vector<16xf32>
        %parallel_loop3A_228 = arith.andi %parallel_loop3A_221, %lt3A_65 : vector<16xi1>
        tpu.vector_store_idx %arg19[%parallel_loop3A_224], %parallel_loop3A_227 masked %parallel_loop3A_228 {add = true} : memref<4096xf32, #tpu.memory_space<vmem>>[vector<16xi32>], vector<16xf32>, vector<16xi1>
      } {sc.loop_unroll_factor = 4 : i64, sc.parallel_access}
    } else {
    }
    %not3A_162 = arith.constant true
    %not3A_163 = arith.xori %lt3A_157, %not3A_162 : i1
    %convert_element_type3A_164 = arith.extui %not3A_163 : i1 to i32
    %cond3A_165 = arith.constant 0 : i32
    %cond3A_166 = arith.cmpi ne, %convert_element_type3A_164, %cond3A_165 : i32
    scf.if %cond3A_166 {
      %scan3A_179 = arith.constant 0 : i32
      %scan3A_180 = arith.constant 0 : i32
      %scan3A_181 = arith.constant 124 : i32
      %scan3A_182 = arith.addi %scan3A_180, %scan3A_181 : i32
      %scan3A_183 = arith.constant 4 : i32
      %scan3A_184 = scf.for %scan3A_215 = %scan3A_180 to %scan3A_182 step %scan3A_183 iter_args(%scan3A_216 = %scan3A_179) -> (i32)  : i32 {
        %mul3A_217 = arith.constant 16 : i32
        %mul3A_218 = arith.muli %scan3A_215, %mul3A_217 : i32
        %get3A_219 = arith.index_cast %mul3A_218 : i32 to index
        %get3A_220 = tpu.vector_load %arg16[%get3A_219] {strides = array<i32>} : memref<2000xi32, #tpu.memory_space<vmem>>, vector<16xi32>,
        %gather3A_221 = tpu.vector_load_idx %arg12[%get3A_220] : memref<100352xf32, #tpu.memory_space<vmem>>[vector<16xi32>], vector<16xf32>,
        %get3A_222 = arith.index_cast %mul3A_218 : i32 to index
        %get3A_223 = tpu.vector_load %arg18[%get3A_222] {strides = array<i32>} : memref<2000xi32, #tpu.memory_space<vmem>>, vector<16xi32>,
        %gather3A_224 = tpu.vector_load_idx %arg12[%get3A_223] : memref<100352xf32, #tpu.memory_space<vmem>>[vector<16xi32>], vector<16xf32>,
        %get3A_225 = arith.index_cast %mul3A_218 : i32 to index
        %get3A_226 = tpu.vector_load %arg14[%get3A_225] {strides = array<i32>} : memref<2000xf32, #tpu.memory_space<vmem>>, vector<16xf32>,
        %add3A_227 = arith.addf %gather3A_221, %gather3A_224 : vector<16xf32>
        %mul3A_228 = arith.mulf %get3A_226, %add3A_227 : vector<16xf32>
        %mul3A_229 = arith.mulf %get3A_44, %mul3A_228 : vector<16xf32>
        %exp3A_230 = math.exp %mul3A_229 : vector<16xf32>
        %mul3A_231 = arith.mulf %get3A_28, %exp3A_230 : vector<16xf32>
        %mul3A_232 = arith.mulf %get3A_48, %mul3A_228 : vector<16xf32>
        %exp3A_233 = math.exp %mul3A_232 : vector<16xf32>
        %mul3A_234 = arith.mulf %get3A_32, %exp3A_233 : vector<16xf32>
        %add3A_235 = arith.addf %mul3A_231, %mul3A_234 : vector<16xf32>
        %mul3A_236 = arith.mulf %get3A_52, %mul3A_228 : vector<16xf32>
        %exp3A_237 = math.exp %mul3A_236 : vector<16xf32>
        %mul3A_238 = arith.mulf %get3A_36, %exp3A_237 : vector<16xf32>
        %add3A_239 = arith.addf %add3A_235, %mul3A_238 : vector<16xf32>
        %mul3A_240 = arith.mulf %get3A_56, %mul3A_228 : vector<16xf32>
        %exp3A_241 = math.exp %mul3A_240 : vector<16xf32>
        %mul3A_242 = arith.mulf %get3A_40, %exp3A_241 : vector<16xf32>
        %add3A_243 = arith.addf %add3A_239, %mul3A_242 : vector<16xf32>
        %swap3A_244 = arith.index_cast %mul3A_218 : i32 to index
        %swap3A_245 = tpu.vector_load %arg21[%swap3A_244] {strides = array<i32>} : memref<2000xf32, #tpu.memory_space<vmem>>, vector<16xf32>,
        tpu.vector_store %arg21[%swap3A_244], %add3A_243 {strides = array<i32>} : memref<2000xf32, #tpu.memory_space<vmem>>, vector<16xf32>,
        %scan3A_246 = arith.constant 0 : i32
        %scan3A_247 = arith.constant 1 : i32
        %scan3A_248 = arith.addi %scan3A_215, %scan3A_247 : i32
        %mul3A_249 = arith.constant 16 : i32
        %mul3A_250 = arith.muli %scan3A_248, %mul3A_249 : i32
        %get3A_251 = arith.index_cast %mul3A_250 : i32 to index
        %get3A_252 = tpu.vector_load %arg16[%get3A_251] {strides = array<i32>} : memref<2000xi32, #tpu.memory_space<vmem>>, vector<16xi32>,
        %gather3A_253 = tpu.vector_load_idx %arg12[%get3A_252] : memref<100352xf32, #tpu.memory_space<vmem>>[vector<16xi32>], vector<16xf32>,
        %get3A_254 = arith.index_cast %mul3A_250 : i32 to index
        %get3A_255 = tpu.vector_load %arg18[%get3A_254] {strides = array<i32>} : memref<2000xi32, #tpu.memory_space<vmem>>, vector<16xi32>,
        %gather3A_256 = tpu.vector_load_idx %arg12[%get3A_255] : memref<100352xf32, #tpu.memory_space<vmem>>[vector<16xi32>], vector<16xf32>,
        %get3A_257 = arith.index_cast %mul3A_250 : i32 to index
        %get3A_258 = tpu.vector_load %arg14[%get3A_257] {strides = array<i32>} : memref<2000xf32, #tpu.memory_space<vmem>>, vector<16xf32>,
        %add3A_259 = arith.addf %gather3A_253, %gather3A_256 : vector<16xf32>
        %mul3A_260 = arith.mulf %get3A_258, %add3A_259 : vector<16xf32>
        %mul3A_261 = arith.mulf %get3A_44, %mul3A_260 : vector<16xf32>
        %exp3A_262 = math.exp %mul3A_261 : vector<16xf32>
        %mul3A_263 = arith.mulf %get3A_28, %exp3A_262 : vector<16xf32>
        %mul3A_264 = arith.mulf %get3A_48, %mul3A_260 : vector<16xf32>
        %exp3A_265 = math.exp %mul3A_264 : vector<16xf32>
        %mul3A_266 = arith.mulf %get3A_32, %exp3A_265 : vector<16xf32>
        %add3A_267 = arith.addf %mul3A_263, %mul3A_266 : vector<16xf32>
        %mul3A_268 = arith.mulf %get3A_52, %mul3A_260 : vector<16xf32>
        %exp3A_269 = math.exp %mul3A_268 : vector<16xf32>
        %mul3A_270 = arith.mulf %get3A_36, %exp3A_269 : vector<16xf32>
        %add3A_271 = arith.addf %add3A_267, %mul3A_270 : vector<16xf32>
        %mul3A_272 = arith.mulf %get3A_56, %mul3A_260 : vector<16xf32>
        %exp3A_273 = math.exp %mul3A_272 : vector<16xf32>
        %mul3A_274 = arith.mulf %get3A_40, %exp3A_273 : vector<16xf32>
        %add3A_275 = arith.addf %add3A_271, %mul3A_274 : vector<16xf32>
        %swap3A_276 = arith.index_cast %mul3A_250 : i32 to index
        %swap3A_277 = tpu.vector_load %arg21[%swap3A_276] {strides = array<i32>} : memref<2000xf32, #tpu.memory_space<vmem>>, vector<16xf32>,
        tpu.vector_store %arg21[%swap3A_276], %add3A_275 {strides = array<i32>} : memref<2000xf32, #tpu.memory_space<vmem>>, vector<16xf32>,
        %scan3A_278 = arith.constant 0 : i32
        %scan3A_279 = arith.constant 2 : i32
        %scan3A_280 = arith.addi %scan3A_215, %scan3A_279 : i32
        %mul3A_281 = arith.constant 16 : i32
        %mul3A_282 = arith.muli %scan3A_280, %mul3A_281 : i32
        %get3A_283 = arith.index_cast %mul3A_282 : i32 to index
        %get3A_284 = tpu.vector_load %arg16[%get3A_283] {strides = array<i32>} : memref<2000xi32, #tpu.memory_space<vmem>>, vector<16xi32>,
        %gather3A_285 = tpu.vector_load_idx %arg12[%get3A_284] : memref<100352xf32, #tpu.memory_space<vmem>>[vector<16xi32>], vector<16xf32>,
        %get3A_286 = arith.index_cast %mul3A_282 : i32 to index
        %get3A_287 = tpu.vector_load %arg18[%get3A_286] {strides = array<i32>} : memref<2000xi32, #tpu.memory_space<vmem>>, vector<16xi32>,
        %gather3A_288 = tpu.vector_load_idx %arg12[%get3A_287] : memref<100352xf32, #tpu.memory_space<vmem>>[vector<16xi32>], vector<16xf32>,
        %get3A_289 = arith.index_cast %mul3A_282 : i32 to index
        %get3A_290 = tpu.vector_load %arg14[%get3A_289] {strides = array<i32>} : memref<2000xf32, #tpu.memory_space<vmem>>, vector<16xf32>,
        %add3A_291 = arith.addf %gather3A_285, %gather3A_288 : vector<16xf32>
        %mul3A_292 = arith.mulf %get3A_290, %add3A_291 : vector<16xf32>
        %mul3A_293 = arith.mulf %get3A_44, %mul3A_292 : vector<16xf32>
        %exp3A_294 = math.exp %mul3A_293 : vector<16xf32>
        %mul3A_295 = arith.mulf %get3A_28, %exp3A_294 : vector<16xf32>
        %mul3A_296 = arith.mulf %get3A_48, %mul3A_292 : vector<16xf32>
        %exp3A_297 = math.exp %mul3A_296 : vector<16xf32>
        %mul3A_298 = arith.mulf %get3A_32, %exp3A_297 : vector<16xf32>
        %add3A_299 = arith.addf %mul3A_295, %mul3A_298 : vector<16xf32>
        %mul3A_300 = arith.mulf %get3A_52, %mul3A_292 : vector<16xf32>
        %exp3A_301 = math.exp %mul3A_300 : vector<16xf32>
        %mul3A_302 = arith.mulf %get3A_36, %exp3A_301 : vector<16xf32>
        %add3A_303 = arith.addf %add3A_299, %mul3A_302 : vector<16xf32>
        %mul3A_304 = arith.mulf %get3A_56, %mul3A_292 : vector<16xf32>
        %exp3A_305 = math.exp %mul3A_304 : vector<16xf32>
        %mul3A_306 = arith.mulf %get3A_40, %exp3A_305 : vector<16xf32>
        %add3A_307 = arith.addf %add3A_303, %mul3A_306 : vector<16xf32>
        %swap3A_308 = arith.index_cast %mul3A_282 : i32 to index
        %swap3A_309 = tpu.vector_load %arg21[%swap3A_308] {strides = array<i32>} : memref<2000xf32, #tpu.memory_space<vmem>>, vector<16xf32>,
        tpu.vector_store %arg21[%swap3A_308], %add3A_307 {strides = array<i32>} : memref<2000xf32, #tpu.memory_space<vmem>>, vector<16xf32>,
        %scan3A_310 = arith.constant 0 : i32
        %scan3A_311 = arith.constant 3 : i32
        %scan3A_312 = arith.addi %scan3A_215, %scan3A_311 : i32
        %mul3A_313 = arith.constant 16 : i32
        %mul3A_314 = arith.muli %scan3A_312, %mul3A_313 : i32
        %get3A_315 = arith.index_cast %mul3A_314 : i32 to index
        %get3A_316 = tpu.vector_load %arg16[%get3A_315] {strides = array<i32>} : memref<2000xi32, #tpu.memory_space<vmem>>, vector<16xi32>,
        %gather3A_317 = tpu.vector_load_idx %arg12[%get3A_316] : memref<100352xf32, #tpu.memory_space<vmem>>[vector<16xi32>], vector<16xf32>,
        %get3A_318 = arith.index_cast %mul3A_314 : i32 to index
        %get3A_319 = tpu.vector_load %arg18[%get3A_318] {strides = array<i32>} : memref<2000xi32, #tpu.memory_space<vmem>>, vector<16xi32>,
        %gather3A_320 = tpu.vector_load_idx %arg12[%get3A_319] : memref<100352xf32, #tpu.memory_space<vmem>>[vector<16xi32>], vector<16xf32>,
        %get3A_321 = arith.index_cast %mul3A_314 : i32 to index
        %get3A_322 = tpu.vector_load %arg14[%get3A_321] {strides = array<i32>} : memref<2000xf32, #tpu.memory_space<vmem>>, vector<16xf32>,
        %add3A_323 = arith.addf %gather3A_317, %gather3A_320 : vector<16xf32>
        %mul3A_324 = arith.mulf %get3A_322, %add3A_323 : vector<16xf32>
        %mul3A_325 = arith.mulf %get3A_44, %mul3A_324 : vector<16xf32>
        %exp3A_326 = math.exp %mul3A_325 : vector<16xf32>
        %mul3A_327 = arith.mulf %get3A_28, %exp3A_326 : vector<16xf32>
        %mul3A_328 = arith.mulf %get3A_48, %mul3A_324 : vector<16xf32>
        %exp3A_329 = math.exp %mul3A_328 : vector<16xf32>
        %mul3A_330 = arith.mulf %get3A_32, %exp3A_329 : vector<16xf32>
        %add3A_331 = arith.addf %mul3A_327, %mul3A_330 : vector<16xf32>
        %mul3A_332 = arith.mulf %get3A_52, %mul3A_324 : vector<16xf32>
        %exp3A_333 = math.exp %mul3A_332 : vector<16xf32>
        %mul3A_334 = arith.mulf %get3A_36, %exp3A_333 : vector<16xf32>
        %add3A_335 = arith.addf %add3A_331, %mul3A_334 : vector<16xf32>
        %mul3A_336 = arith.mulf %get3A_56, %mul3A_324 : vector<16xf32>
        %exp3A_337 = math.exp %mul3A_336 : vector<16xf32>
        %mul3A_338 = arith.mulf %get3A_40, %exp3A_337 : vector<16xf32>
        %add3A_339 = arith.addf %add3A_335, %mul3A_338 : vector<16xf32>
        %swap3A_340 = arith.index_cast %mul3A_314 : i32 to index
        %swap3A_341 = tpu.vector_load %arg21[%swap3A_340] {strides = array<i32>} : memref<2000xf32, #tpu.memory_space<vmem>>, vector<16xf32>,
        tpu.vector_store %arg21[%swap3A_340], %add3A_339 {strides = array<i32>} : memref<2000xf32, #tpu.memory_space<vmem>>, vector<16xf32>,
        %scan3A_342 = arith.constant 0 : i32
        scf.yield %scan3A_342 : i32
      }
      %scan3A_185 = arith.constant 124 : i32
      %scan3A_186 = arith.addi %scan3A_180, %scan3A_185 : i32
      %mul3A_187 = arith.constant 16 : i32
      %mul3A_188 = arith.muli %scan3A_186, %mul3A_187 : i32
      %get3A_189 = arith.index_cast %mul3A_188 : i32 to index
      %get3A_190 = tpu.vector_load %arg16[%get3A_189] {strides = array<i32>} : memref<2000xi32, #tpu.memory_space<vmem>>, vector<16xi32>,
      %gather3A = tpu.vector_load_idx %arg12[%get3A_190] : memref<100352xf32, #tpu.memory_space<vmem>>[vector<16xi32>], vector<16xf32>,
      %get3A_191 = arith.index_cast %mul3A_188 : i32 to index
      %get3A_192 = tpu.vector_load %arg18[%get3A_191] {strides = array<i32>} : memref<2000xi32, #tpu.memory_space<vmem>>, vector<16xi32>,
      %gather3A_193 = tpu.vector_load_idx %arg12[%get3A_192] : memref<100352xf32, #tpu.memory_space<vmem>>[vector<16xi32>], vector<16xf32>,
      %get3A_194 = arith.index_cast %mul3A_188 : i32 to index
      %get3A_195 = tpu.vector_load %arg14[%get3A_194] {strides = array<i32>} : memref<2000xf32, #tpu.memory_space<vmem>>, vector<16xf32>,
      %add3A_196 = arith.addf %gather3A, %gather3A_193 : vector<16xf32>
      %mul3A_197 = arith.mulf %get3A_195, %add3A_196 : vector<16xf32>
      %mul3A_198 = arith.mulf %get3A_44, %mul3A_197 : vector<16xf32>
      %exp3A = math.exp %mul3A_198 : vector<16xf32>
      %mul3A_199 = arith.mulf %get3A_28, %exp3A : vector<16xf32>
      %mul3A_200 = arith.mulf %get3A_48, %mul3A_197 : vector<16xf32>
      %exp3A_201 = math.exp %mul3A_200 : vector<16xf32>
      %mul3A_202 = arith.mulf %get3A_32, %exp3A_201 : vector<16xf32>
      %add3A_203 = arith.addf %mul3A_199, %mul3A_202 : vector<16xf32>
      %mul3A_204 = arith.mulf %get3A_52, %mul3A_197 : vector<16xf32>
      %exp3A_205 = math.exp %mul3A_204 : vector<16xf32>
      %mul3A_206 = arith.mulf %get3A_36, %exp3A_205 : vector<16xf32>
      %add3A_207 = arith.addf %add3A_203, %mul3A_206 : vector<16xf32>
      %mul3A_208 = arith.mulf %get3A_56, %mul3A_197 : vector<16xf32>
      %exp3A_209 = math.exp %mul3A_208 : vector<16xf32>
      %mul3A_210 = arith.mulf %get3A_40, %exp3A_209 : vector<16xf32>
      %add3A_211 = arith.addf %add3A_207, %mul3A_210 : vector<16xf32>
      %swap3A = arith.index_cast %mul3A_188 : i32 to index
      %swap3A_212 = tpu.vector_load %arg21[%swap3A] {strides = array<i32>} : memref<2000xf32, #tpu.memory_space<vmem>>, vector<16xf32>,
      tpu.vector_store %arg21[%swap3A], %add3A_211 {strides = array<i32>} : memref<2000xf32, #tpu.memory_space<vmem>>, vector<16xf32>,
      %scan3A_213 = arith.constant 0 : i32
      %scan3A_214 = arith.constant 125 : i32
      "tpu.region"() ({
        %run_scoped3A = tpu.sem_alloc : memref<!tpu.dma_semaphore, #tpu.memory_space<semaphore_mem>>
        %dma_start3A_215 = arith.constant 0 : i32
        %dma_start3A_216 = tpu.memref_slice %arg22[%dma_start3A_215] : memref<100352xf32, #tpu.memory_space<vmem_shared>> -> memref<100352xf32, #tpu.memory_space<vmem_shared>>
        tpu.enqueue_indirect_dma source(%arg21 : memref<2000xf32, #tpu.memory_space<vmem>>) target(%dma_start3A_216 : memref<100352xf32, #tpu.memory_space<vmem_shared>>) offsets(%arg16 : memref<2000xi32, #tpu.memory_space<vmem>>) semaphore(%run_scoped3A : memref<!tpu.dma_semaphore, #tpu.memory_space<semaphore_mem>>) {add = true}
        %dma_wait3A_217 = arith.constant 0 : i32
        %dma_wait3A_218 = tpu.memref_slice %arg22[%dma_wait3A_217] : memref<100352xf32, #tpu.memory_space<vmem_shared>> -> memref<100352xf32, #tpu.memory_space<vmem_shared>>
        tpu.wait_indirect_dma semaphore(%run_scoped3A : memref<!tpu.dma_semaphore, #tpu.memory_space<semaphore_mem>>) src(%arg21 : memref<2000xf32, #tpu.memory_space<vmem>>) dst(%dma_wait3A_218 : memref<100352xf32, #tpu.memory_space<vmem_shared>>)
        tpu.yield
      }) : () -> ()
    } else {
    }
    %scan3A_167 = arith.constant 0 : i32
    %scan3A_168 = arith.constant 0 : i32
    %scan3A_169 = arith.constant 2 : i32
    %scan3A_170 = arith.addi %scan3A_168, %scan3A_169 : i32
    %scan3A_171 = arith.constant 1 : i32
    %scan3A_172 = scf.for %scan3A_179 = %scan3A_168 to %scan3A_170 step %scan3A_171 iter_args(%scan3A_180 = %scan3A_167) -> (i32)  : i32 {
      %mul3A_181 = arith.constant 2048 : i32
      %mul3A_182 = arith.muli %scan3A_179, %mul3A_181 : i32
      %add3A_183 = arith.addi %select_n3A_154, %mul3A_182 : i32
      %scan3A_184 = arith.constant 0 : i32
      %scan3A_185 = arith.constant 0 : i32
      %scan3A_186 = arith.constant 128 : i32
      %scan3A_187 = arith.addi %scan3A_185, %scan3A_186 : i32
      %scan3A_188 = arith.constant 4 : i32
      %scan3A_189 = scf.for %scan3A_201 = %scan3A_185 to %scan3A_187 step %scan3A_188 iter_args(%scan3A_202 = %scan3A_184) -> (i32)  : i32 {
        %mul3A_203 = arith.constant 16 : i32
        %mul3A_204 = arith.muli %scan3A_201, %mul3A_203 : i32
        %add3A_205 = arith.addi %add3A_183, %mul3A_204 : i32
        %add3A_206 = vector.broadcast %add3A_205 : i32 to vector<16xi32>
        %add3A_207 = arith.addi %iota3A, %add3A_206 : vector<16xi32>
        %min3A_208 = arith.constant 100351 : i32
        %min3A_209 = vector.broadcast %min3A_208 : i32 to vector<16xi32>
        %min3A_210 = arith.minsi %add3A_207, %min3A_209 : vector<16xi32>
        %mul3A_211 = arith.constant 16 : i32
        %mul3A_212 = arith.muli %scan3A_201, %mul3A_211 : i32
        %swap3A = arith.index_cast %mul3A_212 : i32 to index
        %swap3A_213 = tpu.vector_load %arg20[%swap3A] {strides = array<i32>} : memref<2048xi32, #tpu.memory_space<vmem>>, vector<16xi32>,
        tpu.vector_store %arg20[%swap3A], %min3A_210 {strides = array<i32>} : memref<2048xi32, #tpu.memory_space<vmem>>, vector<16xi32>,
        %scan3A_214 = arith.constant 0 : i32
        %scan3A_215 = arith.constant 1 : i32
        %scan3A_216 = arith.addi %scan3A_201, %scan3A_215 : i32
        %mul3A_217 = arith.constant 16 : i32
        %mul3A_218 = arith.muli %scan3A_216, %mul3A_217 : i32
        %add3A_219 = arith.addi %add3A_183, %mul3A_218 : i32
        %add3A_220 = vector.broadcast %add3A_219 : i32 to vector<16xi32>
        %add3A_221 = arith.addi %iota3A, %add3A_220 : vector<16xi32>
        %min3A_222 = arith.constant 100351 : i32
        %min3A_223 = vector.broadcast %min3A_222 : i32 to vector<16xi32>
        %min3A_224 = arith.minsi %add3A_221, %min3A_223 : vector<16xi32>
        %mul3A_225 = arith.constant 16 : i32
        %mul3A_226 = arith.muli %scan3A_216, %mul3A_225 : i32
        %swap3A_227 = arith.index_cast %mul3A_226 : i32 to index
        %swap3A_228 = tpu.vector_load %arg20[%swap3A_227] {strides = array<i32>} : memref<2048xi32, #tpu.memory_space<vmem>>, vector<16xi32>,
        tpu.vector_store %arg20[%swap3A_227], %min3A_224 {strides = array<i32>} : memref<2048xi32, #tpu.memory_space<vmem>>, vector<16xi32>,
        %scan3A_229 = arith.constant 0 : i32
        %scan3A_230 = arith.constant 2 : i32
        %scan3A_231 = arith.addi %scan3A_201, %scan3A_230 : i32
        %mul3A_232 = arith.constant 16 : i32
        %mul3A_233 = arith.muli %scan3A_231, %mul3A_232 : i32
        %add3A_234 = arith.addi %add3A_183, %mul3A_233 : i32
        %add3A_235 = vector.broadcast %add3A_234 : i32 to vector<16xi32>
        %add3A_236 = arith.addi %iota3A, %add3A_235 : vector<16xi32>
        %min3A_237 = arith.constant 100351 : i32
        %min3A_238 = vector.broadcast %min3A_237 : i32 to vector<16xi32>
        %min3A_239 = arith.minsi %add3A_236, %min3A_238 : vector<16xi32>
        %mul3A_240 = arith.constant 16 : i32
        %mul3A_241 = arith.muli %scan3A_231, %mul3A_240 : i32
        %swap3A_242 = arith.index_cast %mul3A_241 : i32 to index
        %swap3A_243 = tpu.vector_load %arg20[%swap3A_242] {strides = array<i32>} : memref<2048xi32, #tpu.memory_space<vmem>>, vector<16xi32>,
        tpu.vector_store %arg20[%swap3A_242], %min3A_239 {strides = array<i32>} : memref<2048xi32, #tpu.memory_space<vmem>>, vector<16xi32>,
        %scan3A_244 = arith.constant 0 : i32
        %scan3A_245 = arith.constant 3 : i32
        %scan3A_246 = arith.addi %scan3A_201, %scan3A_245 : i32
        %mul3A_247 = arith.constant 16 : i32
        %mul3A_248 = arith.muli %scan3A_246, %mul3A_247 : i32
        %add3A_249 = arith.addi %add3A_183, %mul3A_248 : i32
        %add3A_250 = vector.broadcast %add3A_249 : i32 to vector<16xi32>
        %add3A_251 = arith.addi %iota3A, %add3A_250 : vector<16xi32>
        %min3A_252 = arith.constant 100351 : i32
        %min3A_253 = vector.broadcast %min3A_252 : i32 to vector<16xi32>
        %min3A_254 = arith.minsi %add3A_251, %min3A_253 : vector<16xi32>
        %mul3A_255 = arith.constant 16 : i32
        %mul3A_256 = arith.muli %scan3A_246, %mul3A_255 : i32
        %swap3A_257 = arith.index_cast %mul3A_256 : i32 to index
        %swap3A_258 = tpu.vector_load %arg20[%swap3A_257] {strides = array<i32>} : memref<2048xi32, #tpu.memory_space<vmem>>, vector<16xi32>,
        tpu.vector_store %arg20[%swap3A_257], %min3A_254 {strides = array<i32>} : memref<2048xi32, #tpu.memory_space<vmem>>, vector<16xi32>,
        %scan3A_259 = arith.constant 0 : i32
        scf.yield %scan3A_259 : i32
      }
      %scan3A_190 = arith.constant 128 : i32
      %mul3A_191 = arith.constant 2048 : i32
      %mul3A_192 = arith.muli %scan3A_179, %mul3A_191 : i32
      "tpu.region"() ({
        %run_scoped3A = tpu.sem_alloc : memref<!tpu.dma_semaphore, #tpu.memory_space<semaphore_mem>>
        %dma_start3A_201 = tpu.memref_slice %arg19[%mul3A_192] : memref<4096xf32, #tpu.memory_space<vmem>> -> memref<2048xf32, #tpu.memory_space<vmem>>
        %dma_start3A_202 = arith.constant 0 : i32
        %dma_start3A_203 = tpu.memref_slice %arg22[%dma_start3A_202] : memref<100352xf32, #tpu.memory_space<vmem_shared>> -> memref<100352xf32, #tpu.memory_space<vmem_shared>>
        tpu.enqueue_indirect_dma source(%dma_start3A_201 : memref<2048xf32, #tpu.memory_space<vmem>>) target(%dma_start3A_203 : memref<100352xf32, #tpu.memory_space<vmem_shared>>) offsets(%arg20 : memref<2048xi32, #tpu.memory_space<vmem>>) semaphore(%run_scoped3A : memref<!tpu.dma_semaphore, #tpu.memory_space<semaphore_mem>>) {add = true}
        %dma_wait3A_204 = tpu.memref_slice %arg19[%mul3A_192] : memref<4096xf32, #tpu.memory_space<vmem>> -> memref<2048xf32, #tpu.memory_space<vmem>>
        %dma_wait3A_205 = arith.constant 0 : i32
        %dma_wait3A_206 = tpu.memref_slice %arg22[%dma_wait3A_205] : memref<100352xf32, #tpu.memory_space<vmem_shared>> -> memref<100352xf32, #tpu.memory_space<vmem_shared>>
        tpu.wait_indirect_dma semaphore(%run_scoped3A : memref<!tpu.dma_semaphore, #tpu.memory_space<semaphore_mem>>) src(%dma_wait3A_204 : memref<2048xf32, #tpu.memory_space<vmem>>) dst(%dma_wait3A_206 : memref<100352xf32, #tpu.memory_space<vmem_shared>>)
        tpu.yield
      }) : () -> ()
      %scan3A_193 = arith.constant 0 : i32
      %scan3A_194 = arith.constant 0 : i32
      %scan3A_195 = arith.constant 128 : i32
      %scan3A_196 = arith.addi %scan3A_194, %scan3A_195 : i32
      %scan3A_197 = arith.constant 4 : i32
      %scan3A_198 = scf.for %scan3A_201 = %scan3A_194 to %scan3A_196 step %scan3A_197 iter_args(%scan3A_202 = %scan3A_193) -> (i32)  : i32 {
        %mul3A_203 = arith.constant 2048 : i32
        %mul3A_204 = arith.muli %scan3A_179, %mul3A_203 : i32
        %mul3A_205 = arith.constant 16 : i32
        %mul3A_206 = arith.muli %scan3A_201, %mul3A_205 : i32
        %add3A_207 = arith.addi %mul3A_204, %mul3A_206 : i32
        %swap3A = arith.index_cast %add3A_207 : i32 to index
        %swap3A_208 = tpu.vector_load %arg19[%swap3A] {strides = array<i32>} : memref<4096xf32, #tpu.memory_space<vmem>>, vector<16xf32>,
        tpu.vector_store %arg19[%swap3A], %broadcast_in_dim3A_66 {strides = array<i32>} : memref<4096xf32, #tpu.memory_space<vmem>>, vector<16xf32>,
        %scan3A_209 = arith.constant 0 : i32
        %scan3A_210 = arith.constant 1 : i32
        %scan3A_211 = arith.addi %scan3A_201, %scan3A_210 : i32
        %mul3A_212 = arith.constant 2048 : i32
        %mul3A_213 = arith.muli %scan3A_179, %mul3A_212 : i32
        %mul3A_214 = arith.constant 16 : i32
        %mul3A_215 = arith.muli %scan3A_211, %mul3A_214 : i32
        %add3A_216 = arith.addi %mul3A_213, %mul3A_215 : i32
        %swap3A_217 = arith.index_cast %add3A_216 : i32 to index
        %swap3A_218 = tpu.vector_load %arg19[%swap3A_217] {strides = array<i32>} : memref<4096xf32, #tpu.memory_space<vmem>>, vector<16xf32>,
        tpu.vector_store %arg19[%swap3A_217], %broadcast_in_dim3A_66 {strides = array<i32>} : memref<4096xf32, #tpu.memory_space<vmem>>, vector<16xf32>,
        %scan3A_219 = arith.constant 0 : i32
        %scan3A_220 = arith.constant 2 : i32
        %scan3A_221 = arith.addi %scan3A_201, %scan3A_220 : i32
        %mul3A_222 = arith.constant 2048 : i32
        %mul3A_223 = arith.muli %scan3A_179, %mul3A_222 : i32
        %mul3A_224 = arith.constant 16 : i32
        %mul3A_225 = arith.muli %scan3A_221, %mul3A_224 : i32
        %add3A_226 = arith.addi %mul3A_223, %mul3A_225 : i32
        %swap3A_227 = arith.index_cast %add3A_226 : i32 to index
        %swap3A_228 = tpu.vector_load %arg19[%swap3A_227] {strides = array<i32>} : memref<4096xf32, #tpu.memory_space<vmem>>, vector<16xf32>,
        tpu.vector_store %arg19[%swap3A_227], %broadcast_in_dim3A_66 {strides = array<i32>} : memref<4096xf32, #tpu.memory_space<vmem>>, vector<16xf32>,
        %scan3A_229 = arith.constant 0 : i32
        %scan3A_230 = arith.constant 3 : i32
        %scan3A_231 = arith.addi %scan3A_201, %scan3A_230 : i32
        %mul3A_232 = arith.constant 2048 : i32
        %mul3A_233 = arith.muli %scan3A_179, %mul3A_232 : i32
        %mul3A_234 = arith.constant 16 : i32
        %mul3A_235 = arith.muli %scan3A_231, %mul3A_234 : i32
        %add3A_236 = arith.addi %mul3A_233, %mul3A_235 : i32
        %swap3A_237 = arith.index_cast %add3A_236 : i32 to index
        %swap3A_238 = tpu.vector_load %arg19[%swap3A_237] {strides = array<i32>} : memref<4096xf32, #tpu.memory_space<vmem>>, vector<16xf32>,
        tpu.vector_store %arg19[%swap3A_237], %broadcast_in_dim3A_66 {strides = array<i32>} : memref<4096xf32, #tpu.memory_space<vmem>>, vector<16xf32>,
        %scan3A_239 = arith.constant 0 : i32
        scf.yield %scan3A_239 : i32
      }
      %scan3A_199 = arith.constant 128 : i32
      %scan3A_200 = arith.constant 0 : i32
      scf.yield %scan3A_200 : i32
    }
    %scan3A_173 = arith.constant 2 : i32
    %barrier3A_174 = arith.constant 0 : index
    tpu.barrier barrier_id(%barrier3A_174)
    %mul3A_175 = arith.constant 6272 : i32
    %mul3A_176 = arith.muli %arg1, %mul3A_175 : i32
    %mul3A_177 = arith.constant 6272 : i32
    %mul3A_178 = arith.muli %arg1, %mul3A_177 : i32
    "tpu.region"() ({
      %run_scoped3A = tpu.sem_alloc : memref<!tpu.dma_semaphore, #tpu.memory_space<semaphore_mem>>
      %dma_start3A_179 = tpu.memref_slice %arg9[%arg0, %mul3A_178] : memref<2x100352xf32, #tpu.memory_space<hbm>> -> memref<1x6272xf32, #tpu.memory_space<hbm>>
      %dma_start3A_180 = tpu.memref_squeeze %dma_start3A_179 : memref<1x6272xf32, #tpu.memory_space<hbm>> -> memref<6272xf32, #tpu.memory_space<hbm>>
      %dma_start3A_181 = tpu.memref_slice %arg22[%mul3A_176] : memref<100352xf32, #tpu.memory_space<vmem_shared>> -> memref<6272xf32, #tpu.memory_space<vmem_shared>>
      tpu.enqueue_dma source(%dma_start3A_181 : memref<6272xf32, #tpu.memory_space<vmem_shared>>) target(%dma_start3A_180 : memref<6272xf32, #tpu.memory_space<hbm>>) target_semaphore(%run_scoped3A : memref<!tpu.dma_semaphore, #tpu.memory_space<semaphore_mem>>)
      %dma_wait3A_182 = tpu.memref_slice %arg9[%arg0, %mul3A_178] : memref<2x100352xf32, #tpu.memory_space<hbm>> -> memref<1x6272xf32, #tpu.memory_space<hbm>>
      %dma_wait3A_183 = tpu.memref_squeeze %dma_wait3A_182 : memref<1x6272xf32, #tpu.memory_space<hbm>> -> memref<6272xf32, #tpu.memory_space<hbm>>
      %dma_wait3A_184 = tpu.memref_slice %arg22[%mul3A_176] : memref<100352xf32, #tpu.memory_space<vmem_shared>> -> memref<6272xf32, #tpu.memory_space<vmem_shared>>
      tpu.wait_dma2 semaphore(%run_scoped3A : memref<!tpu.dma_semaphore, #tpu.memory_space<semaphore_mem>>) src(%dma_wait3A_184 : memref<6272xf32, #tpu.memory_space<vmem_shared>>) dst(%dma_wait3A_183 : memref<6272xf32, #tpu.memory_space<hbm>>)
      tpu.yield
    }) : () -> ()
    return
  }
}

module attributes {stable_mosaic.version = 14 : i64} {
  func.func @_combine_body(%arg0: memref<2x100352xf32, #tpu.memory_space<vmem>>, %arg1: memref<100352xf32, #tpu.memory_space<vmem>>) attributes {dimension_semantics = [], scalar_prefetch = 0 : i64, scratch_operands = 0 : i64, tpu.core_type = #tpu.core_type<tc>} {
    %get3A = arith.constant 0 : index
    %get3A_0 = arith.constant 0 : index
    %get3A_1 = vector.load %arg0[%get3A, %get3A_0] : memref<2x100352xf32, #tpu.memory_space<vmem>>, vector<1x100352xf32>
    %get3A_2 = vector.shape_cast %get3A_1 : vector<1x100352xf32> to vector<100352xf32>
    %get3A_3 = arith.constant 1 : index
    %get3A_4 = arith.constant 0 : index
    %get3A_5 = vector.load %arg0[%get3A_3, %get3A_4] : memref<2x100352xf32, #tpu.memory_space<vmem>>, vector<1x100352xf32>
    %get3A_6 = vector.shape_cast %get3A_5 : vector<1x100352xf32> to vector<100352xf32>
    %add3A = arith.addf %get3A_2, %get3A_6 : vector<100352xf32>
    %swap3A = arith.constant 0 : index
    %swap3A_7 = vector.load %arg1[%swap3A] : memref<100352xf32, #tpu.memory_space<vmem>>, vector<100352xf32>
    tpu.vector_store %arg1[%swap3A], %add3A {strides = array<i32>} : memref<100352xf32, #tpu.memory_space<vmem>>, vector<100352xf32>,
    return
  }
}

</mosaic_0001>

<sc_bundles>
// kernel: kernel.4.cloned.1.call-start
scs
__scs_entry_jumppad:
0x0: {  	(pc) =	sbr.rel $0x88, $3  }
0x1: {  	(tag) =	ssettag $0x0;
	lr =	simm.s32 $0x1  }
0x2: {  	[smem:$0x3F99] =	sst lr;
	_ =	strace $0xD0000000  }
0x3: {  	_ = 	snop  }
0x4: {  	_ = 	snop  }
0x5: {  	_ = 	snop  }
0x6: {  	_ = 	snop  }
0x7: {  	_ = 	snop  }
__scs_overlays_trampoline_lowered:
0x8: {  	[smem:$0x3FA8] =	sst s0  }
0x9: {  	[smem:$0x3FA9] =	sst s1  }
0xa: {  	[smem:$0x3FAA] =	sst s2  }
0xb: {  	[smem:$0x3FAB] =	sst s3  }
0xc: {  	[smem:$0x3FAC] =	sst s4  }
0xd: {  	[smem:$0x3FAD] =	sst s5  }
0xe: {  	[smem:$0x3FAE] =	sst s6  }
0xf: {  	[smem:$0x3FAF] =	sst s7  }
0x10: {  	[smem:$0x3FB0] =	sst s8  }
0x11: {  	[smem:$0x3FB1] =	sst s9;
	s0 =	simm.s32 @!p0 $0x0  }
0x12: {  	s1 =	sld [smem:$0x3F97];
	s0 =	simm.s32 @p0 $0x1  }
0x13: {  	[smem:$0x3FB2] =	sst s0;
	s0 =	simm.s32 @!p1 $0x0  }
0x14: {  	s2 =	sld [smem:$0x3F96];
	s0 =	simm.s32 @p1 $0x1  }
0x15: {  	[smem:$0x3FB3] =	sst s0;
	s0 =	simm.s32 @!p2 $0x0  }
0x16: {  	s3 =	sld [smem:$0x3FDB];
	s0 =	simm.s32 @p2 $0x1  }
0x17: {  	s4 =	simm.s32 $0x1BF5;
	[smem:$0x3FB5] =	sst s0  }
0x18: {  	s0 =	sld [smem:$0x3F98];
	_ =	swait.ge [sflag:s4], $0x0  }
0x19: {  	s7 =	sld [smem:$0x3F99]  }
0x1a: {  	s8 =	sadd.s32 $0xFFFFE003, lr  }
0x1b: {  	s9 =	sadd.s32 $0xFFFFFEF7, lr;
	s5 =	simm.s32 $0xFFFFFFFF;
	p2 =	slt.u32 s8, $0xFFFFF086  }
0x1c: {  	p1 =	slt.u32 s9, $0xF7A;
	s5 =	simm.s32 @!p2 $0x0  }
0x1d: {  	s5 =	simm.s32 @p1 $0x1;
	p0 =	seq.s32 s7, s2  }
0x1e: {  	s7 =	smul.u32 @!p0 $0xF7A, s2;
	p2 =	seq.s32 @!p0 s5, $0x0  }
0x1f: {  	s9 =	smul.u32 $0xF7A, s1;
	s8 =	simm.s32 @!p0 $0x1BF5;
	p2 =	por !p2, p0  }
0x20: {  	[sflag:s8] =	ssyncset.s32 @!p0 $0xFFFFF086;
	s6 =	sadd.s32 @!p0 s3, s7;
	s7 =	simm.s32 @!p0 $0x108  }
0x21: {  	s3 =	sadd.s32 s3, s9;
	s6 =	sadd.s32 @!p0 $0x88, s6;
	s7 =	simm.s32 @p2 $0x1082  }
0x22: {  	[simem:s7], [sflag:s8] =	dma.local @!p0 [hbm:s6], $0xF7A  }
0x23: {  	s9 =	sor.u32 $0xD0000000, s2;
	s6 =	simm.s32 $0x108;
	_ =	swait.ge @!p0 [sflag:s8], $0x0  }
0x24: {  	s3 =	sadd.s32 $0x88, s3;
	s6 =	simm.s32 @!p1 $0x1082;
	[sflag:s4] =	ssyncset.s32 $0xFFFFF086  }
0x25: {  	[simem:s6], [sflag:s4] =	dma.local [hbm:s3], $0xF7A  }
0x26: {  	[smem:$0x3F99] =	sst s1;
	(tag) =	ssettag s2;
	_ =	strace s9  }
0x27: {  	s1 =	sld [smem:$0x3FA9]  }
0x28: {  	s2 =	sld [smem:$0x3FAA]  }
0x29: {  	s4 =	sld [smem:$0x3FAC]  }
0x2a: {  	p0 =	seq.s32 s5, $0x0;
	s5 =	sld [smem:$0x3FAD]  }
0x2b: {  	s6 =	sld [smem:$0x3FAE]  }
0x2c: {  	s7 =	sld [smem:$0x3FAF]  }
0x2d: {  	s3 =	simm.s32 $0x108;
	s8 =	sld [smem:$0x3FB0]  }
0x2e: {  	s3 =	simm.s32 @!p0 $0x1082;
	s9 =	sld [smem:$0x3FB1]  }
0x2f: {  	lr =	sadd.s32 s0, s3;
	s0 =	sld [smem:$0x3FA8]  }
0x30: {  	s3 =	sld [smem:$0x3FAB]  }
0x31: {  	[smem:$0x3FB4] =	sst s10  }
0x32: {  	s10 =	sld [smem:$0x3FB2];
	_ =	sdelay $0x3  }
0x33: {  	p0 =	seq.s32 s10, $0x1;
	s10 =	sld [smem:$0x3FB4];
	_ =	sdelay $0x3  }
0x34: {  	[smem:$0x3FB4] =	sst s10  }
0x35: {  	s10 =	sld [smem:$0x3FB3];
	_ =	sdelay $0x3  }
0x36: {  	p1 =	seq.s32 s10, $0x1;
	s10 =	sld [smem:$0x3FB4];
	_ =	sdelay $0x3  }
0x37: {  	[smem:$0x3FB4] =	sst s10  }
0x38: {  	s10 =	sld [smem:$0x3FB5]  }
0x39: {  	_ = 	snop;
	(pc) =	sbr.ind lr, $3  }
0x3a: {  	_ = 	snop  }
0x3b: {  	_ = 	snop  }
0x3c: {  	p2 =	seq.s32 s10, $0x1;
	s10 =	sld [smem:$0x3FB4]  }
0x3d: {  	_ =	shalt  }
0x3e: {  	_ =	shalt  }
0x3f: {  	_ =	shalt  }
0x40: {  	_ =	shalt  }
0x41: {  	_ =	shalt  }
0x42: {  	_ =	shalt  }
0x43: {  	_ =	shalt  }
0x44: {  	_ =	shalt  }
0x45: {  	_ =	shalt  }
0x46: {  	_ =	shalt  }
0x47: {  	_ =	shalt  }
0x48: {  	_ =	shalt  }
0x49: {  	_ =	shalt  }
0x4a: {  	_ =	shalt  }
0x4b: {  	_ =	shalt  }
0x4c: {  	_ =	shalt  }
0x4d: {  	_ =	shalt  }
0x4e: {  	_ =	shalt  }
0x4f: {  	_ =	shalt  }
0x50: {  	_ =	shalt  }
0x51: {  	_ =	shalt  }
0x52: {  	_ =	shalt  }
0x53: {  	_ =	shalt  }
0x54: {  	_ =	shalt  }
0x55: {  	_ =	shalt  }
0x56: {  	_ =	shalt  }
0x57: {  	_ =	shalt  }
0x58: {  	_ =	shalt  }
0x59: {  	_ =	shalt  }
0x5a: {  	_ =	shalt  }
0x5b: {  	_ =	shalt  }
0x5c: {  	_ =	shalt  }
0x5d: {  	_ =	shalt  }
0x5e: {  	_ =	shalt  }
0x5f: {  	_ =	shalt  }
0x60: {  	_ =	shalt  }
0x61: {  	_ =	shalt  }
0x62: {  	_ =	shalt  }
0x63: {  	_ =	shalt  }
0x64: {  	_ =	shalt  }
0x65: {  	_ =	shalt  }
0x66: {  	_ =	shalt  }
0x67: {  	_ =	shalt  }
0x68: {  	_ =	shalt  }
0x69: {  	_ =	shalt  }
0x6a: {  	_ =	shalt  }
0x6b: {  	_ =	shalt  }
0x6c: {  	_ =	shalt  }
0x6d: {  	_ =	shalt  }
0x6e: {  	_ =	shalt  }
0x6f: {  	_ =	shalt  }
0x70: {  	_ =	shalt  }
0x71: {  	_ =	shalt  }
0x72: {  	_ =	shalt  }
0x73: {  	_ =	shalt  }
0x74: {  	_ =	shalt  }
0x75: {  	_ =	shalt  }
0x76: {  	_ =	shalt  }
0x77: {  	_ =	shalt  }
0x78: {  	_ =	shalt  }
0x79: {  	_ =	shalt  }
0x7a: {  	_ =	shalt  }
0x7b: {  	_ =	shalt  }
0x7c: {  	_ =	shalt  }
0x7d: {  	_ =	shalt  }
0x7e: {  	_ =	shalt  }
0x7f: {  	_ =	shalt  }
0x80: {  	_ =	shalt  }
0x81: {  	_ =	shalt  }
0x82: {  	_ =	shalt  }
0x83: {  	_ =	shalt  }
0x84: {  	_ =	shalt  }
0x85: {  	_ =	shalt  }
0x86: {  	_ =	shalt  }
0x87: {  	_ =	shalt  }
.Lfunc_end0:
.L_simem_size_0:
called_computation_lowered:
.L_overlay_start_0:
0x88: {  	s2 =	sld [smem:$0x3FD9]  }
0x89: {  	s3 =	sld [smem:$0x3FFE];
	_ =	sdelay $0x1  }
0x8a: {  	s1 =	srdreg.scid  }
0x8b: {  	s0 =	sand.u32 $0x1, s1  }
0x8c: {  	s17 =	sshll.u32 s0, $0xA;
	s2 =	sadd.s32 s3, s2  }
0x8d: {  	s2 =	sadd.s32 s2, s17  }
0x8e: {  	[smem:$0x3FC0] =	sst s2  }
0x8f: {  	_ = 	snop  }
0x90: {  	s2 =	sld [smem:$0x3FC8]  }
0x91: {  	s18 =	sld [smem:$0x3FC7]  }
0x92: {  	s4 =	sld [smem:$0x3FC6]  }
0x93: {  	s5 =	sld [smem:$0x3FD0];
	(tm) =	ssettm $0x1  }
0x94: {  	s6 =	sld [smem:$0x3FFB];
	_ =	sdelay $0x3  }
0x95: {  	_ =	strace s6  }
0x96: {  	s6 =	sld [smem:$0x3FFC];
	_ =	sdelay $0x3  }
0x97: {  	_ =	strace s6  }
0x98: {  	s6 =	sld [smem:$0x3FFD];
	_ =	sdelay $0x3  }
0x99: {  	_ =	strace s6  }
0x9a: {  	_ =	strace $0x8FFFFFFF  }
0x9b: {  	s19 =	sld [smem:$0x3FDB];
	_ =	sdelay $0x1  }
0x9c: {  	s7 =	simm.s32 $_scs_section_size  }
0x9d: {  	s8 =	simm.s32 $_size__tile_overlayer_lowered;
	s9 =	simm.s32 $_tile_overlayer_lowered  }
0x9e: {  	s22 =	simm.s32 $0x1BFF;
	s21 =	sshll.u32 s9, $0x1;
	s6 =	sadd.s32 s7, s19  }
0x9f: {  	s10 =	simm.s32 $0x0;
	s20 =	sshll.u32 s8, $0x1;
	s8 =	sadd.s32 s21, s6  }
0xa0: {  	[timem:s10], [sflag:s22] =	dma.local [hbm:s8], s20  }
0xa1: {  	_ =	swait.ge [sflag:s22], s20  }
0xa2: {  	s7 =	ssub.s32 $0x0, s20;
	[sflag:s22] =	ssyncset.done $0x0  }
0xa3: {  	[sflag:s22] =	ssyncadd.s32 s7;
	_ =	sdelay $0x1  }
0xa4: {  	s23 =	simm.s32 $0x1B8B  }
0xa5: {  	_ =	swait.ge [sflag:s23], $0x1  }
0xa6: {  	[sflag:s23] =	ssyncset.done $0x0  }
0xa7: {  	s25 =	simm.s32 $0x1B8E;
	s24 =	sld [smem:$0x3FFE];
	[sflag:s23] =	ssyncadd.s32 $0xFFFFFFFF  }
0xa8: {  	s26 =	simm.s32 $execute0_lowered;
	[smem:$0x3FD2] =	sst s25  }
0xa9: {  	s8 =	sshll.u32 s26, $0x1;
	_ =	strace $0x80000046;
	[dreg:$0x1] =	wrdreg $0xFFFFFFFF  }
0xaa: {  	s28 =	simm.s32 $_size_execute0_lowered;
	s6 =	sadd.s32 s6, s8;
	[dreg:$0x0] =	wrdreg $0x0  }
0xab: {  	s8 =	sshll.u32 s28, $0x1;
	[dreg:$0x2] =	wrdreg s6  }
0xac: {  	[dreg:$0x3] =	wrdreg s8  }
0xad: {  	[dreg:$0x4] =	wrdreg $0xC0  }
0xae: {  	_ =	task [dreg:s10], $0x5FFFF  }
0xaf: {  	[dreg:$0x1] =	wrdreg $0xFFFFFFFF  }
0xb0: {  	[dreg:$0x0] =	wrdreg $0x60  }
0xb1: {  	[dreg:$0x2] =	wrdreg s24  }
0xb2: {  	[dreg:$0x3] =	wrdreg s5  }
0xb3: {  	[dreg:$0x4] =	wrdreg s2  }
0xb4: {  	[dreg:$0x5] =	wrdreg s18  }
0xb5: {  	[dreg:$0x6] =	wrdreg s4  }
0xb6: {  	[dreg:$0x7] =	wrdreg $0x1DC800  }
0xb7: {  	[dreg:$0x8] =	wrdreg $0x9  }
0xb8: {  	_ =	task.clear_ibuf [dreg:s10], $0x9FFFF;
	_ =	strace $0x90000046  }
0xb9: {  	s29 =	simm.s32 $0x9;
	_ =	strace $0x80000048  }
0xba: {  	_ =	swait.ge [sflag:s29], $0x1  }
0xbb: {  	[sflag:s29] =	ssyncadd.s32 $0xFFFFFFFF  }
0xbc: {  	_ =	strace $0x90000048  }
0xbd: {  	_ =	sfence  }
0xbe: {  	s30 =	sld [smem:$0x0];
	_ =	sdelay $0x2  }
0xbf: {  	s31 =	sshll.u32 s1, $0xD;
	s1 =	sshrl.u32 s1, $0x2  }
0xc0: {  	s3 =	sand.u32 $0x4000, s31;
	s1 =	sadd.s32 s1, s30  }
0xc1: {  	s0 =	sor.u32 s3, s0;
	s1 =	sshll.u32 s1, $0x11  }
0xc2: {  	s0 =	sor.u32 s1, s0  }
0xc3: {  	s0 =	sadd.s32 $0x8F2B, s0  }
0xc4: {  	[sflag:s0] =	ssyncadd.remote.s32 $0x1  }
0xc5: {  	_ =	sfence.sel $0xFFFF  }
0xc6: {  	[dreg:$0x0] =	wrdreg $0xFFFFFFFF;
	(pc) =	sbr.abs _section_cstart, $3  }
0xc7: {  	[dreg:$0x1] =	wrdreg $0xFFFFFFFF  }
0xc8: {  	_ =	task.clear_ibuf [dreg:s10], $0x2FFFF;
	_ =	strace $0x9FFFFFFF  }
0xc9: {  	(tm) =	ssettm $0x7FFFFFFF  }
tec
execute0_lowered:
.L_overlay_start_1:
0x0: {  	(tag) =	ssettag $0x1  }
0x1: {  	s0 =	rddreg [dreg:$0x0]  }
0x2: {  	s2 =	rddreg [dreg:$0x2]  }
0x3: {  	s3 =	rddreg [dreg:$0x3]  }
0x4: {  	s4 =	rddreg [dreg:$0x4]  }
0x5: {  	s5 =	rddreg [dreg:$0x5];
	s7 =	simm.s32 $0x0  }
0x6: {  	s1 =	srdreg.scid;
	s11 =	stileid.u32;
	s28 =	simm.s32 $0x1A480  }
0x7: {  	s29 =	simm.s32 $0x1B480;
	s30 =	simm.s32 $0x3;
	s31 =	simm.s32 $0x1  }
0x8: {  	[smem:$0x7FF] =	sst s7;
	s1 =	sand.u32 $0x1, s1;
	s6 =	sshll.u32 s11, $0x1  }
0x9: {  	s8 =	sadd.s32 $0x600, s0;
	s15 =	smul.u32 $0x3100, s11;
	s9 =	sadd.s32 $0x800, s0  }
0xa: {  	s12 =	sadd.s32 $0xA00, s0;
	s21 =	smul.u32 $0x1880, s11;
	s11 =	simm.s32 $0x0  }
0xb: {  	_ =	strace $0x80000047;
	[dreg:$0x7] =	wrdreg s8;
	s6 =	sor.u32 s1, s6  }
0xc: {  	[dreg:$0x8] =	wrdreg s9;
	s16 =	sshll.u32 s1, $0x7;
	s1 =	ssub.s32 $0x2, s1  }
0xd: {  	[dreg:$0x9] =	wrdreg s12;
	s9 =	simm.s32 $0x1CC80;
	s6 =	smul.u32 $0x30D40, s6  }
0xe: {  	s8 =	sor.u32 s16, s15;
	s17 =	sshrl.u32 s1, $0x1;
	s24 =	sadd.s32 s21, s5  }
0xf: {  	s25 =	sshrl.u32 s21, $0x3;
	s8 =	sshrl.u32 s8, $0x3;
	s1 =	ssub.s32 s1, s17  }
0x10: {  	[dreg:$0x10] =	wrdreg s24;
	s10 =	sshrl.u32 s6, $0x3;
	s26 =	smax.u32 s1, $0x1  }
0x11: {  	s24 =	simm.s32 $0x19C80;
	s18 =	sadd.s32 s2, s10;
	[dreg:$0x13] =	wrdreg s26  }
0x12: {  	v0 =	vimm.s32 $0xFFEDCBA9;
	v1 =	vimm.s32 $0x87654321;
	s0 =	sadd.s32 s8, s0;
	s19 =	sadd.s32 s3, s10;
	[dreg:$0xa] =	wrdreg s18  }
0x13: {  	v0 =	vunpack.c.l.s4.s8 v0;
	v1 =	vunpack.c.l.s4.s8 v1;
	s20 =	sadd.s32 $0xFA, s10;
	s10 =	sadd.s32 s4, s10;
	[dreg:$0xb] =	wrdreg s19  }
0x14: {  	s1 =	simm.s32 $0x480;
	s0 =	sadd.s32 $0x3C00, s0;
	[dreg:$0xc] =	wrdreg s10  }
0x15: {  	v0 =	vunpack.c.0.s8.s32 v0;
	v1 =	vunpack.c.0.s8.s32 v1;
	s26 =	simm.s32 $0x18C80;
	s22 =	sadd.s32 s2, s20;
	[dreg:$0x12] =	wrdreg s0  }
0x16: {  	s23 =	sadd.s32 s3, s20;
	s8 =	sadd.s32 s4, s20;
	[dreg:$0xd] =	wrdreg s22  }
0x17: {  	v0 =	vcombine.low v1, v0;
	s19 =	sadd.s32 $0xFA0, s6;
	s20 =	sadd.s32 $0x1770, s6;
	[dreg:$0xe] =	wrdreg s23  }
0x18: {  	vm0 =	vcmask $0x3F3C;
	vm1 =	vmmov $0x7fff;
	s0 =	simm.s32 $0x1BC80;
	[dreg:$0xf] =	wrdreg s8;
	s8 =	sadd.s32 s12, s25  }
0x19: {  	v2 =	vlaneseq.u32;
	v3 =	vimm.f32 $0.0e+00;
	s6 =	simm.s32 $0x2;
	v1 =	vand.u32 $0xF, v0;
	[dreg:$0x11] =	wrdreg s8;
	s8 =	simm.s32 $0x800  }
.LBB2_1:
0x1a: {  	[dreg:$0x14] =	wrdreg s11  }
0x1b: {  	s10 =	rddreg [dreg:$0xa]  }
0x1c: {  	[tilespmem:s26], [sflag:$0x1] =	stream.linear.gather [hbm4b:s10+s7], $0x7D0, $0x38;
	[tilespmem:$0x1F500] =	vst v63  }
0x1d: {  	s18 =	rddreg [dreg:$0xb]  }
0x1e: {  	[tilespmem:s24], [sflag:$0x1] =	stream.linear.gather [hbm4b:s18+s7], $0x7D0, $0x38;
	[tilespmem:$0x1F500] =	vst v63  }
0x1f: {  	s21 =	rddreg [dreg:$0xc];
	s22 =	simm.s32 $0x1AC80  }
0x20: {  	[tilespmem:s22], [sflag:$0x1] =	stream.linear.gather [hbm4b:s21+s7], $0x7D0, $0x38;
	[tilespmem:$0x1F500] =	vst v63  }
0x21: {  	s23 =	rddreg [dreg:$0xd];
	s25 =	simm.s32 $0x19480  }
0x22: {  	[tilespmem:s25], [sflag:$0x2] =	stream.linear.gather [hbm4b:s23+s7], $0x7D0, $0x38;
	[tilespmem:$0x1F500] =	vst v63  }
0x23: {  	s12 =	rddreg [dreg:$0xe]  }
0x24: {  	[tilespmem:s28], [sflag:$0x2] =	stream.linear.gather [hbm4b:s12+s7], $0x7D0, $0x38;
	[tilespmem:$0x1F500] =	vst v63  }
0x25: {  	s13 =	rddreg [dreg:$0xf]  }
0x26: {  	[tilespmem:s29], [sflag:$0x2] =	stream.linear.gather [hbm4b:s13+s7], $0x7D0, $0x38;
	[tilespmem:$0x1F500] =	vst v63  }
0x27: {  	s14 =	rddreg [dreg:$0x7]  }
0x28: {  	[tilespmem:s7], [sflag:$0x3] =	stream.linear.gather [hbm4b:s14+s7], $0x80, $0x38;
	[tilespmem:$0x1F500] =	vst v63  }
0x29: {  	s17 =	stileid.u32;
	_ =	swait.ge [sflag:s30], $0x80  }
0x2a: {  	s16 =	simm.s32 $0x80;
	s10 =	sshll.u32 s17, $0x6;
	[sflag:s30] =	ssyncset.done $0x0  }
0x2b: {  	s18 =	sor.u32 $0x1C03, s10;
	s15 =	rddreg [dreg:$0x8];
	[sflag:s30] =	ssyncadd.s32 $0xFFFFFF80  }
0x2c: {  	[tilespmem:s16], [sflag:$0x3] =	stream.linear.gather [hbm4b:s15+s7], $0x400, $0x38;
	[tilespmem:$0x1F500] =	vst v63  }
0x2d: {  	_ =	swait.ge [sflag:s30], $0x400;
	[dreg:$0x15] =	wrdreg s18  }
0x2e: {  	s21 =	rddreg [dreg:$0x10]  }
0x2f: {  	[sflag:s30] =	ssyncset.done $0x0;
	s22 =	rddreg [dreg:$0x11];
	s12 =	sshrl.u32 s21, $0x3  }
0x30: {  	[sflag:s30] =	ssyncadd.s32 $0xFFFFFC00;
	[dreg:$0x16] =	wrdreg s12  }
0x31: {  	[spmem:s12], [sflag:s18] =	dma.local [hbm:s22], $0x310  }
0x32: {  	_ =	swait.ge [sflag:s30], $0x310  }
0x33: {  	[sflag:s30] =	ssyncset.done $0x0  }
0x34: {  	s23 =	rddreg [dreg:$0x9];
	[sflag:s30] =	ssyncadd.s32 $0xFFFFFCF0  }
0x35: {  	[tilespmem:s0], [sflag:$0x3] =	stream.linear.gather [hbm4b:s23+s7], $0x1000, $0x38;
	[tilespmem:$0x1F500] =	vst v63  }
0x36: {  	_ =	swait.ge [sflag:s30], $0x1000  }
0x37: {  	[sflag:s30] =	ssyncset.done $0x0  }
0x38: {  	[sflag:s30] =	ssyncadd.s32 $0xFFFFF000  }
0x39: {  	s25 =	rddreg [dreg:$0x1]  }
0x3a: {  	[tilespmem:s1], [sflag:$0x3] =	stream.linear.gather [hbm4b:s25+s7], $0x18800, $0x38;
	[tilespmem:$0x1F500] =	vst v63  }
0x3b: {  	_ =	swait.ge [sflag:s30], $0x18800  }
0x3c: {  	[sflag:s30] =	ssyncset.done $0x0  }
0x3d: {  	s10 =	simm.s32 $0x4A0;
	[sflag:s30] =	ssyncadd.s32 $0xFFFE7800  }
0x3e: {  	v4 =	vld [tilespmem:s10+$0x10];
	_ =	sdelay $0x1  }
0x3f: {  	v6 =	vld [tilespmem:s10+$0xFFFFFFE0]  }
0x40: {  	v7 =	vld [tilespmem:s10+$0xFFFFFFF0]  }
0x41: {  	s13 =	simm.s32 $0x4E0;
	v11 =	vld [tilespmem:s10+$0x0]  }
0x42: {  	v12 =	vld [tilespmem:s13+$0x10]  }
0x43: {  	v5 =	vld [tilespmem:s13+$0xFFFFFFF0]  }
0x44: {  	v10 =	vld [tilespmem:s13+$0xFFFFFFE0]  }
0x45: {  	v13 =	vld.idx.msk [tilespmem:v4+s7+$0x0], $0xffff  }
0x46: {  	v4 =	vld [tilespmem:s13+$0x0]  }
0x47: {  	v9 =	vld.idx.msk [tilespmem:v6+s7+$0x0], $0xffff  }
0x48: {  	v8 =	vld.idx.msk [tilespmem:v7+s7+$0x0], $0xffff  }
0x49: {  	v6 =	vld.idx.msk [tilespmem:v11+s7+$0x0], $0xffff  }
0x4a: {  	s11 =	simm.s32 $0x40;
	s12 =	simm.s32 $0x520;
	v7 =	vld.idx.msk [tilespmem:v12+s7+$0x0], $0xffff;
	[tilespmem:s10+$0x10] =	vst v13  }
.LBB2_2:
0x4b: {  	v11 =	vld [tilespmem:s12+$0x10];
	s11 =	sadd.s32 $0x40, s11  }
0x4c: {  	v12 =	vld [tilespmem:s12+$0xFFFFFFF0];
	p0 =	slt.u32 s11, $0x187C0;
	[tilespmem:s10+$0xFFFFFFE0] =	vst v9  }
0x4d: {  	v13 =	vld [tilespmem:s12+$0x0];
	[tilespmem:s10+$0xFFFFFFF0] =	vst v8  }
0x4e: {  	v14 =	vld [tilespmem:s12+$0xFFFFFFE0];
	[tilespmem:s10+$0x0] =	vst v6;
	s10 =	smov.u32 s13;
	s13 =	smov.u32 s12  }
.Ltmp0:
0x4f: {  	v9 =	vld.idx.msk [tilespmem:v10+s7+$0x0], $0xffff;
	(pc) =	sbr.rel @p0 .LBB2_2-.Ltmp0, $4  }
0x50: {  	v8 =	vld.idx.msk [tilespmem:v5+s7+$0x0], $0xffff;
	[tilespmem:s10+$0x10] =	vst v7  }
0x51: {  	v6 =	vld.idx.msk [tilespmem:v4+s7+$0x0], $0xffff;
	v5 =	vmov v12  }
0x52: {  	v4 =	vmov v13  }
0x53: {  	s12 =	sadd.s32 $0x40, s12;
	v7 =	vld.idx.msk [tilespmem:v11+s7+$0x0], $0xffff;
	v10 =	vmov v14  }
0x54: {  	_ =	sdelay $0x3  }
0x55: {  	v10 =	vld.idx.msk [tilespmem:v10+s7+$0x0], $0xffff  }
0x56: {  	[tilespmem:s10+$0xFFFFFFE0] =	vst v9;
	v5 =	vld.idx.msk [tilespmem:v5+s7+$0x0], $0xffff  }
0x57: {  	v4 =	vld.idx.msk [tilespmem:v4+s7+$0x0], $0xffff;
	[tilespmem:s10+$0xFFFFFFF0] =	vst v8  }
0x58: {  	[tilespmem:s10+$0x0] =	vst v6  }
0x59: {  	[tilespmem:s13+$0x10] =	vst v7  }
0x5a: {  	[tilespmem:s13+$0xFFFFFFE0] =	vst v10  }
0x5b: {  	[tilespmem:s13+$0xFFFFFFF0] =	vst v5  }
0x5c: {  	[tilespmem:s13+$0x0] =	vst v4  }
0x5d: {  	[bflag:$0x0] =	sbarrier.arrive $0xFFFF  }
0x5e: {  	v7 =	vld [tilespmem:$0x80]  }
0x5f: {  	v6 =	vld [tilespmem:$0x100]  }
0x60: {  	v5 =	vld [tilespmem:$0x180]  }
.Ltmp1:
0x61: {  	v10 =	vld [tilespmem:$0x300];
	(pc) =	sbr.rel .LBB2_4-.Ltmp1, $4  }
0x62: {  	v9 =	vld [tilespmem:$0x380]  }
0x63: {  	v4 =	vld [tilespmem:$0x200]  }
0x64: {  	v11 =	vld [tilespmem:$0x280]  }
0x65: {  	s21 =	simm.s32 $0x0;
	s17 =	simm.s32 $0x0;
	v8 =	vld [tilespmem:$0x400]  }
.LBB2_36:
0x66: {  	s10 =	sadd.s32 s22, s20  }
0x67: {  	s17 =	sadd.s32 $0x1, s17;
	s10 =	sshrl.u32 s10, $0x3  }
0x68: {  	s12 =	simm.s32 $0x19480;
	p0 =	sne.s32 s17, $0x31;
	s11 =	sadd.s32 s2, s10  }
0x69: {  	[tilespmem:s12], [sflag:$0x2] =	stream.linear.gather [hbm4b:s11+s7], $0x7D0, $0x38;
	[tilespmem:$0x1F500] =	vst v63  }
.Ltmp2:
0x6a: {  	_ = 	snop;
	(pc) =	sbr.rel @!p0 .LBB2_37-.Ltmp2, $4  }
0x6b: {  	s25 =	sadd.s32 s3, s10  }
0x6c: {  	[tilespmem:s28], [sflag:$0x2] =	stream.linear.gather [hbm4b:s25+s7], $0x7D0, $0x38;
	[tilespmem:$0x1F500] =	vst v63  }
0x6d: {  	s10 =	sadd.s32 s4, s10  }
0x6e: {  	[tilespmem:s29], [sflag:$0x2] =	stream.linear.gather [hbm4b:s10+s7], $0x7D0, $0x38;
	[tilespmem:$0x1F500] =	vst v63  }
.LBB2_4:
0x6f: {  	_ =	swait.ge [sflag:s31], $0x7D0  }
0x70: {  	[sflag:s31] =	ssyncset.done $0x0  }
0x71: {  	[sflag:s31] =	ssyncadd.s32 $0xFFFFF830  }
0x72: {  	_ =	swait.ge [sflag:s31], $0x7D0  }
0x73: {  	[sflag:s31] =	ssyncset.done $0x0  }
0x74: {  	[sflag:s31] =	ssyncadd.s32 $0xFFFFF830  }
0x75: {  	_ =	swait.ge [sflag:s31], $0x7D0  }
0x76: {  	[sflag:s31] =	ssyncset.done $0x0  }
0x77: {  	[sflag:s31] =	ssyncadd.s32 $0xFFFFF830  }
0x78: {  	v12 =	vld [tilespmem:$0x19C80]  }
0x79: {  	v13 =	vld [tilespmem:$0x1A440];
	_ =	sdelay $0x3  }
0x7a: {  	v12 =	vxor.u32 $0x80000000, v12  }
0x7b: {  	v61 =	vxor.u32 $0x80000000, v13;
	(xrf0) =	vmin.scan.msk.u32 $0xffff, v12  }
0x7c: {  	(xrf0) =	vmax.scan.msk.u32 $0xffff, v61;
	_ =	sdelay $0x4  }
0x7d: {  	v62, _, _ =	vpop (xrf0)  }
0x7e: {  	(v2sf) =	vpush v62, $0xF;
	v63, _, _ =	vpop (xrf0)  }
0x7f: {  	(v2sf) =	vpush v63, $0xF;
	_ =	sdelay $0xd  }
0x80: {  	s13 =	spop (v2sf)  }
0x81: {  	s10 =	spop (v2sf)  }
0x82: {  	s16 =	sadd.s32 $0x1000, s21;
	s10 =	sxor.u32 $0x80000000, s10  }
0x83: {  	p0 =	slt.s32 s10, s16  }
.Ltmp3:
0x84: {  	_ = 	snop;
	(pc) =	sbr.rel @!p0 .LBB2_6-.Ltmp3, $1  }
0x85: {  	_ =	sdelay $0x3  }
.Ltmp4:
0x86: {  	(pc) =	sbr.rel .LBB2_13-.Ltmp4, $2  }
0x87: {  	_ =	sdelay $0x2  }
0x88: {  	s18 =	smov.u32 s21  }
.LBB2_6:
0x89: {  	s18 =	sxor.u32 $0x80000000, s13;
	p1 =	por $0x1, $0x1;
	s14 =	simm.s32 $0x0  }
.LBB2_7:
0x8a: {  	s15 =	sadd.s32 s21, s14  }
0x8b: {  	v12 =	vadd.s32 s15, v2;
	s11 =	sadd.s32 $0x10, s15;
	s12 =	sadd.s32 $0x20, s15;
	s16 =	sadd.s32 $0x30, s15  }
0x8c: {  	v13 =	vadd.s32 s11, v2;
	v15 =	vadd.s32 s12, v2;
	v16 =	vadd.s32 s16, v2  }
0x8d: {  	p0 =	por p1, p1;
	vm2 =	vlt.s32 v13, $0x187FF;
	vm3 =	vlt.s32 v15, $0x187FF;
	vm4 =	vlt.s32 v16, $0x187FF  }
0x8e: {  	s22 =	simm.s32 $0x0;
	s16 =	simm.s32 $0x1CCA0;
	s11 =	simm.s32 $0x1CCA0;
	v14 =	vnsel vm2, $0x187FF, v13;
	v13 =	vnsel vm3, $0x187FF, v15;
	v15 =	vnsel vm4, $0x187FF, v16  }
.LBB2_8:
0x8f: {  	s22 =	sadd.s32 $0x4, s22  }
0x90: {  	vm2 =	vlt.s32 v12, $0x187FF;
	[tilespmem:s16+$0x10] =	vst v15;
	s15 =	sadd.s32 $0x40, s15;
	s11 =	sadd.s32 $0x40, s11;
	p1 =	slt.u32 s22, $0x7C  }
.Ltmp5:
0x91: {  	v15 =	vnsel vm2, $0x187FF, v12;
	[tilespmem:s16+$0xFFFFFFF0] =	vst v14;
	(pc) =	sbr.rel @p1 .LBB2_8-.Ltmp5, $4  }
0x92: {  	v12 =	vadd.s32 s15, v2;
	s12 =	sadd.s32 $0x10, s15;
	s23 =	sadd.s32 $0x20, s15;
	s25 =	sadd.s32 $0x30, s15;
	[tilespmem:s16+$0xFFFFFFE0] =	vst v15  }
0x93: {  	v14 =	vadd.s32 s12, v2;
	v15 =	vadd.s32 s23, v2;
	v16 =	vadd.s32 s25, v2;
	[tilespmem:s16+$0x0] =	vst v13;
	s16 =	smov.u32 s11  }
0x94: {  	vm2 =	vlt.s32 v14, $0x187FF;
	vm3 =	vlt.s32 v15, $0x187FF;
	vm4 =	vlt.s32 v16, $0x187FF  }
0x95: {  	v14 =	vnsel vm2, $0x187FF, v14;
	v13 =	vnsel vm3, $0x187FF, v15;
	v15 =	vnsel vm4, $0x187FF, v16  }
0x96: {  	[tilespmem:s16+$0x10] =	vst v15  }
0x97: {  	vm2 =	vlt.s32 v12, $0x187FF;
	[tilespmem:s16+$0xFFFFFFF0] =	vst v14  }
0x98: {  	[tilespmem:s16+$0x0] =	vst v13;
	v12 =	vnsel vm2, $0x187FF, v12  }
0x99: {  	s11 =	sadd.s32 $0x1BC80, s14;
	s12 =	simm.s32 $0x0;
	[tilespmem:s16+$0xFFFFFFE0] =	vst v12  }
0x9a: {  	[spmem:s5] =	stream.indirect.scatter.add.f32 [tilespmem:s11], [sflag:$0x3], $0x1, s9, s8, $0xb8;
	[tilespmem:$0x1F500] =	vst v63  }
0x9b: {  	s23 =	sand.u32 $0x780, s12;
	_ =	swait.ge [sflag:s30], $0x800  }
0x9c: {  	s15 =	sand.u32 $0x40, s12;
	s25 =	sadd.s32 s23, s11;
	[sflag:s30] =	ssyncset.done $0x0  }
0x9d: {  	s14 =	simm.s32 $0x0;
	s15 =	sadd.s32 s15, s25;
	[sflag:s30] =	ssyncadd.s32 $0xFFFFF800  }
.LBB2_10:
0x9e: {  	s14 =	sadd.s32 $0x4, s14  }
0x9f: {  	[tilespmem:s15+$0x30] =	vst v3;
	s12 =	sadd.s32 $0x40, s12;
	p1 =	slt.u32 s14, $0x7C  }
.Ltmp6:
0xa0: {  	[tilespmem:s15+$0x20] =	vst v3;
	(pc) =	sbr.rel @p1 .LBB2_10-.Ltmp6, $4  }
0xa1: {  	[tilespmem:s15+$0x0] =	vst v3  }
0xa2: {  	s16 =	sand.u32 $0x780, s12;
	[tilespmem:s15+$0x10] =	vst v3  }
0xa3: {  	s16 =	sadd.s32 s16, s11;
	s15 =	sand.u32 $0x40, s12  }
0xa4: {  	s15 =	sadd.s32 s15, s16  }
.Ltmp7:
0xa5: {  	(pc) =	sbr.rel @p0 .LBB2_7-.Ltmp7, $4  }
0xa6: {  	[tilespmem:s15+$0x30] =	vst v3  }
0xa7: {  	[tilespmem:s15+$0x20] =	vst v3  }
0xa8: {  	[tilespmem:s15+$0x0] =	vst v3  }
0xa9: {  	[tilespmem:s15+$0x10] =	vst v3;
	s14 =	simm.s32 $0x800;
	p1 =	por $0x0, $0x0  }
0xaa: {  	s16 =	sadd.s32 $0x80001000, s13  }
.LBB2_13:
0xab: {  	p0 =	sge.s32 s10, s16  }
.Ltmp8:
0xac: {  	_ = 	snop;
	(pc) =	sbr.rel @p0 .LBB2_14-.Ltmp8, $2  }
0xad: {  	_ =	sdelay $0x2  }
0xae: {  	v12 =	vmov s18;
	s10 =	simm.s32 $0x18CA0;
	s15 =	simm.s32 $0x1ACA0;
	s14 =	simm.s32 $0x19CA0  }
0xaf: {  	v13 =	vld [tilespmem:s15+$0x0]  }
0xb0: {  	v18 =	vld [tilespmem:s14+$0xFFFFFFE0]  }
0xb1: {  	v19 =	vld [tilespmem:s14+$0x0]  }
0xb2: {  	v26 =	vld [tilespmem:s14+$0x10]  }
0xb3: {  	v15 =	vld [tilespmem:s15+$0x10]  }
0xb4: {  	v14 =	vld [tilespmem:s15+$0xFFFFFFE0]  }
0xb5: {  	v17 =	vld [tilespmem:s15+$0xFFFFFFF0]  }
0xb6: {  	v16 =	vld [tilespmem:s14+$0xFFFFFFF0]  }
0xb7: {  	v22 =	vld [tilespmem:s10+$0x0]  }
0xb8: {  	v13 =	vld.idx.msk [tilespmem:v13+s1+$0x0], $0xffff  }
0xb9: {  	v21 =	vld.idx.msk [tilespmem:v19+s1+$0x0], $0xffff  }
0xba: {  	v23 =	vld.idx.msk [tilespmem:v26+s1+$0x0], $0xffff  }
0xbb: {  	v15 =	vld.idx.msk [tilespmem:v15+s1+$0x0], $0xffff  }
0xbc: {  	v24 =	vld [tilespmem:s10+$0x10]  }
0xbd: {  	v20 =	vld.idx.msk [tilespmem:v18+s1+$0x0], $0xffff  }
0xbe: {  	v14 =	vld.idx.msk [tilespmem:v14+s1+$0x0], $0xffff  }
0xbf: {  	v13 =	vadd.f32 v13, v21  }
0xc0: {  	v27 =	vperm.xlane v19, v1;
	v21 =	vld [tilespmem:s10+$0xFFFFFFE0];
	v15 =	vadd.f32 v15, v23  }
0xc1: {  	v25 =	vperm.xlane v26, v1;
	v17 =	vld.idx.msk [tilespmem:v17+s1+$0x0], $0xffff;
	v22 =	vmul.f32 v13, v22  }
0xc2: {  	v23 =	vld.idx.msk [tilespmem:v16+s1+$0x0], $0xffff;
	v13 =	vperm.xlane v16, v1;
	v24 =	vmul.f32 v15, v24  }
0xc3: {  	v14 =	vadd.f32 v14, v20;
	v28 =	vmul.f32 v22, v10;
	v29 =	vmul.f32 v22, v8  }
0xc4: {  	v15 =	vld [tilespmem:s10+$0xFFFFFFF0];
	v20 =	vmul.f32 v22, v9;
	v22 =	vmul.f32 v22, v11  }
0xc5: {  	v34 =	vmul.f32 v24, v9;
	v14 =	vmul.f32 v14, v21  }
0xc6: {  	v21 =	vmul.f32 v24, v11;
	v20 =	vmul.f32 $1.442695020e+00, v20  }
0xc7: {  	v17 =	vadd.f32 v17, v23;
	v29 =	vmul.f32 $1.442695020e+00, v29;
	v22 =	vmul.f32 $1.442695020e+00, v22  }
0xc8: {  	v30 =	vmul.f32 v14, v11;
	v31 =	vmul.f32 v14, v8  }
0xc9: {  	v23 =	vmul.f32 v14, v10;
	v17 =	vmul.f32 v17, v15  }
0xca: {  	v14 =	vmul.f32 v14, v9;
	v21 =	vmul.f32 $1.442695020e+00, v21  }
0xcb: {  	(erf) = vpow2.f32 v20;
	v20 =	vmul.f32 $1.442695020e+00, v30  }
0xcc: {  	v30 =	vmul.f32 v24, v10;
	v32 =	vmul.f32 v17, v11  }
0xcd: {  	s11 =	simm.s32 $0x1ACE0;
	v33 =	vmul.f32 v17, v10;
	v23 =	vmul.f32 $1.442695020e+00, v23  }
0xce: {  	v45 =	vld [tilespmem:s11+$0x10];
	v35 =	vmul.f32 $1.442695020e+00, v14;
	v14 =	vmul.f32 $1.442695020e+00, v28  }
0xcf: {  	v24 =	vmul.f32 v24, v8;
	(erf) = vpow2.f32 v20  }
0xd0: {  	s25 =	simm.s32 $0x19CE0;
	v31 =	vmul.f32 $1.442695020e+00, v31;
	(erf) = vpow2.f32 v23  }
0xd1: {  	v15 =	vld [tilespmem:s25+$0x0];
	v20 =	vmul.f32 $1.442695020e+00, v32;
	(erf) = vpow2.f32 v29  }
0xd2: {  	v28 =	vld [tilespmem:s11+$0x0];
	v24 =	vmul.f32 $1.442695020e+00, v24;
	(erf) = vpow2.f32 v14  }
0xd3: {  	v23 =	vmul.f32 $1.442695020e+00, v34;
	v14 =	vld [tilespmem:s25+$0x10];
	(erf) = vpow2.f32 v20  }
0xd4: {  	s21 =	simm.s32 $0x18CE0;
	v38 =	vld [tilespmem:s11+$0xFFFFFFF0];
	vm2 =	vne.s32 v19, v27;
	v29 =	vmul.f32 v17, v9;
	(erf) = vpow2.f32 v21  }
0xd5: {  	v41 =	vld [tilespmem:s21+$0x0];
	vm3 =	vne.s32 v26, v25;
	v17 =	vmul.f32 v17, v8;
	(erf) = vpow2.f32 v22  }
0xd6: {  	v25 =	vsub.s32 v25, v12;
	v34 =	vld.idx.msk [tilespmem:v45+s1+$0x0], $0xffff;
	v20 =	vperm.xlane v15, v1;
	v44 =	vpop (erf);
	(erf) = vpow2.f32 v23  }
0xd7: {  	vm2 =	vmmov vm2;
	v29 =	vmul.f32 $1.442695020e+00, v29;
	v36 =	vmul.f32 $1.442695020e+00, v17;
	v21 =	vld [tilespmem:s25+$0xFFFFFFE0]  }
0xd8: {  	vm3 =	vmmov vm3;
	v23 =	vmul.f32 $1.442695020e+00, v30;
	v30 =	vld [tilespmem:s11+$0xFFFFFFE0];
	v17 =	vperm.xlane v14, v1;
	v22 =	vpop (erf)  }
0xd9: {  	v26 =	vsub.s32 v26, v12;
	v40 =	vld.idx.msk [tilespmem:v15+s1+$0x0], $0xffff;
	(erf) = vpow2.f32 v24;
	v24 =	vmul.f32 v22, v7;
	v22 =	vpop (erf)  }
0xda: {  	vm6 =	vmmov vm2;
	(erf) = vpow2.f32 v23;
	v23 =	vld.idx.msk [tilespmem:v28+s1+$0x0], $0xffff;
	v28 =	vmul.f32 $1.442695020e+00, v33;
	v37 =	vpop (erf)  }
0xdb: {  	vm4 =	vne.s32 v15, v20;
	v39 =	vmul.f32 v22, v6;
	(erf) = vpow2.f32 v35;
	v42 =	vld.idx.msk [tilespmem:v14+s1+$0x0], $0xffff;
	v22 =	vpop (erf)  }
0xdc: {  	vm2 =	vmmov vm4;
	(erf) = vpow2.f32 v28;
	v46 =	vmul.f32 v22, v6;
	v47 =	vpop (erf);
	v22 =	vld [tilespmem:s25+$0xFFFFFFF0]  }
0xdd: {  	vm4 =	vmmov vm3;
	v28 =	vmul.f32 v44, v5;
	(erf) = vpow2.f32 v31;
	v31 =	vld [tilespmem:s21+$0x10];
	v48 =	vpop (erf)  }
0xde: {  	v37 =	vmul.f32 v37, v4;
	v39 =	vadd.f32 v39, v24;
	(erf) = vpow2.f32 v29;
	v24 =	vpop (erf)  }
0xdf: {  	v50 =	vld.idx.msk [tilespmem:v21+s1+$0x0], $0xffff;
	v35 =	vmul.f32 v47, v7;
	v23 =	vadd.f32 v23, v40;
	v24 =	vmul.f32 v24, v7;
	v29 =	vpop (erf)  }
0xe0: {  	v43 =	vmul.f32 v48, v7;
	v52 =	vld.idx.msk [tilespmem:v30+s1+$0x0], $0xffff;
	v34 =	vadd.f32 v34, v42;
	v29 =	vmul.f32 v29, v5  }
0xe1: {  	v41 =	vmul.f32 v23, v41;
	v49 =	vadd.f32 v46, v24;
	v24 =	vperm.xlane v22, v1  }
0xe2: {  	v53 =	vld [tilespmem:s21+$0xFFFFFFE0];
	vm3 =	vmand vm6, vm1;
	v51 =	vpop (erf);
	(erf) = vpow2.f32 v36;
	v33 =	vmul.f32 v34, v31  }
0xe3: {  	vm5 =	vne.s32 v14, v17;
	v30 =	vpop (erf);
	v44 =	vmul.f32 v51, v4;
	v46 =	vmul.f32 v41, v8  }
0xe4: {  	v23 =	vsub.s32 v27, v12;
	v32 =	vmul.f32 v41, v11;
	v27 =	vmul.f32 v30, v6;
	v45 =	vpop (erf)  }
0xe5: {  	v38 =	vld.idx.msk [tilespmem:v38+s1+$0x0], $0xffff;
	v30 =	vmul.f32 v41, v10;
	v41 =	vmul.f32 v41, v9;
	v36 =	vadd.f32 v52, v50;
	v47 =	vpop (erf)  }
0xe6: {  	v28 =	vadd.f32 v49, v28;
	v54 =	vmul.f32 v45, v5;
	v57 =	vld.idx.msk [tilespmem:v22+s1+$0x0], $0xffff;
	v55 =	vmul.f32 v47, v6  }
0xe7: {  	v27 =	vadd.f32 v27, v43;
	v56 =	vpop (erf);
	v36 =	vmul.f32 v36, v53;
	v41 =	vmul.f32 $1.442695020e+00, v41  }
0xe8: {  	v60 =	vld [tilespmem:s21+$0xFFFFFFF0];
	v28 =	vadd.f32 v28, v37;
	v31 =	vadd.f32 v39, v54;
	v58 =	vpop (erf);
	v43 =	vmul.f32 v56, v4  }
0xe9: {  	v39 =	vmul.f32 $1.442695020e+00, v46;
	v59 =	vadd.f32 v55, v35;
	v34 =	vmul.f32 v58, v5  }
0xea: {  	v29 =	vadd.f32 v27, v29;
	v35 =	vmul.f32 v33, v11;
	v61 =	vmul.f32 v36, v11  }
0xeb: {  	v27 =	vmul.f32 v36, v8;
	v40 =	vmul.f32 v36, v10;
	v62 =	vadd.f32 v38, v57  }
0xec: {  	(erf) = vpow2.f32 v41;
	v43 =	vadd.f32 v31, v43;
	v41 =	vmul.f32 $1.442695020e+00, v61;
	v63 =	vpop (erf)  }
0xed: {  	(xrf2) =	vadd.scan.msk.f32 $0xffff, v28;
	v34 =	vadd.f32 v59, v34;
	v31 =	vmul.f32 v62, v60;
	v45 =	vmul.f32 v63, v4  }
0xee: {  	v38 =	vmul.f32 v36, v9;
	v37 =	vadd.f32 v29, v44;
	v36 =	vmul.f32 v33, v10  }
0xef: {  	s22 =	simm.s32 $0x40;
	s14 =	simm.s32 $0x19D20;
	s10 =	simm.s32 $0x1AD20;
	v29 =	vperm.xlane v18, v1;
	(xrf2) =	vadd.scan.msk.f32 $0xffff, v43;
	v42 =	vmul.f32 v31, v11;
	v34 =	vadd.f32 v34, v45  }
.LBB2_18:
0xf0: {  	v44 =	vmul.f32 v31, v10  }
0xf1: {  	v43 =	vld [tilespmem:s10+$0x0];
	s22 =	sadd.s32 $0x40, s22;
	v45 =	vmul.f32 v33, v9;
	s21 =	sadd.s32 $0x40, s21;
	vm9 =	vne.s32 v16, v13;
	vm7 =	vmmov vm5  }
0xf2: {  	v47 =	vmul.f32 $1.442695020e+00, v40;
	v28 =	vld [tilespmem:s21+$0xFFFFFFE0];
	p0 =	slt.u32 s22, $0x780;
	(erf) = vpow2.f32 v41;
	vm8 =	vne.s32 v18, v29  }
0xf3: {  	v38 =	vmul.f32 $1.442695020e+00, v38;
	v30 =	vmul.f32 $1.442695020e+00, v30;
	vm5 =	vmor vm6, vm0;
	v41 =	vld [tilespmem:s14+$0xFFFFFFE0];
	(xrf2) =	vadd.scan.msk.f32 $0xffff, v37  }
0xf4: {  	v32 =	vmul.f32 $1.442695020e+00, v32;
	v37 =	vmul.f32 $1.442695020e+00, v42;
	v42 =	vsub.s32 v19, v12;
	v19 =	vmovc v15;
	v15 =	vld [tilespmem:s14+$0x0]  }
0xf5: {  	v45 =	vmul.f32 $1.442695020e+00, v45;
	vm6 =	vmor vm8, vm0;
	v46 =	vld [tilespmem:s10+$0xFFFFFFE0];
	(erf) = vpow2.f32 v47;
	v40 =	vpop (erf)  }
0xf6: {  	v48 =	vmul.f32 v33, v8;
	v47 =	vld [tilespmem:s10+$0xFFFFFFF0];
	(erf) = vpow2.f32 v39;
	v39 =	vsub.s32 v18, v12;
	v18 =	vmovc v21  }
0xf7: {  	v49 =	vmul.f32 v31, v9;
	vm11 =	vmand vm8, vm1;
	v33 =	vld [tilespmem:s21+$0x10];
	(erf) = vpow2.f32 v30;
	v30, _, _ =	vpop (xrf2)  }
0xf8: {  	v35 =	vmul.f32 $1.442695020e+00, v35;
	v50 =	vld [tilespmem:s10+$0x10];
	(erf) = vpow2.f32 v37;
	v37 =	vsub.s32 v29, v12;
	(xrf2) =	vadd.scan.msk.f32 $0xffff, v34;
	v21 =	vmovc v41  }
0xf9: {  	vm8 =	vmand vm9, vm1;
	v41 =	vmul.f32 $1.442695020e+00, v48;
	v34 =	vperm.xlane v15, v1;
	[tilespmem:v42+s0+$0x0] =	vst.idx.add.f32.msk vm5, v30  }
0xfa: {  	vm5 =	vmor vm4, vm0;
	v29 =	vld [tilespmem:s14+$0x10];
	(erf) = vpow2.f32 v35;
	v35 =	vsub.s32 v13, v12;
	v13, _, _ =	vpop (xrf2)  }
0xfb: {  	v42 =	vmul.f32 $1.442695020e+00, v49;
	v48 =	vpop (erf);
	(erf) = vpow2.f32 v32;
	[tilespmem:v39+s0+$0x0] =	vst.idx.add.f32.msk vm6, v13;
	v32 =	vsub.f32 $0.0e+00, v13  }
0xfc: {  	v31 =	vmul.f32 v31, v8;
	vm10 =	vne.s32 v15, v34;
	v13 =	vmovc v24;
	v39 =	vld.idx.msk [tilespmem:v43+s1+$0x0], $0xffff;
	(erf) = vpow2.f32 v45  }
0xfd: {  	v24 =	vmul.f32 $1.442695020e+00, v36;
	(erf) = vpow2.f32 v41;
	[tilespmem:v37+s0+$0x0] =	vst.idx.add.f32.msk vm11, v32;
	v32 =	vsub.s32 v16, v12;
	v16, _, _ =	vpop (xrf2)  }
0xfe: {  	v31 =	vmul.f32 $1.442695020e+00, v31;
	v37 =	vmul.f32 v48, v7;
	v36 =	vld.idx.msk [tilespmem:v21+s1+$0x0], $0xffff;
	v41 =	vpop (erf);
	v43 =	vsub.f32 $0.0e+00, v16  }
0xff: {  	vm6 =	vmand vm4, vm1;
	v45 =	vld.idx.msk [tilespmem:v15+s1+$0x0], $0xffff;
	v48 =	vperm.xlane v29, v1;
	v41 =	vmul.f32 v41, v6;
	v49 =	vpop (erf)  }
0x100: {  	v44 =	vmul.f32 $1.442695020e+00, v44;
	vm4 =	vmor vm9, vm0;
	v51 =	vld [tilespmem:s14+$0xFFFFFFF0];
	v52 =	vpop (erf);
	(erf) = vpow2.f32 v24  }
0x101: {  	v53 =	vld [tilespmem:s21+$0x0];
	v37 =	vadd.f32 v41, v37;
	v24 =	vmul.f32 v52, v6;
	(erf) = vpow2.f32 v38;
	v38 =	vpop (erf)  }
0x102: {  	v54 =	vmul.f32 $1.442695020e+00, v27;
	v30 =	vsub.f32 $0.0e+00, v30;
	(erf) = vpow2.f32 v44;
	[tilespmem:v26+s0+$0x0] =	vst.idx.add.f32.msk vm5, v16;
	v26, _, _ =	vpop (xrf2)  }
0x103: {  	v40 =	vmul.f32 v40, v5;
	v44 =	vmul.f32 v49, v4;
	v41 =	vld.idx.msk [tilespmem:v29+s1+$0x0], $0xffff;
	v49 =	vpop (erf);
	v52 =	vsub.f32 $0.0e+00, v26  }
0x104: {  	vm5 =	vne.s32 v29, v48;
	v16 =	vmov v22;
	(erf) = vpow2.f32 v54;
	v27 =	vpop (erf);
	[tilespmem:v23+s0+$0x0] =	vst.idx.add.f32.msk vm3, v30  }
0x105: {  	v23 =	vmul.f32 v27, v7;
	(erf) = vpow2.f32 v42;
	v27 =	vpop (erf);
	[tilespmem:v25+s0+$0x0] =	vst.idx.add.f32.msk vm6, v43;
	v22 =	vmov v51  }
0x106: {  	v42 =	vmul.f32 v49, v7;
	vm6 =	vmmov vm2;
	v25 =	vld.idx.msk [tilespmem:v50+s1+$0x0], $0xffff;
	v27 =	vmul.f32 v27, v5;
	v30 =	vpop (erf)  }
0x107: {  	v38 =	vmul.f32 v38, v7;
	v39 =	vadd.f32 v39, v45;
	v43 =	vld.idx.msk [tilespmem:v46+s1+$0x0], $0xffff;
	v23 =	vadd.f32 v24, v23  }
0x108: {  	vm2 =	vmmov vm10;
	v24 =	vperm.xlane v22, v1;
	(erf) = vpow2.f32 v31;
	[tilespmem:v32+s0+$0x0] =	vst.idx.add.f32.msk vm4, v26  }
0x109: {  	v26 =	vmul.f32 v39, v53;
	vm4 =	vmmov vm7;
	v31 =	vadd.f32 v23, v40;
	v32 =	vpop (erf);
	[tilespmem:v35+s0+$0x0] =	vst.idx.add.f32.msk vm8, v52  }
0x10a: {  	v39 =	vmul.f32 v30, v4;
	v23 =	vsub.s32 v20, v12;
	v20 =	vmul.f32 v32, v6;
	v35 =	vpop (erf)  }
0x10b: {  	vm3 =	vmand vm6, vm1;
	v30 =	vmul.f32 v26, v10;
	v45 =	vmul.f32 v26, v8;
	v40 =	vpop (erf)  }
0x10c: {  	v32 =	vmul.f32 v26, v11;
	v35 =	vmul.f32 v35, v5;
	v46 =	vld.idx.msk [tilespmem:v47+s1+$0x0], $0xffff;
	v47 =	vadd.f32 v25, v41  }
0x10d: {  	v26 =	vmul.f32 v26, v9;
	v40 =	vmul.f32 v40, v6;
	v49 =	vadd.f32 v20, v42;
	v41 =	vld.idx.msk [tilespmem:v51+s1+$0x0], $0xffff;
	v42 =	vpop (erf)  }
0x10e: {  	v36 =	vadd.f32 v43, v36;
	v37 =	vadd.f32 v37, v35;
	v33 =	vmul.f32 v47, v33;
	v25 =	vpop (erf)  }
0x10f: {  	v38 =	vadd.f32 v40, v38;
	v43 =	vadd.f32 v49, v27;
	v20 =	vmovc v34;
	v40 =	vmul.f32 v25, v5  }
0x110: {  	v28 =	vmul.f32 v36, v28;
	v36 =	vmul.f32 v42, v4;
	v25 =	vsub.s32 v17, v12;
	v17 =	vmovc v48;
	v34 =	vld [tilespmem:s21+$0xFFFFFFF0]  }
0x111: {  	v26 =	vmul.f32 $1.442695020e+00, v26;
	v35 =	vmul.f32 v33, v11;
	v47 =	vadd.f32 v38, v40;
	v42 =	vpop (erf)  }
0x112: {  	v31 =	vadd.f32 v31, v44;
	v27 =	vmul.f32 v28, v8;
	v38 =	vmul.f32 v28, v11  }
.Ltmp9:
0x113: {  	v40 =	vmul.f32 v28, v10;
	v44 =	vadd.f32 v46, v41;
	(erf) = vpow2.f32 v26;
	(pc) =	sbr.rel @p0 .LBB2_18-.Ltmp9, $4  }
0x114: {  	v41 =	vmul.f32 $1.442695020e+00, v38;
	v38 =	vmul.f32 v28, v9;
	v28 =	vadd.f32 v37, v36;
	(xrf2) =	vadd.scan.msk.f32 $0xffff, v31  }
0x115: {  	v37 =	vadd.f32 v43, v39;
	v31 =	vmul.f32 v44, v34;
	v34 =	vmul.f32 v42, v4  }
0x116: {  	v39 =	vmul.f32 $1.442695020e+00, v45;
	v36 =	vmul.f32 v33, v10;
	v26 =	vsub.s32 v14, v12;
	v14 =	vmovc v29  }
0x117: {  	s10 =	sadd.s32 $0x40, s10;
	s14 =	sadd.s32 $0x40, s14;
	v29 =	vperm.xlane v18, v1;
	v42 =	vmul.f32 v31, v11;
	v34 =	vadd.f32 v47, v34;
	(xrf2) =	vadd.scan.msk.f32 $0xffff, v28  }
0x118: {  	v28 =	vmul.f32 v31, v10  }
0x119: {  	v43 =	vmul.f32 v33, v9;
	v40 =	vmul.f32 $1.442695020e+00, v40  }
0x11a: {  	(erf) = vpow2.f32 v41;
	v30 =	vmul.f32 $1.442695020e+00, v30  }
0x11b: {  	v32 =	vmul.f32 $1.442695020e+00, v32;
	(erf) = vpow2.f32 v40  }
0x11c: {  	v54 =	vmul.f32 $1.442695020e+00, v42;
	(erf) = vpow2.f32 v39  }
0x11d: {  	v55 =	vmul.f32 $1.442695020e+00, v35;
	(erf) = vpow2.f32 v30  }
0x11e: {  	v56 =	vmul.f32 v33, v8;
	(erf) = vpow2.f32 v54  }
0x11f: {  	v57 =	vmul.f32 $1.442695020e+00, v43;
	(erf) = vpow2.f32 v55  }
0x120: {  	v58 =	vmul.f32 $1.442695020e+00, v56;
	(erf) = vpow2.f32 v32  }
0x121: {  	v59 =	vmul.f32 $1.442695020e+00, v36;
	(erf) = vpow2.f32 v57  }
0x122: {  	v60 =	vmul.f32 $1.442695020e+00, v38;
	v61 =	vpop (erf);
	(erf) = vpow2.f32 v58  }
0x123: {  	v28 =	vmul.f32 $1.442695020e+00, v28;
	v62 =	vpop (erf);
	(erf) = vpow2.f32 v59  }
0x124: {  	v27 =	vmul.f32 $1.442695020e+00, v27;
	v63 =	vpop (erf);
	(erf) = vpow2.f32 v60  }
0x125: {  	v45 =	vpop (erf);
	(erf) = vpow2.f32 v28  }
0x126: {  	v44 =	vmul.f32 v31, v9;
	v46 =	vpop (erf);
	(erf) = vpow2.f32 v27  }
0x127: {  	v48 =	vmul.f32 v31, v8;
	v47 =	vpop (erf)  }
0x128: {  	vm7 =	vne.s32 v16, v13;
	v33 =	vmul.f32 $1.442695020e+00, v44;
	v49 =	vpop (erf)  }
0x129: {  	vm9 =	vmor vm6, vm0;
	v19 =	vsub.s32 v19, v12;
	v31 =	vmul.f32 $1.442695020e+00, v48;
	v50 =	vpop (erf)  }
0x12a: {  	v52 =	vsub.s32 v18, v12;
	v30 =	vmul.f32 v62, v7;
	(erf) = vpow2.f32 v33;
	v51 =	vpop (erf)  }
0x12b: {  	vm12 =	vmor vm4, vm0;
	v28 =	vmul.f32 v46, v6;
	v39 =	vmul.f32 v50, v7;
	v53 =	vpop (erf)  }
0x12c: {  	vm13 =	vmand vm4, vm1;
	v54 =	vmul.f32 v63, v6;
	(erf) = vpow2.f32 v31;
	v55 =	vpop (erf)  }
0x12d: {  	v13 =	vsub.s32 v13, v12;
	v35 =	vmul.f32 v61, v5;
	v28 =	vadd.f32 v28, v39;
	v56 =	vpop (erf)  }
0x12e: {  	vm10 =	vne.s32 v18, v29;
	v30 =	vadd.f32 v54, v30;
	v58 =	vpop (erf);
	v39 =	vmul.f32 v56, v5  }
0x12f: {  	(xrf2) =	vadd.scan.msk.f32 $0xffff, v37;
	vm8 =	vmor vm10, vm0;
	v36 =	vmul.f32 v45, v4;
	v28 =	vadd.f32 v28, v35;
	v59 =	vpop (erf)  }
0x130: {  	(xrf2) =	vadd.scan.msk.f32 $0xffff, v34;
	vm15 =	vmand vm10, vm1;
	v30 =	vadd.f32 v30, v39;
	v35 =	vmul.f32 v59, v4  }
0x131: {  	v57 =	vmul.f32 v49, v7;
	v32 =	vmul.f32 v55, v6;
	v28 =	vadd.f32 v28, v36  }
0x132: {  	v40, _, _ =	vpop (xrf2);
	v27 =	vmul.f32 v47, v7;
	v60 =	vmul.f32 v58, v6;
	v30 =	vadd.f32 v30, v35  }
0x133: {  	vm10 =	vmmov vm5;
	v33 =	vmul.f32 v51, v5;
	v31 =	vadd.f32 v32, v57;
	v63 =	vpop (erf);
	(xrf2) =	vadd.scan.msk.f32 $0xffff, v28  }
0x134: {  	v61 =	vsub.s32 v29, v12;
	v27 =	vadd.f32 v60, v27;
	v41 =	vmul.f32 v63, v5;
	(xrf2) =	vadd.scan.msk.f32 $0xffff, v30  }
0x135: {  	vm5 =	vmand vm7, vm1;
	v62 =	vmul.f32 v53, v4;
	v31 =	vadd.f32 v31, v33;
	v42 =	vpop (erf)  }
0x136: {  	vm7 =	vmor vm7, vm0;
	[tilespmem:v19+s0+$0x0] =	vst.idx.add.f32.msk vm9, v40;
	v43, _, _ =	vpop (xrf2);
	v27 =	vadd.f32 v27, v41;
	v19 =	vmul.f32 v42, v4  }
0x137: {  	v45 =	vsub.f32 $0.0e+00, v43;
	v47 =	vsub.s32 v16, v12;
	v44 =	vadd.f32 v31, v62  }
0x138: {  	vm2 =	vmmov vm2;
	[tilespmem:v52+s0+$0x0] =	vst.idx.add.f32.msk vm8, v43;
	v46 =	vperm.xlane v21, v1;
	v19 =	vadd.f32 v27, v19  }
0x139: {  	v48, _, _ =	vpop (xrf2);
	[tilespmem:v61+s0+$0x0] =	vst.idx.add.f32.msk vm15, v45;
	vm15 =	vmor vm2, vm0;
	v49 =	vsub.f32 $0.0e+00, v40;
	(xrf2) =	vadd.scan.msk.f32 $0xffff, v44  }
0x13a: {  	v15 =	vsub.s32 v15, v12;
	[tilespmem:v26+s0+$0x0] =	vst.idx.add.f32.msk vm12, v48;
	vm14 =	vne.s32 v21, v46;
	v51, _, _ =	vpop (xrf2);
	(xrf2) =	vadd.scan.msk.f32 $0xffff, v19  }
0x13b: {  	vm12 =	vmor vm14, vm0;
	[tilespmem:v23+s0+$0x0] =	vst.idx.add.f32.msk vm3, v49;
	v53 =	vsub.f32 $0.0e+00, v51  }
0x13c: {  	v52 =	vsub.s32 v21, v12;
	vm2 =	vmand vm2, vm1;
	v50 =	vsub.f32 $0.0e+00, v48;
	[tilespmem:v47+s0+$0x0] =	vst.idx.add.f32.msk vm7, v51  }
0x13d: {  	vm6 =	vmand vm14, vm1;
	vm3 =	vmmov vm10;
	[tilespmem:v13+s0+$0x0] =	vst.idx.add.f32.msk vm5, v53;
	v13 =	vsub.s32 v20, v12;
	v55, _, _ =	vpop (xrf2)  }
0x13e: {  	v54 =	vsub.s32 v46, v12;
	vm14 =	vne.s32 v22, v24;
	[tilespmem:v25+s0+$0x0] =	vst.idx.add.f32.msk vm13, v50;
	vm13 =	vmor vm3, vm0;
	v56, _, _ =	vpop (xrf2)  }
0x13f: {  	v14 =	vsub.s32 v14, v12;
	[tilespmem:v15+s0+$0x0] =	vst.idx.add.f32.msk vm15, v55;
	vm15 =	vmor vm14, vm0;
	v15 =	vsub.f32 $0.0e+00, v56  }
0x140: {  	vm3 =	vmand vm3, vm1;
	v57 =	vsub.s32 v22, v12;
	v59 =	vsub.f32 $0.0e+00, v55  }
0x141: {  	v17 =	vsub.s32 v17, v12;
	vm5 =	vmand vm14, vm1;
	[tilespmem:v52+s0+$0x0] =	vst.idx.add.f32.msk vm12, v56  }
0x142: {  	v58 =	vsub.s32 v24, v12;
	[tilespmem:v13+s0+$0x0] =	vst.idx.add.f32.msk vm2, v59  }
0x143: {  	[tilespmem:v54+s0+$0x0] =	vst.idx.add.f32.msk vm6, v15;
	v15, _, _ =	vpop (xrf2)  }
0x144: {  	v60 =	vsub.f32 $0.0e+00, v15;
	[tilespmem:v14+s0+$0x0] =	vst.idx.add.f32.msk vm13, v15;
	v14, _, _ =	vpop (xrf2)  }
0x145: {  	v13 =	vsub.f32 $0.0e+00, v14;
	[tilespmem:v57+s0+$0x0] =	vst.idx.add.f32.msk vm15, v14  }
0x146: {  	[tilespmem:v17+s0+$0x0] =	vst.idx.add.f32.msk vm3, v60  }
0x147: {  	[tilespmem:v58+s0+$0x0] =	vst.idx.add.f32.msk vm5, v13  }
0x148: {  	v13 =	vld [tilespmem:$0x1A440]  }
0x149: {  	v14 =	vld [tilespmem:$0x1B440];
	_ =	sdelay $0x6  }
0x14a: {  	v15 =	vld.idx.msk [tilespmem:v13+s1+$0x0], $0xffff  }
0x14b: {  	v14 =	vld.idx.msk [tilespmem:v14+s1+$0x0], $0xffff;
	_ =	sdelay $0x1  }
0x14c: {  	v16 =	vld [tilespmem:$0x19440];
	_ =	sdelay $0x2  }
0x14d: {  	v14 =	vadd.f32 v14, v15;
	_ =	sdelay $0x1  }
0x14e: {  	v14 =	vmul.f32 v14, v16;
	_ =	sdelay $0x1  }
0x14f: {  	v15 =	vmul.f32 v14, v11  }
0x150: {  	v16 =	vmul.f32 v14, v10  }
0x151: {  	v15 =	vmul.f32 $1.442695020e+00, v15  }
0x152: {  	v16 =	vmul.f32 $1.442695020e+00, v16  }
0x153: {  	(erf) = vpow2.f32 v15;
	v15 =	vmul.f32 v14, v9  }
0x154: {  	v14 =	vmul.f32 v14, v8  }
0x155: {  	(erf) = vpow2.f32 v16;
	v15 =	vmul.f32 $1.442695020e+00, v15;
	_ =	sdelay $0x1  }
0x156: {  	v14 =	vmul.f32 $1.442695020e+00, v14;
	(erf) = vpow2.f32 v15;
	_ =	sdelay $0x1  }
0x157: {  	(erf) = vpow2.f32 v14;
	_ =	sdelay $0x3  }
0x158: {  	v14 =	vpop (erf)  }
0x159: {  	v15 =	vpop (erf)  }
0x15a: {  	v14 =	vmul.f32 v14, v7;
	v15 =	vmul.f32 v15, v6  }
0x15b: {  	v61 =	vpop (erf)  }
0x15c: {  	v14 =	vadd.f32 v15, v14;
	v15 =	vmul.f32 v61, v5  }
0x15d: {  	v62 =	vpop (erf)  }
0x15e: {  	v14 =	vadd.f32 v14, v15;
	v15 =	vmul.f32 v62, v4;
	_ =	sdelay $0x1  }
0x15f: {  	v14 =	vadd.f32 v14, v15;
	_ =	sdelay $0x1  }
0x160: {  	(xrf2) =	vadd.scan.msk.f32 $0xffff, v14;
	_ =	sdelay $0x2  }
0x161: {  	v14 =	vperm.xlane v13, v0;
	_ =	sdelay $0x1  }
0x162: {  	vm2 =	vne.s32 v13, v14  }
0x163: {  	vm3 =	vmor vm2, vm0  }
0x164: {  	v13 =	vsub.s32 v13, v12;
	vm2 =	vmand vm2, vm1  }
0x165: {  	v14 =	vsub.s32 v14, v12  }
.Ltmp10:
0x166: {  	_ = 	snop;
	(pc) =	sbr.rel .LBB2_20-.Ltmp10, $4  }
0x167: {  	v15, _, _ =	vpop (xrf2)  }
0x168: {  	v63 =	vsub.f32 $0.0e+00, v15  }
0x169: {  	[tilespmem:v13+s0+$0x0] =	vst.idx.add.f32.msk vm3, v15  }
0x16a: {  	[tilespmem:v14+s0+$0x0] =	vst.idx.add.f32.msk vm2, v63  }
.LBB2_14:
0x16b: {  	s21 =	simm.s32 $0xFFFFFFFC;
	s22 =	simm.s32 $0x1D4A0  }
.LBB2_15:
0x16c: {  	v13 =	vld [tilespmem:s14+$0xFFFFFFE0]  }
0x16d: {  	v14 =	vld [tilespmem:s15+$0xFFFFFFE0];
	_ =	sdelay $0x6  }
0x16e: {  	v13 =	vld.idx.msk [tilespmem:v13+s1+$0x0], $0xffff  }
0x16f: {  	v14 =	vld.idx.msk [tilespmem:v14+s1+$0x0], $0xffff;
	_ =	sdelay $0x1  }
0x170: {  	v15 =	vld [tilespmem:s10+$0xFFFFFFE0];
	_ =	sdelay $0x2  }
0x171: {  	v13 =	vadd.f32 v14, v13;
	_ =	sdelay $0x1  }
0x172: {  	v13 =	vmul.f32 v13, v15;
	_ =	sdelay $0x1  }
0x173: {  	v14 =	vmul.f32 v13, v11  }
0x174: {  	v15 =	vmul.f32 v13, v10  }
0x175: {  	v14 =	vmul.f32 $1.442695020e+00, v14  }
0x176: {  	v15 =	vmul.f32 $1.442695020e+00, v15  }
0x177: {  	(erf) = vpow2.f32 v14;
	v14 =	vmul.f32 v13, v9  }
0x178: {  	v13 =	vmul.f32 v13, v8  }
0x179: {  	(erf) = vpow2.f32 v15;
	v14 =	vmul.f32 $1.442695020e+00, v14;
	_ =	sdelay $0x1  }
0x17a: {  	v13 =	vmul.f32 $1.442695020e+00, v13;
	(erf) = vpow2.f32 v14;
	_ =	sdelay $0x1  }
0x17b: {  	(erf) = vpow2.f32 v13;
	_ =	sdelay $0x3  }
0x17c: {  	v13 =	vpop (erf)  }
0x17d: {  	v14 =	vpop (erf)  }
0x17e: {  	v13 =	vmul.f32 v13, v7;
	v14 =	vmul.f32 v14, v6  }
0x17f: {  	v15 =	vpop (erf)  }
0x180: {  	v13 =	vadd.f32 v14, v13;
	v14 =	vmul.f32 v15, v5  }
0x181: {  	v15 =	vpop (erf)  }
0x182: {  	v13 =	vadd.f32 v13, v14;
	v14 =	vmul.f32 v15, v4;
	_ =	sdelay $0x1  }
0x183: {  	v13 =	vadd.f32 v13, v14;
	_ =	sdelay $0x1  }
0x184: {  	[tilespmem:s22+$0xFFFFFFE0] =	vst v13  }
0x185: {  	v13 =	vld [tilespmem:s14+$0xFFFFFFF0]  }
0x186: {  	v14 =	vld [tilespmem:s15+$0xFFFFFFF0];
	_ =	sdelay $0x6  }
0x187: {  	v13 =	vld.idx.msk [tilespmem:v13+s1+$0x0], $0xffff  }
0x188: {  	v14 =	vld.idx.msk [tilespmem:v14+s1+$0x0], $0xffff;
	_ =	sdelay $0x1  }
0x189: {  	v15 =	vld [tilespmem:s10+$0xFFFFFFF0];
	_ =	sdelay $0x2  }
0x18a: {  	v13 =	vadd.f32 v14, v13;
	_ =	sdelay $0x1  }
0x18b: {  	v13 =	vmul.f32 v13, v15;
	_ =	sdelay $0x1  }
0x18c: {  	v14 =	vmul.f32 v13, v11  }
0x18d: {  	v15 =	vmul.f32 v13, v10  }
0x18e: {  	v14 =	vmul.f32 $1.442695020e+00, v14  }
0x18f: {  	v15 =	vmul.f32 $1.442695020e+00, v15  }
0x190: {  	(erf) = vpow2.f32 v14;
	v14 =	vmul.f32 v13, v9  }
0x191: {  	v13 =	vmul.f32 v13, v8  }
0x192: {  	(erf) = vpow2.f32 v15;
	v14 =	vmul.f32 $1.442695020e+00, v14;
	_ =	sdelay $0x1  }
0x193: {  	v13 =	vmul.f32 $1.442695020e+00, v13;
	(erf) = vpow2.f32 v14;
	_ =	sdelay $0x1  }
0x194: {  	(erf) = vpow2.f32 v13;
	_ =	sdelay $0x3  }
0x195: {  	v13 =	vpop (erf)  }
0x196: {  	v14 =	vpop (erf)  }
0x197: {  	v13 =	vmul.f32 v13, v7;
	v14 =	vmul.f32 v14, v6  }
0x198: {  	v15 =	vpop (erf)  }
0x199: {  	v13 =	vadd.f32 v14, v13;
	v14 =	vmul.f32 v15, v5  }
0x19a: {  	v15 =	vpop (erf)  }
0x19b: {  	v13 =	vadd.f32 v13, v14;
	v14 =	vmul.f32 v15, v4;
	_ =	sdelay $0x1  }
0x19c: {  	v13 =	vadd.f32 v13, v14;
	_ =	sdelay $0x1  }
0x19d: {  	[tilespmem:s22+$0xFFFFFFF0] =	vst v13  }
0x19e: {  	v13 =	vld [tilespmem:s14+$0x0]  }
0x19f: {  	v14 =	vld [tilespmem:s15+$0x0];
	_ =	sdelay $0x6  }
0x1a0: {  	v13 =	vld.idx.msk [tilespmem:v13+s1+$0x0], $0xffff  }
0x1a1: {  	v14 =	vld.idx.msk [tilespmem:v14+s1+$0x0], $0xffff;
	_ =	sdelay $0x1  }
0x1a2: {  	v15 =	vld [tilespmem:s10+$0x0];
	_ =	sdelay $0x2  }
0x1a3: {  	v13 =	vadd.f32 v14, v13;
	_ =	sdelay $0x1  }
0x1a4: {  	v13 =	vmul.f32 v13, v15;
	_ =	sdelay $0x1  }
0x1a5: {  	v14 =	vmul.f32 v13, v11  }
0x1a6: {  	v15 =	vmul.f32 v13, v10  }
0x1a7: {  	v14 =	vmul.f32 $1.442695020e+00, v14  }
0x1a8: {  	v15 =	vmul.f32 $1.442695020e+00, v15  }
0x1a9: {  	(erf) = vpow2.f32 v14;
	v14 =	vmul.f32 v13, v9  }
0x1aa: {  	v13 =	vmul.f32 v13, v8  }
0x1ab: {  	(erf) = vpow2.f32 v15;
	v14 =	vmul.f32 $1.442695020e+00, v14;
	_ =	sdelay $0x1  }
0x1ac: {  	v13 =	vmul.f32 $1.442695020e+00, v13;
	(erf) = vpow2.f32 v14;
	_ =	sdelay $0x1  }
0x1ad: {  	(erf) = vpow2.f32 v13;
	_ =	sdelay $0x3  }
0x1ae: {  	v13 =	vpop (erf)  }
0x1af: {  	v14 =	vpop (erf)  }
0x1b0: {  	v13 =	vmul.f32 v13, v7;
	v14 =	vmul.f32 v14, v6  }
0x1b1: {  	v15 =	vpop (erf)  }
0x1b2: {  	v13 =	vadd.f32 v14, v13;
	v14 =	vmul.f32 v15, v5  }
0x1b3: {  	v15 =	vpop (erf)  }
0x1b4: {  	v13 =	vadd.f32 v13, v14;
	v14 =	vmul.f32 v15, v4;
	_ =	sdelay $0x1  }
0x1b5: {  	v13 =	vadd.f32 v13, v14;
	_ =	sdelay $0x1  }
0x1b6: {  	[tilespmem:s22+$0x0] =	vst v13  }
0x1b7: {  	v13 =	vld [tilespmem:s14+$0x10]  }
0x1b8: {  	v14 =	vld [tilespmem:s15+$0x10];
	_ =	sdelay $0x6  }
0x1b9: {  	v13 =	vld.idx.msk [tilespmem:v13+s1+$0x0], $0xffff  }
0x1ba: {  	v14 =	vld.idx.msk [tilespmem:v14+s1+$0x0], $0xffff;
	_ =	sdelay $0x1  }
0x1bb: {  	v15 =	vld [tilespmem:s10+$0x10];
	_ =	sdelay $0x2  }
0x1bc: {  	v13 =	vadd.f32 v14, v13;
	_ =	sdelay $0x1  }
0x1bd: {  	v13 =	vmul.f32 v13, v15;
	_ =	sdelay $0x1  }
0x1be: {  	v14 =	vmul.f32 v13, v11  }
0x1bf: {  	v15 =	vmul.f32 v13, v10  }
0x1c0: {  	v14 =	vmul.f32 $1.442695020e+00, v14  }
0x1c1: {  	v15 =	vmul.f32 $1.442695020e+00, v15  }
0x1c2: {  	(erf) = vpow2.f32 v14;
	v14 =	vmul.f32 v13, v9  }
0x1c3: {  	v13 =	vmul.f32 v13, v8  }
0x1c4: {  	(erf) = vpow2.f32 v15;
	v14 =	vmul.f32 $1.442695020e+00, v14;
	_ =	sdelay $0x1  }
0x1c5: {  	v13 =	vmul.f32 $1.442695020e+00, v13;
	(erf) = vpow2.f32 v14;
	_ =	sdelay $0x1  }
0x1c6: {  	(erf) = vpow2.f32 v13;
	_ =	sdelay $0x3  }
0x1c7: {  	v13 =	vpop (erf)  }
0x1c8: {  	v14 =	vpop (erf)  }
0x1c9: {  	v13 =	vmul.f32 v13, v7;
	v14 =	vmul.f32 v14, v6  }
0x1ca: {  	v15 =	vpop (erf)  }
0x1cb: {  	s21 =	sadd.s32 $0x4, s21;
	v13 =	vadd.f32 v14, v13;
	v14 =	vmul.f32 v15, v5  }
0x1cc: {  	p0 =	slt.u32 s21, $0x78;
	v15 =	vpop (erf)  }
.Ltmp11:
0x1cd: {  	v13 =	vadd.f32 v13, v14;
	v14 =	vmul.f32 v15, v4;
	(pc) =	sbr.rel @p0 .LBB2_15-.Ltmp11, $4  }
0x1ce: {  	_ = 	snop  }
0x1cf: {  	v13 =	vadd.f32 v13, v14  }
0x1d0: {  	s10 =	sadd.s32 $0x40, s10  }
0x1d1: {  	s15 =	sadd.s32 $0x40, s15;
	s14 =	sadd.s32 $0x40, s14;
	[tilespmem:s22+$0x10] =	vst v13;
	s22 =	sadd.s32 $0x40, s22  }
0x1d2: {  	v13 =	vld [tilespmem:$0x1A440]  }
0x1d3: {  	v14 =	vld [tilespmem:$0x1B440];
	_ =	sdelay $0x6  }
0x1d4: {  	v13 =	vld.idx.msk [tilespmem:v13+s1+$0x0], $0xffff  }
0x1d5: {  	v14 =	vld.idx.msk [tilespmem:v14+s1+$0x0], $0xffff;
	_ =	sdelay $0x1  }
0x1d6: {  	v15 =	vld [tilespmem:$0x19440];
	_ =	sdelay $0x2  }
0x1d7: {  	v13 =	vadd.f32 v14, v13;
	_ =	sdelay $0x1  }
0x1d8: {  	v13 =	vmul.f32 v13, v15;
	_ =	sdelay $0x1  }
0x1d9: {  	v14 =	vmul.f32 v13, v11  }
0x1da: {  	v15 =	vmul.f32 v13, v10  }
0x1db: {  	v14 =	vmul.f32 $1.442695020e+00, v14  }
0x1dc: {  	v15 =	vmul.f32 $1.442695020e+00, v15  }
0x1dd: {  	(erf) = vpow2.f32 v14;
	v14 =	vmul.f32 v13, v9  }
0x1de: {  	v13 =	vmul.f32 v13, v8  }
0x1df: {  	(erf) = vpow2.f32 v15;
	v14 =	vmul.f32 $1.442695020e+00, v14;
	_ =	sdelay $0x1  }
0x1e0: {  	v13 =	vmul.f32 $1.442695020e+00, v13;
	(erf) = vpow2.f32 v14;
	_ =	sdelay $0x1  }
0x1e1: {  	(erf) = vpow2.f32 v13;
	_ =	sdelay $0x3  }
0x1e2: {  	v13 =	vpop (erf)  }
0x1e3: {  	v14 =	vpop (erf)  }
0x1e4: {  	v13 =	vmul.f32 v13, v7;
	v14 =	vmul.f32 v14, v6  }
0x1e5: {  	v15 =	vpop (erf)  }
0x1e6: {  	v13 =	vadd.f32 v14, v13;
	v14 =	vmul.f32 v15, v5  }
0x1e7: {  	v15 =	vpop (erf)  }
0x1e8: {  	v13 =	vadd.f32 v13, v14;
	v14 =	vmul.f32 v15, v4;
	_ =	sdelay $0x1  }
0x1e9: {  	v13 =	vadd.f32 v13, v14;
	_ =	sdelay $0x1  }
0x1ea: {  	s10 =	simm.s32 $0x7D0;
	s11 =	simm.s32 $0x1D480;
	[tilespmem:$0x1DC40] =	vst v13  }
0x1eb: {  	[spmem:s5] =	stream.indirect.scatter.add.f32 [tilespmem:s11], [sflag:$0x3], $0x1, s24, s10, $0xb8;
	[tilespmem:$0x1F500] =	vst v63  }
0x1ec: {  	_ =	swait.ge [sflag:s30], $0x7D0  }
0x1ed: {  	[sflag:s30] =	ssyncset.done $0x0  }
0x1ee: {  	[sflag:s30] =	ssyncadd.s32 $0xFFFFF830  }
.LBB2_20:
0x1ef: {  	s22 =	smul.u32 $0xFA0, s17;
	_ =	sdelay $0x1  }
0x1f0: {  	s10 =	sadd.s32 s22, s19  }
0x1f1: {  	s10 =	sshrl.u32 s10, $0x3  }
0x1f2: {  	s14 =	simm.s32 $0x0;
	s11 =	sadd.s32 s2, s10  }
0x1f3: {  	[tilespmem:s26], [sflag:$0x1] =	stream.linear.gather [hbm4b:s11+s14], $0x7D0, $0x38;
	[tilespmem:$0x1F500] =	vst v63  }
0x1f4: {  	s21 =	sadd.s32 s3, s10  }
0x1f5: {  	[tilespmem:s24], [sflag:$0x1] =	stream.linear.gather [hbm4b:s21+s14], $0x7D0, $0x38;
	[tilespmem:$0x1F500] =	vst v63  }
0x1f6: {  	s23 =	simm.s32 $0x1AC80;
	s10 =	sadd.s32 s4, s10  }
0x1f7: {  	[tilespmem:s23], [sflag:$0x1] =	stream.linear.gather [hbm4b:s10+s14], $0x7D0, $0x38;
	[tilespmem:$0x1F500] =	vst v63  }
0x1f8: {  	_ =	swait.ge [sflag:s6], $0x7D0  }
0x1f9: {  	[sflag:s6] =	ssyncset.done $0x0  }
0x1fa: {  	[sflag:s6] =	ssyncadd.s32 $0xFFFFF830  }
0x1fb: {  	_ =	swait.ge [sflag:s6], $0x7D0  }
0x1fc: {  	[sflag:s6] =	ssyncset.done $0x0  }
0x1fd: {  	[sflag:s6] =	ssyncadd.s32 $0xFFFFF830  }
0x1fe: {  	_ =	swait.ge [sflag:s6], $0x7D0  }
0x1ff: {  	[sflag:s6] =	ssyncset.done $0x0  }
0x200: {  	[sflag:s6] =	ssyncadd.s32 $0xFFFFF830  }
0x201: {  	v13 =	vld [tilespmem:$0x1A480]  }
0x202: {  	v14 =	vld [tilespmem:$0x1AC40];
	_ =	sdelay $0x3  }
0x203: {  	v13 =	vxor.u32 $0x80000000, v13  }
0x204: {  	(xrf0) =	vmin.scan.msk.u32 $0xffff, v13;
	v13 =	vxor.u32 $0x80000000, v14  }
0x205: {  	(xrf0) =	vmax.scan.msk.u32 $0xffff, v13;
	_ =	sdelay $0x4  }
0x206: {  	v13, _, _ =	vpop (xrf0)  }
0x207: {  	(v2sf) =	vpush v13, $0xF;
	v13, _, _ =	vpop (xrf0)  }
0x208: {  	(v2sf) =	vpush v13, $0xF;
	_ =	sdelay $0xd  }
0x209: {  	s13 =	spop (v2sf)  }
0x20a: {  	s25 =	spop (v2sf)  }
0x20b: {  	s10 =	sxor.u32 $0x80000000, s25  }
0x20c: {  	p0 =	slt.s32 s10, s16  }
.Ltmp12:
0x20d: {  	_ = 	snop;
	(pc) =	sbr.rel @!p0 .LBB2_22-.Ltmp12, $1  }
0x20e: {  	_ =	sdelay $0x3  }
.Ltmp13:
0x20f: {  	(pc) =	sbr.rel .LBB2_29-.Ltmp13, $2  }
0x210: {  	_ =	sdelay $0x2  }
0x211: {  	s21 =	smov.u32 s18  }
.LBB2_22:
0x212: {  	s21 =	sxor.u32 $0x80000000, s13;
	p1 =	por $0x1, $0x1  }
.LBB2_23:
0x213: {  	s15 =	sadd.s32 s18, s14  }
0x214: {  	v12 =	vadd.s32 s15, v2;
	s11 =	sadd.s32 $0x10, s15;
	s12 =	sadd.s32 $0x20, s15;
	s16 =	sadd.s32 $0x30, s15  }
0x215: {  	v13 =	vadd.s32 s11, v2;
	v15 =	vadd.s32 s12, v2;
	v16 =	vadd.s32 s16, v2  }
0x216: {  	p0 =	por p1, p1;
	vm2 =	vlt.s32 v13, $0x187FF;
	vm3 =	vlt.s32 v15, $0x187FF;
	vm4 =	vlt.s32 v16, $0x187FF  }
0x217: {  	s16 =	simm.s32 $0x1CCA0;
	s11 =	simm.s32 $0x0;
	s12 =	simm.s32 $0x1CCA0;
	v14 =	vnsel vm2, $0x187FF, v13;
	v13 =	vnsel vm3, $0x187FF, v15;
	v15 =	vnsel vm4, $0x187FF, v16  }
.LBB2_24:
0x218: {  	s11 =	sadd.s32 $0x4, s11  }
0x219: {  	vm2 =	vlt.s32 v12, $0x187FF;
	[tilespmem:s16+$0x10] =	vst v15;
	s15 =	sadd.s32 $0x40, s15;
	s12 =	sadd.s32 $0x40, s12;
	p1 =	slt.u32 s11, $0x7C  }
.Ltmp14:
0x21a: {  	v15 =	vnsel vm2, $0x187FF, v12;
	[tilespmem:s16+$0xFFFFFFF0] =	vst v14;
	(pc) =	sbr.rel @p1 .LBB2_24-.Ltmp14, $4  }
0x21b: {  	v12 =	vadd.s32 s15, v2;
	s23 =	sadd.s32 $0x10, s15;
	s25 =	sadd.s32 $0x20, s15;
	s26 =	sadd.s32 $0x30, s15;
	[tilespmem:s16+$0xFFFFFFE0] =	vst v15  }
0x21c: {  	v14 =	vadd.s32 s23, v2;
	v15 =	vadd.s32 s25, v2;
	v16 =	vadd.s32 s26, v2;
	[tilespmem:s16+$0x0] =	vst v13;
	s16 =	smov.u32 s12  }
0x21d: {  	vm2 =	vlt.s32 v14, $0x187FF;
	vm3 =	vlt.s32 v15, $0x187FF;
	vm4 =	vlt.s32 v16, $0x187FF  }
0x21e: {  	v14 =	vnsel vm2, $0x187FF, v14;
	v13 =	vnsel vm3, $0x187FF, v15;
	v15 =	vnsel vm4, $0x187FF, v16  }
0x21f: {  	[tilespmem:s16+$0x10] =	vst v15  }
0x220: {  	vm2 =	vlt.s32 v12, $0x187FF;
	[tilespmem:s16+$0xFFFFFFF0] =	vst v14  }
0x221: {  	[tilespmem:s16+$0x0] =	vst v13;
	v12 =	vnsel vm2, $0x187FF, v12  }
0x222: {  	s11 =	sadd.s32 $0x1BC80, s14;
	s12 =	simm.s32 $0x0;
	[tilespmem:s16+$0xFFFFFFE0] =	vst v12  }
0x223: {  	[spmem:s5] =	stream.indirect.scatter.add.f32 [tilespmem:s11], [sflag:$0x3], $0x1, s9, s8, $0xb8;
	[tilespmem:$0x1F500] =	vst v63  }
0x224: {  	s25 =	sand.u32 $0x780, s12;
	_ =	swait.ge [sflag:s30], $0x800  }
0x225: {  	s15 =	sand.u32 $0x40, s12;
	s26 =	sadd.s32 s25, s11;
	[sflag:s30] =	ssyncset.done $0x0  }
0x226: {  	s14 =	simm.s32 $0x0;
	s15 =	sadd.s32 s15, s26;
	[sflag:s30] =	ssyncadd.s32 $0xFFFFF800  }
.LBB2_26:
0x227: {  	s14 =	sadd.s32 $0x4, s14  }
0x228: {  	[tilespmem:s15+$0x30] =	vst v3;
	s12 =	sadd.s32 $0x40, s12;
	p1 =	slt.u32 s14, $0x7C  }
.Ltmp15:
0x229: {  	[tilespmem:s15+$0x20] =	vst v3;
	(pc) =	sbr.rel @p1 .LBB2_26-.Ltmp15, $4  }
0x22a: {  	[tilespmem:s15+$0x0] =	vst v3  }
0x22b: {  	s16 =	sand.u32 $0x780, s12;
	[tilespmem:s15+$0x10] =	vst v3  }
0x22c: {  	s16 =	sadd.s32 s16, s11;
	s15 =	sand.u32 $0x40, s12  }
0x22d: {  	s15 =	sadd.s32 s15, s16  }
.Ltmp16:
0x22e: {  	(pc) =	sbr.rel @p0 .LBB2_23-.Ltmp16, $4  }
0x22f: {  	[tilespmem:s15+$0x30] =	vst v3  }
0x230: {  	[tilespmem:s15+$0x20] =	vst v3  }
0x231: {  	[tilespmem:s15+$0x0] =	vst v3  }
0x232: {  	[tilespmem:s15+$0x10] =	vst v3;
	s14 =	simm.s32 $0x800;
	p1 =	por $0x0, $0x0  }
0x233: {  	s16 =	sadd.s32 $0x80001000, s13;
	v12 =	vmov s21;
	s26 =	simm.s32 $0x18C80  }
.LBB2_29:
0x234: {  	p0 =	sge.s32 s10, s16  }
.Ltmp17:
0x235: {  	_ = 	snop;
	(pc) =	sbr.rel @p0 .LBB2_30-.Ltmp17, $2  }
0x236: {  	_ =	sdelay $0x2  }
0x237: {  	s10 =	simm.s32 $0x194A0;
	s15 =	simm.s32 $0x1B4A0;
	s14 =	simm.s32 $0x1A4A0  }
0x238: {  	v13 =	vld [tilespmem:s15+$0x0]  }
0x239: {  	v18 =	vld [tilespmem:s14+$0xFFFFFFE0]  }
0x23a: {  	v19 =	vld [tilespmem:s14+$0x0]  }
0x23b: {  	v26 =	vld [tilespmem:s14+$0x10]  }
0x23c: {  	v15 =	vld [tilespmem:s15+$0x10]  }
0x23d: {  	v14 =	vld [tilespmem:s15+$0xFFFFFFE0]  }
0x23e: {  	v17 =	vld [tilespmem:s15+$0xFFFFFFF0]  }
0x23f: {  	v16 =	vld [tilespmem:s14+$0xFFFFFFF0]  }
0x240: {  	v22 =	vld [tilespmem:s10+$0x0]  }
0x241: {  	v13 =	vld.idx.msk [tilespmem:v13+s1+$0x0], $0xffff  }
0x242: {  	v21 =	vld.idx.msk [tilespmem:v19+s1+$0x0], $0xffff  }
0x243: {  	v23 =	vld.idx.msk [tilespmem:v26+s1+$0x0], $0xffff  }
0x244: {  	v15 =	vld.idx.msk [tilespmem:v15+s1+$0x0], $0xffff  }
0x245: {  	v24 =	vld [tilespmem:s10+$0x10]  }
0x246: {  	v20 =	vld.idx.msk [tilespmem:v18+s1+$0x0], $0xffff  }
0x247: {  	v14 =	vld.idx.msk [tilespmem:v14+s1+$0x0], $0xffff  }
0x248: {  	v13 =	vadd.f32 v13, v21  }
0x249: {  	v27 =	vperm.xlane v19, v1;
	v21 =	vld [tilespmem:s10+$0xFFFFFFE0];
	v15 =	vadd.f32 v15, v23  }
0x24a: {  	v25 =	vperm.xlane v26, v1;
	v17 =	vld.idx.msk [tilespmem:v17+s1+$0x0], $0xffff;
	v22 =	vmul.f32 v13, v22  }
0x24b: {  	v23 =	vld.idx.msk [tilespmem:v16+s1+$0x0], $0xffff;
	v13 =	vperm.xlane v16, v1;
	v24 =	vmul.f32 v15, v24  }
0x24c: {  	v14 =	vadd.f32 v14, v20;
	v28 =	vmul.f32 v22, v10;
	v29 =	vmul.f32 v22, v8  }
0x24d: {  	v15 =	vld [tilespmem:s10+$0xFFFFFFF0];
	v20 =	vmul.f32 v22, v9;
	v22 =	vmul.f32 v22, v11  }
0x24e: {  	v34 =	vmul.f32 v24, v9;
	v14 =	vmul.f32 v14, v21  }
0x24f: {  	v21 =	vmul.f32 v24, v11;
	v20 =	vmul.f32 $1.442695020e+00, v20  }
0x250: {  	v17 =	vadd.f32 v17, v23;
	v29 =	vmul.f32 $1.442695020e+00, v29;
	v22 =	vmul.f32 $1.442695020e+00, v22  }
0x251: {  	v30 =	vmul.f32 v14, v11;
	v31 =	vmul.f32 v14, v8  }
0x252: {  	v23 =	vmul.f32 v14, v10;
	v17 =	vmul.f32 v17, v15  }
0x253: {  	v14 =	vmul.f32 v14, v9;
	v21 =	vmul.f32 $1.442695020e+00, v21  }
0x254: {  	(erf) = vpow2.f32 v20;
	v20 =	vmul.f32 $1.442695020e+00, v30  }
0x255: {  	v30 =	vmul.f32 v24, v10;
	v32 =	vmul.f32 v17, v11  }
0x256: {  	s11 =	simm.s32 $0x1B4E0;
	v33 =	vmul.f32 v17, v10;
	v23 =	vmul.f32 $1.442695020e+00, v23  }
0x257: {  	v45 =	vld [tilespmem:s11+$0x10];
	v35 =	vmul.f32 $1.442695020e+00, v14;
	v14 =	vmul.f32 $1.442695020e+00, v28  }
0x258: {  	v24 =	vmul.f32 v24, v8;
	(erf) = vpow2.f32 v20  }
0x259: {  	s25 =	simm.s32 $0x1A4E0;
	v31 =	vmul.f32 $1.442695020e+00, v31;
	(erf) = vpow2.f32 v23  }
0x25a: {  	v15 =	vld [tilespmem:s25+$0x0];
	v20 =	vmul.f32 $1.442695020e+00, v32;
	(erf) = vpow2.f32 v29  }
0x25b: {  	v28 =	vld [tilespmem:s11+$0x0];
	v24 =	vmul.f32 $1.442695020e+00, v24;
	(erf) = vpow2.f32 v14  }
0x25c: {  	v23 =	vmul.f32 $1.442695020e+00, v34;
	v14 =	vld [tilespmem:s25+$0x10];
	(erf) = vpow2.f32 v20  }
0x25d: {  	s18 =	simm.s32 $0x194E0;
	v38 =	vld [tilespmem:s11+$0xFFFFFFF0];
	vm2 =	vne.s32 v19, v27;
	v29 =	vmul.f32 v17, v9;
	(erf) = vpow2.f32 v21  }
0x25e: {  	v41 =	vld [tilespmem:s18+$0x0];
	vm3 =	vne.s32 v26, v25;
	v17 =	vmul.f32 v17, v8;
	(erf) = vpow2.f32 v22  }
0x25f: {  	v25 =	vsub.s32 v25, v12;
	v34 =	vld.idx.msk [tilespmem:v45+s1+$0x0], $0xffff;
	v20 =	vperm.xlane v15, v1;
	v44 =	vpop (erf);
	(erf) = vpow2.f32 v23  }
0x260: {  	vm2 =	vmmov vm2;
	v29 =	vmul.f32 $1.442695020e+00, v29;
	v36 =	vmul.f32 $1.442695020e+00, v17;
	v21 =	vld [tilespmem:s25+$0xFFFFFFE0]  }
0x261: {  	vm3 =	vmmov vm3;
	v23 =	vmul.f32 $1.442695020e+00, v30;
	v30 =	vld [tilespmem:s11+$0xFFFFFFE0];
	v17 =	vperm.xlane v14, v1;
	v22 =	vpop (erf)  }
0x262: {  	v26 =	vsub.s32 v26, v12;
	v40 =	vld.idx.msk [tilespmem:v15+s1+$0x0], $0xffff;
	(erf) = vpow2.f32 v24;
	v24 =	vmul.f32 v22, v7;
	v22 =	vpop (erf)  }
0x263: {  	vm6 =	vmmov vm2;
	(erf) = vpow2.f32 v23;
	v23 =	vld.idx.msk [tilespmem:v28+s1+$0x0], $0xffff;
	v28 =	vmul.f32 $1.442695020e+00, v33;
	v37 =	vpop (erf)  }
0x264: {  	vm4 =	vne.s32 v15, v20;
	v39 =	vmul.f32 v22, v6;
	(erf) = vpow2.f32 v35;
	v42 =	vld.idx.msk [tilespmem:v14+s1+$0x0], $0xffff;
	v22 =	vpop (erf)  }
0x265: {  	vm2 =	vmmov vm4;
	(erf) = vpow2.f32 v28;
	v46 =	vmul.f32 v22, v6;
	v47 =	vpop (erf);
	v22 =	vld [tilespmem:s25+$0xFFFFFFF0]  }
0x266: {  	vm4 =	vmmov vm3;
	v28 =	vmul.f32 v44, v5;
	(erf) = vpow2.f32 v31;
	v31 =	vld [tilespmem:s18+$0x10];
	v48 =	vpop (erf)  }
0x267: {  	v37 =	vmul.f32 v37, v4;
	v39 =	vadd.f32 v39, v24;
	(erf) = vpow2.f32 v29;
	v24 =	vpop (erf)  }
0x268: {  	v50 =	vld.idx.msk [tilespmem:v21+s1+$0x0], $0xffff;
	v35 =	vmul.f32 v47, v7;
	v23 =	vadd.f32 v23, v40;
	v24 =	vmul.f32 v24, v7;
	v29 =	vpop (erf)  }
0x269: {  	v43 =	vmul.f32 v48, v7;
	v52 =	vld.idx.msk [tilespmem:v30+s1+$0x0], $0xffff;
	v34 =	vadd.f32 v34, v42;
	v29 =	vmul.f32 v29, v5  }
0x26a: {  	v41 =	vmul.f32 v23, v41;
	v49 =	vadd.f32 v46, v24;
	v24 =	vperm.xlane v22, v1  }
0x26b: {  	v53 =	vld [tilespmem:s18+$0xFFFFFFE0];
	vm3 =	vmand vm6, vm1;
	v51 =	vpop (erf);
	(erf) = vpow2.f32 v36;
	v33 =	vmul.f32 v34, v31  }
0x26c: {  	vm5 =	vne.s32 v14, v17;
	v30 =	vpop (erf);
	v44 =	vmul.f32 v51, v4;
	v46 =	vmul.f32 v41, v8  }
0x26d: {  	v23 =	vsub.s32 v27, v12;
	v32 =	vmul.f32 v41, v11;
	v27 =	vmul.f32 v30, v6;
	v45 =	vpop (erf)  }
0x26e: {  	v38 =	vld.idx.msk [tilespmem:v38+s1+$0x0], $0xffff;
	v30 =	vmul.f32 v41, v10;
	v41 =	vmul.f32 v41, v9;
	v36 =	vadd.f32 v52, v50;
	v47 =	vpop (erf)  }
0x26f: {  	v28 =	vadd.f32 v49, v28;
	v54 =	vmul.f32 v45, v5;
	v57 =	vld.idx.msk [tilespmem:v22+s1+$0x0], $0xffff;
	v55 =	vmul.f32 v47, v6  }
0x270: {  	v27 =	vadd.f32 v27, v43;
	v56 =	vpop (erf);
	v36 =	vmul.f32 v36, v53;
	v41 =	vmul.f32 $1.442695020e+00, v41  }
0x271: {  	v60 =	vld [tilespmem:s18+$0xFFFFFFF0];
	v28 =	vadd.f32 v28, v37;
	v31 =	vadd.f32 v39, v54;
	v58 =	vpop (erf);
	v43 =	vmul.f32 v56, v4  }
0x272: {  	v39 =	vmul.f32 $1.442695020e+00, v46;
	v59 =	vadd.f32 v55, v35;
	v34 =	vmul.f32 v58, v5  }
0x273: {  	v29 =	vadd.f32 v27, v29;
	v35 =	vmul.f32 v33, v11;
	v61 =	vmul.f32 v36, v11  }
0x274: {  	v27 =	vmul.f32 v36, v8;
	v40 =	vmul.f32 v36, v10;
	v62 =	vadd.f32 v38, v57  }
0x275: {  	(erf) = vpow2.f32 v41;
	v43 =	vadd.f32 v31, v43;
	v41 =	vmul.f32 $1.442695020e+00, v61;
	v63 =	vpop (erf)  }
0x276: {  	(xrf2) =	vadd.scan.msk.f32 $0xffff, v28;
	v34 =	vadd.f32 v59, v34;
	v31 =	vmul.f32 v62, v60;
	v45 =	vmul.f32 v63, v4  }
0x277: {  	v38 =	vmul.f32 v36, v9;
	v37 =	vadd.f32 v29, v44;
	v36 =	vmul.f32 v33, v10  }
0x278: {  	s14 =	simm.s32 $0x1B520;
	s15 =	simm.s32 $0x1A520;
	s10 =	simm.s32 $0x40;
	v29 =	vperm.xlane v18, v1;
	(xrf2) =	vadd.scan.msk.f32 $0xffff, v43;
	v42 =	vmul.f32 v31, v11;
	v34 =	vadd.f32 v34, v45  }
.LBB2_34:
0x279: {  	v44 =	vmul.f32 v31, v10  }
0x27a: {  	v43 =	vld [tilespmem:s14+$0x0];
	s10 =	sadd.s32 $0x40, s10;
	v45 =	vmul.f32 v33, v9;
	s18 =	sadd.s32 $0x40, s18;
	vm9 =	vne.s32 v16, v13;
	vm7 =	vmmov vm5  }
0x27b: {  	v47 =	vmul.f32 $1.442695020e+00, v40;
	v28 =	vld [tilespmem:s18+$0xFFFFFFE0];
	p0 =	slt.u32 s10, $0x780;
	(erf) = vpow2.f32 v41;
	vm8 =	vne.s32 v18, v29  }
0x27c: {  	v38 =	vmul.f32 $1.442695020e+00, v38;
	v30 =	vmul.f32 $1.442695020e+00, v30;
	vm5 =	vmor vm6, vm0;
	v41 =	vld [tilespmem:s15+$0xFFFFFFE0];
	(xrf2) =	vadd.scan.msk.f32 $0xffff, v37  }
0x27d: {  	v32 =	vmul.f32 $1.442695020e+00, v32;
	v37 =	vmul.f32 $1.442695020e+00, v42;
	v42 =	vsub.s32 v19, v12;
	v19 =	vmovc v15;
	v15 =	vld [tilespmem:s15+$0x0]  }
0x27e: {  	v45 =	vmul.f32 $1.442695020e+00, v45;
	vm6 =	vmor vm8, vm0;
	v46 =	vld [tilespmem:s14+$0xFFFFFFE0];
	(erf) = vpow2.f32 v47;
	v40 =	vpop (erf)  }
0x27f: {  	v48 =	vmul.f32 v33, v8;
	v47 =	vld [tilespmem:s14+$0xFFFFFFF0];
	(erf) = vpow2.f32 v39;
	v39 =	vsub.s32 v18, v12;
	v18 =	vmovc v21  }
0x280: {  	v49 =	vmul.f32 v31, v9;
	vm11 =	vmand vm8, vm1;
	v33 =	vld [tilespmem:s18+$0x10];
	(erf) = vpow2.f32 v30;
	v30, _, _ =	vpop (xrf2)  }
0x281: {  	v35 =	vmul.f32 $1.442695020e+00, v35;
	v50 =	vld [tilespmem:s14+$0x10];
	(erf) = vpow2.f32 v37;
	v37 =	vsub.s32 v29, v12;
	(xrf2) =	vadd.scan.msk.f32 $0xffff, v34;
	v21 =	vmovc v41  }
0x282: {  	vm8 =	vmand vm9, vm1;
	v41 =	vmul.f32 $1.442695020e+00, v48;
	v34 =	vperm.xlane v15, v1;
	[tilespmem:v42+s0+$0x0] =	vst.idx.add.f32.msk vm5, v30  }
0x283: {  	vm5 =	vmor vm4, vm0;
	v29 =	vld [tilespmem:s15+$0x10];
	(erf) = vpow2.f32 v35;
	v35 =	vsub.s32 v13, v12;
	v13, _, _ =	vpop (xrf2)  }
0x284: {  	v42 =	vmul.f32 $1.442695020e+00, v49;
	v48 =	vpop (erf);
	(erf) = vpow2.f32 v32;
	[tilespmem:v39+s0+$0x0] =	vst.idx.add.f32.msk vm6, v13;
	v32 =	vsub.f32 $0.0e+00, v13  }
0x285: {  	v31 =	vmul.f32 v31, v8;
	vm10 =	vne.s32 v15, v34;
	v13 =	vmovc v24;
	v39 =	vld.idx.msk [tilespmem:v43+s1+$0x0], $0xffff;
	(erf) = vpow2.f32 v45  }
0x286: {  	v24 =	vmul.f32 $1.442695020e+00, v36;
	(erf) = vpow2.f32 v41;
	[tilespmem:v37+s0+$0x0] =	vst.idx.add.f32.msk vm11, v32;
	v32 =	vsub.s32 v16, v12;
	v16, _, _ =	vpop (xrf2)  }
0x287: {  	v31 =	vmul.f32 $1.442695020e+00, v31;
	v37 =	vmul.f32 v48, v7;
	v36 =	vld.idx.msk [tilespmem:v21+s1+$0x0], $0xffff;
	v41 =	vpop (erf);
	v43 =	vsub.f32 $0.0e+00, v16  }
0x288: {  	vm6 =	vmand vm4, vm1;
	v45 =	vld.idx.msk [tilespmem:v15+s1+$0x0], $0xffff;
	v48 =	vperm.xlane v29, v1;
	v41 =	vmul.f32 v41, v6;
	v49 =	vpop (erf)  }
0x289: {  	v44 =	vmul.f32 $1.442695020e+00, v44;
	vm4 =	vmor vm9, vm0;
	v51 =	vld [tilespmem:s15+$0xFFFFFFF0];
	v52 =	vpop (erf);
	(erf) = vpow2.f32 v24  }
0x28a: {  	v53 =	vld [tilespmem:s18+$0x0];
	v37 =	vadd.f32 v41, v37;
	v24 =	vmul.f32 v52, v6;
	(erf) = vpow2.f32 v38;
	v38 =	vpop (erf)  }
0x28b: {  	v54 =	vmul.f32 $1.442695020e+00, v27;
	v30 =	vsub.f32 $0.0e+00, v30;
	(erf) = vpow2.f32 v44;
	[tilespmem:v26+s0+$0x0] =	vst.idx.add.f32.msk vm5, v16;
	v26, _, _ =	vpop (xrf2)  }
0x28c: {  	v40 =	vmul.f32 v40, v5;
	v44 =	vmul.f32 v49, v4;
	v41 =	vld.idx.msk [tilespmem:v29+s1+$0x0], $0xffff;
	v49 =	vpop (erf);
	v52 =	vsub.f32 $0.0e+00, v26  }
0x28d: {  	vm5 =	vne.s32 v29, v48;
	v16 =	vmov v22;
	(erf) = vpow2.f32 v54;
	v27 =	vpop (erf);
	[tilespmem:v23+s0+$0x0] =	vst.idx.add.f32.msk vm3, v30  }
0x28e: {  	v23 =	vmul.f32 v27, v7;
	(erf) = vpow2.f32 v42;
	v27 =	vpop (erf);
	[tilespmem:v25+s0+$0x0] =	vst.idx.add.f32.msk vm6, v43;
	v22 =	vmov v51  }
0x28f: {  	v42 =	vmul.f32 v49, v7;
	vm6 =	vmmov vm2;
	v25 =	vld.idx.msk [tilespmem:v50+s1+$0x0], $0xffff;
	v27 =	vmul.f32 v27, v5;
	v30 =	vpop (erf)  }
0x290: {  	v38 =	vmul.f32 v38, v7;
	v39 =	vadd.f32 v39, v45;
	v43 =	vld.idx.msk [tilespmem:v46+s1+$0x0], $0xffff;
	v23 =	vadd.f32 v24, v23  }
0x291: {  	vm2 =	vmmov vm10;
	v24 =	vperm.xlane v22, v1;
	(erf) = vpow2.f32 v31;
	[tilespmem:v32+s0+$0x0] =	vst.idx.add.f32.msk vm4, v26  }
0x292: {  	v26 =	vmul.f32 v39, v53;
	vm4 =	vmmov vm7;
	v31 =	vadd.f32 v23, v40;
	v32 =	vpop (erf);
	[tilespmem:v35+s0+$0x0] =	vst.idx.add.f32.msk vm8, v52  }
0x293: {  	v39 =	vmul.f32 v30, v4;
	v23 =	vsub.s32 v20, v12;
	v20 =	vmul.f32 v32, v6;
	v35 =	vpop (erf)  }
0x294: {  	vm3 =	vmand vm6, vm1;
	v30 =	vmul.f32 v26, v10;
	v45 =	vmul.f32 v26, v8;
	v40 =	vpop (erf)  }
0x295: {  	v32 =	vmul.f32 v26, v11;
	v35 =	vmul.f32 v35, v5;
	v46 =	vld.idx.msk [tilespmem:v47+s1+$0x0], $0xffff;
	v47 =	vadd.f32 v25, v41  }
0x296: {  	v26 =	vmul.f32 v26, v9;
	v40 =	vmul.f32 v40, v6;
	v49 =	vadd.f32 v20, v42;
	v41 =	vld.idx.msk [tilespmem:v51+s1+$0x0], $0xffff;
	v42 =	vpop (erf)  }
0x297: {  	v36 =	vadd.f32 v43, v36;
	v37 =	vadd.f32 v37, v35;
	v33 =	vmul.f32 v47, v33;
	v25 =	vpop (erf)  }
0x298: {  	v38 =	vadd.f32 v40, v38;
	v43 =	vadd.f32 v49, v27;
	v20 =	vmovc v34;
	v40 =	vmul.f32 v25, v5  }
0x299: {  	v28 =	vmul.f32 v36, v28;
	v36 =	vmul.f32 v42, v4;
	v25 =	vsub.s32 v17, v12;
	v17 =	vmovc v48;
	v34 =	vld [tilespmem:s18+$0xFFFFFFF0]  }
0x29a: {  	v26 =	vmul.f32 $1.442695020e+00, v26;
	v35 =	vmul.f32 v33, v11;
	v47 =	vadd.f32 v38, v40;
	v42 =	vpop (erf)  }
0x29b: {  	v31 =	vadd.f32 v31, v44;
	v27 =	vmul.f32 v28, v8;
	v38 =	vmul.f32 v28, v11  }
.Ltmp18:
0x29c: {  	v40 =	vmul.f32 v28, v10;
	v44 =	vadd.f32 v46, v41;
	(erf) = vpow2.f32 v26;
	(pc) =	sbr.rel @p0 .LBB2_34-.Ltmp18, $4  }
0x29d: {  	v41 =	vmul.f32 $1.442695020e+00, v38;
	v38 =	vmul.f32 v28, v9;
	v28 =	vadd.f32 v37, v36;
	(xrf2) =	vadd.scan.msk.f32 $0xffff, v31  }
0x29e: {  	v37 =	vadd.f32 v43, v39;
	v31 =	vmul.f32 v44, v34;
	v34 =	vmul.f32 v42, v4  }
0x29f: {  	v39 =	vmul.f32 $1.442695020e+00, v45;
	v36 =	vmul.f32 v33, v10;
	v26 =	vsub.s32 v14, v12;
	v14 =	vmovc v29  }
0x2a0: {  	s14 =	sadd.s32 $0x40, s14;
	s15 =	sadd.s32 $0x40, s15;
	v29 =	vperm.xlane v18, v1;
	v42 =	vmul.f32 v31, v11;
	v34 =	vadd.f32 v47, v34;
	(xrf2) =	vadd.scan.msk.f32 $0xffff, v28  }
0x2a1: {  	v28 =	vmul.f32 v31, v10  }
0x2a2: {  	v43 =	vmul.f32 v33, v9;
	v40 =	vmul.f32 $1.442695020e+00, v40  }
0x2a3: {  	(erf) = vpow2.f32 v41;
	v30 =	vmul.f32 $1.442695020e+00, v30  }
0x2a4: {  	v32 =	vmul.f32 $1.442695020e+00, v32;
	(erf) = vpow2.f32 v40  }
0x2a5: {  	v54 =	vmul.f32 $1.442695020e+00, v42;
	(erf) = vpow2.f32 v39  }
0x2a6: {  	v55 =	vmul.f32 $1.442695020e+00, v35;
	(erf) = vpow2.f32 v30  }
0x2a7: {  	v56 =	vmul.f32 v33, v8;
	(erf) = vpow2.f32 v54  }
0x2a8: {  	v57 =	vmul.f32 $1.442695020e+00, v43;
	(erf) = vpow2.f32 v55  }
0x2a9: {  	v58 =	vmul.f32 $1.442695020e+00, v56;
	(erf) = vpow2.f32 v32  }
0x2aa: {  	v59 =	vmul.f32 $1.442695020e+00, v36;
	(erf) = vpow2.f32 v57  }
0x2ab: {  	v60 =	vmul.f32 $1.442695020e+00, v38;
	v61 =	vpop (erf);
	(erf) = vpow2.f32 v58  }
0x2ac: {  	v28 =	vmul.f32 $1.442695020e+00, v28;
	v62 =	vpop (erf);
	(erf) = vpow2.f32 v59  }
0x2ad: {  	v27 =	vmul.f32 $1.442695020e+00, v27;
	v63 =	vpop (erf);
	(erf) = vpow2.f32 v60  }
0x2ae: {  	v45 =	vpop (erf);
	(erf) = vpow2.f32 v28  }
0x2af: {  	v44 =	vmul.f32 v31, v9;
	v46 =	vpop (erf);
	(erf) = vpow2.f32 v27  }
0x2b0: {  	v48 =	vmul.f32 v31, v8;
	v47 =	vpop (erf)  }
0x2b1: {  	vm7 =	vne.s32 v16, v13;
	v33 =	vmul.f32 $1.442695020e+00, v44;
	v49 =	vpop (erf)  }
0x2b2: {  	vm9 =	vmor vm6, vm0;
	v19 =	vsub.s32 v19, v12;
	v31 =	vmul.f32 $1.442695020e+00, v48;
	v50 =	vpop (erf)  }
0x2b3: {  	v52 =	vsub.s32 v18, v12;
	v30 =	vmul.f32 v62, v7;
	(erf) = vpow2.f32 v33;
	v51 =	vpop (erf)  }
0x2b4: {  	vm12 =	vmor vm4, vm0;
	v28 =	vmul.f32 v46, v6;
	v39 =	vmul.f32 v50, v7;
	v53 =	vpop (erf)  }
0x2b5: {  	vm13 =	vmand vm4, vm1;
	v54 =	vmul.f32 v63, v6;
	(erf) = vpow2.f32 v31;
	v55 =	vpop (erf)  }
0x2b6: {  	v13 =	vsub.s32 v13, v12;
	v35 =	vmul.f32 v61, v5;
	v28 =	vadd.f32 v28, v39;
	v56 =	vpop (erf)  }
0x2b7: {  	vm10 =	vne.s32 v18, v29;
	v30 =	vadd.f32 v54, v30;
	v58 =	vpop (erf);
	v39 =	vmul.f32 v56, v5  }
0x2b8: {  	(xrf2) =	vadd.scan.msk.f32 $0xffff, v37;
	vm8 =	vmor vm10, vm0;
	v36 =	vmul.f32 v45, v4;
	v28 =	vadd.f32 v28, v35;
	v59 =	vpop (erf)  }
0x2b9: {  	(xrf2) =	vadd.scan.msk.f32 $0xffff, v34;
	vm15 =	vmand vm10, vm1;
	v30 =	vadd.f32 v30, v39;
	v35 =	vmul.f32 v59, v4  }
0x2ba: {  	v57 =	vmul.f32 v49, v7;
	v32 =	vmul.f32 v55, v6;
	v28 =	vadd.f32 v28, v36  }
0x2bb: {  	v40, _, _ =	vpop (xrf2);
	v27 =	vmul.f32 v47, v7;
	v60 =	vmul.f32 v58, v6;
	v30 =	vadd.f32 v30, v35  }
0x2bc: {  	vm10 =	vmmov vm5;
	v33 =	vmul.f32 v51, v5;
	v31 =	vadd.f32 v32, v57;
	v63 =	vpop (erf);
	(xrf2) =	vadd.scan.msk.f32 $0xffff, v28  }
0x2bd: {  	v61 =	vsub.s32 v29, v12;
	v27 =	vadd.f32 v60, v27;
	v41 =	vmul.f32 v63, v5;
	(xrf2) =	vadd.scan.msk.f32 $0xffff, v30  }
0x2be: {  	vm5 =	vmand vm7, vm1;
	v62 =	vmul.f32 v53, v4;
	v31 =	vadd.f32 v31, v33;
	v42 =	vpop (erf)  }
0x2bf: {  	vm7 =	vmor vm7, vm0;
	[tilespmem:v19+s0+$0x0] =	vst.idx.add.f32.msk vm9, v40;
	v43, _, _ =	vpop (xrf2);
	v27 =	vadd.f32 v27, v41;
	v19 =	vmul.f32 v42, v4  }
0x2c0: {  	v45 =	vsub.f32 $0.0e+00, v43;
	v47 =	vsub.s32 v16, v12;
	v44 =	vadd.f32 v31, v62  }
0x2c1: {  	vm2 =	vmmov vm2;
	[tilespmem:v52+s0+$0x0] =	vst.idx.add.f32.msk vm8, v43;
	v46 =	vperm.xlane v21, v1;
	v19 =	vadd.f32 v27, v19  }
0x2c2: {  	v48, _, _ =	vpop (xrf2);
	[tilespmem:v61+s0+$0x0] =	vst.idx.add.f32.msk vm15, v45;
	vm15 =	vmor vm2, vm0;
	v49 =	vsub.f32 $0.0e+00, v40;
	(xrf2) =	vadd.scan.msk.f32 $0xffff, v44  }
0x2c3: {  	v15 =	vsub.s32 v15, v12;
	[tilespmem:v26+s0+$0x0] =	vst.idx.add.f32.msk vm12, v48;
	vm14 =	vne.s32 v21, v46;
	v51, _, _ =	vpop (xrf2);
	(xrf2) =	vadd.scan.msk.f32 $0xffff, v19  }
0x2c4: {  	vm12 =	vmor vm14, vm0;
	[tilespmem:v23+s0+$0x0] =	vst.idx.add.f32.msk vm3, v49;
	v53 =	vsub.f32 $0.0e+00, v51  }
0x2c5: {  	v52 =	vsub.s32 v21, v12;
	vm2 =	vmand vm2, vm1;
	v50 =	vsub.f32 $0.0e+00, v48;
	[tilespmem:v47+s0+$0x0] =	vst.idx.add.f32.msk vm7, v51  }
0x2c6: {  	vm6 =	vmand vm14, vm1;
	vm3 =	vmmov vm10;
	[tilespmem:v13+s0+$0x0] =	vst.idx.add.f32.msk vm5, v53;
	v13 =	vsub.s32 v20, v12;
	v55, _, _ =	vpop (xrf2)  }
0x2c7: {  	v54 =	vsub.s32 v46, v12;
	vm14 =	vne.s32 v22, v24;
	[tilespmem:v25+s0+$0x0] =	vst.idx.add.f32.msk vm13, v50;
	vm13 =	vmor vm3, vm0;
	v56, _, _ =	vpop (xrf2)  }
0x2c8: {  	v14 =	vsub.s32 v14, v12;
	[tilespmem:v15+s0+$0x0] =	vst.idx.add.f32.msk vm15, v55;
	vm15 =	vmor vm14, vm0;
	v15 =	vsub.f32 $0.0e+00, v56  }
0x2c9: {  	vm3 =	vmand vm3, vm1;
	v57 =	vsub.s32 v22, v12;
	v59 =	vsub.f32 $0.0e+00, v55  }
0x2ca: {  	v17 =	vsub.s32 v17, v12;
	vm5 =	vmand vm14, vm1;
	[tilespmem:v52+s0+$0x0] =	vst.idx.add.f32.msk vm12, v56  }
0x2cb: {  	v58 =	vsub.s32 v24, v12;
	[tilespmem:v13+s0+$0x0] =	vst.idx.add.f32.msk vm2, v59  }
0x2cc: {  	[tilespmem:v54+s0+$0x0] =	vst.idx.add.f32.msk vm6, v15;
	v15, _, _ =	vpop (xrf2)  }
0x2cd: {  	v60 =	vsub.f32 $0.0e+00, v15;
	[tilespmem:v14+s0+$0x0] =	vst.idx.add.f32.msk vm13, v15;
	v14, _, _ =	vpop (xrf2)  }
0x2ce: {  	v13 =	vsub.f32 $0.0e+00, v14;
	[tilespmem:v57+s0+$0x0] =	vst.idx.add.f32.msk vm15, v14  }
0x2cf: {  	[tilespmem:v17+s0+$0x0] =	vst.idx.add.f32.msk vm3, v60  }
0x2d0: {  	[tilespmem:v58+s0+$0x0] =	vst.idx.add.f32.msk vm5, v13  }
0x2d1: {  	v13 =	vld [tilespmem:$0x1AC40]  }
0x2d2: {  	v14 =	vld [tilespmem:$0x1BC40];
	_ =	sdelay $0x6  }
0x2d3: {  	v15 =	vld.idx.msk [tilespmem:v13+s1+$0x0], $0xffff  }
0x2d4: {  	v14 =	vld.idx.msk [tilespmem:v14+s1+$0x0], $0xffff;
	_ =	sdelay $0x1  }
0x2d5: {  	v16 =	vld [tilespmem:$0x19C40];
	_ =	sdelay $0x2  }
0x2d6: {  	v14 =	vadd.f32 v14, v15;
	_ =	sdelay $0x1  }
0x2d7: {  	v14 =	vmul.f32 v14, v16;
	_ =	sdelay $0x1  }
0x2d8: {  	v15 =	vmul.f32 v14, v11  }
0x2d9: {  	v16 =	vmul.f32 v14, v10  }
0x2da: {  	v15 =	vmul.f32 $1.442695020e+00, v15  }
0x2db: {  	v16 =	vmul.f32 $1.442695020e+00, v16  }
0x2dc: {  	(erf) = vpow2.f32 v15;
	v15 =	vmul.f32 v14, v9  }
0x2dd: {  	v14 =	vmul.f32 v14, v8  }
0x2de: {  	(erf) = vpow2.f32 v16;
	v15 =	vmul.f32 $1.442695020e+00, v15;
	_ =	sdelay $0x1  }
0x2df: {  	v14 =	vmul.f32 $1.442695020e+00, v14;
	(erf) = vpow2.f32 v15;
	_ =	sdelay $0x1  }
0x2e0: {  	(erf) = vpow2.f32 v14;
	_ =	sdelay $0x3  }
0x2e1: {  	v14 =	vpop (erf)  }
0x2e2: {  	v15 =	vpop (erf)  }
0x2e3: {  	v14 =	vmul.f32 v14, v7;
	v15 =	vmul.f32 v15, v6  }
0x2e4: {  	v61 =	vpop (erf)  }
0x2e5: {  	v14 =	vadd.f32 v15, v14;
	v15 =	vmul.f32 v61, v5  }
0x2e6: {  	v62 =	vpop (erf)  }
0x2e7: {  	v14 =	vadd.f32 v14, v15;
	v15 =	vmul.f32 v62, v4;
	_ =	sdelay $0x1  }
0x2e8: {  	v14 =	vadd.f32 v14, v15;
	_ =	sdelay $0x1  }
0x2e9: {  	(xrf2) =	vadd.scan.msk.f32 $0xffff, v14;
	_ =	sdelay $0x2  }
0x2ea: {  	v14 =	vperm.xlane v13, v0;
	_ =	sdelay $0x1  }
0x2eb: {  	vm2 =	vne.s32 v13, v14  }
0x2ec: {  	vm3 =	vmor vm2, vm0  }
0x2ed: {  	v13 =	vsub.s32 v13, v12;
	vm2 =	vmand vm2, vm1  }
0x2ee: {  	v14 =	vsub.s32 v14, v12  }
.Ltmp19:
0x2ef: {  	_ = 	snop;
	(pc) =	sbr.rel .LBB2_36-.Ltmp19, $4  }
0x2f0: {  	v15, _, _ =	vpop (xrf2)  }
0x2f1: {  	v63 =	vsub.f32 $0.0e+00, v15  }
0x2f2: {  	[tilespmem:v13+s0+$0x0] =	vst.idx.add.f32.msk vm3, v15  }
0x2f3: {  	[tilespmem:v14+s0+$0x0] =	vst.idx.add.f32.msk vm2, v63  }
.LBB2_30:
0x2f4: {  	s18 =	simm.s32 $0xFFFFFFFC;
	s13 =	simm.s32 $0x1D4A0  }
.LBB2_31:
0x2f5: {  	v13 =	vld [tilespmem:s14+$0xFFFFFFE0]  }
0x2f6: {  	v14 =	vld [tilespmem:s15+$0xFFFFFFE0];
	_ =	sdelay $0x6  }
0x2f7: {  	v13 =	vld.idx.msk [tilespmem:v13+s1+$0x0], $0xffff  }
0x2f8: {  	v14 =	vld.idx.msk [tilespmem:v14+s1+$0x0], $0xffff;
	_ =	sdelay $0x1  }
0x2f9: {  	v15 =	vld [tilespmem:s10+$0xFFFFFFE0];
	_ =	sdelay $0x2  }
0x2fa: {  	v13 =	vadd.f32 v14, v13;
	_ =	sdelay $0x1  }
0x2fb: {  	v13 =	vmul.f32 v13, v15;
	_ =	sdelay $0x1  }
0x2fc: {  	v14 =	vmul.f32 v13, v11  }
0x2fd: {  	v15 =	vmul.f32 v13, v10  }
0x2fe: {  	v14 =	vmul.f32 $1.442695020e+00, v14  }
0x2ff: {  	v15 =	vmul.f32 $1.442695020e+00, v15  }
0x300: {  	(erf) = vpow2.f32 v14;
	v14 =	vmul.f32 v13, v9  }
0x301: {  	v13 =	vmul.f32 v13, v8  }
0x302: {  	(erf) = vpow2.f32 v15;
	v14 =	vmul.f32 $1.442695020e+00, v14;
	_ =	sdelay $0x1  }
0x303: {  	v13 =	vmul.f32 $1.442695020e+00, v13;
	(erf) = vpow2.f32 v14;
	_ =	sdelay $0x1  }
0x304: {  	(erf) = vpow2.f32 v13;
	_ =	sdelay $0x3  }
0x305: {  	v13 =	vpop (erf)  }
0x306: {  	v14 =	vpop (erf)  }
0x307: {  	v13 =	vmul.f32 v13, v7;
	v14 =	vmul.f32 v14, v6  }
0x308: {  	v15 =	vpop (erf)  }
0x309: {  	v13 =	vadd.f32 v14, v13;
	v14 =	vmul.f32 v15, v5  }
0x30a: {  	v15 =	vpop (erf)  }
0x30b: {  	v13 =	vadd.f32 v13, v14;
	v14 =	vmul.f32 v15, v4;
	_ =	sdelay $0x1  }
0x30c: {  	v13 =	vadd.f32 v13, v14;
	_ =	sdelay $0x1  }
0x30d: {  	[tilespmem:s13+$0xFFFFFFE0] =	vst v13  }
0x30e: {  	v13 =	vld [tilespmem:s14+$0xFFFFFFF0]  }
0x30f: {  	v14 =	vld [tilespmem:s15+$0xFFFFFFF0];
	_ =	sdelay $0x6  }
0x310: {  	v13 =	vld.idx.msk [tilespmem:v13+s1+$0x0], $0xffff  }
0x311: {  	v14 =	vld.idx.msk [tilespmem:v14+s1+$0x0], $0xffff;
	_ =	sdelay $0x1  }
0x312: {  	v15 =	vld [tilespmem:s10+$0xFFFFFFF0];
	_ =	sdelay $0x2  }
0x313: {  	v13 =	vadd.f32 v14, v13;
	_ =	sdelay $0x1  }
0x314: {  	v13 =	vmul.f32 v13, v15;
	_ =	sdelay $0x1  }
0x315: {  	v14 =	vmul.f32 v13, v11  }
0x316: {  	v15 =	vmul.f32 v13, v10  }
0x317: {  	v14 =	vmul.f32 $1.442695020e+00, v14  }
0x318: {  	v15 =	vmul.f32 $1.442695020e+00, v15  }
0x319: {  	(erf) = vpow2.f32 v14;
	v14 =	vmul.f32 v13, v9  }
0x31a: {  	v13 =	vmul.f32 v13, v8  }
0x31b: {  	(erf) = vpow2.f32 v15;
	v14 =	vmul.f32 $1.442695020e+00, v14;
	_ =	sdelay $0x1  }
0x31c: {  	v13 =	vmul.f32 $1.442695020e+00, v13;
	(erf) = vpow2.f32 v14;
	_ =	sdelay $0x1  }
0x31d: {  	(erf) = vpow2.f32 v13;
	_ =	sdelay $0x3  }
0x31e: {  	v13 =	vpop (erf)  }
0x31f: {  	v14 =	vpop (erf)  }
0x320: {  	v13 =	vmul.f32 v13, v7;
	v14 =	vmul.f32 v14, v6  }
0x321: {  	v15 =	vpop (erf)  }
0x322: {  	v13 =	vadd.f32 v14, v13;
	v14 =	vmul.f32 v15, v5  }
0x323: {  	v15 =	vpop (erf)  }
0x324: {  	v13 =	vadd.f32 v13, v14;
	v14 =	vmul.f32 v15, v4;
	_ =	sdelay $0x1  }
0x325: {  	v13 =	vadd.f32 v13, v14;
	_ =	sdelay $0x1  }
0x326: {  	[tilespmem:s13+$0xFFFFFFF0] =	vst v13  }
0x327: {  	v13 =	vld [tilespmem:s14+$0x0]  }
0x328: {  	v14 =	vld [tilespmem:s15+$0x0];
	_ =	sdelay $0x6  }
0x329: {  	v13 =	vld.idx.msk [tilespmem:v13+s1+$0x0], $0xffff  }
0x32a: {  	v14 =	vld.idx.msk [tilespmem:v14+s1+$0x0], $0xffff;
	_ =	sdelay $0x1  }
0x32b: {  	v15 =	vld [tilespmem:s10+$0x0];
	_ =	sdelay $0x2  }
0x32c: {  	v13 =	vadd.f32 v14, v13;
	_ =	sdelay $0x1  }
0x32d: {  	v13 =	vmul.f32 v13, v15;
	_ =	sdelay $0x1  }
0x32e: {  	v14 =	vmul.f32 v13, v11  }
0x32f: {  	v15 =	vmul.f32 v13, v10  }
0x330: {  	v14 =	vmul.f32 $1.442695020e+00, v14  }
0x331: {  	v15 =	vmul.f32 $1.442695020e+00, v15  }
0x332: {  	(erf) = vpow2.f32 v14;
	v14 =	vmul.f32 v13, v9  }
0x333: {  	v13 =	vmul.f32 v13, v8  }
0x334: {  	(erf) = vpow2.f32 v15;
	v14 =	vmul.f32 $1.442695020e+00, v14;
	_ =	sdelay $0x1  }
0x335: {  	v13 =	vmul.f32 $1.442695020e+00, v13;
	(erf) = vpow2.f32 v14;
	_ =	sdelay $0x1  }
0x336: {  	(erf) = vpow2.f32 v13;
	_ =	sdelay $0x3  }
0x337: {  	v13 =	vpop (erf)  }
0x338: {  	v14 =	vpop (erf)  }
0x339: {  	v13 =	vmul.f32 v13, v7;
	v14 =	vmul.f32 v14, v6  }
0x33a: {  	v15 =	vpop (erf)  }
0x33b: {  	v13 =	vadd.f32 v14, v13;
	v14 =	vmul.f32 v15, v5  }
0x33c: {  	v15 =	vpop (erf)  }
0x33d: {  	v13 =	vadd.f32 v13, v14;
	v14 =	vmul.f32 v15, v4;
	_ =	sdelay $0x1  }
0x33e: {  	v13 =	vadd.f32 v13, v14;
	_ =	sdelay $0x1  }
0x33f: {  	[tilespmem:s13+$0x0] =	vst v13  }
0x340: {  	v13 =	vld [tilespmem:s14+$0x10]  }
0x341: {  	v14 =	vld [tilespmem:s15+$0x10];
	_ =	sdelay $0x6  }
0x342: {  	v13 =	vld.idx.msk [tilespmem:v13+s1+$0x0], $0xffff  }
0x343: {  	v14 =	vld.idx.msk [tilespmem:v14+s1+$0x0], $0xffff;
	_ =	sdelay $0x1  }
0x344: {  	v15 =	vld [tilespmem:s10+$0x10];
	_ =	sdelay $0x2  }
0x345: {  	v13 =	vadd.f32 v14, v13;
	_ =	sdelay $0x1  }
0x346: {  	v13 =	vmul.f32 v13, v15;
	_ =	sdelay $0x1  }
0x347: {  	v14 =	vmul.f32 v13, v11  }
0x348: {  	v15 =	vmul.f32 v13, v10  }
0x349: {  	v14 =	vmul.f32 $1.442695020e+00, v14  }
0x34a: {  	v15 =	vmul.f32 $1.442695020e+00, v15  }
0x34b: {  	(erf) = vpow2.f32 v14;
	v14 =	vmul.f32 v13, v9  }
0x34c: {  	v13 =	vmul.f32 v13, v8  }
0x34d: {  	(erf) = vpow2.f32 v15;
	v14 =	vmul.f32 $1.442695020e+00, v14;
	_ =	sdelay $0x1  }
0x34e: {  	v13 =	vmul.f32 $1.442695020e+00, v13;
	(erf) = vpow2.f32 v14;
	_ =	sdelay $0x1  }
0x34f: {  	(erf) = vpow2.f32 v13;
	_ =	sdelay $0x3  }
0x350: {  	v13 =	vpop (erf)  }
0x351: {  	v14 =	vpop (erf)  }
0x352: {  	v13 =	vmul.f32 v13, v7;
	v14 =	vmul.f32 v14, v6  }
0x353: {  	v15 =	vpop (erf)  }
0x354: {  	s18 =	sadd.s32 $0x4, s18;
	v13 =	vadd.f32 v14, v13;
	v14 =	vmul.f32 v15, v5  }
0x355: {  	p0 =	slt.u32 s18, $0x78;
	v15 =	vpop (erf)  }
.Ltmp20:
0x356: {  	v13 =	vadd.f32 v13, v14;
	v14 =	vmul.f32 v15, v4;
	(pc) =	sbr.rel @p0 .LBB2_31-.Ltmp20, $4  }
0x357: {  	_ = 	snop  }
0x358: {  	v13 =	vadd.f32 v13, v14  }
0x359: {  	s10 =	sadd.s32 $0x40, s10  }
0x35a: {  	s15 =	sadd.s32 $0x40, s15;
	s14 =	sadd.s32 $0x40, s14;
	[tilespmem:s13+$0x10] =	vst v13;
	s13 =	sadd.s32 $0x40, s13  }
0x35b: {  	v13 =	vld [tilespmem:$0x1AC40]  }
0x35c: {  	v14 =	vld [tilespmem:$0x1BC40];
	_ =	sdelay $0x6  }
0x35d: {  	v13 =	vld.idx.msk [tilespmem:v13+s1+$0x0], $0xffff  }
0x35e: {  	v14 =	vld.idx.msk [tilespmem:v14+s1+$0x0], $0xffff;
	_ =	sdelay $0x1  }
0x35f: {  	v15 =	vld [tilespmem:$0x19C40];
	_ =	sdelay $0x2  }
0x360: {  	v13 =	vadd.f32 v14, v13;
	_ =	sdelay $0x1  }
0x361: {  	v13 =	vmul.f32 v13, v15;
	_ =	sdelay $0x1  }
0x362: {  	v14 =	vmul.f32 v13, v11  }
0x363: {  	v15 =	vmul.f32 v13, v10  }
0x364: {  	v14 =	vmul.f32 $1.442695020e+00, v14  }
0x365: {  	v15 =	vmul.f32 $1.442695020e+00, v15  }
0x366: {  	(erf) = vpow2.f32 v14;
	v14 =	vmul.f32 v13, v9  }
0x367: {  	v13 =	vmul.f32 v13, v8  }
0x368: {  	(erf) = vpow2.f32 v15;
	v14 =	vmul.f32 $1.442695020e+00, v14;
	_ =	sdelay $0x1  }
0x369: {  	v13 =	vmul.f32 $1.442695020e+00, v13;
	(erf) = vpow2.f32 v14;
	_ =	sdelay $0x1  }
0x36a: {  	(erf) = vpow2.f32 v13;
	_ =	sdelay $0x3  }
0x36b: {  	v13 =	vpop (erf)  }
0x36c: {  	v14 =	vpop (erf)  }
0x36d: {  	v13 =	vmul.f32 v13, v7;
	v14 =	vmul.f32 v14, v6  }
0x36e: {  	v15 =	vpop (erf)  }
0x36f: {  	v13 =	vadd.f32 v14, v13;
	v14 =	vmul.f32 v15, v5  }
0x370: {  	v15 =	vpop (erf)  }
0x371: {  	v13 =	vadd.f32 v13, v14;
	v14 =	vmul.f32 v15, v4;
	_ =	sdelay $0x1  }
0x372: {  	v13 =	vadd.f32 v13, v14;
	_ =	sdelay $0x1  }
.Ltmp21:
0x373: {  	s10 =	simm.s32 $0x7D0;
	s11 =	simm.s32 $0x1D480;
	[tilespmem:$0x1DC40] =	vst v13;
	(pc) =	sbr.rel .LBB2_36-.Ltmp21, $4  }
0x374: {  	[spmem:s5] =	stream.indirect.scatter.add.f32 [tilespmem:s11], [sflag:$0x3], $0x1, s28, s10, $0xb8;
	[tilespmem:$0x1F500] =	vst v63  }
0x375: {  	_ =	swait.ge [sflag:s30], $0x7D0  }
0x376: {  	[sflag:s30] =	ssyncset.done $0x0  }
0x377: {  	[sflag:s30] =	ssyncadd.s32 $0xFFFFF830  }
.LBB2_37:
0x378: {  	_ =	swait.ge [sflag:s31], $0x7D0  }
0x379: {  	[sflag:s31] =	ssyncset.done $0x0  }
0x37a: {  	[sflag:s31] =	ssyncadd.s32 $0xFFFFF830  }
0x37b: {  	_ =	swait.ge [sflag:s31], $0x7D0  }
0x37c: {  	[sflag:s31] =	ssyncset.done $0x0  }
0x37d: {  	[sflag:s31] =	ssyncadd.s32 $0xFFFFF830  }
0x37e: {  	_ =	swait.ge [sflag:s31], $0x7D0  }
0x37f: {  	[sflag:s31] =	ssyncset.done $0x0  }
0x380: {  	[sflag:s31] =	ssyncadd.s32 $0xFFFFF830  }
0x381: {  	v13 =	vld [tilespmem:$0x19C80]  }
0x382: {  	v14 =	vld [tilespmem:$0x1A440];
	_ =	sdelay $0x3  }
0x383: {  	v13 =	vxor.u32 $0x80000000, v13  }
0x384: {  	(xrf0) =	vmin.scan.msk.u32 $0xffff, v13;
	v13 =	vxor.u32 $0x80000000, v14  }
0x385: {  	(xrf0) =	vmax.scan.msk.u32 $0xffff, v13;
	_ =	sdelay $0x4  }
0x386: {  	v13, _, _ =	vpop (xrf0)  }
0x387: {  	(v2sf) =	vpush v13, $0xF;
	v13, _, _ =	vpop (xrf0)  }
0x388: {  	(v2sf) =	vpush v13, $0xF;
	_ =	sdelay $0xd  }
0x389: {  	s13 =	spop (v2sf)  }
0x38a: {  	s10 =	spop (v2sf)  }
0x38b: {  	s10 =	sxor.u32 $0x80000000, s10  }
0x38c: {  	p0 =	slt.s32 s10, s16  }
.Ltmp22:
0x38d: {  	_ = 	snop;
	(pc) =	sbr.rel @!p0 .LBB2_39-.Ltmp22, $1  }
0x38e: {  	_ =	sdelay $0x3  }
.Ltmp23:
0x38f: {  	(pc) =	sbr.rel .LBB2_46-.Ltmp23, $2  }
0x390: {  	_ =	sdelay $0x2  }
0x391: {  	s17 =	smov.u32 s21  }
.LBB2_39:
0x392: {  	s17 =	sxor.u32 $0x80000000, s13;
	s14 =	simm.s32 $0x0;
	p1 =	por $0x1, $0x1  }
.LBB2_40:
0x393: {  	s15 =	sadd.s32 s21, s14  }
0x394: {  	v12 =	vadd.s32 s15, v2;
	s11 =	sadd.s32 $0x10, s15;
	s12 =	sadd.s32 $0x20, s15;
	s16 =	sadd.s32 $0x30, s15  }
0x395: {  	v13 =	vadd.s32 s11, v2;
	v15 =	vadd.s32 s12, v2;
	v16 =	vadd.s32 s16, v2  }
0x396: {  	p0 =	por p1, p1;
	vm2 =	vlt.s32 v13, $0x187FF;
	vm3 =	vlt.s32 v15, $0x187FF;
	vm4 =	vlt.s32 v16, $0x187FF  }
0x397: {  	s16 =	simm.s32 $0x1CCA0;
	s11 =	simm.s32 $0x0;
	s12 =	simm.s32 $0x1CCA0;
	v14 =	vnsel vm2, $0x187FF, v13;
	v13 =	vnsel vm3, $0x187FF, v15;
	v15 =	vnsel vm4, $0x187FF, v16  }
.LBB2_41:
0x398: {  	s11 =	sadd.s32 $0x4, s11  }
0x399: {  	vm2 =	vlt.s32 v12, $0x187FF;
	[tilespmem:s16+$0x10] =	vst v15;
	s15 =	sadd.s32 $0x40, s15;
	s12 =	sadd.s32 $0x40, s12;
	p1 =	slt.u32 s11, $0x7C  }
.Ltmp24:
0x39a: {  	v15 =	vnsel vm2, $0x187FF, v12;
	[tilespmem:s16+$0xFFFFFFF0] =	vst v14;
	(pc) =	sbr.rel @p1 .LBB2_41-.Ltmp24, $4  }
0x39b: {  	v12 =	vadd.s32 s15, v2;
	s18 =	sadd.s32 $0x10, s15;
	s22 =	sadd.s32 $0x20, s15;
	s23 =	sadd.s32 $0x30, s15;
	[tilespmem:s16+$0xFFFFFFE0] =	vst v15  }
0x39c: {  	v14 =	vadd.s32 s18, v2;
	v15 =	vadd.s32 s22, v2;
	v16 =	vadd.s32 s23, v2;
	[tilespmem:s16+$0x0] =	vst v13;
	s16 =	smov.u32 s12  }
0x39d: {  	vm2 =	vlt.s32 v14, $0x187FF;
	vm3 =	vlt.s32 v15, $0x187FF;
	vm4 =	vlt.s32 v16, $0x187FF  }
0x39e: {  	v14 =	vnsel vm2, $0x187FF, v14;
	v13 =	vnsel vm3, $0x187FF, v15;
	v15 =	vnsel vm4, $0x187FF, v16  }
0x39f: {  	[tilespmem:s16+$0x10] =	vst v15  }
0x3a0: {  	vm2 =	vlt.s32 v12, $0x187FF;
	[tilespmem:s16+$0xFFFFFFF0] =	vst v14  }
0x3a1: {  	[tilespmem:s16+$0x0] =	vst v13;
	v12 =	vnsel vm2, $0x187FF, v12  }
0x3a2: {  	s11 =	sadd.s32 $0x1BC80, s14;
	s12 =	simm.s32 $0x0;
	[tilespmem:s16+$0xFFFFFFE0] =	vst v12  }
0x3a3: {  	[spmem:s5] =	stream.indirect.scatter.add.f32 [tilespmem:s11], [sflag:$0x3], $0x1, s9, s8, $0xb8;
	[tilespmem:$0x1F500] =	vst v63  }
0x3a4: {  	s23 =	sand.u32 $0x780, s12;
	_ =	swait.ge [sflag:s30], $0x800  }
0x3a5: {  	s15 =	sand.u32 $0x40, s12;
	s25 =	sadd.s32 s23, s11;
	[sflag:s30] =	ssyncset.done $0x0  }
0x3a6: {  	s14 =	simm.s32 $0x0;
	s15 =	sadd.s32 s15, s25;
	[sflag:s30] =	ssyncadd.s32 $0xFFFFF800  }
.LBB2_43:
0x3a7: {  	s14 =	sadd.s32 $0x4, s14  }
0x3a8: {  	[tilespmem:s15+$0x30] =	vst v3;
	s12 =	sadd.s32 $0x40, s12;
	p1 =	slt.u32 s14, $0x7C  }
.Ltmp25:
0x3a9: {  	[tilespmem:s15+$0x20] =	vst v3;
	(pc) =	sbr.rel @p1 .LBB2_43-.Ltmp25, $4  }
0x3aa: {  	[tilespmem:s15+$0x0] =	vst v3  }
0x3ab: {  	s16 =	sand.u32 $0x780, s12;
	[tilespmem:s15+$0x10] =	vst v3  }
0x3ac: {  	s16 =	sadd.s32 s16, s11;
	s15 =	sand.u32 $0x40, s12  }
0x3ad: {  	s15 =	sadd.s32 s15, s16  }
.Ltmp26:
0x3ae: {  	(pc) =	sbr.rel @p0 .LBB2_40-.Ltmp26, $4  }
0x3af: {  	[tilespmem:s15+$0x30] =	vst v3  }
0x3b0: {  	[tilespmem:s15+$0x20] =	vst v3  }
0x3b1: {  	[tilespmem:s15+$0x0] =	vst v3  }
0x3b2: {  	[tilespmem:s15+$0x10] =	vst v3;
	s14 =	simm.s32 $0x800;
	p1 =	por $0x0, $0x0  }
0x3b3: {  	s16 =	sadd.s32 $0x80001000, s13;
	v12 =	vmov s17  }
.LBB2_46:
0x3b4: {  	p0 =	sge.s32 s10, s16  }
.Ltmp27:
0x3b5: {  	_ = 	snop;
	(pc) =	sbr.rel @p0 .LBB2_47-.Ltmp27, $2  }
0x3b6: {  	_ =	sdelay $0x2  }
0x3b7: {  	s10 =	simm.s32 $0x18CA0;
	s15 =	simm.s32 $0x1ACA0;
	s14 =	simm.s32 $0x19CA0  }
0x3b8: {  	v13 =	vld [tilespmem:s15+$0x0]  }
0x3b9: {  	v18 =	vld [tilespmem:s14+$0xFFFFFFE0]  }
0x3ba: {  	v19 =	vld [tilespmem:s14+$0x0]  }
0x3bb: {  	v26 =	vld [tilespmem:s14+$0x10]  }
0x3bc: {  	v15 =	vld [tilespmem:s15+$0x10]  }
0x3bd: {  	v14 =	vld [tilespmem:s15+$0xFFFFFFE0]  }
0x3be: {  	v17 =	vld [tilespmem:s15+$0xFFFFFFF0]  }
0x3bf: {  	v16 =	vld [tilespmem:s14+$0xFFFFFFF0]  }
0x3c0: {  	v22 =	vld [tilespmem:s10+$0x0]  }
0x3c1: {  	v13 =	vld.idx.msk [tilespmem:v13+s1+$0x0], $0xffff  }
0x3c2: {  	v21 =	vld.idx.msk [tilespmem:v19+s1+$0x0], $0xffff  }
0x3c3: {  	v23 =	vld.idx.msk [tilespmem:v26+s1+$0x0], $0xffff  }
0x3c4: {  	v15 =	vld.idx.msk [tilespmem:v15+s1+$0x0], $0xffff  }
0x3c5: {  	v24 =	vld [tilespmem:s10+$0x10]  }
0x3c6: {  	v20 =	vld.idx.msk [tilespmem:v18+s1+$0x0], $0xffff  }
0x3c7: {  	v14 =	vld.idx.msk [tilespmem:v14+s1+$0x0], $0xffff  }
0x3c8: {  	v13 =	vadd.f32 v13, v21  }
0x3c9: {  	v27 =	vperm.xlane v19, v1;
	v21 =	vld [tilespmem:s10+$0xFFFFFFE0];
	v15 =	vadd.f32 v15, v23  }
0x3ca: {  	v25 =	vperm.xlane v26, v1;
	v17 =	vld.idx.msk [tilespmem:v17+s1+$0x0], $0xffff;
	v22 =	vmul.f32 v13, v22  }
0x3cb: {  	v23 =	vld.idx.msk [tilespmem:v16+s1+$0x0], $0xffff;
	v13 =	vperm.xlane v16, v1;
	v24 =	vmul.f32 v15, v24  }
0x3cc: {  	v14 =	vadd.f32 v14, v20;
	v28 =	vmul.f32 v22, v10;
	v29 =	vmul.f32 v22, v8  }
0x3cd: {  	v15 =	vld [tilespmem:s10+$0xFFFFFFF0];
	v20 =	vmul.f32 v22, v9;
	v22 =	vmul.f32 v22, v11  }
0x3ce: {  	v34 =	vmul.f32 v24, v9;
	v14 =	vmul.f32 v14, v21  }
0x3cf: {  	v21 =	vmul.f32 v24, v11;
	v20 =	vmul.f32 $1.442695020e+00, v20  }
0x3d0: {  	v17 =	vadd.f32 v17, v23;
	v29 =	vmul.f32 $1.442695020e+00, v29;
	v22 =	vmul.f32 $1.442695020e+00, v22  }
0x3d1: {  	v30 =	vmul.f32 v14, v11;
	v31 =	vmul.f32 v14, v8  }
0x3d2: {  	v23 =	vmul.f32 v14, v10;
	v17 =	vmul.f32 v17, v15  }
0x3d3: {  	v14 =	vmul.f32 v14, v9;
	v21 =	vmul.f32 $1.442695020e+00, v21  }
0x3d4: {  	(erf) = vpow2.f32 v20;
	v20 =	vmul.f32 $1.442695020e+00, v30  }
0x3d5: {  	v30 =	vmul.f32 v24, v10;
	v32 =	vmul.f32 v17, v11  }
0x3d6: {  	s11 =	simm.s32 $0x1ACE0;
	v33 =	vmul.f32 v17, v10;
	v23 =	vmul.f32 $1.442695020e+00, v23  }
0x3d7: {  	v45 =	vld [tilespmem:s11+$0x10];
	v35 =	vmul.f32 $1.442695020e+00, v14;
	v14 =	vmul.f32 $1.442695020e+00, v28  }
0x3d8: {  	v24 =	vmul.f32 v24, v8;
	(erf) = vpow2.f32 v20  }
0x3d9: {  	s25 =	simm.s32 $0x19CE0;
	v31 =	vmul.f32 $1.442695020e+00, v31;
	(erf) = vpow2.f32 v23  }
0x3da: {  	v15 =	vld [tilespmem:s25+$0x0];
	v20 =	vmul.f32 $1.442695020e+00, v32;
	(erf) = vpow2.f32 v29  }
0x3db: {  	v28 =	vld [tilespmem:s11+$0x0];
	v24 =	vmul.f32 $1.442695020e+00, v24;
	(erf) = vpow2.f32 v14  }
0x3dc: {  	v23 =	vmul.f32 $1.442695020e+00, v34;
	v14 =	vld [tilespmem:s25+$0x10];
	(erf) = vpow2.f32 v20  }
0x3dd: {  	s18 =	simm.s32 $0x18CE0;
	v38 =	vld [tilespmem:s11+$0xFFFFFFF0];
	vm2 =	vne.s32 v19, v27;
	v29 =	vmul.f32 v17, v9;
	(erf) = vpow2.f32 v21  }
0x3de: {  	v41 =	vld [tilespmem:s18+$0x0];
	vm3 =	vne.s32 v26, v25;
	v17 =	vmul.f32 v17, v8;
	(erf) = vpow2.f32 v22  }
0x3df: {  	v25 =	vsub.s32 v25, v12;
	v34 =	vld.idx.msk [tilespmem:v45+s1+$0x0], $0xffff;
	v20 =	vperm.xlane v15, v1;
	v44 =	vpop (erf);
	(erf) = vpow2.f32 v23  }
0x3e0: {  	vm2 =	vmmov vm2;
	v29 =	vmul.f32 $1.442695020e+00, v29;
	v36 =	vmul.f32 $1.442695020e+00, v17;
	v21 =	vld [tilespmem:s25+$0xFFFFFFE0]  }
0x3e1: {  	vm3 =	vmmov vm3;
	v23 =	vmul.f32 $1.442695020e+00, v30;
	v30 =	vld [tilespmem:s11+$0xFFFFFFE0];
	v17 =	vperm.xlane v14, v1;
	v22 =	vpop (erf)  }
0x3e2: {  	v26 =	vsub.s32 v26, v12;
	v40 =	vld.idx.msk [tilespmem:v15+s1+$0x0], $0xffff;
	(erf) = vpow2.f32 v24;
	v24 =	vmul.f32 v22, v7;
	v22 =	vpop (erf)  }
0x3e3: {  	vm6 =	vmmov vm2;
	(erf) = vpow2.f32 v23;
	v23 =	vld.idx.msk [tilespmem:v28+s1+$0x0], $0xffff;
	v28 =	vmul.f32 $1.442695020e+00, v33;
	v37 =	vpop (erf)  }
0x3e4: {  	vm4 =	vne.s32 v15, v20;
	v39 =	vmul.f32 v22, v6;
	(erf) = vpow2.f32 v35;
	v42 =	vld.idx.msk [tilespmem:v14+s1+$0x0], $0xffff;
	v22 =	vpop (erf)  }
0x3e5: {  	vm2 =	vmmov vm4;
	(erf) = vpow2.f32 v28;
	v46 =	vmul.f32 v22, v6;
	v47 =	vpop (erf);
	v22 =	vld [tilespmem:s25+$0xFFFFFFF0]  }
0x3e6: {  	vm4 =	vmmov vm3;
	v28 =	vmul.f32 v44, v5;
	(erf) = vpow2.f32 v31;
	v31 =	vld [tilespmem:s18+$0x10];
	v48 =	vpop (erf)  }
0x3e7: {  	v37 =	vmul.f32 v37, v4;
	v39 =	vadd.f32 v39, v24;
	(erf) = vpow2.f32 v29;
	v24 =	vpop (erf)  }
0x3e8: {  	v50 =	vld.idx.msk [tilespmem:v21+s1+$0x0], $0xffff;
	v35 =	vmul.f32 v47, v7;
	v23 =	vadd.f32 v23, v40;
	v24 =	vmul.f32 v24, v7;
	v29 =	vpop (erf)  }
0x3e9: {  	v43 =	vmul.f32 v48, v7;
	v52 =	vld.idx.msk [tilespmem:v30+s1+$0x0], $0xffff;
	v34 =	vadd.f32 v34, v42;
	v29 =	vmul.f32 v29, v5  }
0x3ea: {  	v41 =	vmul.f32 v23, v41;
	v49 =	vadd.f32 v46, v24;
	v24 =	vperm.xlane v22, v1  }
0x3eb: {  	v53 =	vld [tilespmem:s18+$0xFFFFFFE0];
	vm3 =	vmand vm6, vm1;
	v51 =	vpop (erf);
	(erf) = vpow2.f32 v36;
	v33 =	vmul.f32 v34, v31  }
0x3ec: {  	vm5 =	vne.s32 v14, v17;
	v30 =	vpop (erf);
	v44 =	vmul.f32 v51, v4;
	v46 =	vmul.f32 v41, v8  }
0x3ed: {  	v23 =	vsub.s32 v27, v12;
	v32 =	vmul.f32 v41, v11;
	v27 =	vmul.f32 v30, v6;
	v45 =	vpop (erf)  }
0x3ee: {  	v38 =	vld.idx.msk [tilespmem:v38+s1+$0x0], $0xffff;
	v30 =	vmul.f32 v41, v10;
	v41 =	vmul.f32 v41, v9;
	v36 =	vadd.f32 v52, v50;
	v47 =	vpop (erf)  }
0x3ef: {  	v28 =	vadd.f32 v49, v28;
	v54 =	vmul.f32 v45, v5;
	v57 =	vld.idx.msk [tilespmem:v22+s1+$0x0], $0xffff;
	v55 =	vmul.f32 v47, v6  }
0x3f0: {  	v27 =	vadd.f32 v27, v43;
	v56 =	vpop (erf);
	v36 =	vmul.f32 v36, v53;
	v41 =	vmul.f32 $1.442695020e+00, v41  }
0x3f1: {  	v60 =	vld [tilespmem:s18+$0xFFFFFFF0];
	v28 =	vadd.f32 v28, v37;
	v31 =	vadd.f32 v39, v54;
	v58 =	vpop (erf);
	v43 =	vmul.f32 v56, v4  }
0x3f2: {  	v39 =	vmul.f32 $1.442695020e+00, v46;
	v59 =	vadd.f32 v55, v35;
	v34 =	vmul.f32 v58, v5  }
0x3f3: {  	v29 =	vadd.f32 v27, v29;
	v35 =	vmul.f32 v33, v11;
	v61 =	vmul.f32 v36, v11  }
0x3f4: {  	v27 =	vmul.f32 v36, v8;
	v40 =	vmul.f32 v36, v10;
	v62 =	vadd.f32 v38, v57  }
0x3f5: {  	(erf) = vpow2.f32 v41;
	v43 =	vadd.f32 v31, v43;
	v41 =	vmul.f32 $1.442695020e+00, v61;
	v63 =	vpop (erf)  }
0x3f6: {  	(xrf2) =	vadd.scan.msk.f32 $0xffff, v28;
	v34 =	vadd.f32 v59, v34;
	v31 =	vmul.f32 v62, v60;
	v45 =	vmul.f32 v63, v4  }
0x3f7: {  	v38 =	vmul.f32 v36, v9;
	v37 =	vadd.f32 v29, v44;
	v36 =	vmul.f32 v33, v10  }
0x3f8: {  	s14 =	simm.s32 $0x1AD20;
	s15 =	simm.s32 $0x19D20;
	s10 =	simm.s32 $0x40;
	v29 =	vperm.xlane v18, v1;
	(xrf2) =	vadd.scan.msk.f32 $0xffff, v43;
	v42 =	vmul.f32 v31, v11;
	v34 =	vadd.f32 v34, v45  }
.LBB2_51:
0x3f9: {  	v44 =	vmul.f32 v31, v10  }
0x3fa: {  	v43 =	vld [tilespmem:s14+$0x0];
	s10 =	sadd.s32 $0x40, s10;
	v45 =	vmul.f32 v33, v9;
	s18 =	sadd.s32 $0x40, s18;
	vm9 =	vne.s32 v16, v13;
	vm7 =	vmmov vm5  }
0x3fb: {  	v47 =	vmul.f32 $1.442695020e+00, v40;
	v28 =	vld [tilespmem:s18+$0xFFFFFFE0];
	p0 =	slt.u32 s10, $0x780;
	(erf) = vpow2.f32 v41;
	vm8 =	vne.s32 v18, v29  }
0x3fc: {  	v38 =	vmul.f32 $1.442695020e+00, v38;
	v30 =	vmul.f32 $1.442695020e+00, v30;
	vm5 =	vmor vm6, vm0;
	v41 =	vld [tilespmem:s15+$0xFFFFFFE0];
	(xrf2) =	vadd.scan.msk.f32 $0xffff, v37  }
0x3fd: {  	v32 =	vmul.f32 $1.442695020e+00, v32;
	v37 =	vmul.f32 $1.442695020e+00, v42;
	v42 =	vsub.s32 v19, v12;
	v19 =	vmovc v15;
	v15 =	vld [tilespmem:s15+$0x0]  }
0x3fe: {  	v45 =	vmul.f32 $1.442695020e+00, v45;
	vm6 =	vmor vm8, vm0;
	v46 =	vld [tilespmem:s14+$0xFFFFFFE0];
	(erf) = vpow2.f32 v47;
	v40 =	vpop (erf)  }
0x3ff: {  	v48 =	vmul.f32 v33, v8;
	v47 =	vld [tilespmem:s14+$0xFFFFFFF0];
	(erf) = vpow2.f32 v39;
	v39 =	vsub.s32 v18, v12;
	v18 =	vmovc v21  }
0x400: {  	v49 =	vmul.f32 v31, v9;
	vm11 =	vmand vm8, vm1;
	v33 =	vld [tilespmem:s18+$0x10];
	(erf) = vpow2.f32 v30;
	v30, _, _ =	vpop (xrf2)  }
0x401: {  	v35 =	vmul.f32 $1.442695020e+00, v35;
	v50 =	vld [tilespmem:s14+$0x10];
	(erf) = vpow2.f32 v37;
	v37 =	vsub.s32 v29, v12;
	(xrf2) =	vadd.scan.msk.f32 $0xffff, v34;
	v21 =	vmovc v41  }
0x402: {  	vm8 =	vmand vm9, vm1;
	v41 =	vmul.f32 $1.442695020e+00, v48;
	v34 =	vperm.xlane v15, v1;
	[tilespmem:v42+s0+$0x0] =	vst.idx.add.f32.msk vm5, v30  }
0x403: {  	vm5 =	vmor vm4, vm0;
	v29 =	vld [tilespmem:s15+$0x10];
	(erf) = vpow2.f32 v35;
	v35 =	vsub.s32 v13, v12;
	v13, _, _ =	vpop (xrf2)  }
0x404: {  	v42 =	vmul.f32 $1.442695020e+00, v49;
	v48 =	vpop (erf);
	(erf) = vpow2.f32 v32;
	[tilespmem:v39+s0+$0x0] =	vst.idx.add.f32.msk vm6, v13;
	v32 =	vsub.f32 $0.0e+00, v13  }
0x405: {  	v31 =	vmul.f32 v31, v8;
	vm10 =	vne.s32 v15, v34;
	v13 =	vmovc v24;
	v39 =	vld.idx.msk [tilespmem:v43+s1+$0x0], $0xffff;
	(erf) = vpow2.f32 v45  }
0x406: {  	v24 =	vmul.f32 $1.442695020e+00, v36;
	(erf) = vpow2.f32 v41;
	[tilespmem:v37+s0+$0x0] =	vst.idx.add.f32.msk vm11, v32;
	v32 =	vsub.s32 v16, v12;
	v16, _, _ =	vpop (xrf2)  }
0x407: {  	v31 =	vmul.f32 $1.442695020e+00, v31;
	v37 =	vmul.f32 v48, v7;
	v36 =	vld.idx.msk [tilespmem:v21+s1+$0x0], $0xffff;
	v41 =	vpop (erf);
	v43 =	vsub.f32 $0.0e+00, v16  }
0x408: {  	vm6 =	vmand vm4, vm1;
	v45 =	vld.idx.msk [tilespmem:v15+s1+$0x0], $0xffff;
	v48 =	vperm.xlane v29, v1;
	v41 =	vmul.f32 v41, v6;
	v49 =	vpop (erf)  }
0x409: {  	v44 =	vmul.f32 $1.442695020e+00, v44;
	vm4 =	vmor vm9, vm0;
	v51 =	vld [tilespmem:s15+$0xFFFFFFF0];
	v52 =	vpop (erf);
	(erf) = vpow2.f32 v24  }
0x40a: {  	v53 =	vld [tilespmem:s18+$0x0];
	v37 =	vadd.f32 v41, v37;
	v24 =	vmul.f32 v52, v6;
	(erf) = vpow2.f32 v38;
	v38 =	vpop (erf)  }
0x40b: {  	v54 =	vmul.f32 $1.442695020e+00, v27;
	v30 =	vsub.f32 $0.0e+00, v30;
	(erf) = vpow2.f32 v44;
	[tilespmem:v26+s0+$0x0] =	vst.idx.add.f32.msk vm5, v16;
	v26, _, _ =	vpop (xrf2)  }
0x40c: {  	v40 =	vmul.f32 v40, v5;
	v44 =	vmul.f32 v49, v4;
	v41 =	vld.idx.msk [tilespmem:v29+s1+$0x0], $0xffff;
	v49 =	vpop (erf);
	v52 =	vsub.f32 $0.0e+00, v26  }
0x40d: {  	vm5 =	vne.s32 v29, v48;
	v16 =	vmov v22;
	(erf) = vpow2.f32 v54;
	v27 =	vpop (erf);
	[tilespmem:v23+s0+$0x0] =	vst.idx.add.f32.msk vm3, v30  }
0x40e: {  	v23 =	vmul.f32 v27, v7;
	(erf) = vpow2.f32 v42;
	v27 =	vpop (erf);
	[tilespmem:v25+s0+$0x0] =	vst.idx.add.f32.msk vm6, v43;
	v22 =	vmov v51  }
0x40f: {  	v42 =	vmul.f32 v49, v7;
	vm6 =	vmmov vm2;
	v25 =	vld.idx.msk [tilespmem:v50+s1+$0x0], $0xffff;
	v27 =	vmul.f32 v27, v5;
	v30 =	vpop (erf)  }
0x410: {  	v38 =	vmul.f32 v38, v7;
	v39 =	vadd.f32 v39, v45;
	v43 =	vld.idx.msk [tilespmem:v46+s1+$0x0], $0xffff;
	v23 =	vadd.f32 v24, v23  }
0x411: {  	vm2 =	vmmov vm10;
	v24 =	vperm.xlane v22, v1;
	(erf) = vpow2.f32 v31;
	[tilespmem:v32+s0+$0x0] =	vst.idx.add.f32.msk vm4, v26  }
0x412: {  	v26 =	vmul.f32 v39, v53;
	vm4 =	vmmov vm7;
	v31 =	vadd.f32 v23, v40;
	v32 =	vpop (erf);
	[tilespmem:v35+s0+$0x0] =	vst.idx.add.f32.msk vm8, v52  }
0x413: {  	v39 =	vmul.f32 v30, v4;
	v23 =	vsub.s32 v20, v12;
	v20 =	vmul.f32 v32, v6;
	v35 =	vpop (erf)  }
0x414: {  	vm3 =	vmand vm6, vm1;
	v30 =	vmul.f32 v26, v10;
	v45 =	vmul.f32 v26, v8;
	v40 =	vpop (erf)  }
0x415: {  	v32 =	vmul.f32 v26, v11;
	v35 =	vmul.f32 v35, v5;
	v46 =	vld.idx.msk [tilespmem:v47+s1+$0x0], $0xffff;
	v47 =	vadd.f32 v25, v41  }
0x416: {  	v26 =	vmul.f32 v26, v9;
	v40 =	vmul.f32 v40, v6;
	v49 =	vadd.f32 v20, v42;
	v41 =	vld.idx.msk [tilespmem:v51+s1+$0x0], $0xffff;
	v42 =	vpop (erf)  }
0x417: {  	v36 =	vadd.f32 v43, v36;
	v37 =	vadd.f32 v37, v35;
	v33 =	vmul.f32 v47, v33;
	v25 =	vpop (erf)  }
0x418: {  	v38 =	vadd.f32 v40, v38;
	v43 =	vadd.f32 v49, v27;
	v20 =	vmovc v34;
	v40 =	vmul.f32 v25, v5  }
0x419: {  	v28 =	vmul.f32 v36, v28;
	v36 =	vmul.f32 v42, v4;
	v25 =	vsub.s32 v17, v12;
	v17 =	vmovc v48;
	v34 =	vld [tilespmem:s18+$0xFFFFFFF0]  }
0x41a: {  	v26 =	vmul.f32 $1.442695020e+00, v26;
	v35 =	vmul.f32 v33, v11;
	v47 =	vadd.f32 v38, v40;
	v42 =	vpop (erf)  }
0x41b: {  	v31 =	vadd.f32 v31, v44;
	v27 =	vmul.f32 v28, v8;
	v38 =	vmul.f32 v28, v11  }
.Ltmp28:
0x41c: {  	v40 =	vmul.f32 v28, v10;
	v44 =	vadd.f32 v46, v41;
	(erf) = vpow2.f32 v26;
	(pc) =	sbr.rel @p0 .LBB2_51-.Ltmp28, $4  }
0x41d: {  	v41 =	vmul.f32 $1.442695020e+00, v38;
	v38 =	vmul.f32 v28, v9;
	v28 =	vadd.f32 v37, v36;
	(xrf2) =	vadd.scan.msk.f32 $0xffff, v31  }
0x41e: {  	v37 =	vadd.f32 v43, v39;
	v31 =	vmul.f32 v44, v34;
	v34 =	vmul.f32 v42, v4  }
0x41f: {  	v39 =	vmul.f32 $1.442695020e+00, v45;
	v36 =	vmul.f32 v33, v10;
	v26 =	vsub.s32 v14, v12;
	v14 =	vmovc v29  }
0x420: {  	s14 =	sadd.s32 $0x40, s14;
	s15 =	sadd.s32 $0x40, s15;
	v29 =	vperm.xlane v18, v1;
	v42 =	vmul.f32 v31, v11;
	v34 =	vadd.f32 v47, v34;
	(xrf2) =	vadd.scan.msk.f32 $0xffff, v28  }
0x421: {  	v28 =	vmul.f32 v31, v10  }
0x422: {  	v43 =	vmul.f32 v33, v9;
	v40 =	vmul.f32 $1.442695020e+00, v40  }
0x423: {  	(erf) = vpow2.f32 v41;
	v30 =	vmul.f32 $1.442695020e+00, v30  }
0x424: {  	v32 =	vmul.f32 $1.442695020e+00, v32;
	(erf) = vpow2.f32 v40  }
0x425: {  	v54 =	vmul.f32 $1.442695020e+00, v42;
	(erf) = vpow2.f32 v39  }
0x426: {  	v55 =	vmul.f32 $1.442695020e+00, v35;
	(erf) = vpow2.f32 v30  }
0x427: {  	v56 =	vmul.f32 v33, v8;
	(erf) = vpow2.f32 v54  }
0x428: {  	v57 =	vmul.f32 $1.442695020e+00, v43;
	(erf) = vpow2.f32 v55  }
0x429: {  	v58 =	vmul.f32 $1.442695020e+00, v56;
	(erf) = vpow2.f32 v32  }
0x42a: {  	v59 =	vmul.f32 $1.442695020e+00, v36;
	(erf) = vpow2.f32 v57  }
0x42b: {  	v60 =	vmul.f32 $1.442695020e+00, v38;
	v61 =	vpop (erf);
	(erf) = vpow2.f32 v58  }
0x42c: {  	v28 =	vmul.f32 $1.442695020e+00, v28;
	v62 =	vpop (erf);
	(erf) = vpow2.f32 v59  }
0x42d: {  	v27 =	vmul.f32 $1.442695020e+00, v27;
	v63 =	vpop (erf);
	(erf) = vpow2.f32 v60  }
0x42e: {  	v45 =	vpop (erf);
	(erf) = vpow2.f32 v28  }
0x42f: {  	v44 =	vmul.f32 v31, v9;
	v46 =	vpop (erf);
	(erf) = vpow2.f32 v27  }
0x430: {  	v48 =	vmul.f32 v31, v8;
	v47 =	vpop (erf)  }
0x431: {  	vm7 =	vne.s32 v16, v13;
	v33 =	vmul.f32 $1.442695020e+00, v44;
	v49 =	vpop (erf)  }
0x432: {  	vm9 =	vmor vm6, vm0;
	v19 =	vsub.s32 v19, v12;
	v31 =	vmul.f32 $1.442695020e+00, v48;
	v50 =	vpop (erf)  }
0x433: {  	v52 =	vsub.s32 v18, v12;
	v30 =	vmul.f32 v62, v7;
	(erf) = vpow2.f32 v33;
	v51 =	vpop (erf)  }
0x434: {  	vm12 =	vmor vm4, vm0;
	v28 =	vmul.f32 v46, v6;
	v39 =	vmul.f32 v50, v7;
	v53 =	vpop (erf)  }
0x435: {  	vm13 =	vmand vm4, vm1;
	v54 =	vmul.f32 v63, v6;
	(erf) = vpow2.f32 v31;
	v55 =	vpop (erf)  }
0x436: {  	v13 =	vsub.s32 v13, v12;
	v35 =	vmul.f32 v61, v5;
	v28 =	vadd.f32 v28, v39;
	v56 =	vpop (erf)  }
0x437: {  	vm10 =	vne.s32 v18, v29;
	v30 =	vadd.f32 v54, v30;
	v58 =	vpop (erf);
	v39 =	vmul.f32 v56, v5  }
0x438: {  	(xrf2) =	vadd.scan.msk.f32 $0xffff, v37;
	vm8 =	vmor vm10, vm0;
	v36 =	vmul.f32 v45, v4;
	v28 =	vadd.f32 v28, v35;
	v59 =	vpop (erf)  }
0x439: {  	(xrf2) =	vadd.scan.msk.f32 $0xffff, v34;
	vm15 =	vmand vm10, vm1;
	v30 =	vadd.f32 v30, v39;
	v35 =	vmul.f32 v59, v4  }
0x43a: {  	v57 =	vmul.f32 v49, v7;
	v32 =	vmul.f32 v55, v6;
	v28 =	vadd.f32 v28, v36  }
0x43b: {  	v40, _, _ =	vpop (xrf2);
	v27 =	vmul.f32 v47, v7;
	v60 =	vmul.f32 v58, v6;
	v30 =	vadd.f32 v30, v35  }
0x43c: {  	vm10 =	vmmov vm5;
	v33 =	vmul.f32 v51, v5;
	v31 =	vadd.f32 v32, v57;
	v63 =	vpop (erf);
	(xrf2) =	vadd.scan.msk.f32 $0xffff, v28  }
0x43d: {  	v61 =	vsub.s32 v29, v12;
	v27 =	vadd.f32 v60, v27;
	v41 =	vmul.f32 v63, v5;
	(xrf2) =	vadd.scan.msk.f32 $0xffff, v30  }
0x43e: {  	vm5 =	vmand vm7, vm1;
	v62 =	vmul.f32 v53, v4;
	v31 =	vadd.f32 v31, v33;
	v42 =	vpop (erf)  }
0x43f: {  	vm7 =	vmor vm7, vm0;
	[tilespmem:v19+s0+$0x0] =	vst.idx.add.f32.msk vm9, v40;
	v43, _, _ =	vpop (xrf2);
	v27 =	vadd.f32 v27, v41;
	v19 =	vmul.f32 v42, v4  }
0x440: {  	v45 =	vsub.f32 $0.0e+00, v43;
	v47 =	vsub.s32 v16, v12;
	v44 =	vadd.f32 v31, v62  }
0x441: {  	vm2 =	vmmov vm2;
	[tilespmem:v52+s0+$0x0] =	vst.idx.add.f32.msk vm8, v43;
	v46 =	vperm.xlane v21, v1;
	v19 =	vadd.f32 v27, v19  }
0x442: {  	v48, _, _ =	vpop (xrf2);
	[tilespmem:v61+s0+$0x0] =	vst.idx.add.f32.msk vm15, v45;
	vm15 =	vmor vm2, vm0;
	v49 =	vsub.f32 $0.0e+00, v40;
	(xrf2) =	vadd.scan.msk.f32 $0xffff, v44  }
0x443: {  	v15 =	vsub.s32 v15, v12;
	[tilespmem:v26+s0+$0x0] =	vst.idx.add.f32.msk vm12, v48;
	vm14 =	vne.s32 v21, v46;
	v51, _, _ =	vpop (xrf2);
	(xrf2) =	vadd.scan.msk.f32 $0xffff, v19  }
0x444: {  	vm12 =	vmor vm14, vm0;
	[tilespmem:v23+s0+$0x0] =	vst.idx.add.f32.msk vm3, v49;
	v53 =	vsub.f32 $0.0e+00, v51  }
0x445: {  	v52 =	vsub.s32 v21, v12;
	vm2 =	vmand vm2, vm1;
	v50 =	vsub.f32 $0.0e+00, v48;
	[tilespmem:v47+s0+$0x0] =	vst.idx.add.f32.msk vm7, v51  }
0x446: {  	vm6 =	vmand vm14, vm1;
	vm3 =	vmmov vm10;
	[tilespmem:v13+s0+$0x0] =	vst.idx.add.f32.msk vm5, v53;
	v13 =	vsub.s32 v20, v12;
	v55, _, _ =	vpop (xrf2)  }
0x447: {  	v54 =	vsub.s32 v46, v12;
	vm14 =	vne.s32 v22, v24;
	[tilespmem:v25+s0+$0x0] =	vst.idx.add.f32.msk vm13, v50;
	vm13 =	vmor vm3, vm0;
	v56, _, _ =	vpop (xrf2)  }
0x448: {  	v14 =	vsub.s32 v14, v12;
	[tilespmem:v15+s0+$0x0] =	vst.idx.add.f32.msk vm15, v55;
	vm15 =	vmor vm14, vm0;
	v15 =	vsub.f32 $0.0e+00, v56  }
0x449: {  	vm3 =	vmand vm3, vm1;
	v57 =	vsub.s32 v22, v12;
	v59 =	vsub.f32 $0.0e+00, v55  }
0x44a: {  	v17 =	vsub.s32 v17, v12;
	vm5 =	vmand vm14, vm1;
	[tilespmem:v52+s0+$0x0] =	vst.idx.add.f32.msk vm12, v56  }
0x44b: {  	v58 =	vsub.s32 v24, v12;
	[tilespmem:v13+s0+$0x0] =	vst.idx.add.f32.msk vm2, v59  }
0x44c: {  	[tilespmem:v54+s0+$0x0] =	vst.idx.add.f32.msk vm6, v15;
	v15, _, _ =	vpop (xrf2)  }
0x44d: {  	v60 =	vsub.f32 $0.0e+00, v15;
	[tilespmem:v14+s0+$0x0] =	vst.idx.add.f32.msk vm13, v15;
	v14, _, _ =	vpop (xrf2)  }
0x44e: {  	v13 =	vsub.f32 $0.0e+00, v14;
	[tilespmem:v57+s0+$0x0] =	vst.idx.add.f32.msk vm15, v14  }
0x44f: {  	[tilespmem:v17+s0+$0x0] =	vst.idx.add.f32.msk vm3, v60  }
0x450: {  	[tilespmem:v58+s0+$0x0] =	vst.idx.add.f32.msk vm5, v13  }
0x451: {  	v13 =	vld [tilespmem:$0x1A440]  }
0x452: {  	v14 =	vld [tilespmem:$0x1B440];
	_ =	sdelay $0x6  }
0x453: {  	v15 =	vld.idx.msk [tilespmem:v13+s1+$0x0], $0xffff  }
0x454: {  	v14 =	vld.idx.msk [tilespmem:v14+s1+$0x0], $0xffff;
	_ =	sdelay $0x1  }
0x455: {  	v16 =	vld [tilespmem:$0x19440];
	_ =	sdelay $0x2  }
0x456: {  	v14 =	vadd.f32 v14, v15;
	_ =	sdelay $0x1  }
0x457: {  	v14 =	vmul.f32 v14, v16;
	_ =	sdelay $0x1  }
0x458: {  	v15 =	vmul.f32 v14, v11  }
0x459: {  	v16 =	vmul.f32 v14, v10  }
0x45a: {  	v15 =	vmul.f32 $1.442695020e+00, v15  }
0x45b: {  	v16 =	vmul.f32 $1.442695020e+00, v16  }
0x45c: {  	(erf) = vpow2.f32 v15;
	v15 =	vmul.f32 v14, v9  }
0x45d: {  	v14 =	vmul.f32 v14, v8  }
0x45e: {  	(erf) = vpow2.f32 v16;
	v15 =	vmul.f32 $1.442695020e+00, v15;
	_ =	sdelay $0x1  }
0x45f: {  	v14 =	vmul.f32 $1.442695020e+00, v14;
	(erf) = vpow2.f32 v15;
	_ =	sdelay $0x1  }
0x460: {  	(erf) = vpow2.f32 v14;
	_ =	sdelay $0x3  }
0x461: {  	v14 =	vpop (erf)  }
0x462: {  	v15 =	vpop (erf)  }
0x463: {  	v14 =	vmul.f32 v14, v7;
	v15 =	vmul.f32 v15, v6  }
0x464: {  	v61 =	vpop (erf)  }
0x465: {  	v14 =	vadd.f32 v15, v14;
	v15 =	vmul.f32 v61, v5  }
0x466: {  	v62 =	vpop (erf)  }
0x467: {  	v14 =	vadd.f32 v14, v15;
	v15 =	vmul.f32 v62, v4;
	_ =	sdelay $0x1  }
0x468: {  	v14 =	vadd.f32 v14, v15;
	_ =	sdelay $0x1  }
0x469: {  	(xrf2) =	vadd.scan.msk.f32 $0xffff, v14;
	_ =	sdelay $0x2  }
0x46a: {  	v14 =	vperm.xlane v13, v0;
	_ =	sdelay $0x1  }
0x46b: {  	vm2 =	vne.s32 v13, v14  }
0x46c: {  	vm3 =	vmor vm2, vm0  }
0x46d: {  	v13 =	vsub.s32 v13, v12;
	vm2 =	vmand vm2, vm1  }
0x46e: {  	v14 =	vsub.s32 v14, v12  }
.Ltmp29:
0x46f: {  	_ = 	snop;
	(pc) =	sbr.rel .LBB2_53-.Ltmp29, $4  }
0x470: {  	v15, _, _ =	vpop (xrf2)  }
0x471: {  	v63 =	vsub.f32 $0.0e+00, v15  }
0x472: {  	[tilespmem:v13+s0+$0x0] =	vst.idx.add.f32.msk vm3, v15  }
0x473: {  	[tilespmem:v14+s0+$0x0] =	vst.idx.add.f32.msk vm2, v63  }
.LBB2_47:
0x474: {  	s18 =	simm.s32 $0xFFFFFFFC;
	s13 =	simm.s32 $0x1D4A0  }
.LBB2_48:
0x475: {  	v13 =	vld [tilespmem:s14+$0xFFFFFFE0]  }
0x476: {  	v14 =	vld [tilespmem:s15+$0xFFFFFFE0];
	_ =	sdelay $0x6  }
0x477: {  	v13 =	vld.idx.msk [tilespmem:v13+s1+$0x0], $0xffff  }
0x478: {  	v14 =	vld.idx.msk [tilespmem:v14+s1+$0x0], $0xffff;
	_ =	sdelay $0x1  }
0x479: {  	v15 =	vld [tilespmem:s10+$0xFFFFFFE0];
	_ =	sdelay $0x2  }
0x47a: {  	v13 =	vadd.f32 v14, v13;
	_ =	sdelay $0x1  }
0x47b: {  	v13 =	vmul.f32 v13, v15;
	_ =	sdelay $0x1  }
0x47c: {  	v14 =	vmul.f32 v13, v11  }
0x47d: {  	v15 =	vmul.f32 v13, v10  }
0x47e: {  	v14 =	vmul.f32 $1.442695020e+00, v14  }
0x47f: {  	v15 =	vmul.f32 $1.442695020e+00, v15  }
0x480: {  	(erf) = vpow2.f32 v14;
	v14 =	vmul.f32 v13, v9  }
0x481: {  	v13 =	vmul.f32 v13, v8  }
0x482: {  	(erf) = vpow2.f32 v15;
	v14 =	vmul.f32 $1.442695020e+00, v14;
	_ =	sdelay $0x1  }
0x483: {  	v13 =	vmul.f32 $1.442695020e+00, v13;
	(erf) = vpow2.f32 v14;
	_ =	sdelay $0x1  }
0x484: {  	(erf) = vpow2.f32 v13;
	_ =	sdelay $0x3  }
0x485: {  	v13 =	vpop (erf)  }
0x486: {  	v14 =	vpop (erf)  }
0x487: {  	v13 =	vmul.f32 v13, v7;
	v14 =	vmul.f32 v14, v6  }
0x488: {  	v15 =	vpop (erf)  }
0x489: {  	v13 =	vadd.f32 v14, v13;
	v14 =	vmul.f32 v15, v5  }
0x48a: {  	v15 =	vpop (erf)  }
0x48b: {  	v13 =	vadd.f32 v13, v14;
	v14 =	vmul.f32 v15, v4;
	_ =	sdelay $0x1  }
0x48c: {  	v13 =	vadd.f32 v13, v14;
	_ =	sdelay $0x1  }
0x48d: {  	[tilespmem:s13+$0xFFFFFFE0] =	vst v13  }
0x48e: {  	v13 =	vld [tilespmem:s14+$0xFFFFFFF0]  }
0x48f: {  	v14 =	vld [tilespmem:s15+$0xFFFFFFF0];
	_ =	sdelay $0x6  }
0x490: {  	v13 =	vld.idx.msk [tilespmem:v13+s1+$0x0], $0xffff  }
0x491: {  	v14 =	vld.idx.msk [tilespmem:v14+s1+$0x0], $0xffff;
	_ =	sdelay $0x1  }
0x492: {  	v15 =	vld [tilespmem:s10+$0xFFFFFFF0];
	_ =	sdelay $0x2  }
0x493: {  	v13 =	vadd.f32 v14, v13;
	_ =	sdelay $0x1  }
0x494: {  	v13 =	vmul.f32 v13, v15;
	_ =	sdelay $0x1  }
0x495: {  	v14 =	vmul.f32 v13, v11  }
0x496: {  	v15 =	vmul.f32 v13, v10  }
0x497: {  	v14 =	vmul.f32 $1.442695020e+00, v14  }
0x498: {  	v15 =	vmul.f32 $1.442695020e+00, v15  }
0x499: {  	(erf) = vpow2.f32 v14;
	v14 =	vmul.f32 v13, v9  }
0x49a: {  	v13 =	vmul.f32 v13, v8  }
0x49b: {  	(erf) = vpow2.f32 v15;
	v14 =	vmul.f32 $1.442695020e+00, v14;
	_ =	sdelay $0x1  }
0x49c: {  	v13 =	vmul.f32 $1.442695020e+00, v13;
	(erf) = vpow2.f32 v14;
	_ =	sdelay $0x1  }
0x49d: {  	(erf) = vpow2.f32 v13;
	_ =	sdelay $0x3  }
0x49e: {  	v13 =	vpop (erf)  }
0x49f: {  	v14 =	vpop (erf)  }
0x4a0: {  	v13 =	vmul.f32 v13, v7;
	v14 =	vmul.f32 v14, v6  }
0x4a1: {  	v15 =	vpop (erf)  }
0x4a2: {  	v13 =	vadd.f32 v14, v13;
	v14 =	vmul.f32 v15, v5  }
0x4a3: {  	v15 =	vpop (erf)  }
0x4a4: {  	v13 =	vadd.f32 v13, v14;
	v14 =	vmul.f32 v15, v4;
	_ =	sdelay $0x1  }
0x4a5: {  	v13 =	vadd.f32 v13, v14;
	_ =	sdelay $0x1  }
0x4a6: {  	[tilespmem:s13+$0xFFFFFFF0] =	vst v13  }
0x4a7: {  	v13 =	vld [tilespmem:s14+$0x0]  }
0x4a8: {  	v14 =	vld [tilespmem:s15+$0x0];
	_ =	sdelay $0x6  }
0x4a9: {  	v13 =	vld.idx.msk [tilespmem:v13+s1+$0x0], $0xffff  }
0x4aa: {  	v14 =	vld.idx.msk [tilespmem:v14+s1+$0x0], $0xffff;
	_ =	sdelay $0x1  }
0x4ab: {  	v15 =	vld [tilespmem:s10+$0x0];
	_ =	sdelay $0x2  }
0x4ac: {  	v13 =	vadd.f32 v14, v13;
	_ =	sdelay $0x1  }
0x4ad: {  	v13 =	vmul.f32 v13, v15;
	_ =	sdelay $0x1  }
0x4ae: {  	v14 =	vmul.f32 v13, v11  }
0x4af: {  	v15 =	vmul.f32 v13, v10  }
0x4b0: {  	v14 =	vmul.f32 $1.442695020e+00, v14  }
0x4b1: {  	v15 =	vmul.f32 $1.442695020e+00, v15  }
0x4b2: {  	(erf) = vpow2.f32 v14;
	v14 =	vmul.f32 v13, v9  }
0x4b3: {  	v13 =	vmul.f32 v13, v8  }
0x4b4: {  	(erf) = vpow2.f32 v15;
	v14 =	vmul.f32 $1.442695020e+00, v14;
	_ =	sdelay $0x1  }
0x4b5: {  	v13 =	vmul.f32 $1.442695020e+00, v13;
	(erf) = vpow2.f32 v14;
	_ =	sdelay $0x1  }
0x4b6: {  	(erf) = vpow2.f32 v13;
	_ =	sdelay $0x3  }
0x4b7: {  	v13 =	vpop (erf)  }
0x4b8: {  	v14 =	vpop (erf)  }
0x4b9: {  	v13 =	vmul.f32 v13, v7;
	v14 =	vmul.f32 v14, v6  }
0x4ba: {  	v15 =	vpop (erf)  }
0x4bb: {  	v13 =	vadd.f32 v14, v13;
	v14 =	vmul.f32 v15, v5  }
0x4bc: {  	v15 =	vpop (erf)  }
0x4bd: {  	v13 =	vadd.f32 v13, v14;
	v14 =	vmul.f32 v15, v4;
	_ =	sdelay $0x1  }
0x4be: {  	v13 =	vadd.f32 v13, v14;
	_ =	sdelay $0x1  }
0x4bf: {  	[tilespmem:s13+$0x0] =	vst v13  }
0x4c0: {  	v13 =	vld [tilespmem:s14+$0x10]  }
0x4c1: {  	v14 =	vld [tilespmem:s15+$0x10];
	_ =	sdelay $0x6  }
0x4c2: {  	v13 =	vld.idx.msk [tilespmem:v13+s1+$0x0], $0xffff  }
0x4c3: {  	v14 =	vld.idx.msk [tilespmem:v14+s1+$0x0], $0xffff;
	_ =	sdelay $0x1  }
0x4c4: {  	v15 =	vld [tilespmem:s10+$0x10];
	_ =	sdelay $0x2  }
0x4c5: {  	v13 =	vadd.f32 v14, v13;
	_ =	sdelay $0x1  }
0x4c6: {  	v13 =	vmul.f32 v13, v15;
	_ =	sdelay $0x1  }
0x4c7: {  	v14 =	vmul.f32 v13, v11  }
0x4c8: {  	v15 =	vmul.f32 v13, v10  }
0x4c9: {  	v14 =	vmul.f32 $1.442695020e+00, v14  }
0x4ca: {  	v15 =	vmul.f32 $1.442695020e+00, v15  }
0x4cb: {  	(erf) = vpow2.f32 v14;
	v14 =	vmul.f32 v13, v9  }
0x4cc: {  	v13 =	vmul.f32 v13, v8  }
0x4cd: {  	(erf) = vpow2.f32 v15;
	v14 =	vmul.f32 $1.442695020e+00, v14;
	_ =	sdelay $0x1  }
0x4ce: {  	v13 =	vmul.f32 $1.442695020e+00, v13;
	(erf) = vpow2.f32 v14;
	_ =	sdelay $0x1  }
0x4cf: {  	(erf) = vpow2.f32 v13;
	_ =	sdelay $0x3  }
0x4d0: {  	v13 =	vpop (erf)  }
0x4d1: {  	v14 =	vpop (erf)  }
0x4d2: {  	v13 =	vmul.f32 v13, v7;
	v14 =	vmul.f32 v14, v6  }
0x4d3: {  	v15 =	vpop (erf)  }
0x4d4: {  	s18 =	sadd.s32 $0x4, s18;
	v13 =	vadd.f32 v14, v13;
	v14 =	vmul.f32 v15, v5  }
0x4d5: {  	p0 =	slt.u32 s18, $0x78;
	v15 =	vpop (erf)  }
.Ltmp30:
0x4d6: {  	v13 =	vadd.f32 v13, v14;
	v14 =	vmul.f32 v15, v4;
	(pc) =	sbr.rel @p0 .LBB2_48-.Ltmp30, $4  }
0x4d7: {  	_ = 	snop  }
0x4d8: {  	v13 =	vadd.f32 v13, v14  }
0x4d9: {  	s10 =	sadd.s32 $0x40, s10  }
0x4da: {  	s15 =	sadd.s32 $0x40, s15;
	s14 =	sadd.s32 $0x40, s14;
	[tilespmem:s13+$0x10] =	vst v13;
	s13 =	sadd.s32 $0x40, s13  }
0x4db: {  	v13 =	vld [tilespmem:$0x1A440]  }
0x4dc: {  	v14 =	vld [tilespmem:$0x1B440];
	_ =	sdelay $0x6  }
0x4dd: {  	v13 =	vld.idx.msk [tilespmem:v13+s1+$0x0], $0xffff  }
0x4de: {  	v14 =	vld.idx.msk [tilespmem:v14+s1+$0x0], $0xffff;
	_ =	sdelay $0x1  }
0x4df: {  	v15 =	vld [tilespmem:$0x19440];
	_ =	sdelay $0x2  }
0x4e0: {  	v13 =	vadd.f32 v14, v13;
	_ =	sdelay $0x1  }
0x4e1: {  	v13 =	vmul.f32 v13, v15;
	_ =	sdelay $0x1  }
0x4e2: {  	v14 =	vmul.f32 v13, v11  }
0x4e3: {  	v15 =	vmul.f32 v13, v10  }
0x4e4: {  	v14 =	vmul.f32 $1.442695020e+00, v14  }
0x4e5: {  	v15 =	vmul.f32 $1.442695020e+00, v15  }
0x4e6: {  	(erf) = vpow2.f32 v14;
	v14 =	vmul.f32 v13, v9  }
0x4e7: {  	v13 =	vmul.f32 v13, v8  }
0x4e8: {  	(erf) = vpow2.f32 v15;
	v14 =	vmul.f32 $1.442695020e+00, v14;
	_ =	sdelay $0x1  }
0x4e9: {  	v13 =	vmul.f32 $1.442695020e+00, v13;
	(erf) = vpow2.f32 v14;
	_ =	sdelay $0x1  }
0x4ea: {  	(erf) = vpow2.f32 v13;
	_ =	sdelay $0x3  }
0x4eb: {  	v13 =	vpop (erf)  }
0x4ec: {  	v14 =	vpop (erf)  }
0x4ed: {  	v13 =	vmul.f32 v13, v7;
	v14 =	vmul.f32 v14, v6  }
0x4ee: {  	v15 =	vpop (erf)  }
0x4ef: {  	v13 =	vadd.f32 v14, v13;
	v14 =	vmul.f32 v15, v5  }
0x4f0: {  	v15 =	vpop (erf)  }
0x4f1: {  	v13 =	vadd.f32 v13, v14;
	v14 =	vmul.f32 v15, v4;
	_ =	sdelay $0x1  }
0x4f2: {  	v13 =	vadd.f32 v13, v14;
	_ =	sdelay $0x1  }
0x4f3: {  	s10 =	simm.s32 $0x7D0;
	s11 =	simm.s32 $0x1D480;
	[tilespmem:$0x1DC40] =	vst v13  }
0x4f4: {  	[spmem:s5] =	stream.indirect.scatter.add.f32 [tilespmem:s11], [sflag:$0x3], $0x1, s24, s10, $0xb8;
	[tilespmem:$0x1F500] =	vst v63  }
0x4f5: {  	_ =	swait.ge [sflag:s30], $0x7D0  }
0x4f6: {  	[sflag:s30] =	ssyncset.done $0x0  }
0x4f7: {  	[sflag:s30] =	ssyncadd.s32 $0xFFFFF830  }
.LBB2_53:
0x4f8: {  	_ =	swait.ge [sflag:s6], $0x7D0  }
0x4f9: {  	[sflag:s6] =	ssyncset.done $0x0  }
0x4fa: {  	[sflag:s6] =	ssyncadd.s32 $0xFFFFF830  }
0x4fb: {  	_ =	swait.ge [sflag:s6], $0x7D0  }
0x4fc: {  	[sflag:s6] =	ssyncset.done $0x0  }
0x4fd: {  	[sflag:s6] =	ssyncadd.s32 $0xFFFFF830  }
0x4fe: {  	_ =	swait.ge [sflag:s6], $0x7D0  }
0x4ff: {  	[sflag:s6] =	ssyncset.done $0x0  }
0x500: {  	[sflag:s6] =	ssyncadd.s32 $0xFFFFF830  }
0x501: {  	v13 =	vld [tilespmem:$0x1A480]  }
0x502: {  	v14 =	vld [tilespmem:$0x1AC40];
	_ =	sdelay $0x3  }
0x503: {  	v13 =	vxor.u32 $0x80000000, v13  }
0x504: {  	(xrf0) =	vmin.scan.msk.u32 $0xffff, v13;
	v13 =	vxor.u32 $0x80000000, v14  }
0x505: {  	(xrf0) =	vmax.scan.msk.u32 $0xffff, v13;
	_ =	sdelay $0x4  }
0x506: {  	v13, _, _ =	vpop (xrf0)  }
0x507: {  	(v2sf) =	vpush v13, $0xF;
	v13, _, _ =	vpop (xrf0)  }
0x508: {  	(v2sf) =	vpush v13, $0xF;
	_ =	sdelay $0xd  }
0x509: {  	s10 =	spop (v2sf)  }
0x50a: {  	s11 =	spop (v2sf)  }
0x50b: {  	s13 =	sxor.u32 $0x80000000, s11  }
0x50c: {  	p0 =	slt.s32 s13, s16  }
.Ltmp31:
0x50d: {  	_ = 	snop;
	(pc) =	sbr.rel @!p0 .LBB2_55-.Ltmp31, $1  }
0x50e: {  	_ =	sdelay $0x3  }
.Ltmp32:
0x50f: {  	(pc) =	sbr.rel .LBB2_63-.Ltmp32, $2  }
0x510: {  	_ =	sdelay $0x2  }
0x511: {  	s16 =	smov.u32 s17  }
.LBB2_55:
0x512: {  	s16 =	sxor.u32 $0x80000000, s10;
	s14 =	simm.s32 $0x0;
	p1 =	por $0x1, $0x1  }
.LBB2_56:
0x513: {  	s15 =	sadd.s32 s17, s14  }
0x514: {  	v12 =	vadd.s32 s15, v2;
	s11 =	sadd.s32 $0x10, s15;
	s12 =	sadd.s32 $0x20, s15;
	s18 =	sadd.s32 $0x30, s15  }
0x515: {  	v13 =	vadd.s32 s11, v2;
	v15 =	vadd.s32 s12, v2;
	v16 =	vadd.s32 s18, v2  }
0x516: {  	p0 =	por p1, p1;
	vm2 =	vlt.s32 v13, $0x187FF;
	vm3 =	vlt.s32 v15, $0x187FF;
	vm4 =	vlt.s32 v16, $0x187FF  }
0x517: {  	s18 =	simm.s32 $0x1CCA0;
	s11 =	simm.s32 $0x0;
	s12 =	simm.s32 $0x1CCA0;
	v14 =	vnsel vm2, $0x187FF, v13;
	v13 =	vnsel vm3, $0x187FF, v15;
	v15 =	vnsel vm4, $0x187FF, v16  }
.LBB2_57:
0x518: {  	s11 =	sadd.s32 $0x4, s11  }
0x519: {  	vm2 =	vlt.s32 v12, $0x187FF;
	[tilespmem:s18+$0x10] =	vst v15;
	s15 =	sadd.s32 $0x40, s15;
	s12 =	sadd.s32 $0x40, s12;
	p1 =	slt.u32 s11, $0x7C  }
.Ltmp33:
0x51a: {  	v15 =	vnsel vm2, $0x187FF, v12;
	[tilespmem:s18+$0xFFFFFFF0] =	vst v14;
	(pc) =	sbr.rel @p1 .LBB2_57-.Ltmp33, $4  }
0x51b: {  	v12 =	vadd.s32 s15, v2;
	s21 =	sadd.s32 $0x10, s15;
	s22 =	sadd.s32 $0x20, s15;
	s23 =	sadd.s32 $0x30, s15;
	[tilespmem:s18+$0xFFFFFFE0] =	vst v15  }
0x51c: {  	v14 =	vadd.s32 s21, v2;
	v15 =	vadd.s32 s22, v2;
	v16 =	vadd.s32 s23, v2;
	[tilespmem:s18+$0x0] =	vst v13;
	s18 =	smov.u32 s12  }
0x51d: {  	vm2 =	vlt.s32 v14, $0x187FF;
	vm3 =	vlt.s32 v15, $0x187FF;
	vm4 =	vlt.s32 v16, $0x187FF  }
0x51e: {  	v14 =	vnsel vm2, $0x187FF, v14;
	v13 =	vnsel vm3, $0x187FF, v15;
	v15 =	vnsel vm4, $0x187FF, v16  }
0x51f: {  	[tilespmem:s18+$0x10] =	vst v15  }
0x520: {  	vm2 =	vlt.s32 v12, $0x187FF;
	[tilespmem:s18+$0xFFFFFFF0] =	vst v14  }
0x521: {  	[tilespmem:s18+$0x0] =	vst v13;
	v12 =	vnsel vm2, $0x187FF, v12  }
0x522: {  	s11 =	sadd.s32 $0x1BC80, s14;
	s12 =	simm.s32 $0x0;
	[tilespmem:s18+$0xFFFFFFE0] =	vst v12  }
0x523: {  	[spmem:s5] =	stream.indirect.scatter.add.f32 [tilespmem:s11], [sflag:$0x3], $0x1, s9, s8, $0xb8;
	[tilespmem:$0x1F500] =	vst v63  }
0x524: {  	s23 =	sand.u32 $0x780, s12;
	_ =	swait.ge [sflag:s30], $0x800  }
0x525: {  	s15 =	sand.u32 $0x40, s12;
	s25 =	sadd.s32 s23, s11;
	[sflag:s30] =	ssyncset.done $0x0  }
0x526: {  	s14 =	simm.s32 $0x0;
	s15 =	sadd.s32 s15, s25;
	[sflag:s30] =	ssyncadd.s32 $0xFFFFF800  }
.LBB2_59:
0x527: {  	s14 =	sadd.s32 $0x4, s14  }
0x528: {  	[tilespmem:s15+$0x30] =	vst v3;
	s12 =	sadd.s32 $0x40, s12;
	p1 =	slt.u32 s14, $0x7C  }
.Ltmp34:
0x529: {  	[tilespmem:s15+$0x20] =	vst v3;
	(pc) =	sbr.rel @p1 .LBB2_59-.Ltmp34, $4  }
0x52a: {  	[tilespmem:s15+$0x0] =	vst v3  }
0x52b: {  	s18 =	sand.u32 $0x780, s12;
	[tilespmem:s15+$0x10] =	vst v3  }
0x52c: {  	s18 =	sadd.s32 s18, s11;
	s15 =	sand.u32 $0x40, s12  }
0x52d: {  	s15 =	sadd.s32 s15, s18  }
.Ltmp35:
0x52e: {  	(pc) =	sbr.rel @p0 .LBB2_56-.Ltmp35, $4  }
0x52f: {  	[tilespmem:s15+$0x30] =	vst v3  }
0x530: {  	[tilespmem:s15+$0x20] =	vst v3  }
0x531: {  	[tilespmem:s15+$0x0] =	vst v3  }
0x532: {  	[tilespmem:s15+$0x10] =	vst v3;
	s14 =	simm.s32 $0x800;
	p1 =	por $0x0, $0x0  }
0x533: {  	s10 =	sadd.s32 $0x80001000, s10  }
0x534: {  	p0 =	sge.s32 s13, s10  }
.Ltmp36:
0x535: {  	_ = 	snop;
	(pc) =	sbr.rel @p0 .LBB2_66-.Ltmp36, $1  }
0x536: {  	_ =	sdelay $0x3  }
0x537: {  	v12 =	vmov s16  }
.LBB2_63:
0x538: {  	s10 =	simm.s32 $0x1B4A0  }
0x539: {  	s11 =	simm.s32 $0x1A4A0;
	v13 =	vld [tilespmem:s10+$0x0]  }
0x53a: {  	v17 =	vld [tilespmem:s11+$0xFFFFFFE0]  }
0x53b: {  	v19 =	vld [tilespmem:s11+$0x0]  }
0x53c: {  	v26 =	vld [tilespmem:s11+$0x10]  }
0x53d: {  	v15 =	vld [tilespmem:s10+$0x10]  }
0x53e: {  	v14 =	vld [tilespmem:s10+$0xFFFFFFE0]  }
0x53f: {  	v18 =	vld [tilespmem:s10+$0xFFFFFFF0]  }
0x540: {  	s22 =	simm.s32 $0x194A0;
	v16 =	vld [tilespmem:s11+$0xFFFFFFF0]  }
0x541: {  	v22 =	vld [tilespmem:s22+$0x0]  }
0x542: {  	v13 =	vld.idx.msk [tilespmem:v13+s1+$0x0], $0xffff  }
0x543: {  	v21 =	vld.idx.msk [tilespmem:v19+s1+$0x0], $0xffff  }
0x544: {  	v23 =	vld.idx.msk [tilespmem:v26+s1+$0x0], $0xffff  }
0x545: {  	v15 =	vld.idx.msk [tilespmem:v15+s1+$0x0], $0xffff  }
0x546: {  	v24 =	vld [tilespmem:s22+$0x10]  }
0x547: {  	v20 =	vld.idx.msk [tilespmem:v17+s1+$0x0], $0xffff  }
0x548: {  	v14 =	vld.idx.msk [tilespmem:v14+s1+$0x0], $0xffff  }
0x549: {  	v13 =	vadd.f32 v13, v21  }
0x54a: {  	v27 =	vperm.xlane v19, v1;
	v21 =	vld [tilespmem:s22+$0xFFFFFFE0];
	v15 =	vadd.f32 v15, v23  }
0x54b: {  	v25 =	vperm.xlane v26, v1;
	v18 =	vld.idx.msk [tilespmem:v18+s1+$0x0], $0xffff;
	v22 =	vmul.f32 v13, v22  }
0x54c: {  	v23 =	vld.idx.msk [tilespmem:v16+s1+$0x0], $0xffff;
	v13 =	vperm.xlane v16, v1;
	v24 =	vmul.f32 v15, v24  }
0x54d: {  	v14 =	vadd.f32 v14, v20;
	v28 =	vmul.f32 v22, v10;
	v29 =	vmul.f32 v22, v8  }
0x54e: {  	v15 =	vld [tilespmem:s22+$0xFFFFFFF0];
	v20 =	vmul.f32 v22, v9;
	v22 =	vmul.f32 v22, v11  }
0x54f: {  	v34 =	vmul.f32 v24, v9;
	v14 =	vmul.f32 v14, v21  }
0x550: {  	v21 =	vmul.f32 v24, v11;
	v20 =	vmul.f32 $1.442695020e+00, v20  }
0x551: {  	v18 =	vadd.f32 v18, v23;
	v29 =	vmul.f32 $1.442695020e+00, v29;
	v22 =	vmul.f32 $1.442695020e+00, v22  }
0x552: {  	v30 =	vmul.f32 v14, v11;
	v31 =	vmul.f32 v14, v8  }
0x553: {  	v23 =	vmul.f32 v14, v10;
	v18 =	vmul.f32 v18, v15  }
0x554: {  	v14 =	vmul.f32 v14, v9;
	v21 =	vmul.f32 $1.442695020e+00, v21  }
0x555: {  	(erf) = vpow2.f32 v20;
	v20 =	vmul.f32 $1.442695020e+00, v30  }
0x556: {  	v30 =	vmul.f32 v24, v10;
	v32 =	vmul.f32 v18, v11  }
0x557: {  	s25 =	simm.s32 $0x1B4E0;
	v33 =	vmul.f32 v18, v10;
	v23 =	vmul.f32 $1.442695020e+00, v23  }
0x558: {  	v45 =	vld [tilespmem:s25+$0x10];
	v35 =	vmul.f32 $1.442695020e+00, v14;
	v14 =	vmul.f32 $1.442695020e+00, v28  }
0x559: {  	v24 =	vmul.f32 v24, v8;
	(erf) = vpow2.f32 v20  }
0x55a: {  	s23 =	simm.s32 $0x1A4E0;
	v31 =	vmul.f32 $1.442695020e+00, v31;
	(erf) = vpow2.f32 v23  }
0x55b: {  	v15 =	vld [tilespmem:s23+$0x0];
	v20 =	vmul.f32 $1.442695020e+00, v32;
	(erf) = vpow2.f32 v29  }
0x55c: {  	v28 =	vld [tilespmem:s25+$0x0];
	v24 =	vmul.f32 $1.442695020e+00, v24;
	(erf) = vpow2.f32 v14  }
0x55d: {  	v23 =	vmul.f32 $1.442695020e+00, v34;
	v14 =	vld [tilespmem:s23+$0x10];
	(erf) = vpow2.f32 v20  }
0x55e: {  	s17 =	simm.s32 $0x194E0;
	v38 =	vld [tilespmem:s25+$0xFFFFFFF0];
	vm2 =	vne.s32 v19, v27;
	v29 =	vmul.f32 v18, v9;
	(erf) = vpow2.f32 v21  }
0x55f: {  	v41 =	vld [tilespmem:s17+$0x0];
	vm3 =	vne.s32 v26, v25;
	v18 =	vmul.f32 v18, v8;
	(erf) = vpow2.f32 v22  }
0x560: {  	v25 =	vsub.s32 v25, v12;
	v34 =	vld.idx.msk [tilespmem:v45+s1+$0x0], $0xffff;
	v20 =	vperm.xlane v15, v1;
	v44 =	vpop (erf);
	(erf) = vpow2.f32 v23  }
0x561: {  	vm2 =	vmmov vm2;
	v29 =	vmul.f32 $1.442695020e+00, v29;
	v36 =	vmul.f32 $1.442695020e+00, v18;
	v21 =	vld [tilespmem:s23+$0xFFFFFFE0]  }
0x562: {  	vm3 =	vmmov vm3;
	v23 =	vmul.f32 $1.442695020e+00, v30;
	v30 =	vld [tilespmem:s25+$0xFFFFFFE0];
	v18 =	vperm.xlane v14, v1;
	v22 =	vpop (erf)  }
0x563: {  	v26 =	vsub.s32 v26, v12;
	v40 =	vld.idx.msk [tilespmem:v15+s1+$0x0], $0xffff;
	(erf) = vpow2.f32 v24;
	v24 =	vmul.f32 v22, v7;
	v22 =	vpop (erf)  }
0x564: {  	vm6 =	vmmov vm2;
	(erf) = vpow2.f32 v23;
	v23 =	vld.idx.msk [tilespmem:v28+s1+$0x0], $0xffff;
	v28 =	vmul.f32 $1.442695020e+00, v33;
	v37 =	vpop (erf)  }
0x565: {  	vm4 =	vne.s32 v15, v20;
	v39 =	vmul.f32 v22, v6;
	(erf) = vpow2.f32 v35;
	v42 =	vld.idx.msk [tilespmem:v14+s1+$0x0], $0xffff;
	v22 =	vpop (erf)  }
0x566: {  	vm2 =	vmmov vm4;
	(erf) = vpow2.f32 v28;
	v46 =	vmul.f32 v22, v6;
	v47 =	vpop (erf);
	v22 =	vld [tilespmem:s23+$0xFFFFFFF0]  }
0x567: {  	vm4 =	vmmov vm3;
	v28 =	vmul.f32 v44, v5;
	(erf) = vpow2.f32 v31;
	v31 =	vld [tilespmem:s17+$0x10];
	v48 =	vpop (erf)  }
0x568: {  	v37 =	vmul.f32 v37, v4;
	v39 =	vadd.f32 v39, v24;
	(erf) = vpow2.f32 v29;
	v24 =	vpop (erf)  }
0x569: {  	v50 =	vld.idx.msk [tilespmem:v21+s1+$0x0], $0xffff;
	v35 =	vmul.f32 v47, v7;
	v23 =	vadd.f32 v23, v40;
	v24 =	vmul.f32 v24, v7;
	v29 =	vpop (erf)  }
0x56a: {  	v43 =	vmul.f32 v48, v7;
	v52 =	vld.idx.msk [tilespmem:v30+s1+$0x0], $0xffff;
	v34 =	vadd.f32 v34, v42;
	v29 =	vmul.f32 v29, v5  }
0x56b: {  	v41 =	vmul.f32 v23, v41;
	v49 =	vadd.f32 v46, v24;
	v24 =	vperm.xlane v22, v1  }
0x56c: {  	v53 =	vld [tilespmem:s17+$0xFFFFFFE0];
	vm3 =	vmand vm6, vm1;
	v51 =	vpop (erf);
	(erf) = vpow2.f32 v36;
	v33 =	vmul.f32 v34, v31  }
0x56d: {  	vm5 =	vne.s32 v14, v18;
	v30 =	vpop (erf);
	v44 =	vmul.f32 v51, v4;
	v46 =	vmul.f32 v41, v8  }
0x56e: {  	v23 =	vsub.s32 v27, v12;
	v32 =	vmul.f32 v41, v11;
	v27 =	vmul.f32 v30, v6;
	v45 =	vpop (erf)  }
0x56f: {  	v38 =	vld.idx.msk [tilespmem:v38+s1+$0x0], $0xffff;
	v30 =	vmul.f32 v41, v10;
	v41 =	vmul.f32 v41, v9;
	v36 =	vadd.f32 v52, v50;
	v47 =	vpop (erf)  }
0x570: {  	v28 =	vadd.f32 v49, v28;
	v54 =	vmul.f32 v45, v5;
	v57 =	vld.idx.msk [tilespmem:v22+s1+$0x0], $0xffff;
	v55 =	vmul.f32 v47, v6  }
0x571: {  	v27 =	vadd.f32 v27, v43;
	v56 =	vpop (erf);
	v36 =	vmul.f32 v36, v53;
	v41 =	vmul.f32 $1.442695020e+00, v41  }
0x572: {  	v60 =	vld [tilespmem:s17+$0xFFFFFFF0];
	v28 =	vadd.f32 v28, v37;
	v31 =	vadd.f32 v39, v54;
	v58 =	vpop (erf);
	v43 =	vmul.f32 v56, v4  }
0x573: {  	v39 =	vmul.f32 $1.442695020e+00, v46;
	v59 =	vadd.f32 v55, v35;
	v34 =	vmul.f32 v58, v5  }
0x574: {  	v29 =	vadd.f32 v27, v29;
	v35 =	vmul.f32 v33, v11;
	v61 =	vmul.f32 v36, v11  }
0x575: {  	v27 =	vmul.f32 v36, v8;
	v40 =	vmul.f32 v36, v10;
	v62 =	vadd.f32 v38, v57  }
0x576: {  	(erf) = vpow2.f32 v41;
	v43 =	vadd.f32 v31, v43;
	v41 =	vmul.f32 $1.442695020e+00, v61;
	v63 =	vpop (erf)  }
0x577: {  	(xrf2) =	vadd.scan.msk.f32 $0xffff, v28;
	v34 =	vadd.f32 v59, v34;
	v31 =	vmul.f32 v62, v60;
	v45 =	vmul.f32 v63, v4  }
0x578: {  	v38 =	vmul.f32 v36, v9;
	v37 =	vadd.f32 v29, v44;
	v36 =	vmul.f32 v33, v10  }
0x579: {  	s14 =	simm.s32 $0x1B520;
	s15 =	simm.s32 $0x1A520;
	s10 =	simm.s32 $0x40;
	v29 =	vperm.xlane v17, v1;
	(xrf2) =	vadd.scan.msk.f32 $0xffff, v43;
	v42 =	vmul.f32 v31, v11;
	v34 =	vadd.f32 v34, v45  }
.LBB2_64:
0x57a: {  	v44 =	vmul.f32 v31, v10  }
0x57b: {  	v43 =	vld [tilespmem:s14+$0x0];
	s10 =	sadd.s32 $0x40, s10;
	v45 =	vmul.f32 v33, v9;
	s17 =	sadd.s32 $0x40, s17;
	vm9 =	vne.s32 v16, v13;
	vm7 =	vmmov vm5  }
0x57c: {  	v47 =	vmul.f32 $1.442695020e+00, v40;
	v28 =	vld [tilespmem:s17+$0xFFFFFFE0];
	p0 =	slt.u32 s10, $0x780;
	(erf) = vpow2.f32 v41;
	vm8 =	vne.s32 v17, v29  }
0x57d: {  	v38 =	vmul.f32 $1.442695020e+00, v38;
	v30 =	vmul.f32 $1.442695020e+00, v30;
	vm5 =	vmor vm6, vm0;
	v41 =	vld [tilespmem:s15+$0xFFFFFFE0];
	(xrf2) =	vadd.scan.msk.f32 $0xffff, v37  }
0x57e: {  	v32 =	vmul.f32 $1.442695020e+00, v32;
	v37 =	vmul.f32 $1.442695020e+00, v42;
	v42 =	vsub.s32 v19, v12;
	v19 =	vmovc v15;
	v15 =	vld [tilespmem:s15+$0x0]  }
0x57f: {  	v45 =	vmul.f32 $1.442695020e+00, v45;
	vm6 =	vmor vm8, vm0;
	v46 =	vld [tilespmem:s14+$0xFFFFFFE0];
	(erf) = vpow2.f32 v47;
	v40 =	vpop (erf)  }
0x580: {  	v48 =	vmul.f32 v33, v8;
	v47 =	vld [tilespmem:s14+$0xFFFFFFF0];
	(erf) = vpow2.f32 v39;
	v39 =	vsub.s32 v17, v12;
	v17 =	vmovc v21  }
0x581: {  	v49 =	vmul.f32 v31, v9;
	vm11 =	vmand vm8, vm1;
	v33 =	vld [tilespmem:s17+$0x10];
	(erf) = vpow2.f32 v30;
	v30, _, _ =	vpop (xrf2)  }
0x582: {  	v35 =	vmul.f32 $1.442695020e+00, v35;
	v50 =	vld [tilespmem:s14+$0x10];
	(erf) = vpow2.f32 v37;
	v37 =	vsub.s32 v29, v12;
	(xrf2) =	vadd.scan.msk.f32 $0xffff, v34;
	v21 =	vmovc v41  }
0x583: {  	vm8 =	vmand vm9, vm1;
	v41 =	vmul.f32 $1.442695020e+00, v48;
	v34 =	vperm.xlane v15, v1;
	[tilespmem:v42+s0+$0x0] =	vst.idx.add.f32.msk vm5, v30  }
0x584: {  	vm5 =	vmor vm4, vm0;
	v29 =	vld [tilespmem:s15+$0x10];
	(erf) = vpow2.f32 v35;
	v35 =	vsub.s32 v13, v12;
	v13, _, _ =	vpop (xrf2)  }
0x585: {  	v42 =	vmul.f32 $1.442695020e+00, v49;
	v48 =	vpop (erf);
	(erf) = vpow2.f32 v32;
	[tilespmem:v39+s0+$0x0] =	vst.idx.add.f32.msk vm6, v13;
	v32 =	vsub.f32 $0.0e+00, v13  }
0x586: {  	v31 =	vmul.f32 v31, v8;
	vm10 =	vne.s32 v15, v34;
	v13 =	vmovc v24;
	v39 =	vld.idx.msk [tilespmem:v43+s1+$0x0], $0xffff;
	(erf) = vpow2.f32 v45  }
0x587: {  	v24 =	vmul.f32 $1.442695020e+00, v36;
	(erf) = vpow2.f32 v41;
	[tilespmem:v37+s0+$0x0] =	vst.idx.add.f32.msk vm11, v32;
	v32 =	vsub.s32 v16, v12;
	v16, _, _ =	vpop (xrf2)  }
0x588: {  	v31 =	vmul.f32 $1.442695020e+00, v31;
	v37 =	vmul.f32 v48, v7;
	v36 =	vld.idx.msk [tilespmem:v21+s1+$0x0], $0xffff;
	v41 =	vpop (erf);
	v43 =	vsub.f32 $0.0e+00, v16  }
0x589: {  	vm6 =	vmand vm4, vm1;
	v45 =	vld.idx.msk [tilespmem:v15+s1+$0x0], $0xffff;
	v48 =	vperm.xlane v29, v1;
	v41 =	vmul.f32 v41, v6;
	v49 =	vpop (erf)  }
0x58a: {  	v44 =	vmul.f32 $1.442695020e+00, v44;
	vm4 =	vmor vm9, vm0;
	v51 =	vld [tilespmem:s15+$0xFFFFFFF0];
	v52 =	vpop (erf);
	(erf) = vpow2.f32 v24  }
0x58b: {  	v53 =	vld [tilespmem:s17+$0x0];
	v37 =	vadd.f32 v41, v37;
	v24 =	vmul.f32 v52, v6;
	(erf) = vpow2.f32 v38;
	v38 =	vpop (erf)  }
0x58c: {  	v54 =	vmul.f32 $1.442695020e+00, v27;
	v30 =	vsub.f32 $0.0e+00, v30;
	(erf) = vpow2.f32 v44;
	[tilespmem:v26+s0+$0x0] =	vst.idx.add.f32.msk vm5, v16;
	v26, _, _ =	vpop (xrf2)  }
0x58d: {  	v40 =	vmul.f32 v40, v5;
	v44 =	vmul.f32 v49, v4;
	v41 =	vld.idx.msk [tilespmem:v29+s1+$0x0], $0xffff;
	v49 =	vpop (erf);
	v52 =	vsub.f32 $0.0e+00, v26  }
0x58e: {  	vm5 =	vne.s32 v29, v48;
	v16 =	vmov v22;
	(erf) = vpow2.f32 v54;
	v27 =	vpop (erf);
	[tilespmem:v23+s0+$0x0] =	vst.idx.add.f32.msk vm3, v30  }
0x58f: {  	v23 =	vmul.f32 v27, v7;
	(erf) = vpow2.f32 v42;
	v27 =	vpop (erf);
	[tilespmem:v25+s0+$0x0] =	vst.idx.add.f32.msk vm6, v43;
	v22 =	vmov v51  }
0x590: {  	v42 =	vmul.f32 v49, v7;
	vm6 =	vmmov vm2;
	v25 =	vld.idx.msk [tilespmem:v50+s1+$0x0], $0xffff;
	v27 =	vmul.f32 v27, v5;
	v30 =	vpop (erf)  }
0x591: {  	v38 =	vmul.f32 v38, v7;
	v39 =	vadd.f32 v39, v45;
	v43 =	vld.idx.msk [tilespmem:v46+s1+$0x0], $0xffff;
	v23 =	vadd.f32 v24, v23  }
0x592: {  	vm2 =	vmmov vm10;
	v24 =	vperm.xlane v22, v1;
	(erf) = vpow2.f32 v31;
	[tilespmem:v32+s0+$0x0] =	vst.idx.add.f32.msk vm4, v26  }
0x593: {  	v26 =	vmul.f32 v39, v53;
	vm4 =	vmmov vm7;
	v31 =	vadd.f32 v23, v40;
	v32 =	vpop (erf);
	[tilespmem:v35+s0+$0x0] =	vst.idx.add.f32.msk vm8, v52  }
0x594: {  	v39 =	vmul.f32 v30, v4;
	v23 =	vsub.s32 v20, v12;
	v20 =	vmul.f32 v32, v6;
	v35 =	vpop (erf)  }
0x595: {  	vm3 =	vmand vm6, vm1;
	v30 =	vmul.f32 v26, v10;
	v45 =	vmul.f32 v26, v8;
	v40 =	vpop (erf)  }
0x596: {  	v32 =	vmul.f32 v26, v11;
	v35 =	vmul.f32 v35, v5;
	v46 =	vld.idx.msk [tilespmem:v47+s1+$0x0], $0xffff;
	v47 =	vadd.f32 v25, v41  }
0x597: {  	v26 =	vmul.f32 v26, v9;
	v40 =	vmul.f32 v40, v6;
	v49 =	vadd.f32 v20, v42;
	v41 =	vld.idx.msk [tilespmem:v51+s1+$0x0], $0xffff;
	v42 =	vpop (erf)  }
0x598: {  	v36 =	vadd.f32 v43, v36;
	v37 =	vadd.f32 v37, v35;
	v33 =	vmul.f32 v47, v33;
	v25 =	vpop (erf)  }
0x599: {  	v38 =	vadd.f32 v40, v38;
	v43 =	vadd.f32 v49, v27;
	v20 =	vmovc v34;
	v40 =	vmul.f32 v25, v5  }
0x59a: {  	v28 =	vmul.f32 v36, v28;
	v36 =	vmul.f32 v42, v4;
	v25 =	vsub.s32 v18, v12;
	v18 =	vmovc v48;
	v34 =	vld [tilespmem:s17+$0xFFFFFFF0]  }
0x59b: {  	v26 =	vmul.f32 $1.442695020e+00, v26;
	v35 =	vmul.f32 v33, v11;
	v47 =	vadd.f32 v38, v40;
	v42 =	vpop (erf)  }
0x59c: {  	v31 =	vadd.f32 v31, v44;
	v27 =	vmul.f32 v28, v8;
	v38 =	vmul.f32 v28, v11  }
.Ltmp37:
0x59d: {  	v40 =	vmul.f32 v28, v10;
	v44 =	vadd.f32 v46, v41;
	(erf) = vpow2.f32 v26;
	(pc) =	sbr.rel @p0 .LBB2_64-.Ltmp37, $4  }
0x59e: {  	v41 =	vmul.f32 $1.442695020e+00, v38;
	v38 =	vmul.f32 v28, v9;
	v28 =	vadd.f32 v37, v36;
	(xrf2) =	vadd.scan.msk.f32 $0xffff, v31  }
0x59f: {  	v37 =	vadd.f32 v43, v39;
	v31 =	vmul.f32 v44, v34;
	v34 =	vmul.f32 v42, v4  }
0x5a0: {  	v39 =	vmul.f32 $1.442695020e+00, v45;
	v36 =	vmul.f32 v33, v10;
	v26 =	vsub.s32 v14, v12;
	v14 =	vmovc v29  }
0x5a1: {  	s14 =	sadd.s32 $0x40, s14;
	s15 =	sadd.s32 $0x40, s15;
	v29 =	vperm.xlane v17, v1;
	v42 =	vmul.f32 v31, v11;
	v34 =	vadd.f32 v47, v34;
	(xrf2) =	vadd.scan.msk.f32 $0xffff, v28  }
0x5a2: {  	v43 =	vmul.f32 v33, v9;
	v40 =	vmul.f32 $1.442695020e+00, v40  }
0x5a3: {  	(erf) = vpow2.f32 v41;
	v30 =	vmul.f32 $1.442695020e+00, v30  }
0x5a4: {  	v32 =	vmul.f32 $1.442695020e+00, v32;
	(erf) = vpow2.f32 v40  }
0x5a5: {  	v48 =	vmul.f32 $1.442695020e+00, v42;
	(erf) = vpow2.f32 v39  }
0x5a6: {  	v49 =	vmul.f32 $1.442695020e+00, v35;
	(erf) = vpow2.f32 v30  }
0x5a7: {  	v50 =	vmul.f32 v33, v8;
	(erf) = vpow2.f32 v48  }
0x5a8: {  	v51 =	vmul.f32 $1.442695020e+00, v43;
	(erf) = vpow2.f32 v49  }
0x5a9: {  	v52 =	vmul.f32 $1.442695020e+00, v50;
	(erf) = vpow2.f32 v32  }
0x5aa: {  	v28 =	vmul.f32 v31, v10;
	(erf) = vpow2.f32 v51  }
0x5ab: {  	v53 =	vmul.f32 $1.442695020e+00, v36;
	v55 =	vpop (erf);
	(erf) = vpow2.f32 v52  }
0x5ac: {  	v54 =	vmul.f32 $1.442695020e+00, v38;
	v27 =	vmul.f32 $1.442695020e+00, v27;
	v56 =	vpop (erf)  }
0x5ad: {  	v28 =	vmul.f32 $1.442695020e+00, v28;
	(erf) = vpow2.f32 v53;
	v57 =	vpop (erf)  }
0x5ae: {  	v58 =	vmul.f32 v31, v9;
	(erf) = vpow2.f32 v54;
	v59 =	vpop (erf)  }
0x5af: {  	v62 =	vmul.f32 v31, v8;
	(erf) = vpow2.f32 v28;
	v60 =	vpop (erf)  }
0x5b0: {  	vm7 =	vne.s32 v16, v13;
	v33 =	vmul.f32 $1.442695020e+00, v58;
	(erf) = vpow2.f32 v27;
	v61 =	vpop (erf)  }
0x5b1: {  	vm9 =	vmor vm6, vm0;
	v19 =	vsub.s32 v19, v12;
	v45 =	vsub.s32 v17, v12;
	v63 =	vpop (erf)  }
0x5b2: {  	vm12 =	vmor vm4, vm0;
	v31 =	vmul.f32 $1.442695020e+00, v62;
	(erf) = vpow2.f32 v33;
	v43 =	vpop (erf)  }
0x5b3: {  	vm13 =	vmand vm4, vm1;
	vm10 =	vne.s32 v17, v29;
	v35 =	vmul.f32 v55, v5;
	v44 =	vpop (erf)  }
0x5b4: {  	vm8 =	vmor vm10, vm0;
	v30 =	vmul.f32 v56, v7;
	v46 =	vpop (erf);
	(erf) = vpow2.f32 v31  }
0x5b5: {  	vm15 =	vmand vm10, vm1;
	v28 =	vmul.f32 v60, v6;
	v39 =	vmul.f32 v43, v7  }
0x5b6: {  	v54 =	vsub.s32 v29, v12;
	v47 =	vmul.f32 v57, v6;
	v36 =	vmul.f32 v59, v4;
	v48 =	vpop (erf)  }
0x5b7: {  	v27 =	vmul.f32 v61, v7;
	v50 =	vmul.f32 v63, v7;
	v28 =	vadd.f32 v28, v39;
	v49 =	vpop (erf)  }
0x5b8: {  	(xrf2) =	vadd.scan.msk.f32 $0xffff, v37;
	v30 =	vadd.f32 v47, v30;
	v32 =	vmul.f32 v48, v6;
	v51 =	vpop (erf);
	v39 =	vmul.f32 v49, v5  }
0x5b9: {  	v33 =	vmul.f32 v44, v5;
	v28 =	vadd.f32 v28, v35;
	v52 =	vpop (erf);
	v53 =	vmul.f32 v51, v6  }
0x5ba: {  	(xrf2) =	vadd.scan.msk.f32 $0xffff, v34;
	v31 =	vadd.f32 v32, v50;
	v30 =	vadd.f32 v30, v39;
	v35 =	vmul.f32 v52, v4  }
0x5bb: {  	v55 =	vmul.f32 v46, v4;
	v28 =	vadd.f32 v28, v36;
	v56 =	vpop (erf);
	v27 =	vadd.f32 v53, v27  }
0x5bc: {  	v57, _, _ =	vpop (xrf2);
	v58 =	vmul.f32 v56, v5;
	v31 =	vadd.f32 v31, v33;
	v30 =	vadd.f32 v30, v35  }
0x5bd: {  	vm2 =	vmmov vm2;
	vm10 =	vmmov vm5;
	[tilespmem:v19+s0+$0x0] =	vst.idx.add.f32.msk vm9, v57;
	(xrf2) =	vadd.scan.msk.f32 $0xffff, v28;
	v59 =	vpop (erf)  }
0x5be: {  	v60, _, _ =	vpop (xrf2);
	v27 =	vadd.f32 v27, v58;
	v61 =	vadd.f32 v31, v55;
	(xrf2) =	vadd.scan.msk.f32 $0xffff, v30;
	v19 =	vmul.f32 v59, v4  }
0x5bf: {  	vm5 =	vmand vm7, vm1;
	vm7 =	vmor vm7, vm0;
	v62 =	vsub.f32 $0.0e+00, v60  }
0x5c0: {  	[tilespmem:v45+s0+$0x0] =	vst.idx.add.f32.msk vm8, v60;
	v63 =	vperm.xlane v21, v1;
	(xrf2) =	vadd.scan.msk.f32 $0xffff, v61;
	v19 =	vadd.f32 v27, v19  }
0x5c1: {  	[tilespmem:v54+s0+$0x0] =	vst.idx.add.f32.msk vm15, v62;
	vm15 =	vmor vm2, vm0;
	v33 =	vsub.s32 v16, v12  }
0x5c2: {  	v34, _, _ =	vpop (xrf2);
	vm14 =	vne.s32 v21, v63;
	v32 =	vsub.s32 v13, v12;
	v35 =	vsub.f32 $0.0e+00, v57;
	(xrf2) =	vadd.scan.msk.f32 $0xffff, v19  }
0x5c3: {  	v15 =	vsub.s32 v15, v12;
	[tilespmem:v26+s0+$0x0] =	vst.idx.add.f32.msk vm12, v34;
	vm12 =	vmor vm14, vm0;
	v36 =	vsub.f32 $0.0e+00, v34  }
0x5c4: {  	v38 =	vsub.s32 v21, v12;
	v37, _, _ =	vpop (xrf2);
	vm2 =	vmand vm2, vm1;
	[tilespmem:v23+s0+$0x0] =	vst.idx.add.f32.msk vm3, v35;
	vm3 =	vmmov vm10  }
0x5c5: {  	v42 =	vsub.s32 v20, v12;
	v39 =	vsub.f32 $0.0e+00, v37;
	[tilespmem:v25+s0+$0x0] =	vst.idx.add.f32.msk vm13, v36;
	vm13 =	vmor vm3, vm0  }
0x5c6: {  	v14 =	vsub.s32 v14, v12;
	vm6 =	vmand vm14, vm1;
	[tilespmem:v33+s0+$0x0] =	vst.idx.add.f32.msk vm7, v37  }
0x5c7: {  	v40 =	vsub.s32 v63, v12;
	vm14 =	vne.s32 v22, v24;
	vm3 =	vmand vm3, vm1;
	[tilespmem:v32+s0+$0x0] =	vst.idx.add.f32.msk vm5, v39;
	v41, _, _ =	vpop (xrf2)  }
0x5c8: {  	v44 =	vsub.s32 v18, v12;
	[tilespmem:v15+s0+$0x0] =	vst.idx.add.f32.msk vm15, v41;
	vm15 =	vmor vm14, vm0;
	v49 =	vsub.f32 $0.0e+00, v41;
	v43, _, _ =	vpop (xrf2)  }
0x5c9: {  	v46 =	vsub.s32 v22, v12;
	vm5 =	vmand vm14, vm1;
	[tilespmem:v38+s0+$0x0] =	vst.idx.add.f32.msk vm12, v43  }
0x5ca: {  	v47 =	vsub.s32 v24, v12;
	v45 =	vsub.f32 $0.0e+00, v43;
	v48, _, _ =	vpop (xrf2);
	[tilespmem:v42+s0+$0x0] =	vst.idx.add.f32.msk vm2, v49  }
0x5cb: {  	v50 =	vsub.f32 $0.0e+00, v48;
	[tilespmem:v14+s0+$0x0] =	vst.idx.add.f32.msk vm13, v48  }
0x5cc: {  	[tilespmem:v40+s0+$0x0] =	vst.idx.add.f32.msk vm6, v45;
	v51, _, _ =	vpop (xrf2)  }
0x5cd: {  	[tilespmem:v44+s0+$0x0] =	vst.idx.add.f32.msk vm3, v50;
	v52 =	vsub.f32 $0.0e+00, v51  }
0x5ce: {  	[tilespmem:v46+s0+$0x0] =	vst.idx.add.f32.msk vm15, v51  }
0x5cf: {  	[tilespmem:v47+s0+$0x0] =	vst.idx.add.f32.msk vm5, v52  }
0x5d0: {  	v13 =	vld [tilespmem:$0x1AC40]  }
0x5d1: {  	v14 =	vld [tilespmem:$0x1BC40];
	_ =	sdelay $0x6  }
0x5d2: {  	v15 =	vld.idx.msk [tilespmem:v13+s1+$0x0], $0xffff  }
0x5d3: {  	v14 =	vld.idx.msk [tilespmem:v14+s1+$0x0], $0xffff;
	_ =	sdelay $0x1  }
0x5d4: {  	v16 =	vld [tilespmem:$0x19C40];
	_ =	sdelay $0x2  }
0x5d5: {  	v14 =	vadd.f32 v14, v15;
	_ =	sdelay $0x1  }
0x5d6: {  	v14 =	vmul.f32 v14, v16;
	_ =	sdelay $0x1  }
0x5d7: {  	v11 =	vmul.f32 v14, v11  }
0x5d8: {  	v53 =	vmul.f32 v14, v10  }
0x5d9: {  	v11 =	vmul.f32 $1.442695020e+00, v11  }
0x5da: {  	v54 =	vmul.f32 v14, v9;
	v10 =	vmul.f32 $1.442695020e+00, v53  }
0x5db: {  	v55 =	vmul.f32 v14, v8;
	(erf) = vpow2.f32 v11  }
0x5dc: {  	v9 =	vmul.f32 $1.442695020e+00, v54;
	(erf) = vpow2.f32 v10;
	_ =	sdelay $0x1  }
0x5dd: {  	v8 =	vmul.f32 $1.442695020e+00, v55;
	(erf) = vpow2.f32 v9;
	_ =	sdelay $0x1  }
0x5de: {  	(erf) = vpow2.f32 v8;
	_ =	sdelay $0x3  }
0x5df: {  	v56 =	vpop (erf)  }
0x5e0: {  	v57 =	vpop (erf)  }
0x5e1: {  	v58 =	vmul.f32 v56, v7;
	v59 =	vmul.f32 v57, v6  }
0x5e2: {  	v60 =	vpop (erf)  }
0x5e3: {  	v5 =	vmul.f32 v60, v5;
	v6 =	vadd.f32 v59, v58  }
0x5e4: {  	v61 =	vpop (erf)  }
0x5e5: {  	v4 =	vmul.f32 v61, v4;
	v5 =	vadd.f32 v6, v5;
	_ =	sdelay $0x1  }
0x5e6: {  	v4 =	vadd.f32 v5, v4;
	_ =	sdelay $0x1  }
0x5e7: {  	(xrf2) =	vadd.scan.msk.f32 $0xffff, v4;
	_ =	sdelay $0x2  }
0x5e8: {  	v4 =	vperm.xlane v13, v0;
	_ =	sdelay $0x1  }
0x5e9: {  	vm2 =	vne.s32 v13, v4  }
0x5ea: {  	vm3 =	vmor vm2, vm0  }
0x5eb: {  	v5 =	vsub.s32 v13, v12;
	vm2 =	vmand vm2, vm1  }
0x5ec: {  	v4 =	vsub.s32 v4, v12  }
.Ltmp38:
0x5ed: {  	_ = 	snop;
	(pc) =	sbr.rel .LBB2_69-.Ltmp38, $4  }
0x5ee: {  	v62, _, _ =	vpop (xrf2)  }
0x5ef: {  	v63 =	vsub.f32 $0.0e+00, v62  }
0x5f0: {  	[tilespmem:v5+s0+$0x0] =	vst.idx.add.f32.msk vm3, v62  }
0x5f1: {  	[tilespmem:v4+s0+$0x0] =	vst.idx.add.f32.msk vm2, v63  }
.LBB2_66:
0x5f2: {  	s10 =	simm.s32 $0xFFFFFFFC;
	s14 =	simm.s32 $0x1D4A0  }
0x5f3: {  	s15 =	simm.s32 $0x194A0;
	s17 =	simm.s32 $0x1B4A0;
	s13 =	simm.s32 $0x1A4A0  }
.LBB2_67:
0x5f4: {  	v12 =	vld [tilespmem:s13+$0xFFFFFFE0]  }
0x5f5: {  	v13 =	vld [tilespmem:s17+$0xFFFFFFE0];
	_ =	sdelay $0x6  }
0x5f6: {  	v12 =	vld.idx.msk [tilespmem:v12+s1+$0x0], $0xffff  }
0x5f7: {  	v13 =	vld.idx.msk [tilespmem:v13+s1+$0x0], $0xffff;
	_ =	sdelay $0x1  }
0x5f8: {  	v14 =	vld [tilespmem:s15+$0xFFFFFFE0];
	_ =	sdelay $0x2  }
0x5f9: {  	v12 =	vadd.f32 v13, v12;
	_ =	sdelay $0x1  }
0x5fa: {  	v12 =	vmul.f32 v12, v14;
	_ =	sdelay $0x1  }
0x5fb: {  	v26 =	vmul.f32 v12, v11  }
0x5fc: {  	v14 =	vmul.f32 v12, v10  }
0x5fd: {  	v13 =	vmul.f32 $1.442695020e+00, v26  }
0x5fe: {  	v27 =	vmul.f32 v12, v9;
	v14 =	vmul.f32 $1.442695020e+00, v14  }
0x5ff: {  	v12 =	vmul.f32 v12, v8;
	(erf) = vpow2.f32 v13  }
0x600: {  	v13 =	vmul.f32 $1.442695020e+00, v27;
	(erf) = vpow2.f32 v14;
	_ =	sdelay $0x1  }
0x601: {  	v12 =	vmul.f32 $1.442695020e+00, v12;
	(erf) = vpow2.f32 v13;
	_ =	sdelay $0x1  }
0x602: {  	(erf) = vpow2.f32 v12;
	_ =	sdelay $0x3  }
0x603: {  	v28 =	vpop (erf)  }
0x604: {  	v29 =	vpop (erf)  }
0x605: {  	v12 =	vmul.f32 v28, v7;
	v13 =	vmul.f32 v29, v6  }
0x606: {  	v30 =	vpop (erf)  }
0x607: {  	v31 =	vmul.f32 v30, v5;
	v12 =	vadd.f32 v13, v12  }
0x608: {  	v32 =	vpop (erf)  }
0x609: {  	v33 =	vmul.f32 v32, v4;
	v12 =	vadd.f32 v12, v31;
	_ =	sdelay $0x1  }
0x60a: {  	v12 =	vadd.f32 v12, v33;
	_ =	sdelay $0x1  }
0x60b: {  	[tilespmem:s14+$0xFFFFFFE0] =	vst v12  }
0x60c: {  	v12 =	vld [tilespmem:s13+$0xFFFFFFF0]  }
0x60d: {  	v34 =	vld [tilespmem:s17+$0xFFFFFFF0];
	_ =	sdelay $0x6  }
0x60e: {  	v12 =	vld.idx.msk [tilespmem:v12+s1+$0x0], $0xffff  }
0x60f: {  	v13 =	vld.idx.msk [tilespmem:v34+s1+$0x0], $0xffff;
	_ =	sdelay $0x1  }
0x610: {  	v35 =	vld [tilespmem:s15+$0xFFFFFFF0];
	_ =	sdelay $0x2  }
0x611: {  	v12 =	vadd.f32 v13, v12;
	_ =	sdelay $0x1  }
0x612: {  	v12 =	vmul.f32 v12, v35;
	_ =	sdelay $0x1  }
0x613: {  	v36 =	vmul.f32 v12, v11  }
0x614: {  	v14 =	vmul.f32 v12, v10  }
0x615: {  	v13 =	vmul.f32 $1.442695020e+00, v36  }
0x616: {  	v37 =	vmul.f32 v12, v9;
	v14 =	vmul.f32 $1.442695020e+00, v14  }
0x617: {  	v12 =	vmul.f32 v12, v8;
	(erf) = vpow2.f32 v13  }
0x618: {  	v13 =	vmul.f32 $1.442695020e+00, v37;
	(erf) = vpow2.f32 v14;
	_ =	sdelay $0x1  }
0x619: {  	v12 =	vmul.f32 $1.442695020e+00, v12;
	(erf) = vpow2.f32 v13;
	_ =	sdelay $0x1  }
0x61a: {  	(erf) = vpow2.f32 v12;
	_ =	sdelay $0x3  }
0x61b: {  	v38 =	vpop (erf)  }
0x61c: {  	v39 =	vpop (erf)  }
0x61d: {  	v12 =	vmul.f32 v38, v7;
	v13 =	vmul.f32 v39, v6  }
0x61e: {  	v40 =	vpop (erf)  }
0x61f: {  	v41 =	vmul.f32 v40, v5;
	v12 =	vadd.f32 v13, v12  }
0x620: {  	v42 =	vpop (erf)  }
0x621: {  	v43 =	vmul.f32 v42, v4;
	v12 =	vadd.f32 v12, v41;
	_ =	sdelay $0x1  }
0x622: {  	v12 =	vadd.f32 v12, v43;
	_ =	sdelay $0x1  }
0x623: {  	[tilespmem:s14+$0xFFFFFFF0] =	vst v12  }
0x624: {  	v12 =	vld [tilespmem:s13+$0x0]  }
0x625: {  	v44 =	vld [tilespmem:s17+$0x0];
	_ =	sdelay $0x6  }
0x626: {  	v12 =	vld.idx.msk [tilespmem:v12+s1+$0x0], $0xffff  }
0x627: {  	v13 =	vld.idx.msk [tilespmem:v44+s1+$0x0], $0xffff;
	_ =	sdelay $0x1  }
0x628: {  	v45 =	vld [tilespmem:s15+$0x0];
	_ =	sdelay $0x2  }
0x629: {  	v12 =	vadd.f32 v13, v12;
	_ =	sdelay $0x1  }
0x62a: {  	v12 =	vmul.f32 v12, v45;
	_ =	sdelay $0x1  }
0x62b: {  	v46 =	vmul.f32 v12, v11  }
0x62c: {  	v14 =	vmul.f32 v12, v10  }
0x62d: {  	v13 =	vmul.f32 $1.442695020e+00, v46  }
0x62e: {  	v47 =	vmul.f32 v12, v9;
	v14 =	vmul.f32 $1.442695020e+00, v14  }
0x62f: {  	v12 =	vmul.f32 v12, v8;
	(erf) = vpow2.f32 v13  }
0x630: {  	v13 =	vmul.f32 $1.442695020e+00, v47;
	(erf) = vpow2.f32 v14;
	_ =	sdelay $0x1  }
0x631: {  	v12 =	vmul.f32 $1.442695020e+00, v12;
	(erf) = vpow2.f32 v13;
	_ =	sdelay $0x1  }
0x632: {  	(erf) = vpow2.f32 v12;
	_ =	sdelay $0x3  }
0x633: {  	v48 =	vpop (erf)  }
0x634: {  	v49 =	vpop (erf)  }
0x635: {  	v12 =	vmul.f32 v48, v7;
	v13 =	vmul.f32 v49, v6  }
0x636: {  	v50 =	vpop (erf)  }
0x637: {  	v51 =	vmul.f32 v50, v5;
	v12 =	vadd.f32 v13, v12  }
0x638: {  	v52 =	vpop (erf)  }
0x639: {  	v53 =	vmul.f32 v52, v4;
	v12 =	vadd.f32 v12, v51;
	_ =	sdelay $0x1  }
0x63a: {  	v12 =	vadd.f32 v12, v53;
	_ =	sdelay $0x1  }
0x63b: {  	[tilespmem:s14+$0x0] =	vst v12  }
0x63c: {  	v12 =	vld [tilespmem:s13+$0x10]  }
0x63d: {  	v54 =	vld [tilespmem:s17+$0x10];
	_ =	sdelay $0x6  }
0x63e: {  	v12 =	vld.idx.msk [tilespmem:v12+s1+$0x0], $0xffff  }
0x63f: {  	v13 =	vld.idx.msk [tilespmem:v54+s1+$0x0], $0xffff;
	_ =	sdelay $0x1  }
0x640: {  	v55 =	vld [tilespmem:s15+$0x10];
	_ =	sdelay $0x2  }
0x641: {  	v12 =	vadd.f32 v13, v12;
	_ =	sdelay $0x1  }
0x642: {  	v12 =	vmul.f32 v12, v55;
	_ =	sdelay $0x1  }
0x643: {  	v56 =	vmul.f32 v12, v11  }
0x644: {  	v14 =	vmul.f32 v12, v10  }
0x645: {  	v13 =	vmul.f32 $1.442695020e+00, v56  }
0x646: {  	v57 =	vmul.f32 v12, v9;
	v14 =	vmul.f32 $1.442695020e+00, v14  }
0x647: {  	v12 =	vmul.f32 v12, v8;
	(erf) = vpow2.f32 v13  }
0x648: {  	v13 =	vmul.f32 $1.442695020e+00, v57;
	(erf) = vpow2.f32 v14;
	_ =	sdelay $0x1  }
0x649: {  	v12 =	vmul.f32 $1.442695020e+00, v12;
	(erf) = vpow2.f32 v13;
	_ =	sdelay $0x1  }
0x64a: {  	(erf) = vpow2.f32 v12;
	_ =	sdelay $0x3  }
0x64b: {  	v58 =	vpop (erf)  }
0x64c: {  	v59 =	vpop (erf)  }
0x64d: {  	v12 =	vmul.f32 v58, v7;
	v13 =	vmul.f32 v59, v6  }
0x64e: {  	v60 =	vpop (erf)  }
0x64f: {  	s10 =	sadd.s32 $0x4, s10;
	v61 =	vmul.f32 v60, v5;
	v12 =	vadd.f32 v13, v12  }
0x650: {  	p0 =	slt.u32 s10, $0x78;
	v62 =	vpop (erf)  }
.Ltmp39:
0x651: {  	v63 =	vmul.f32 v62, v4;
	v12 =	vadd.f32 v12, v61;
	(pc) =	sbr.rel @p0 .LBB2_67-.Ltmp39, $4  }
0x652: {  	_ = 	snop  }
0x653: {  	v12 =	vadd.f32 v12, v63  }
0x654: {  	s15 =	sadd.s32 $0x40, s15  }
0x655: {  	s17 =	sadd.s32 $0x40, s17;
	s13 =	sadd.s32 $0x40, s13;
	[tilespmem:s14+$0x10] =	vst v12;
	s14 =	sadd.s32 $0x40, s14  }
0x656: {  	v12 =	vld [tilespmem:$0x1AC40]  }
0x657: {  	v13 =	vld [tilespmem:$0x1BC40];
	_ =	sdelay $0x6  }
0x658: {  	v12 =	vld.idx.msk [tilespmem:v12+s1+$0x0], $0xffff  }
0x659: {  	v13 =	vld.idx.msk [tilespmem:v13+s1+$0x0], $0xffff;
	_ =	sdelay $0x1  }
0x65a: {  	v14 =	vld [tilespmem:$0x19C40];
	_ =	sdelay $0x2  }
0x65b: {  	v12 =	vadd.f32 v13, v12;
	_ =	sdelay $0x1  }
0x65c: {  	v12 =	vmul.f32 v12, v14;
	_ =	sdelay $0x1  }
0x65d: {  	v11 =	vmul.f32 v12, v11  }
0x65e: {  	v10 =	vmul.f32 v12, v10  }
0x65f: {  	v11 =	vmul.f32 $1.442695020e+00, v11  }
0x660: {  	v9 =	vmul.f32 v12, v9;
	v10 =	vmul.f32 $1.442695020e+00, v10  }
0x661: {  	v8 =	vmul.f32 v12, v8;
	(erf) = vpow2.f32 v11  }
0x662: {  	v9 =	vmul.f32 $1.442695020e+00, v9;
	(erf) = vpow2.f32 v10;
	_ =	sdelay $0x1  }
0x663: {  	v8 =	vmul.f32 $1.442695020e+00, v8;
	(erf) = vpow2.f32 v9;
	_ =	sdelay $0x1  }
0x664: {  	(erf) = vpow2.f32 v8;
	_ =	sdelay $0x3  }
0x665: {  	v60 =	vpop (erf)  }
0x666: {  	v61 =	vpop (erf)  }
0x667: {  	v7 =	vmul.f32 v60, v7;
	v6 =	vmul.f32 v61, v6  }
0x668: {  	v62 =	vpop (erf)  }
0x669: {  	v5 =	vmul.f32 v62, v5;
	v6 =	vadd.f32 v6, v7  }
0x66a: {  	v63 =	vpop (erf)  }
0x66b: {  	v4 =	vmul.f32 v63, v4;
	v5 =	vadd.f32 v6, v5;
	_ =	sdelay $0x1  }
0x66c: {  	v4 =	vadd.f32 v5, v4;
	_ =	sdelay $0x1  }
0x66d: {  	s10 =	simm.s32 $0x7D0;
	s11 =	simm.s32 $0x1D480;
	[tilespmem:$0x1DC40] =	vst v4  }
0x66e: {  	[spmem:s5] =	stream.indirect.scatter.add.f32 [tilespmem:s11], [sflag:$0x3], $0x1, s28, s10, $0xb8;
	[tilespmem:$0x1F500] =	vst v63  }
0x66f: {  	_ =	swait.ge [sflag:s30], $0x7D0  }
0x670: {  	[sflag:s30] =	ssyncset.done $0x0  }
0x671: {  	[sflag:s30] =	ssyncadd.s32 $0xFFFFF830  }
.LBB2_69:
0x672: {  	s10 =	simm.s32 $0x0;
	p1 =	por $0x1, $0x1  }
.LBB2_70:
0x673: {  	s13 =	sadd.s32 s16, s10  }
0x674: {  	v4 =	vadd.s32 s13, v2;
	s11 =	sadd.s32 $0x10, s13;
	s12 =	sadd.s32 $0x20, s13;
	s14 =	sadd.s32 $0x30, s13  }
0x675: {  	v5 =	vadd.s32 s11, v2;
	v7 =	vadd.s32 s12, v2;
	v8 =	vadd.s32 s14, v2  }
0x676: {  	p0 =	por p1, p1;
	vm2 =	vlt.s32 v5, $0x187FF;
	vm3 =	vlt.s32 v7, $0x187FF;
	vm4 =	vlt.s32 v8, $0x187FF  }
0x677: {  	s14 =	simm.s32 $0x1CCA0;
	s11 =	simm.s32 $0x0;
	s12 =	simm.s32 $0x1CCA0;
	v6 =	vnsel vm2, $0x187FF, v5;
	v5 =	vnsel vm3, $0x187FF, v7;
	v7 =	vnsel vm4, $0x187FF, v8  }
.LBB2_71:
0x678: {  	s11 =	sadd.s32 $0x4, s11  }
0x679: {  	vm2 =	vlt.s32 v4, $0x187FF;
	[tilespmem:s14+$0x10] =	vst v7;
	s13 =	sadd.s32 $0x40, s13;
	s12 =	sadd.s32 $0x40, s12;
	p1 =	slt.u32 s11, $0x7C  }
.Ltmp40:
0x67a: {  	v7 =	vnsel vm2, $0x187FF, v4;
	[tilespmem:s14+$0xFFFFFFF0] =	vst v6;
	(pc) =	sbr.rel @p1 .LBB2_71-.Ltmp40, $4  }
0x67b: {  	v4 =	vadd.s32 s13, v2;
	s15 =	sadd.s32 $0x10, s13;
	s17 =	sadd.s32 $0x20, s13;
	s18 =	sadd.s32 $0x30, s13;
	[tilespmem:s14+$0xFFFFFFE0] =	vst v7  }
0x67c: {  	v6 =	vadd.s32 s15, v2;
	v7 =	vadd.s32 s17, v2;
	v8 =	vadd.s32 s18, v2;
	[tilespmem:s14+$0x0] =	vst v5;
	s14 =	smov.u32 s12  }
0x67d: {  	vm2 =	vlt.s32 v6, $0x187FF;
	vm3 =	vlt.s32 v7, $0x187FF;
	vm4 =	vlt.s32 v8, $0x187FF  }
0x67e: {  	v6 =	vnsel vm2, $0x187FF, v6;
	v5 =	vnsel vm3, $0x187FF, v7;
	v7 =	vnsel vm4, $0x187FF, v8  }
0x67f: {  	[tilespmem:s14+$0x10] =	vst v7  }
0x680: {  	vm2 =	vlt.s32 v4, $0x187FF;
	[tilespmem:s14+$0xFFFFFFF0] =	vst v6  }
0x681: {  	[tilespmem:s14+$0x0] =	vst v5;
	v4 =	vnsel vm2, $0x187FF, v4  }
0x682: {  	s10 =	sadd.s32 $0x1BC80, s10;
	s11 =	simm.s32 $0x0;
	[tilespmem:s14+$0xFFFFFFE0] =	vst v4  }
0x683: {  	[spmem:s5] =	stream.indirect.scatter.add.f32 [tilespmem:s10], [sflag:$0x3], $0x1, s9, s8, $0xb8;
	[tilespmem:$0x1F500] =	vst v63  }
0x684: {  	s12 =	sand.u32 $0x780, s11;
	_ =	swait.ge [sflag:s30], $0x800  }
0x685: {  	s13 =	sand.u32 $0x40, s11;
	s25 =	sadd.s32 s12, s10;
	[sflag:s30] =	ssyncset.done $0x0  }
0x686: {  	s12 =	simm.s32 $0x0;
	s13 =	sadd.s32 s13, s25;
	[sflag:s30] =	ssyncadd.s32 $0xFFFFF800  }
.LBB2_73:
0x687: {  	s12 =	sadd.s32 $0x4, s12  }
0x688: {  	[tilespmem:s13+$0x30] =	vst v3;
	s11 =	sadd.s32 $0x40, s11;
	p1 =	slt.u32 s12, $0x7C  }
.Ltmp41:
0x689: {  	[tilespmem:s13+$0x20] =	vst v3;
	(pc) =	sbr.rel @p1 .LBB2_73-.Ltmp41, $4  }
0x68a: {  	[tilespmem:s13+$0x0] =	vst v3  }
0x68b: {  	s14 =	sand.u32 $0x780, s11;
	[tilespmem:s13+$0x10] =	vst v3  }
0x68c: {  	s14 =	sadd.s32 s14, s10;
	s13 =	sand.u32 $0x40, s11  }
0x68d: {  	s13 =	sadd.s32 s13, s14  }
.Ltmp42:
0x68e: {  	(pc) =	sbr.rel @p0 .LBB2_70-.Ltmp42, $4  }
0x68f: {  	[tilespmem:s13+$0x30] =	vst v3  }
0x690: {  	[tilespmem:s13+$0x20] =	vst v3  }
0x691: {  	[tilespmem:s13+$0x0] =	vst v3  }
0x692: {  	[tilespmem:s13+$0x10] =	vst v3;
	s10 =	simm.s32 $0x800;
	p1 =	por $0x0, $0x0  }
0x693: {  	[bflag:$0x0] =	sbarrier.arrive $0xFFFF  }
0x694: {  	s10 =	rddreg [dreg:$0x12]  }
0x695: {  	s13 =	rddreg [dreg:$0x15]  }
0x696: {  	s11 =	simm.s32 $0x20;
	s12 =	simm.s32 $0x10;
	s14 =	rddreg [dreg:$0x16]  }
0x697: {  	[hbm:s10@s11], [sflag:s13] =	dma.strided [spmem:s14@s12], $0x310, s31, $0x10   }
0x698: {  	_ =	swait.ge [sflag:s30], $0x310  }
0x699: {  	s23 =	rddreg [dreg:$0x14]  }
0x69a: {  	s25 =	rddreg [dreg:$0x13];
	s11 =	sadd.s32 $0x1, s23  }
0x69b: {  	p0 =	sne.s32 s11, s25  }
.Ltmp43:
0x69c: {  	_ = 	snop;
	(pc) =	sbr.rel @p0 .LBB2_1-.Ltmp43, $3  }
0x69d: {  	_ =	sdelay $0x1  }
0x69e: {  	[sflag:s30] =	ssyncset.done $0x0  }
0x69f: {  	[sflag:s30] =	ssyncadd.s32 $0xFFFFFCF0  }
0x6a0: {  	_ =	sfence.sel $0x180000  }
0x6a1: {  	[bflag:$0x0] =	sbarrier.arrive $0xFFFF  }
0x6a2: {  	_ =	strace $0x90000047  }
0x6a3: {  	s0 =	stileid.u32;
	[bflag:$0x2] =	sbarrier.arrive $0xFFFF  }
0x6a4: {  	p0 =	sne.s32 s0, $0x0;
	s0 =	rddreg [dreg:$0x6]  }
0x6a5: {  	s0 =	sadd.s32 @!p0 $0x100000, s0  }
0x6a6: {  	[sflag:s0] =	ssyncadd.tile.s32 @!p0 $0x1;
	_ =	shalt  }
.Lfunc_end2:
_tile_overlayer_lowered:
.L_overlay_start_2:
0x6a7: {  	(tag) =	ssettag $0x2  }
0x6a8: {  	s0 =	rddreg [dreg:$0x0];
	s2 =	stileid.u32  }
0x6a9: {  	s1 =	rddreg [dreg:$0x1];
	p0 =	sne.s32 s2, $0x0  }
0x6aa: {  	s3 =	rddreg [dreg:$0x2];
	[bflag:$0x3] =	sbarrier.arrive $0xFFFF;
	s2 =	simm.s32 @!p0 $0x1C03  }
0x6ab: {  	[timem:s3], [sflag:s2] =	dma.local @!p0 [hbm:s0], s1  }
0x6ac: {  	s0 =	simm.s32 @!p0 $0x3  }
0x6ad: {  	_ =	swait.ge @!p0 [sflag:s0], s1  }
0x6ae: {  	s1 =	ssub.s32 @!p0 $0x0, s1;
	[sflag:s0] =	ssyncset.done @!p0 $0x0  }
0x6af: {  	[sflag:s0] =	ssyncadd.s32 @!p0 s1  }
0x6b0: {  	[bflag:$0x3] =	sbarrier.arrive $0xFFFF  }
0x6b1: {  	_ =	shalt  }

</sc_bundles>
